<compile_context>
chip_gen: v7x
topology: tpu7x:2x2x1
jax: 0.10.2.dev20260603
libtpu: 0.0.44.dev20260713+nightly
codegen_flags: <defaults>
</compile_context>

<pallas_src>
import functools

import jax
import jax.numpy as jnp
from jax import lax
from jax.experimental import pallas as pl
from jax.experimental.pallas import tpu as pltpu
from jax.experimental.pallas import tpu_sc as plsc

SEQ = 200
WORD_DIM = 64
HIDDEN = 128
L = 16
ROWS = 8
NGROUP = SEQ // ROWS


def _body(sent_hbm, wordt_hbm, post_hbm, w_hbm, b_hbm,
          out_hbm, hid2_hbm,
          sv_v, stage_v, posblk_v, outblk_v, psum_v, psums_v, wt_v,
          bvec_v, hidout_v, shared, *sems):
    c = lax.axis_index("c")
    s = lax.axis_index("s")
    gid = c * 16 + s
    active = gid < NGROUP
    base = gid * ROWS

    @pl.when(active)
    def _gather_group():
        pltpu.sync_copy(sent_hbm.at[pl.ds(base, ROWS)], sv_v.at[pl.ds(0, ROWS)])
        pltpu.sync_copy(post_hbm.at[pl.ds(base, ROWS)], posblk_v)
        sv = sv_v[...]
        qv = lax.shift_left(lax.shift_right_logical(sv, 7), 7)
        cv = sv & 127
        copies = []
        for r in range(ROWS):
            qr = pl.multiple_of(qv[r], HIDDEN)
            copies.append(pltpu.async_copy(
                wordt_hbm.at[:, pl.ds(qr, HIDDEN)],
                stage_v.at[pl.ds(r * WORD_DIM, WORD_DIM)], sems[r]))
        lane_iota = lax.iota(jnp.int32, L)
        accw = [jnp.zeros((L,), jnp.float32) for _ in range(4)]
        accp = [jnp.zeros((L,), jnp.float32) for _ in range(4)]
        for r in range(ROWS):
            copies[r].wait()
            cvec = jnp.full((L,), cv[r], jnp.int32)
            for ch in range(4):
                jv = lane_iota + (r * WORD_DIM + ch * L)
                wv = plsc.load_gather(stage_v, [jv, cvec])
                pv = posblk_v[r, pl.ds(ch * L, L)]
                outblk_v[r, pl.ds(ch * L, L)] = wv
                outblk_v[r, pl.ds(WORD_DIM + ch * L, L)] = pv
                accw[ch] = accw[ch] + wv
                accp[ch] = accp[ch] + pv
        pltpu.sync_copy(outblk_v, out_hbm.at[pl.ds(base, ROWS)])
        for ch in range(4):
            psum_v[0, pl.ds(ch * L, L)] = accw[ch]
            psum_v[0, pl.ds(WORD_DIM + ch * L, L)] = accp[ch]

    @pl.when(jnp.logical_not(active))
    def _zero_psum():
        z = jnp.zeros((L,), jnp.float32)
        for ch in range(8):
            psum_v[0, pl.ds(ch * L, L)] = z

    pltpu.sync_copy(psum_v, shared.at[pl.ds(s, 1)])
    plsc.subcore_barrier()

    @pl.when(s < 8)
    def _linear_phase():
        pltpu.sync_copy(shared, psums_v)
        pltpu.sync_copy(w_hbm.at[pl.ds(s * L, L)], wt_v)
        pltpu.sync_copy(b_hbm.at[pl.ds(s * L, L)], bvec_v)
        lane_iota = lax.iota(jnp.int32, L)
        totals = []
        for kc in range(8):
            vals = [psums_v[w, pl.ds(kc * L, L)] for w in range(16)]
            while len(vals) > 1:
                vals = [vals[i] + vals[i + 1] for i in range(0, len(vals), 2)]
            totals.append(vals[0] * (1.0 / SEQ))
        dnums = lax.GatherDimensionNumbers(
            offset_dims=(), collapsed_slice_dims=(0,), start_index_map=(0,))
        bvec = bvec_v[...]
        accs = [jnp.where(c == 0, bvec, jnp.zeros((L,), jnp.float32)),
                jnp.zeros((L,), jnp.float32),
                jnp.zeros((L,), jnp.float32),
                jnp.zeros((L,), jnp.float32)]
        for k in range(HIDDEN):
            lane = jnp.full((L, 1), k % L, jnp.int32)
            scal = lax.gather(totals[k // L], lane, dnums, (1,),
                              mode=lax.GatherScatterMode.PROMISE_IN_BOUNDS)
            wcol = plsc.load_gather(wt_v, [lane_iota,
                                           jnp.full((L,), k, jnp.int32)])
            accs[k % 4] = accs[k % 4] + scal * wcol
        hidout_v[...] = (accs[0] + accs[1]) + (accs[2] + accs[3])
        pltpu.sync_copy(hidout_v, hid2_hbm.at[pl.ds(c * HIDDEN + s * L, L)])


@jax.jit
def _encode(sent, wordt, post, w, b):
    mesh = plsc.VectorSubcoreMesh(core_axis_name="c", subcore_axis_name="s")
    run = functools.partial(
        pl.kernel,
        mesh=mesh,
        compiler_params=pltpu.CompilerParams(
            use_tc_tiling_on_sc=True, needs_layout_passes=False),
        out_type=[
            jax.ShapeDtypeStruct((SEQ, HIDDEN), jnp.float32),
            jax.ShapeDtypeStruct((2 * HIDDEN,), jnp.float32),
        ],
        scratch_types=[
            pltpu.VMEM((L,), jnp.int32),
            pltpu.VMEM((ROWS * WORD_DIM, HIDDEN), jnp.float32),
            pltpu.VMEM((ROWS, HIDDEN), jnp.float32),
            pltpu.VMEM((ROWS, HIDDEN), jnp.float32),
            pltpu.VMEM((1, HIDDEN), jnp.float32),
            pltpu.VMEM((16, HIDDEN), jnp.float32),
            pltpu.VMEM((L, HIDDEN), jnp.float32),
            pltpu.VMEM((L,), jnp.float32),
            pltpu.VMEM((L,), jnp.float32),
            pltpu.VMEM_SHARED((16, HIDDEN), jnp.float32),
        ] + [pltpu.SemaphoreType.DMA] * ROWS,
    )(_body)
    return run(sent, wordt, post, w, b)


def kernel(sentence, word_table, pos_table, W, b):
    sent = sentence.astype(jnp.int32)
    wordt = word_table.T
    post = jnp.pad(pos_table, ((0, 0), (0, HIDDEN - WORD_DIM)))
    out, hid2 = _encode(sent, wordt, post, W, b)
    hid = hid2.reshape(2, HIDDEN).sum(axis=0)
    return out.reshape(SEQ, 1, HIDDEN), hid.reshape(1, 1, HIDDEN)

# --- scband reference (transcript-rebuilt; emitter-appended) ---
"""Pipeline reference for scband-positional-encoder-9079560863940 (READ-ONLY COPY).

The authoritative reference and input builder live on the scoring server;
editing this copy changes nothing except your own understanding.
"""

import jax, jax.numpy as jnp
import numpy as np

VOCAB = 1000000
WORD_DIM = 64
POS_DIM = 64
MAX_LEN = 200
HIDDEN = WORD_DIM + POS_DIM


def setup_inputs(seed: int = 0) -> dict:
    key = jax.random.key(seed)
    k1, k2, k3, k4, k5 = jax.random.split(key, 5)
    sentence = jax.random.randint(k1, (MAX_LEN,), 0, VOCAB)
    word_table = jax.random.normal(k2, (VOCAB, WORD_DIM), dtype=jnp.float32) * 0.05
    pos_table = jax.random.normal(k3, (MAX_LEN, POS_DIM), dtype=jnp.float32) * 0.05
    W = jax.random.normal(k4, (HIDDEN, HIDDEN), dtype=jnp.float32) * 0.05
    b = jax.random.normal(k5, (HIDDEN,), dtype=jnp.float32) * 0.05
    return {"sentence": sentence, "word_table": word_table, "pos_table": pos_table, "W": W, "b": b}


def reference(sentence, word_table, pos_table, W, b):
    seq_len = sentence.shape[0]
    word_embedding = jnp.take(word_table, sentence, axis=0).reshape(seq_len, 1, -1)
    positions = jnp.arange(seq_len)
    pos_embedding = jnp.take(pos_table, positions, axis=0).reshape(seq_len, 1, -1)
    output = jnp.concatenate((word_embedding, pos_embedding), axis=2)
    hidden = output.mean(axis=0).reshape(1, 1, -1)
    encoder_output = jnp.zeros((MAX_LEN, 1, HIDDEN), dtype=jnp.float32)
    encoder_output = encoder_output.at[:seq_len, :, :].set(output)
    hidden = hidden @ W.T + b
    return (encoder_output, hidden)

if __name__ == "__main__":
    import jax
    _d = setup_inputs()
    print(jax.jit(kernel)(*tuple(_d.values())))

</pallas_src>

<mosaic_0001>
#map = affine_map<(d0, d1) -> (0)>
#map1 = affine_map<(d0, d1) -> (0, 0)>
module attributes {stable_mosaic.version = 14 : i64} {
  func.func @_body(%arg0: i32, %arg1: i32, %arg2: memref<200xi32, #tpu.memory_space<hbm>>, %arg3: memref<64x1000000xf32, #tpu.memory_space<hbm>>, %arg4: memref<200x128xf32, #tpu.memory_space<hbm>>, %arg5: memref<128x128xf32, #tpu.memory_space<hbm>>, %arg6: memref<128xf32, #tpu.memory_space<hbm>>, %arg7: memref<200x128xf32, #tpu.memory_space<hbm>>, %arg8: memref<256xf32, #tpu.memory_space<hbm>>, %arg9: memref<16xi32, #tpu.memory_space<vmem>>, %arg10: memref<512x128xf32, #tpu.memory_space<vmem>>, %arg11: memref<8x128xf32, #tpu.memory_space<vmem>>, %arg12: memref<8x128xf32, #tpu.memory_space<vmem>>, %arg13: memref<1x128xf32, #tpu.memory_space<vmem>>, %arg14: memref<16x128xf32, #tpu.memory_space<vmem>>, %arg15: memref<16x128xf32, #tpu.memory_space<vmem>>, %arg16: memref<16xf32, #tpu.memory_space<vmem>>, %arg17: memref<16xf32, #tpu.memory_space<vmem>>, %arg18: memref<16x128xf32, #tpu.memory_space<vmem_shared>>, %arg19: memref<!tpu.dma_semaphore, #tpu.memory_space<semaphore_mem>>, %arg20: memref<!tpu.dma_semaphore, #tpu.memory_space<semaphore_mem>>, %arg21: memref<!tpu.dma_semaphore, #tpu.memory_space<semaphore_mem>>, %arg22: memref<!tpu.dma_semaphore, #tpu.memory_space<semaphore_mem>>, %arg23: memref<!tpu.dma_semaphore, #tpu.memory_space<semaphore_mem>>, %arg24: memref<!tpu.dma_semaphore, #tpu.memory_space<semaphore_mem>>, %arg25: memref<!tpu.dma_semaphore, #tpu.memory_space<semaphore_mem>>, %arg26: memref<!tpu.dma_semaphore, #tpu.memory_space<semaphore_mem>>) attributes {dimension_semantics = [#tpu.dimension_semantics<core_parallel>, #tpu.dimension_semantics<subcore_parallel>], iteration_bounds = array<i64: 2, 16>, scalar_prefetch = 0 : i64, scratch_operands = 18 : i64, tpu.core_type = #tpu.core_type<sc_vector_subcore>, window_params = [{transform_indices = #map}, {transform_indices = #map1}, {transform_indices = #map1}, {transform_indices = #map1}, {transform_indices = #map}, {transform_indices = #map1}, {transform_indices = #map}]} {
    %mul3A = arith.constant 16 : i32
    %mul3A_0 = arith.muli %arg0, %mul3A : i32
    %add3A = arith.addi %mul3A_0, %arg1 : i32
    %lt3A = arith.constant 25 : i32
    %lt3A_1 = arith.cmpi slt, %add3A, %lt3A : i32
    %mul3A_2 = arith.constant 8 : i32
    %mul3A_3 = arith.muli %add3A, %mul3A_2 : i32
    %convert_element_type3A = arith.extui %lt3A_1 : i1 to i32
    %cond3A = arith.constant 0 : i32
    %cond3A_4 = arith.cmpi ne, %convert_element_type3A, %cond3A : i32
    scf.if %cond3A_4 {
      "tpu.region"() ({
        %run_scoped3A = tpu.sem_alloc : memref<!tpu.dma_semaphore, #tpu.memory_space<semaphore_mem>>
        %dma_start3A_845 = arith.constant 0 : i32
        %dma_start3A_846 = tpu.memref_slice %arg9[%dma_start3A_845] : memref<16xi32, #tpu.memory_space<vmem>> -> memref<8xi32, #tpu.memory_space<vmem>>
        %dma_start3A_847 = tpu.memref_slice %arg2[%mul3A_3] : memref<200xi32, #tpu.memory_space<hbm>> -> memref<8xi32, #tpu.memory_space<hbm>>
        %dma_start3A_848 = arith.constant 0 : i32
        %dma_start3A_849 = tpu.memref_slice %arg9[%dma_start3A_848] : memref<16xi32, #tpu.memory_space<vmem>> -> memref<8xi32, #tpu.memory_space<vmem>>
        %dma_start3A_850 = tpu.memref_slice %arg2[%mul3A_3] : memref<200xi32, #tpu.memory_space<hbm>> -> memref<8xi32, #tpu.memory_space<hbm>>
        tpu.enqueue_dma source(%dma_start3A_850 : memref<8xi32, #tpu.memory_space<hbm>>) target(%dma_start3A_849 : memref<8xi32, #tpu.memory_space<vmem>>) target_semaphore(%run_scoped3A : memref<!tpu.dma_semaphore, #tpu.memory_space<semaphore_mem>>)
        %dma_wait3A_851 = arith.constant 0 : i32
        %dma_wait3A_852 = tpu.memref_slice %arg9[%dma_wait3A_851] : memref<16xi32, #tpu.memory_space<vmem>> -> memref<8xi32, #tpu.memory_space<vmem>>
        %dma_wait3A_853 = tpu.memref_slice %arg2[%mul3A_3] : memref<200xi32, #tpu.memory_space<hbm>> -> memref<8xi32, #tpu.memory_space<hbm>>
        %dma_wait3A_854 = arith.constant 0 : i32
        %dma_wait3A_855 = tpu.memref_slice %arg9[%dma_wait3A_854] : memref<16xi32, #tpu.memory_space<vmem>> -> memref<8xi32, #tpu.memory_space<vmem>>
        %dma_wait3A_856 = tpu.memref_slice %arg2[%mul3A_3] : memref<200xi32, #tpu.memory_space<hbm>> -> memref<8xi32, #tpu.memory_space<hbm>>
        tpu.wait_dma2 semaphore(%run_scoped3A : memref<!tpu.dma_semaphore, #tpu.memory_space<semaphore_mem>>) src(%dma_wait3A_856 : memref<8xi32, #tpu.memory_space<hbm>>) dst(%dma_wait3A_855 : memref<8xi32, #tpu.memory_space<vmem>>)
        tpu.yield
      }) : () -> ()
      "tpu.region"() ({
        %run_scoped3A = tpu.sem_alloc : memref<!tpu.dma_semaphore, #tpu.memory_space<semaphore_mem>>
        %dma_start3A_845 = arith.constant 0 : i32
        %dma_start3A_846 = tpu.memref_slice %arg4[%mul3A_3, %dma_start3A_845] : memref<200x128xf32, #tpu.memory_space<hbm>> -> memref<8x128xf32, #tpu.memory_space<hbm>>
        %dma_start3A_847 = arith.constant 0 : i32
        %dma_start3A_848 = tpu.memref_slice %arg4[%mul3A_3, %dma_start3A_847] : memref<200x128xf32, #tpu.memory_space<hbm>> -> memref<8x128xf32, #tpu.memory_space<hbm>>
        tpu.enqueue_dma source(%dma_start3A_848 : memref<8x128xf32, #tpu.memory_space<hbm>>) target(%arg11 : memref<8x128xf32, #tpu.memory_space<vmem>>) target_semaphore(%run_scoped3A : memref<!tpu.dma_semaphore, #tpu.memory_space<semaphore_mem>>)
        %dma_wait3A_849 = arith.constant 0 : i32
        %dma_wait3A_850 = tpu.memref_slice %arg4[%mul3A_3, %dma_wait3A_849] : memref<200x128xf32, #tpu.memory_space<hbm>> -> memref<8x128xf32, #tpu.memory_space<hbm>>
        %dma_wait3A_851 = arith.constant 0 : i32
        %dma_wait3A_852 = tpu.memref_slice %arg4[%mul3A_3, %dma_wait3A_851] : memref<200x128xf32, #tpu.memory_space<hbm>> -> memref<8x128xf32, #tpu.memory_space<hbm>>
        tpu.wait_dma2 semaphore(%run_scoped3A : memref<!tpu.dma_semaphore, #tpu.memory_space<semaphore_mem>>) src(%dma_wait3A_852 : memref<8x128xf32, #tpu.memory_space<hbm>>) dst(%arg11 : memref<8x128xf32, #tpu.memory_space<vmem>>)
        tpu.yield
      }) : () -> ()
      %get3A = arith.constant 0 : index
      %get3A_14 = tpu.vector_load %arg9[%get3A] {strides = array<i32>} : memref<16xi32, #tpu.memory_space<vmem>>, vector<16xi32>,
      %shift_right_logical3A = arith.constant 7 : i32
      %shift_right_logical3A_15 = vector.broadcast %shift_right_logical3A : i32 to vector<16xi32>
      %shift_right_logical3A_16 = arith.shrui %get3A_14, %shift_right_logical3A_15 : vector<16xi32>
      %shift_left3A = arith.constant 7 : i32
      %shift_left3A_17 = vector.broadcast %shift_left3A : i32 to vector<16xi32>
      %shift_left3A_18 = arith.shli %shift_right_logical3A_16, %shift_left3A_17 : vector<16xi32>
      %and3A = arith.constant 127 : i32
      %and3A_19 = vector.broadcast %and3A : i32 to vector<16xi32>
      %and3A_20 = arith.andi %get3A_14, %and3A_19 : vector<16xi32>
      %slice3A = vector.extract_strided_slice %shift_left3A_18 {offsets = [0], sizes = [1], strides = [1]} : vector<16xi32> to vector<1xi32>
      %squeeze3A = vector.extract %slice3A[0] : i32 from vector<1xi32>
      %multiple_of3A = tpu.assume_multiple %squeeze3A, 128 : i32
      %dma_start3A = arith.constant 0 : i32
      %dma_start3A_21 = arith.constant 0 : i32
      %dma_start3A_22 = tpu.memref_slice %arg10[%dma_start3A, %dma_start3A_21] : memref<512x128xf32, #tpu.memory_space<vmem>> -> memref<64x128xf32, #tpu.memory_space<vmem>>
      %dma_start3A_23 = arith.constant 0 : i32
      %dma_start3A_24 = tpu.memref_slice %arg3[%dma_start3A_23, %multiple_of3A] : memref<64x1000000xf32, #tpu.memory_space<hbm>> -> memref<64x128xf32, #tpu.memory_space<hbm>>
      %dma_start3A_25 = arith.constant 0 : i32
      %dma_start3A_26 = arith.constant 0 : i32
      %dma_start3A_27 = tpu.memref_slice %arg10[%dma_start3A_25, %dma_start3A_26] : memref<512x128xf32, #tpu.memory_space<vmem>> -> memref<64x128xf32, #tpu.memory_space<vmem>>
      %dma_start3A_28 = arith.constant 0 : i32
      %dma_start3A_29 = tpu.memref_slice %arg3[%dma_start3A_28, %multiple_of3A] : memref<64x1000000xf32, #tpu.memory_space<hbm>> -> memref<64x128xf32, #tpu.memory_space<hbm>>
      tpu.enqueue_dma source(%dma_start3A_29 : memref<64x128xf32, #tpu.memory_space<hbm>>) target(%dma_start3A_27 : memref<64x128xf32, #tpu.memory_space<vmem>>) target_semaphore(%arg19 : memref<!tpu.dma_semaphore, #tpu.memory_space<semaphore_mem>>)
      %slice3A_30 = vector.extract_strided_slice %shift_left3A_18 {offsets = [1], sizes = [1], strides = [1]} : vector<16xi32> to vector<1xi32>
      %squeeze3A_31 = vector.extract %slice3A_30[0] : i32 from vector<1xi32>
      %multiple_of3A_32 = tpu.assume_multiple %squeeze3A_31, 128 : i32
      %dma_start3A_33 = arith.constant 64 : i32
      %dma_start3A_34 = arith.constant 0 : i32
      %dma_start3A_35 = tpu.memref_slice %arg10[%dma_start3A_33, %dma_start3A_34] : memref<512x128xf32, #tpu.memory_space<vmem>> -> memref<64x128xf32, #tpu.memory_space<vmem>>
      %dma_start3A_36 = arith.constant 0 : i32
      %dma_start3A_37 = tpu.memref_slice %arg3[%dma_start3A_36, %multiple_of3A_32] : memref<64x1000000xf32, #tpu.memory_space<hbm>> -> memref<64x128xf32, #tpu.memory_space<hbm>>
      %dma_start3A_38 = arith.constant 64 : i32
      %dma_start3A_39 = arith.constant 0 : i32
      %dma_start3A_40 = tpu.memref_slice %arg10[%dma_start3A_38, %dma_start3A_39] : memref<512x128xf32, #tpu.memory_space<vmem>> -> memref<64x128xf32, #tpu.memory_space<vmem>>
      %dma_start3A_41 = arith.constant 0 : i32
      %dma_start3A_42 = tpu.memref_slice %arg3[%dma_start3A_41, %multiple_of3A_32] : memref<64x1000000xf32, #tpu.memory_space<hbm>> -> memref<64x128xf32, #tpu.memory_space<hbm>>
      tpu.enqueue_dma source(%dma_start3A_42 : memref<64x128xf32, #tpu.memory_space<hbm>>) target(%dma_start3A_40 : memref<64x128xf32, #tpu.memory_space<vmem>>) target_semaphore(%arg20 : memref<!tpu.dma_semaphore, #tpu.memory_space<semaphore_mem>>)
      %slice3A_43 = vector.extract_strided_slice %shift_left3A_18 {offsets = [2], sizes = [1], strides = [1]} : vector<16xi32> to vector<1xi32>
      %squeeze3A_44 = vector.extract %slice3A_43[0] : i32 from vector<1xi32>
      %multiple_of3A_45 = tpu.assume_multiple %squeeze3A_44, 128 : i32
      %dma_start3A_46 = arith.constant 128 : i32
      %dma_start3A_47 = arith.constant 0 : i32
      %dma_start3A_48 = tpu.memref_slice %arg10[%dma_start3A_46, %dma_start3A_47] : memref<512x128xf32, #tpu.memory_space<vmem>> -> memref<64x128xf32, #tpu.memory_space<vmem>>
      %dma_start3A_49 = arith.constant 0 : i32
      %dma_start3A_50 = tpu.memref_slice %arg3[%dma_start3A_49, %multiple_of3A_45] : memref<64x1000000xf32, #tpu.memory_space<hbm>> -> memref<64x128xf32, #tpu.memory_space<hbm>>
      %dma_start3A_51 = arith.constant 128 : i32
      %dma_start3A_52 = arith.constant 0 : i32
      %dma_start3A_53 = tpu.memref_slice %arg10[%dma_start3A_51, %dma_start3A_52] : memref<512x128xf32, #tpu.memory_space<vmem>> -> memref<64x128xf32, #tpu.memory_space<vmem>>
      %dma_start3A_54 = arith.constant 0 : i32
      %dma_start3A_55 = tpu.memref_slice %arg3[%dma_start3A_54, %multiple_of3A_45] : memref<64x1000000xf32, #tpu.memory_space<hbm>> -> memref<64x128xf32, #tpu.memory_space<hbm>>
      tpu.enqueue_dma source(%dma_start3A_55 : memref<64x128xf32, #tpu.memory_space<hbm>>) target(%dma_start3A_53 : memref<64x128xf32, #tpu.memory_space<vmem>>) target_semaphore(%arg21 : memref<!tpu.dma_semaphore, #tpu.memory_space<semaphore_mem>>)
      %slice3A_56 = vector.extract_strided_slice %shift_left3A_18 {offsets = [3], sizes = [1], strides = [1]} : vector<16xi32> to vector<1xi32>
      %squeeze3A_57 = vector.extract %slice3A_56[0] : i32 from vector<1xi32>
      %multiple_of3A_58 = tpu.assume_multiple %squeeze3A_57, 128 : i32
      %dma_start3A_59 = arith.constant 192 : i32
      %dma_start3A_60 = arith.constant 0 : i32
      %dma_start3A_61 = tpu.memref_slice %arg10[%dma_start3A_59, %dma_start3A_60] : memref<512x128xf32, #tpu.memory_space<vmem>> -> memref<64x128xf32, #tpu.memory_space<vmem>>
      %dma_start3A_62 = arith.constant 0 : i32
      %dma_start3A_63 = tpu.memref_slice %arg3[%dma_start3A_62, %multiple_of3A_58] : memref<64x1000000xf32, #tpu.memory_space<hbm>> -> memref<64x128xf32, #tpu.memory_space<hbm>>
      %dma_start3A_64 = arith.constant 192 : i32
      %dma_start3A_65 = arith.constant 0 : i32
      %dma_start3A_66 = tpu.memref_slice %arg10[%dma_start3A_64, %dma_start3A_65] : memref<512x128xf32, #tpu.memory_space<vmem>> -> memref<64x128xf32, #tpu.memory_space<vmem>>
      %dma_start3A_67 = arith.constant 0 : i32
      %dma_start3A_68 = tpu.memref_slice %arg3[%dma_start3A_67, %multiple_of3A_58] : memref<64x1000000xf32, #tpu.memory_space<hbm>> -> memref<64x128xf32, #tpu.memory_space<hbm>>
      tpu.enqueue_dma source(%dma_start3A_68 : memref<64x128xf32, #tpu.memory_space<hbm>>) target(%dma_start3A_66 : memref<64x128xf32, #tpu.memory_space<vmem>>) target_semaphore(%arg22 : memref<!tpu.dma_semaphore, #tpu.memory_space<semaphore_mem>>)
      %slice3A_69 = vector.extract_strided_slice %shift_left3A_18 {offsets = [4], sizes = [1], strides = [1]} : vector<16xi32> to vector<1xi32>
      %squeeze3A_70 = vector.extract %slice3A_69[0] : i32 from vector<1xi32>
      %multiple_of3A_71 = tpu.assume_multiple %squeeze3A_70, 128 : i32
      %dma_start3A_72 = arith.constant 256 : i32
      %dma_start3A_73 = arith.constant 0 : i32
      %dma_start3A_74 = tpu.memref_slice %arg10[%dma_start3A_72, %dma_start3A_73] : memref<512x128xf32, #tpu.memory_space<vmem>> -> memref<64x128xf32, #tpu.memory_space<vmem>>
      %dma_start3A_75 = arith.constant 0 : i32
      %dma_start3A_76 = tpu.memref_slice %arg3[%dma_start3A_75, %multiple_of3A_71] : memref<64x1000000xf32, #tpu.memory_space<hbm>> -> memref<64x128xf32, #tpu.memory_space<hbm>>
      %dma_start3A_77 = arith.constant 256 : i32
      %dma_start3A_78 = arith.constant 0 : i32
      %dma_start3A_79 = tpu.memref_slice %arg10[%dma_start3A_77, %dma_start3A_78] : memref<512x128xf32, #tpu.memory_space<vmem>> -> memref<64x128xf32, #tpu.memory_space<vmem>>
      %dma_start3A_80 = arith.constant 0 : i32
      %dma_start3A_81 = tpu.memref_slice %arg3[%dma_start3A_80, %multiple_of3A_71] : memref<64x1000000xf32, #tpu.memory_space<hbm>> -> memref<64x128xf32, #tpu.memory_space<hbm>>
      tpu.enqueue_dma source(%dma_start3A_81 : memref<64x128xf32, #tpu.memory_space<hbm>>) target(%dma_start3A_79 : memref<64x128xf32, #tpu.memory_space<vmem>>) target_semaphore(%arg23 : memref<!tpu.dma_semaphore, #tpu.memory_space<semaphore_mem>>)
      %slice3A_82 = vector.extract_strided_slice %shift_left3A_18 {offsets = [5], sizes = [1], strides = [1]} : vector<16xi32> to vector<1xi32>
      %squeeze3A_83 = vector.extract %slice3A_82[0] : i32 from vector<1xi32>
      %multiple_of3A_84 = tpu.assume_multiple %squeeze3A_83, 128 : i32
      %dma_start3A_85 = arith.constant 320 : i32
      %dma_start3A_86 = arith.constant 0 : i32
      %dma_start3A_87 = tpu.memref_slice %arg10[%dma_start3A_85, %dma_start3A_86] : memref<512x128xf32, #tpu.memory_space<vmem>> -> memref<64x128xf32, #tpu.memory_space<vmem>>
      %dma_start3A_88 = arith.constant 0 : i32
      %dma_start3A_89 = tpu.memref_slice %arg3[%dma_start3A_88, %multiple_of3A_84] : memref<64x1000000xf32, #tpu.memory_space<hbm>> -> memref<64x128xf32, #tpu.memory_space<hbm>>
      %dma_start3A_90 = arith.constant 320 : i32
      %dma_start3A_91 = arith.constant 0 : i32
      %dma_start3A_92 = tpu.memref_slice %arg10[%dma_start3A_90, %dma_start3A_91] : memref<512x128xf32, #tpu.memory_space<vmem>> -> memref<64x128xf32, #tpu.memory_space<vmem>>
      %dma_start3A_93 = arith.constant 0 : i32
      %dma_start3A_94 = tpu.memref_slice %arg3[%dma_start3A_93, %multiple_of3A_84] : memref<64x1000000xf32, #tpu.memory_space<hbm>> -> memref<64x128xf32, #tpu.memory_space<hbm>>
      tpu.enqueue_dma source(%dma_start3A_94 : memref<64x128xf32, #tpu.memory_space<hbm>>) target(%dma_start3A_92 : memref<64x128xf32, #tpu.memory_space<vmem>>) target_semaphore(%arg24 : memref<!tpu.dma_semaphore, #tpu.memory_space<semaphore_mem>>)
      %slice3A_95 = vector.extract_strided_slice %shift_left3A_18 {offsets = [6], sizes = [1], strides = [1]} : vector<16xi32> to vector<1xi32>
      %squeeze3A_96 = vector.extract %slice3A_95[0] : i32 from vector<1xi32>
      %multiple_of3A_97 = tpu.assume_multiple %squeeze3A_96, 128 : i32
      %dma_start3A_98 = arith.constant 384 : i32
      %dma_start3A_99 = arith.constant 0 : i32
      %dma_start3A_100 = tpu.memref_slice %arg10[%dma_start3A_98, %dma_start3A_99] : memref<512x128xf32, #tpu.memory_space<vmem>> -> memref<64x128xf32, #tpu.memory_space<vmem>>
      %dma_start3A_101 = arith.constant 0 : i32
      %dma_start3A_102 = tpu.memref_slice %arg3[%dma_start3A_101, %multiple_of3A_97] : memref<64x1000000xf32, #tpu.memory_space<hbm>> -> memref<64x128xf32, #tpu.memory_space<hbm>>
      %dma_start3A_103 = arith.constant 384 : i32
      %dma_start3A_104 = arith.constant 0 : i32
      %dma_start3A_105 = tpu.memref_slice %arg10[%dma_start3A_103, %dma_start3A_104] : memref<512x128xf32, #tpu.memory_space<vmem>> -> memref<64x128xf32, #tpu.memory_space<vmem>>
      %dma_start3A_106 = arith.constant 0 : i32
      %dma_start3A_107 = tpu.memref_slice %arg3[%dma_start3A_106, %multiple_of3A_97] : memref<64x1000000xf32, #tpu.memory_space<hbm>> -> memref<64x128xf32, #tpu.memory_space<hbm>>
      tpu.enqueue_dma source(%dma_start3A_107 : memref<64x128xf32, #tpu.memory_space<hbm>>) target(%dma_start3A_105 : memref<64x128xf32, #tpu.memory_space<vmem>>) target_semaphore(%arg25 : memref<!tpu.dma_semaphore, #tpu.memory_space<semaphore_mem>>)
      %slice3A_108 = vector.extract_strided_slice %shift_left3A_18 {offsets = [7], sizes = [1], strides = [1]} : vector<16xi32> to vector<1xi32>
      %squeeze3A_109 = vector.extract %slice3A_108[0] : i32 from vector<1xi32>
      %multiple_of3A_110 = tpu.assume_multiple %squeeze3A_109, 128 : i32
      %dma_start3A_111 = arith.constant 448 : i32
      %dma_start3A_112 = arith.constant 0 : i32
      %dma_start3A_113 = tpu.memref_slice %arg10[%dma_start3A_111, %dma_start3A_112] : memref<512x128xf32, #tpu.memory_space<vmem>> -> memref<64x128xf32, #tpu.memory_space<vmem>>
      %dma_start3A_114 = arith.constant 0 : i32
      %dma_start3A_115 = tpu.memref_slice %arg3[%dma_start3A_114, %multiple_of3A_110] : memref<64x1000000xf32, #tpu.memory_space<hbm>> -> memref<64x128xf32, #tpu.memory_space<hbm>>
      %dma_start3A_116 = arith.constant 448 : i32
      %dma_start3A_117 = arith.constant 0 : i32
      %dma_start3A_118 = tpu.memref_slice %arg10[%dma_start3A_116, %dma_start3A_117] : memref<512x128xf32, #tpu.memory_space<vmem>> -> memref<64x128xf32, #tpu.memory_space<vmem>>
      %dma_start3A_119 = arith.constant 0 : i32
      %dma_start3A_120 = tpu.memref_slice %arg3[%dma_start3A_119, %multiple_of3A_110] : memref<64x1000000xf32, #tpu.memory_space<hbm>> -> memref<64x128xf32, #tpu.memory_space<hbm>>
      tpu.enqueue_dma source(%dma_start3A_120 : memref<64x128xf32, #tpu.memory_space<hbm>>) target(%dma_start3A_118 : memref<64x128xf32, #tpu.memory_space<vmem>>) target_semaphore(%arg26 : memref<!tpu.dma_semaphore, #tpu.memory_space<semaphore_mem>>)
      %iota3A = tpu.iota {dimensions = array<i32: 0>} : vector<16xi32>
      %broadcast_in_dim3A = arith.constant 0.000000e+00 : f32
      %broadcast_in_dim3A_121 = vector.broadcast %broadcast_in_dim3A : f32 to vector<16xf32>
      %broadcast_in_dim3A_122 = arith.constant 0.000000e+00 : f32
      %broadcast_in_dim3A_123 = vector.broadcast %broadcast_in_dim3A_122 : f32 to vector<16xf32>
      %broadcast_in_dim3A_124 = arith.constant 0.000000e+00 : f32
      %broadcast_in_dim3A_125 = vector.broadcast %broadcast_in_dim3A_124 : f32 to vector<16xf32>
      %broadcast_in_dim3A_126 = arith.constant 0.000000e+00 : f32
      %broadcast_in_dim3A_127 = vector.broadcast %broadcast_in_dim3A_126 : f32 to vector<16xf32>
      %broadcast_in_dim3A_128 = arith.constant 0.000000e+00 : f32
      %broadcast_in_dim3A_129 = vector.broadcast %broadcast_in_dim3A_128 : f32 to vector<16xf32>
      %broadcast_in_dim3A_130 = arith.constant 0.000000e+00 : f32
      %broadcast_in_dim3A_131 = vector.broadcast %broadcast_in_dim3A_130 : f32 to vector<16xf32>
      %broadcast_in_dim3A_132 = arith.constant 0.000000e+00 : f32
      %broadcast_in_dim3A_133 = vector.broadcast %broadcast_in_dim3A_132 : f32 to vector<16xf32>
      %broadcast_in_dim3A_134 = arith.constant 0.000000e+00 : f32
      %broadcast_in_dim3A_135 = vector.broadcast %broadcast_in_dim3A_134 : f32 to vector<16xf32>
      %dma_wait3A = arith.constant 0 : i32
      %dma_wait3A_136 = arith.constant 0 : i32
      %dma_wait3A_137 = tpu.memref_slice %arg10[%dma_wait3A, %dma_wait3A_136] : memref<512x128xf32, #tpu.memory_space<vmem>> -> memref<64x128xf32, #tpu.memory_space<vmem>>
      %dma_wait3A_138 = arith.constant 0 : i32
      %dma_wait3A_139 = tpu.memref_slice %arg3[%dma_wait3A_138, %multiple_of3A] : memref<64x1000000xf32, #tpu.memory_space<hbm>> -> memref<64x128xf32, #tpu.memory_space<hbm>>
      %dma_wait3A_140 = arith.constant 0 : i32
      %dma_wait3A_141 = arith.constant 0 : i32
      %dma_wait3A_142 = tpu.memref_slice %arg10[%dma_wait3A_140, %dma_wait3A_141] : memref<512x128xf32, #tpu.memory_space<vmem>> -> memref<64x128xf32, #tpu.memory_space<vmem>>
      %dma_wait3A_143 = arith.constant 0 : i32
      %dma_wait3A_144 = tpu.memref_slice %arg3[%dma_wait3A_143, %multiple_of3A] : memref<64x1000000xf32, #tpu.memory_space<hbm>> -> memref<64x128xf32, #tpu.memory_space<hbm>>
      tpu.wait_dma2 semaphore(%arg19 : memref<!tpu.dma_semaphore, #tpu.memory_space<semaphore_mem>>) src(%dma_wait3A_144 : memref<64x128xf32, #tpu.memory_space<hbm>>) dst(%dma_wait3A_142 : memref<64x128xf32, #tpu.memory_space<vmem>>)
      %slice3A_145 = vector.extract_strided_slice %and3A_20 {offsets = [0], sizes = [1], strides = [1]} : vector<16xi32> to vector<1xi32>
      %squeeze3A_146 = vector.extract %slice3A_145[0] : i32 from vector<1xi32>
      %broadcast_in_dim3A_147 = vector.broadcast %squeeze3A_146 : i32 to vector<16xi32>
      %add3A_148 = arith.constant 0 : i32
      %add3A_149 = vector.broadcast %add3A_148 : i32 to vector<16xi32>
      %add3A_150 = arith.addi %iota3A, %add3A_149 : vector<16xi32>
      %gather3A = tpu.vector_load_idx %arg10[%add3A_150, %broadcast_in_dim3A_147] : memref<512x128xf32, #tpu.memory_space<vmem>>[vector<16xi32>, vector<16xi32>], vector<16xf32>,
      %get3A_151 = arith.constant 0 : i32
      %get3A_152 = arith.index_cast %get3A_151 : i32 to index
      %get3A_153 = arith.constant 0 : index
      %get3A_154 = tpu.vector_load %arg11[%get3A_152, %get3A_153] {strides = array<i32>} : memref<8x128xf32, #tpu.memory_space<vmem>>, vector<16xf32>,
      %swap3A = arith.constant 0 : i32
      %swap3A_155 = arith.index_cast %swap3A : i32 to index
      %swap3A_156 = arith.constant 0 : index
      %swap3A_157 = tpu.vector_load %arg12[%swap3A_155, %swap3A_156] {strides = array<i32>} : memref<8x128xf32, #tpu.memory_space<vmem>>, vector<16xf32>,
      tpu.vector_store %arg12[%swap3A_155, %swap3A_156], %gather3A {strides = array<i32>} : memref<8x128xf32, #tpu.memory_space<vmem>>, vector<16xf32>,
      %swap3A_158 = arith.constant 0 : i32
      %swap3A_159 = arith.index_cast %swap3A_158 : i32 to index
      %swap3A_160 = arith.constant 64 : index
      %swap3A_161 = tpu.vector_load %arg12[%swap3A_159, %swap3A_160] {strides = array<i32>} : memref<8x128xf32, #tpu.memory_space<vmem>>, vector<16xf32>,
      tpu.vector_store %arg12[%swap3A_159, %swap3A_160], %get3A_154 {strides = array<i32>} : memref<8x128xf32, #tpu.memory_space<vmem>>, vector<16xf32>,
      %add3A_162 = arith.addf %broadcast_in_dim3A_121, %gather3A : vector<16xf32>
      %add3A_163 = arith.addf %broadcast_in_dim3A_129, %get3A_154 : vector<16xf32>
      %add3A_164 = arith.constant 16 : i32
      %add3A_165 = vector.broadcast %add3A_164 : i32 to vector<16xi32>
      %add3A_166 = arith.addi %iota3A, %add3A_165 : vector<16xi32>
      %gather3A_167 = tpu.vector_load_idx %arg10[%add3A_166, %broadcast_in_dim3A_147] : memref<512x128xf32, #tpu.memory_space<vmem>>[vector<16xi32>, vector<16xi32>], vector<16xf32>,
      %get3A_168 = arith.constant 0 : i32
      %get3A_169 = arith.index_cast %get3A_168 : i32 to index
      %get3A_170 = arith.constant 16 : index
      %get3A_171 = tpu.vector_load %arg11[%get3A_169, %get3A_170] {strides = array<i32>} : memref<8x128xf32, #tpu.memory_space<vmem>>, vector<16xf32>,
      %swap3A_172 = arith.constant 0 : i32
      %swap3A_173 = arith.index_cast %swap3A_172 : i32 to index
      %swap3A_174 = arith.constant 16 : index
      %swap3A_175 = tpu.vector_load %arg12[%swap3A_173, %swap3A_174] {strides = array<i32>} : memref<8x128xf32, #tpu.memory_space<vmem>>, vector<16xf32>,
      tpu.vector_store %arg12[%swap3A_173, %swap3A_174], %gather3A_167 {strides = array<i32>} : memref<8x128xf32, #tpu.memory_space<vmem>>, vector<16xf32>,
      %swap3A_176 = arith.constant 0 : i32
      %swap3A_177 = arith.index_cast %swap3A_176 : i32 to index
      %swap3A_178 = arith.constant 80 : index
      %swap3A_179 = tpu.vector_load %arg12[%swap3A_177, %swap3A_178] {strides = array<i32>} : memref<8x128xf32, #tpu.memory_space<vmem>>, vector<16xf32>,
      tpu.vector_store %arg12[%swap3A_177, %swap3A_178], %get3A_171 {strides = array<i32>} : memref<8x128xf32, #tpu.memory_space<vmem>>, vector<16xf32>,
      %add3A_180 = arith.addf %broadcast_in_dim3A_123, %gather3A_167 : vector<16xf32>
      %add3A_181 = arith.addf %broadcast_in_dim3A_131, %get3A_171 : vector<16xf32>
      %add3A_182 = arith.constant 32 : i32
      %add3A_183 = vector.broadcast %add3A_182 : i32 to vector<16xi32>
      %add3A_184 = arith.addi %iota3A, %add3A_183 : vector<16xi32>
      %gather3A_185 = tpu.vector_load_idx %arg10[%add3A_184, %broadcast_in_dim3A_147] : memref<512x128xf32, #tpu.memory_space<vmem>>[vector<16xi32>, vector<16xi32>], vector<16xf32>,
      %get3A_186 = arith.constant 0 : i32
      %get3A_187 = arith.index_cast %get3A_186 : i32 to index
      %get3A_188 = arith.constant 32 : index
      %get3A_189 = tpu.vector_load %arg11[%get3A_187, %get3A_188] {strides = array<i32>} : memref<8x128xf32, #tpu.memory_space<vmem>>, vector<16xf32>,
      %swap3A_190 = arith.constant 0 : i32
      %swap3A_191 = arith.index_cast %swap3A_190 : i32 to index
      %swap3A_192 = arith.constant 32 : index
      %swap3A_193 = tpu.vector_load %arg12[%swap3A_191, %swap3A_192] {strides = array<i32>} : memref<8x128xf32, #tpu.memory_space<vmem>>, vector<16xf32>,
      tpu.vector_store %arg12[%swap3A_191, %swap3A_192], %gather3A_185 {strides = array<i32>} : memref<8x128xf32, #tpu.memory_space<vmem>>, vector<16xf32>,
      %swap3A_194 = arith.constant 0 : i32
      %swap3A_195 = arith.index_cast %swap3A_194 : i32 to index
      %swap3A_196 = arith.constant 96 : index
      %swap3A_197 = tpu.vector_load %arg12[%swap3A_195, %swap3A_196] {strides = array<i32>} : memref<8x128xf32, #tpu.memory_space<vmem>>, vector<16xf32>,
      tpu.vector_store %arg12[%swap3A_195, %swap3A_196], %get3A_189 {strides = array<i32>} : memref<8x128xf32, #tpu.memory_space<vmem>>, vector<16xf32>,
      %add3A_198 = arith.addf %broadcast_in_dim3A_125, %gather3A_185 : vector<16xf32>
      %add3A_199 = arith.addf %broadcast_in_dim3A_133, %get3A_189 : vector<16xf32>
      %add3A_200 = arith.constant 48 : i32
      %add3A_201 = vector.broadcast %add3A_200 : i32 to vector<16xi32>
      %add3A_202 = arith.addi %iota3A, %add3A_201 : vector<16xi32>
      %gather3A_203 = tpu.vector_load_idx %arg10[%add3A_202, %broadcast_in_dim3A_147] : memref<512x128xf32, #tpu.memory_space<vmem>>[vector<16xi32>, vector<16xi32>], vector<16xf32>,
      %get3A_204 = arith.constant 0 : i32
      %get3A_205 = arith.index_cast %get3A_204 : i32 to index
      %get3A_206 = arith.constant 48 : index
      %get3A_207 = tpu.vector_load %arg11[%get3A_205, %get3A_206] {strides = array<i32>} : memref<8x128xf32, #tpu.memory_space<vmem>>, vector<16xf32>,
      %swap3A_208 = arith.constant 0 : i32
      %swap3A_209 = arith.index_cast %swap3A_208 : i32 to index
      %swap3A_210 = arith.constant 48 : index
      %swap3A_211 = tpu.vector_load %arg12[%swap3A_209, %swap3A_210] {strides = array<i32>} : memref<8x128xf32, #tpu.memory_space<vmem>>, vector<16xf32>,
      tpu.vector_store %arg12[%swap3A_209, %swap3A_210], %gather3A_203 {strides = array<i32>} : memref<8x128xf32, #tpu.memory_space<vmem>>, vector<16xf32>,
      %swap3A_212 = arith.constant 0 : i32
      %swap3A_213 = arith.index_cast %swap3A_212 : i32 to index
      %swap3A_214 = arith.constant 112 : index
      %swap3A_215 = tpu.vector_load %arg12[%swap3A_213, %swap3A_214] {strides = array<i32>} : memref<8x128xf32, #tpu.memory_space<vmem>>, vector<16xf32>,
      tpu.vector_store %arg12[%swap3A_213, %swap3A_214], %get3A_207 {strides = array<i32>} : memref<8x128xf32, #tpu.memory_space<vmem>>, vector<16xf32>,
      %add3A_216 = arith.addf %broadcast_in_dim3A_127, %gather3A_203 : vector<16xf32>
      %add3A_217 = arith.addf %broadcast_in_dim3A_135, %get3A_207 : vector<16xf32>
      %dma_wait3A_218 = arith.constant 64 : i32
      %dma_wait3A_219 = arith.constant 0 : i32
      %dma_wait3A_220 = tpu.memref_slice %arg10[%dma_wait3A_218, %dma_wait3A_219] : memref<512x128xf32, #tpu.memory_space<vmem>> -> memref<64x128xf32, #tpu.memory_space<vmem>>
      %dma_wait3A_221 = arith.constant 0 : i32
      %dma_wait3A_222 = tpu.memref_slice %arg3[%dma_wait3A_221, %multiple_of3A_32] : memref<64x1000000xf32, #tpu.memory_space<hbm>> -> memref<64x128xf32, #tpu.memory_space<hbm>>
      %dma_wait3A_223 = arith.constant 64 : i32
      %dma_wait3A_224 = arith.constant 0 : i32
      %dma_wait3A_225 = tpu.memref_slice %arg10[%dma_wait3A_223, %dma_wait3A_224] : memref<512x128xf32, #tpu.memory_space<vmem>> -> memref<64x128xf32, #tpu.memory_space<vmem>>
      %dma_wait3A_226 = arith.constant 0 : i32
      %dma_wait3A_227 = tpu.memref_slice %arg3[%dma_wait3A_226, %multiple_of3A_32] : memref<64x1000000xf32, #tpu.memory_space<hbm>> -> memref<64x128xf32, #tpu.memory_space<hbm>>
      tpu.wait_dma2 semaphore(%arg20 : memref<!tpu.dma_semaphore, #tpu.memory_space<semaphore_mem>>) src(%dma_wait3A_227 : memref<64x128xf32, #tpu.memory_space<hbm>>) dst(%dma_wait3A_225 : memref<64x128xf32, #tpu.memory_space<vmem>>)
      %slice3A_228 = vector.extract_strided_slice %and3A_20 {offsets = [1], sizes = [1], strides = [1]} : vector<16xi32> to vector<1xi32>
      %squeeze3A_229 = vector.extract %slice3A_228[0] : i32 from vector<1xi32>
      %broadcast_in_dim3A_230 = vector.broadcast %squeeze3A_229 : i32 to vector<16xi32>
      %add3A_231 = arith.constant 64 : i32
      %add3A_232 = vector.broadcast %add3A_231 : i32 to vector<16xi32>
      %add3A_233 = arith.addi %iota3A, %add3A_232 : vector<16xi32>
      %gather3A_234 = tpu.vector_load_idx %arg10[%add3A_233, %broadcast_in_dim3A_230] : memref<512x128xf32, #tpu.memory_space<vmem>>[vector<16xi32>, vector<16xi32>], vector<16xf32>,
      %get3A_235 = arith.constant 1 : i32
      %get3A_236 = arith.index_cast %get3A_235 : i32 to index
      %get3A_237 = arith.constant 0 : index
      %get3A_238 = tpu.vector_load %arg11[%get3A_236, %get3A_237] {strides = array<i32>} : memref<8x128xf32, #tpu.memory_space<vmem>>, vector<16xf32>,
      %swap3A_239 = arith.constant 1 : i32
      %swap3A_240 = arith.index_cast %swap3A_239 : i32 to index
      %swap3A_241 = arith.constant 0 : index
      %swap3A_242 = tpu.vector_load %arg12[%swap3A_240, %swap3A_241] {strides = array<i32>} : memref<8x128xf32, #tpu.memory_space<vmem>>, vector<16xf32>,
      tpu.vector_store %arg12[%swap3A_240, %swap3A_241], %gather3A_234 {strides = array<i32>} : memref<8x128xf32, #tpu.memory_space<vmem>>, vector<16xf32>,
      %swap3A_243 = arith.constant 1 : i32
      %swap3A_244 = arith.index_cast %swap3A_243 : i32 to index
      %swap3A_245 = arith.constant 64 : index
      %swap3A_246 = tpu.vector_load %arg12[%swap3A_244, %swap3A_245] {strides = array<i32>} : memref<8x128xf32, #tpu.memory_space<vmem>>, vector<16xf32>,
      tpu.vector_store %arg12[%swap3A_244, %swap3A_245], %get3A_238 {strides = array<i32>} : memref<8x128xf32, #tpu.memory_space<vmem>>, vector<16xf32>,
      %add3A_247 = arith.addf %add3A_162, %gather3A_234 : vector<16xf32>
      %add3A_248 = arith.addf %add3A_163, %get3A_238 : vector<16xf32>
      %add3A_249 = arith.constant 80 : i32
      %add3A_250 = vector.broadcast %add3A_249 : i32 to vector<16xi32>
      %add3A_251 = arith.addi %iota3A, %add3A_250 : vector<16xi32>
      %gather3A_252 = tpu.vector_load_idx %arg10[%add3A_251, %broadcast_in_dim3A_230] : memref<512x128xf32, #tpu.memory_space<vmem>>[vector<16xi32>, vector<16xi32>], vector<16xf32>,
      %get3A_253 = arith.constant 1 : i32
      %get3A_254 = arith.index_cast %get3A_253 : i32 to index
      %get3A_255 = arith.constant 16 : index
      %get3A_256 = tpu.vector_load %arg11[%get3A_254, %get3A_255] {strides = array<i32>} : memref<8x128xf32, #tpu.memory_space<vmem>>, vector<16xf32>,
      %swap3A_257 = arith.constant 1 : i32
      %swap3A_258 = arith.index_cast %swap3A_257 : i32 to index
      %swap3A_259 = arith.constant 16 : index
      %swap3A_260 = tpu.vector_load %arg12[%swap3A_258, %swap3A_259] {strides = array<i32>} : memref<8x128xf32, #tpu.memory_space<vmem>>, vector<16xf32>,
      tpu.vector_store %arg12[%swap3A_258, %swap3A_259], %gather3A_252 {strides = array<i32>} : memref<8x128xf32, #tpu.memory_space<vmem>>, vector<16xf32>,
      %swap3A_261 = arith.constant 1 : i32
      %swap3A_262 = arith.index_cast %swap3A_261 : i32 to index
      %swap3A_263 = arith.constant 80 : index
      %swap3A_264 = tpu.vector_load %arg12[%swap3A_262, %swap3A_263] {strides = array<i32>} : memref<8x128xf32, #tpu.memory_space<vmem>>, vector<16xf32>,
      tpu.vector_store %arg12[%swap3A_262, %swap3A_263], %get3A_256 {strides = array<i32>} : memref<8x128xf32, #tpu.memory_space<vmem>>, vector<16xf32>,
      %add3A_265 = arith.addf %add3A_180, %gather3A_252 : vector<16xf32>
      %add3A_266 = arith.addf %add3A_181, %get3A_256 : vector<16xf32>
      %add3A_267 = arith.constant 96 : i32
      %add3A_268 = vector.broadcast %add3A_267 : i32 to vector<16xi32>
      %add3A_269 = arith.addi %iota3A, %add3A_268 : vector<16xi32>
      %gather3A_270 = tpu.vector_load_idx %arg10[%add3A_269, %broadcast_in_dim3A_230] : memref<512x128xf32, #tpu.memory_space<vmem>>[vector<16xi32>, vector<16xi32>], vector<16xf32>,
      %get3A_271 = arith.constant 1 : i32
      %get3A_272 = arith.index_cast %get3A_271 : i32 to index
      %get3A_273 = arith.constant 32 : index
      %get3A_274 = tpu.vector_load %arg11[%get3A_272, %get3A_273] {strides = array<i32>} : memref<8x128xf32, #tpu.memory_space<vmem>>, vector<16xf32>,
      %swap3A_275 = arith.constant 1 : i32
      %swap3A_276 = arith.index_cast %swap3A_275 : i32 to index
      %swap3A_277 = arith.constant 32 : index
      %swap3A_278 = tpu.vector_load %arg12[%swap3A_276, %swap3A_277] {strides = array<i32>} : memref<8x128xf32, #tpu.memory_space<vmem>>, vector<16xf32>,
      tpu.vector_store %arg12[%swap3A_276, %swap3A_277], %gather3A_270 {strides = array<i32>} : memref<8x128xf32, #tpu.memory_space<vmem>>, vector<16xf32>,
      %swap3A_279 = arith.constant 1 : i32
      %swap3A_280 = arith.index_cast %swap3A_279 : i32 to index
      %swap3A_281 = arith.constant 96 : index
      %swap3A_282 = tpu.vector_load %arg12[%swap3A_280, %swap3A_281] {strides = array<i32>} : memref<8x128xf32, #tpu.memory_space<vmem>>, vector<16xf32>,
      tpu.vector_store %arg12[%swap3A_280, %swap3A_281], %get3A_274 {strides = array<i32>} : memref<8x128xf32, #tpu.memory_space<vmem>>, vector<16xf32>,
      %add3A_283 = arith.addf %add3A_198, %gather3A_270 : vector<16xf32>
      %add3A_284 = arith.addf %add3A_199, %get3A_274 : vector<16xf32>
      %add3A_285 = arith.constant 112 : i32
      %add3A_286 = vector.broadcast %add3A_285 : i32 to vector<16xi32>
      %add3A_287 = arith.addi %iota3A, %add3A_286 : vector<16xi32>
      %gather3A_288 = tpu.vector_load_idx %arg10[%add3A_287, %broadcast_in_dim3A_230] : memref<512x128xf32, #tpu.memory_space<vmem>>[vector<16xi32>, vector<16xi32>], vector<16xf32>,
      %get3A_289 = arith.constant 1 : i32
      %get3A_290 = arith.index_cast %get3A_289 : i32 to index
      %get3A_291 = arith.constant 48 : index
      %get3A_292 = tpu.vector_load %arg11[%get3A_290, %get3A_291] {strides = array<i32>} : memref<8x128xf32, #tpu.memory_space<vmem>>, vector<16xf32>,
      %swap3A_293 = arith.constant 1 : i32
      %swap3A_294 = arith.index_cast %swap3A_293 : i32 to index
      %swap3A_295 = arith.constant 48 : index
      %swap3A_296 = tpu.vector_load %arg12[%swap3A_294, %swap3A_295] {strides = array<i32>} : memref<8x128xf32, #tpu.memory_space<vmem>>, vector<16xf32>,
      tpu.vector_store %arg12[%swap3A_294, %swap3A_295], %gather3A_288 {strides = array<i32>} : memref<8x128xf32, #tpu.memory_space<vmem>>, vector<16xf32>,
      %swap3A_297 = arith.constant 1 : i32
      %swap3A_298 = arith.index_cast %swap3A_297 : i32 to index
      %swap3A_299 = arith.constant 112 : index
      %swap3A_300 = tpu.vector_load %arg12[%swap3A_298, %swap3A_299] {strides = array<i32>} : memref<8x128xf32, #tpu.memory_space<vmem>>, vector<16xf32>,
      tpu.vector_store %arg12[%swap3A_298, %swap3A_299], %get3A_292 {strides = array<i32>} : memref<8x128xf32, #tpu.memory_space<vmem>>, vector<16xf32>,
      %add3A_301 = arith.addf %add3A_216, %gather3A_288 : vector<16xf32>
      %add3A_302 = arith.addf %add3A_217, %get3A_292 : vector<16xf32>
      %dma_wait3A_303 = arith.constant 128 : i32
      %dma_wait3A_304 = arith.constant 0 : i32
      %dma_wait3A_305 = tpu.memref_slice %arg10[%dma_wait3A_303, %dma_wait3A_304] : memref<512x128xf32, #tpu.memory_space<vmem>> -> memref<64x128xf32, #tpu.memory_space<vmem>>
      %dma_wait3A_306 = arith.constant 0 : i32
      %dma_wait3A_307 = tpu.memref_slice %arg3[%dma_wait3A_306, %multiple_of3A_45] : memref<64x1000000xf32, #tpu.memory_space<hbm>> -> memref<64x128xf32, #tpu.memory_space<hbm>>
      %dma_wait3A_308 = arith.constant 128 : i32
      %dma_wait3A_309 = arith.constant 0 : i32
      %dma_wait3A_310 = tpu.memref_slice %arg10[%dma_wait3A_308, %dma_wait3A_309] : memref<512x128xf32, #tpu.memory_space<vmem>> -> memref<64x128xf32, #tpu.memory_space<vmem>>
      %dma_wait3A_311 = arith.constant 0 : i32
      %dma_wait3A_312 = tpu.memref_slice %arg3[%dma_wait3A_311, %multiple_of3A_45] : memref<64x1000000xf32, #tpu.memory_space<hbm>> -> memref<64x128xf32, #tpu.memory_space<hbm>>
      tpu.wait_dma2 semaphore(%arg21 : memref<!tpu.dma_semaphore, #tpu.memory_space<semaphore_mem>>) src(%dma_wait3A_312 : memref<64x128xf32, #tpu.memory_space<hbm>>) dst(%dma_wait3A_310 : memref<64x128xf32, #tpu.memory_space<vmem>>)
      %slice3A_313 = vector.extract_strided_slice %and3A_20 {offsets = [2], sizes = [1], strides = [1]} : vector<16xi32> to vector<1xi32>
      %squeeze3A_314 = vector.extract %slice3A_313[0] : i32 from vector<1xi32>
      %broadcast_in_dim3A_315 = vector.broadcast %squeeze3A_314 : i32 to vector<16xi32>
      %add3A_316 = arith.constant 128 : i32
      %add3A_317 = vector.broadcast %add3A_316 : i32 to vector<16xi32>
      %add3A_318 = arith.addi %iota3A, %add3A_317 : vector<16xi32>
      %gather3A_319 = tpu.vector_load_idx %arg10[%add3A_318, %broadcast_in_dim3A_315] : memref<512x128xf32, #tpu.memory_space<vmem>>[vector<16xi32>, vector<16xi32>], vector<16xf32>,
      %get3A_320 = arith.constant 2 : i32
      %get3A_321 = arith.index_cast %get3A_320 : i32 to index
      %get3A_322 = arith.constant 0 : index
      %get3A_323 = tpu.vector_load %arg11[%get3A_321, %get3A_322] {strides = array<i32>} : memref<8x128xf32, #tpu.memory_space<vmem>>, vector<16xf32>,
      %swap3A_324 = arith.constant 2 : i32
      %swap3A_325 = arith.index_cast %swap3A_324 : i32 to index
      %swap3A_326 = arith.constant 0 : index
      %swap3A_327 = tpu.vector_load %arg12[%swap3A_325, %swap3A_326] {strides = array<i32>} : memref<8x128xf32, #tpu.memory_space<vmem>>, vector<16xf32>,
      tpu.vector_store %arg12[%swap3A_325, %swap3A_326], %gather3A_319 {strides = array<i32>} : memref<8x128xf32, #tpu.memory_space<vmem>>, vector<16xf32>,
      %swap3A_328 = arith.constant 2 : i32
      %swap3A_329 = arith.index_cast %swap3A_328 : i32 to index
      %swap3A_330 = arith.constant 64 : index
      %swap3A_331 = tpu.vector_load %arg12[%swap3A_329, %swap3A_330] {strides = array<i32>} : memref<8x128xf32, #tpu.memory_space<vmem>>, vector<16xf32>,
      tpu.vector_store %arg12[%swap3A_329, %swap3A_330], %get3A_323 {strides = array<i32>} : memref<8x128xf32, #tpu.memory_space<vmem>>, vector<16xf32>,
      %add3A_332 = arith.addf %add3A_247, %gather3A_319 : vector<16xf32>
      %add3A_333 = arith.addf %add3A_248, %get3A_323 : vector<16xf32>
      %add3A_334 = arith.constant 144 : i32
      %add3A_335 = vector.broadcast %add3A_334 : i32 to vector<16xi32>
      %add3A_336 = arith.addi %iota3A, %add3A_335 : vector<16xi32>
      %gather3A_337 = tpu.vector_load_idx %arg10[%add3A_336, %broadcast_in_dim3A_315] : memref<512x128xf32, #tpu.memory_space<vmem>>[vector<16xi32>, vector<16xi32>], vector<16xf32>,
      %get3A_338 = arith.constant 2 : i32
      %get3A_339 = arith.index_cast %get3A_338 : i32 to index
      %get3A_340 = arith.constant 16 : index
      %get3A_341 = tpu.vector_load %arg11[%get3A_339, %get3A_340] {strides = array<i32>} : memref<8x128xf32, #tpu.memory_space<vmem>>, vector<16xf32>,
      %swap3A_342 = arith.constant 2 : i32
      %swap3A_343 = arith.index_cast %swap3A_342 : i32 to index
      %swap3A_344 = arith.constant 16 : index
      %swap3A_345 = tpu.vector_load %arg12[%swap3A_343, %swap3A_344] {strides = array<i32>} : memref<8x128xf32, #tpu.memory_space<vmem>>, vector<16xf32>,
      tpu.vector_store %arg12[%swap3A_343, %swap3A_344], %gather3A_337 {strides = array<i32>} : memref<8x128xf32, #tpu.memory_space<vmem>>, vector<16xf32>,
      %swap3A_346 = arith.constant 2 : i32
      %swap3A_347 = arith.index_cast %swap3A_346 : i32 to index
      %swap3A_348 = arith.constant 80 : index
      %swap3A_349 = tpu.vector_load %arg12[%swap3A_347, %swap3A_348] {strides = array<i32>} : memref<8x128xf32, #tpu.memory_space<vmem>>, vector<16xf32>,
      tpu.vector_store %arg12[%swap3A_347, %swap3A_348], %get3A_341 {strides = array<i32>} : memref<8x128xf32, #tpu.memory_space<vmem>>, vector<16xf32>,
      %add3A_350 = arith.addf %add3A_265, %gather3A_337 : vector<16xf32>
      %add3A_351 = arith.addf %add3A_266, %get3A_341 : vector<16xf32>
      %add3A_352 = arith.constant 160 : i32
      %add3A_353 = vector.broadcast %add3A_352 : i32 to vector<16xi32>
      %add3A_354 = arith.addi %iota3A, %add3A_353 : vector<16xi32>
      %gather3A_355 = tpu.vector_load_idx %arg10[%add3A_354, %broadcast_in_dim3A_315] : memref<512x128xf32, #tpu.memory_space<vmem>>[vector<16xi32>, vector<16xi32>], vector<16xf32>,
      %get3A_356 = arith.constant 2 : i32
      %get3A_357 = arith.index_cast %get3A_356 : i32 to index
      %get3A_358 = arith.constant 32 : index
      %get3A_359 = tpu.vector_load %arg11[%get3A_357, %get3A_358] {strides = array<i32>} : memref<8x128xf32, #tpu.memory_space<vmem>>, vector<16xf32>,
      %swap3A_360 = arith.constant 2 : i32
      %swap3A_361 = arith.index_cast %swap3A_360 : i32 to index
      %swap3A_362 = arith.constant 32 : index
      %swap3A_363 = tpu.vector_load %arg12[%swap3A_361, %swap3A_362] {strides = array<i32>} : memref<8x128xf32, #tpu.memory_space<vmem>>, vector<16xf32>,
      tpu.vector_store %arg12[%swap3A_361, %swap3A_362], %gather3A_355 {strides = array<i32>} : memref<8x128xf32, #tpu.memory_space<vmem>>, vector<16xf32>,
      %swap3A_364 = arith.constant 2 : i32
      %swap3A_365 = arith.index_cast %swap3A_364 : i32 to index
      %swap3A_366 = arith.constant 96 : index
      %swap3A_367 = tpu.vector_load %arg12[%swap3A_365, %swap3A_366] {strides = array<i32>} : memref<8x128xf32, #tpu.memory_space<vmem>>, vector<16xf32>,
      tpu.vector_store %arg12[%swap3A_365, %swap3A_366], %get3A_359 {strides = array<i32>} : memref<8x128xf32, #tpu.memory_space<vmem>>, vector<16xf32>,
      %add3A_368 = arith.addf %add3A_283, %gather3A_355 : vector<16xf32>
      %add3A_369 = arith.addf %add3A_284, %get3A_359 : vector<16xf32>
      %add3A_370 = arith.constant 176 : i32
      %add3A_371 = vector.broadcast %add3A_370 : i32 to vector<16xi32>
      %add3A_372 = arith.addi %iota3A, %add3A_371 : vector<16xi32>
      %gather3A_373 = tpu.vector_load_idx %arg10[%add3A_372, %broadcast_in_dim3A_315] : memref<512x128xf32, #tpu.memory_space<vmem>>[vector<16xi32>, vector<16xi32>], vector<16xf32>,
      %get3A_374 = arith.constant 2 : i32
      %get3A_375 = arith.index_cast %get3A_374 : i32 to index
      %get3A_376 = arith.constant 48 : index
      %get3A_377 = tpu.vector_load %arg11[%get3A_375, %get3A_376] {strides = array<i32>} : memref<8x128xf32, #tpu.memory_space<vmem>>, vector<16xf32>,
      %swap3A_378 = arith.constant 2 : i32
      %swap3A_379 = arith.index_cast %swap3A_378 : i32 to index
      %swap3A_380 = arith.constant 48 : index
      %swap3A_381 = tpu.vector_load %arg12[%swap3A_379, %swap3A_380] {strides = array<i32>} : memref<8x128xf32, #tpu.memory_space<vmem>>, vector<16xf32>,
      tpu.vector_store %arg12[%swap3A_379, %swap3A_380], %gather3A_373 {strides = array<i32>} : memref<8x128xf32, #tpu.memory_space<vmem>>, vector<16xf32>,
      %swap3A_382 = arith.constant 2 : i32
      %swap3A_383 = arith.index_cast %swap3A_382 : i32 to index
      %swap3A_384 = arith.constant 112 : index
      %swap3A_385 = tpu.vector_load %arg12[%swap3A_383, %swap3A_384] {strides = array<i32>} : memref<8x128xf32, #tpu.memory_space<vmem>>, vector<16xf32>,
      tpu.vector_store %arg12[%swap3A_383, %swap3A_384], %get3A_377 {strides = array<i32>} : memref<8x128xf32, #tpu.memory_space<vmem>>, vector<16xf32>,
      %add3A_386 = arith.addf %add3A_301, %gather3A_373 : vector<16xf32>
      %add3A_387 = arith.addf %add3A_302, %get3A_377 : vector<16xf32>
      %dma_wait3A_388 = arith.constant 192 : i32
      %dma_wait3A_389 = arith.constant 0 : i32
      %dma_wait3A_390 = tpu.memref_slice %arg10[%dma_wait3A_388, %dma_wait3A_389] : memref<512x128xf32, #tpu.memory_space<vmem>> -> memref<64x128xf32, #tpu.memory_space<vmem>>
      %dma_wait3A_391 = arith.constant 0 : i32
      %dma_wait3A_392 = tpu.memref_slice %arg3[%dma_wait3A_391, %multiple_of3A_58] : memref<64x1000000xf32, #tpu.memory_space<hbm>> -> memref<64x128xf32, #tpu.memory_space<hbm>>
      %dma_wait3A_393 = arith.constant 192 : i32
      %dma_wait3A_394 = arith.constant 0 : i32
      %dma_wait3A_395 = tpu.memref_slice %arg10[%dma_wait3A_393, %dma_wait3A_394] : memref<512x128xf32, #tpu.memory_space<vmem>> -> memref<64x128xf32, #tpu.memory_space<vmem>>
      %dma_wait3A_396 = arith.constant 0 : i32
      %dma_wait3A_397 = tpu.memref_slice %arg3[%dma_wait3A_396, %multiple_of3A_58] : memref<64x1000000xf32, #tpu.memory_space<hbm>> -> memref<64x128xf32, #tpu.memory_space<hbm>>
      tpu.wait_dma2 semaphore(%arg22 : memref<!tpu.dma_semaphore, #tpu.memory_space<semaphore_mem>>) src(%dma_wait3A_397 : memref<64x128xf32, #tpu.memory_space<hbm>>) dst(%dma_wait3A_395 : memref<64x128xf32, #tpu.memory_space<vmem>>)
      %slice3A_398 = vector.extract_strided_slice %and3A_20 {offsets = [3], sizes = [1], strides = [1]} : vector<16xi32> to vector<1xi32>
      %squeeze3A_399 = vector.extract %slice3A_398[0] : i32 from vector<1xi32>
      %broadcast_in_dim3A_400 = vector.broadcast %squeeze3A_399 : i32 to vector<16xi32>
      %add3A_401 = arith.constant 192 : i32
      %add3A_402 = vector.broadcast %add3A_401 : i32 to vector<16xi32>
      %add3A_403 = arith.addi %iota3A, %add3A_402 : vector<16xi32>
      %gather3A_404 = tpu.vector_load_idx %arg10[%add3A_403, %broadcast_in_dim3A_400] : memref<512x128xf32, #tpu.memory_space<vmem>>[vector<16xi32>, vector<16xi32>], vector<16xf32>,
      %get3A_405 = arith.constant 3 : i32
      %get3A_406 = arith.index_cast %get3A_405 : i32 to index
      %get3A_407 = arith.constant 0 : index
      %get3A_408 = tpu.vector_load %arg11[%get3A_406, %get3A_407] {strides = array<i32>} : memref<8x128xf32, #tpu.memory_space<vmem>>, vector<16xf32>,
      %swap3A_409 = arith.constant 3 : i32
      %swap3A_410 = arith.index_cast %swap3A_409 : i32 to index
      %swap3A_411 = arith.constant 0 : index
      %swap3A_412 = tpu.vector_load %arg12[%swap3A_410, %swap3A_411] {strides = array<i32>} : memref<8x128xf32, #tpu.memory_space<vmem>>, vector<16xf32>,
      tpu.vector_store %arg12[%swap3A_410, %swap3A_411], %gather3A_404 {strides = array<i32>} : memref<8x128xf32, #tpu.memory_space<vmem>>, vector<16xf32>,
      %swap3A_413 = arith.constant 3 : i32
      %swap3A_414 = arith.index_cast %swap3A_413 : i32 to index
      %swap3A_415 = arith.constant 64 : index
      %swap3A_416 = tpu.vector_load %arg12[%swap3A_414, %swap3A_415] {strides = array<i32>} : memref<8x128xf32, #tpu.memory_space<vmem>>, vector<16xf32>,
      tpu.vector_store %arg12[%swap3A_414, %swap3A_415], %get3A_408 {strides = array<i32>} : memref<8x128xf32, #tpu.memory_space<vmem>>, vector<16xf32>,
      %add3A_417 = arith.addf %add3A_332, %gather3A_404 : vector<16xf32>
      %add3A_418 = arith.addf %add3A_333, %get3A_408 : vector<16xf32>
      %add3A_419 = arith.constant 208 : i32
      %add3A_420 = vector.broadcast %add3A_419 : i32 to vector<16xi32>
      %add3A_421 = arith.addi %iota3A, %add3A_420 : vector<16xi32>
      %gather3A_422 = tpu.vector_load_idx %arg10[%add3A_421, %broadcast_in_dim3A_400] : memref<512x128xf32, #tpu.memory_space<vmem>>[vector<16xi32>, vector<16xi32>], vector<16xf32>,
      %get3A_423 = arith.constant 3 : i32
      %get3A_424 = arith.index_cast %get3A_423 : i32 to index
      %get3A_425 = arith.constant 16 : index
      %get3A_426 = tpu.vector_load %arg11[%get3A_424, %get3A_425] {strides = array<i32>} : memref<8x128xf32, #tpu.memory_space<vmem>>, vector<16xf32>,
      %swap3A_427 = arith.constant 3 : i32
      %swap3A_428 = arith.index_cast %swap3A_427 : i32 to index
      %swap3A_429 = arith.constant 16 : index
      %swap3A_430 = tpu.vector_load %arg12[%swap3A_428, %swap3A_429] {strides = array<i32>} : memref<8x128xf32, #tpu.memory_space<vmem>>, vector<16xf32>,
      tpu.vector_store %arg12[%swap3A_428, %swap3A_429], %gather3A_422 {strides = array<i32>} : memref<8x128xf32, #tpu.memory_space<vmem>>, vector<16xf32>,
      %swap3A_431 = arith.constant 3 : i32
      %swap3A_432 = arith.index_cast %swap3A_431 : i32 to index
      %swap3A_433 = arith.constant 80 : index
      %swap3A_434 = tpu.vector_load %arg12[%swap3A_432, %swap3A_433] {strides = array<i32>} : memref<8x128xf32, #tpu.memory_space<vmem>>, vector<16xf32>,
      tpu.vector_store %arg12[%swap3A_432, %swap3A_433], %get3A_426 {strides = array<i32>} : memref<8x128xf32, #tpu.memory_space<vmem>>, vector<16xf32>,
      %add3A_435 = arith.addf %add3A_350, %gather3A_422 : vector<16xf32>
      %add3A_436 = arith.addf %add3A_351, %get3A_426 : vector<16xf32>
      %add3A_437 = arith.constant 224 : i32
      %add3A_438 = vector.broadcast %add3A_437 : i32 to vector<16xi32>
      %add3A_439 = arith.addi %iota3A, %add3A_438 : vector<16xi32>
      %gather3A_440 = tpu.vector_load_idx %arg10[%add3A_439, %broadcast_in_dim3A_400] : memref<512x128xf32, #tpu.memory_space<vmem>>[vector<16xi32>, vector<16xi32>], vector<16xf32>,
      %get3A_441 = arith.constant 3 : i32
      %get3A_442 = arith.index_cast %get3A_441 : i32 to index
      %get3A_443 = arith.constant 32 : index
      %get3A_444 = tpu.vector_load %arg11[%get3A_442, %get3A_443] {strides = array<i32>} : memref<8x128xf32, #tpu.memory_space<vmem>>, vector<16xf32>,
      %swap3A_445 = arith.constant 3 : i32
      %swap3A_446 = arith.index_cast %swap3A_445 : i32 to index
      %swap3A_447 = arith.constant 32 : index
      %swap3A_448 = tpu.vector_load %arg12[%swap3A_446, %swap3A_447] {strides = array<i32>} : memref<8x128xf32, #tpu.memory_space<vmem>>, vector<16xf32>,
      tpu.vector_store %arg12[%swap3A_446, %swap3A_447], %gather3A_440 {strides = array<i32>} : memref<8x128xf32, #tpu.memory_space<vmem>>, vector<16xf32>,
      %swap3A_449 = arith.constant 3 : i32
      %swap3A_450 = arith.index_cast %swap3A_449 : i32 to index
      %swap3A_451 = arith.constant 96 : index
      %swap3A_452 = tpu.vector_load %arg12[%swap3A_450, %swap3A_451] {strides = array<i32>} : memref<8x128xf32, #tpu.memory_space<vmem>>, vector<16xf32>,
      tpu.vector_store %arg12[%swap3A_450, %swap3A_451], %get3A_444 {strides = array<i32>} : memref<8x128xf32, #tpu.memory_space<vmem>>, vector<16xf32>,
      %add3A_453 = arith.addf %add3A_368, %gather3A_440 : vector<16xf32>
      %add3A_454 = arith.addf %add3A_369, %get3A_444 : vector<16xf32>
      %add3A_455 = arith.constant 240 : i32
      %add3A_456 = vector.broadcast %add3A_455 : i32 to vector<16xi32>
      %add3A_457 = arith.addi %iota3A, %add3A_456 : vector<16xi32>
      %gather3A_458 = tpu.vector_load_idx %arg10[%add3A_457, %broadcast_in_dim3A_400] : memref<512x128xf32, #tpu.memory_space<vmem>>[vector<16xi32>, vector<16xi32>], vector<16xf32>,
      %get3A_459 = arith.constant 3 : i32
      %get3A_460 = arith.index_cast %get3A_459 : i32 to index
      %get3A_461 = arith.constant 48 : index
      %get3A_462 = tpu.vector_load %arg11[%get3A_460, %get3A_461] {strides = array<i32>} : memref<8x128xf32, #tpu.memory_space<vmem>>, vector<16xf32>,
      %swap3A_463 = arith.constant 3 : i32
      %swap3A_464 = arith.index_cast %swap3A_463 : i32 to index
      %swap3A_465 = arith.constant 48 : index
      %swap3A_466 = tpu.vector_load %arg12[%swap3A_464, %swap3A_465] {strides = array<i32>} : memref<8x128xf32, #tpu.memory_space<vmem>>, vector<16xf32>,
      tpu.vector_store %arg12[%swap3A_464, %swap3A_465], %gather3A_458 {strides = array<i32>} : memref<8x128xf32, #tpu.memory_space<vmem>>, vector<16xf32>,
      %swap3A_467 = arith.constant 3 : i32
      %swap3A_468 = arith.index_cast %swap3A_467 : i32 to index
      %swap3A_469 = arith.constant 112 : index
      %swap3A_470 = tpu.vector_load %arg12[%swap3A_468, %swap3A_469] {strides = array<i32>} : memref<8x128xf32, #tpu.memory_space<vmem>>, vector<16xf32>,
      tpu.vector_store %arg12[%swap3A_468, %swap3A_469], %get3A_462 {strides = array<i32>} : memref<8x128xf32, #tpu.memory_space<vmem>>, vector<16xf32>,
      %add3A_471 = arith.addf %add3A_386, %gather3A_458 : vector<16xf32>
      %add3A_472 = arith.addf %add3A_387, %get3A_462 : vector<16xf32>
      %dma_wait3A_473 = arith.constant 256 : i32
      %dma_wait3A_474 = arith.constant 0 : i32
      %dma_wait3A_475 = tpu.memref_slice %arg10[%dma_wait3A_473, %dma_wait3A_474] : memref<512x128xf32, #tpu.memory_space<vmem>> -> memref<64x128xf32, #tpu.memory_space<vmem>>
      %dma_wait3A_476 = arith.constant 0 : i32
      %dma_wait3A_477 = tpu.memref_slice %arg3[%dma_wait3A_476, %multiple_of3A_71] : memref<64x1000000xf32, #tpu.memory_space<hbm>> -> memref<64x128xf32, #tpu.memory_space<hbm>>
      %dma_wait3A_478 = arith.constant 256 : i32
      %dma_wait3A_479 = arith.constant 0 : i32
      %dma_wait3A_480 = tpu.memref_slice %arg10[%dma_wait3A_478, %dma_wait3A_479] : memref<512x128xf32, #tpu.memory_space<vmem>> -> memref<64x128xf32, #tpu.memory_space<vmem>>
      %dma_wait3A_481 = arith.constant 0 : i32
      %dma_wait3A_482 = tpu.memref_slice %arg3[%dma_wait3A_481, %multiple_of3A_71] : memref<64x1000000xf32, #tpu.memory_space<hbm>> -> memref<64x128xf32, #tpu.memory_space<hbm>>
      tpu.wait_dma2 semaphore(%arg23 : memref<!tpu.dma_semaphore, #tpu.memory_space<semaphore_mem>>) src(%dma_wait3A_482 : memref<64x128xf32, #tpu.memory_space<hbm>>) dst(%dma_wait3A_480 : memref<64x128xf32, #tpu.memory_space<vmem>>)
      %slice3A_483 = vector.extract_strided_slice %and3A_20 {offsets = [4], sizes = [1], strides = [1]} : vector<16xi32> to vector<1xi32>
      %squeeze3A_484 = vector.extract %slice3A_483[0] : i32 from vector<1xi32>
      %broadcast_in_dim3A_485 = vector.broadcast %squeeze3A_484 : i32 to vector<16xi32>
      %add3A_486 = arith.constant 256 : i32
      %add3A_487 = vector.broadcast %add3A_486 : i32 to vector<16xi32>
      %add3A_488 = arith.addi %iota3A, %add3A_487 : vector<16xi32>
      %gather3A_489 = tpu.vector_load_idx %arg10[%add3A_488, %broadcast_in_dim3A_485] : memref<512x128xf32, #tpu.memory_space<vmem>>[vector<16xi32>, vector<16xi32>], vector<16xf32>,
      %get3A_490 = arith.constant 4 : i32
      %get3A_491 = arith.index_cast %get3A_490 : i32 to index
      %get3A_492 = arith.constant 0 : index
      %get3A_493 = tpu.vector_load %arg11[%get3A_491, %get3A_492] {strides = array<i32>} : memref<8x128xf32, #tpu.memory_space<vmem>>, vector<16xf32>,
      %swap3A_494 = arith.constant 4 : i32
      %swap3A_495 = arith.index_cast %swap3A_494 : i32 to index
      %swap3A_496 = arith.constant 0 : index
      %swap3A_497 = tpu.vector_load %arg12[%swap3A_495, %swap3A_496] {strides = array<i32>} : memref<8x128xf32, #tpu.memory_space<vmem>>, vector<16xf32>,
      tpu.vector_store %arg12[%swap3A_495, %swap3A_496], %gather3A_489 {strides = array<i32>} : memref<8x128xf32, #tpu.memory_space<vmem>>, vector<16xf32>,
      %swap3A_498 = arith.constant 4 : i32
      %swap3A_499 = arith.index_cast %swap3A_498 : i32 to index
      %swap3A_500 = arith.constant 64 : index
      %swap3A_501 = tpu.vector_load %arg12[%swap3A_499, %swap3A_500] {strides = array<i32>} : memref<8x128xf32, #tpu.memory_space<vmem>>, vector<16xf32>,
      tpu.vector_store %arg12[%swap3A_499, %swap3A_500], %get3A_493 {strides = array<i32>} : memref<8x128xf32, #tpu.memory_space<vmem>>, vector<16xf32>,
      %add3A_502 = arith.addf %add3A_417, %gather3A_489 : vector<16xf32>
      %add3A_503 = arith.addf %add3A_418, %get3A_493 : vector<16xf32>
      %add3A_504 = arith.constant 272 : i32
      %add3A_505 = vector.broadcast %add3A_504 : i32 to vector<16xi32>
      %add3A_506 = arith.addi %iota3A, %add3A_505 : vector<16xi32>
      %gather3A_507 = tpu.vector_load_idx %arg10[%add3A_506, %broadcast_in_dim3A_485] : memref<512x128xf32, #tpu.memory_space<vmem>>[vector<16xi32>, vector<16xi32>], vector<16xf32>,
      %get3A_508 = arith.constant 4 : i32
      %get3A_509 = arith.index_cast %get3A_508 : i32 to index
      %get3A_510 = arith.constant 16 : index
      %get3A_511 = tpu.vector_load %arg11[%get3A_509, %get3A_510] {strides = array<i32>} : memref<8x128xf32, #tpu.memory_space<vmem>>, vector<16xf32>,
      %swap3A_512 = arith.constant 4 : i32
      %swap3A_513 = arith.index_cast %swap3A_512 : i32 to index
      %swap3A_514 = arith.constant 16 : index
      %swap3A_515 = tpu.vector_load %arg12[%swap3A_513, %swap3A_514] {strides = array<i32>} : memref<8x128xf32, #tpu.memory_space<vmem>>, vector<16xf32>,
      tpu.vector_store %arg12[%swap3A_513, %swap3A_514], %gather3A_507 {strides = array<i32>} : memref<8x128xf32, #tpu.memory_space<vmem>>, vector<16xf32>,
      %swap3A_516 = arith.constant 4 : i32
      %swap3A_517 = arith.index_cast %swap3A_516 : i32 to index
      %swap3A_518 = arith.constant 80 : index
      %swap3A_519 = tpu.vector_load %arg12[%swap3A_517, %swap3A_518] {strides = array<i32>} : memref<8x128xf32, #tpu.memory_space<vmem>>, vector<16xf32>,
      tpu.vector_store %arg12[%swap3A_517, %swap3A_518], %get3A_511 {strides = array<i32>} : memref<8x128xf32, #tpu.memory_space<vmem>>, vector<16xf32>,
      %add3A_520 = arith.addf %add3A_435, %gather3A_507 : vector<16xf32>
      %add3A_521 = arith.addf %add3A_436, %get3A_511 : vector<16xf32>
      %add3A_522 = arith.constant 288 : i32
      %add3A_523 = vector.broadcast %add3A_522 : i32 to vector<16xi32>
      %add3A_524 = arith.addi %iota3A, %add3A_523 : vector<16xi32>
      %gather3A_525 = tpu.vector_load_idx %arg10[%add3A_524, %broadcast_in_dim3A_485] : memref<512x128xf32, #tpu.memory_space<vmem>>[vector<16xi32>, vector<16xi32>], vector<16xf32>,
      %get3A_526 = arith.constant 4 : i32
      %get3A_527 = arith.index_cast %get3A_526 : i32 to index
      %get3A_528 = arith.constant 32 : index
      %get3A_529 = tpu.vector_load %arg11[%get3A_527, %get3A_528] {strides = array<i32>} : memref<8x128xf32, #tpu.memory_space<vmem>>, vector<16xf32>,
      %swap3A_530 = arith.constant 4 : i32
      %swap3A_531 = arith.index_cast %swap3A_530 : i32 to index
      %swap3A_532 = arith.constant 32 : index
      %swap3A_533 = tpu.vector_load %arg12[%swap3A_531, %swap3A_532] {strides = array<i32>} : memref<8x128xf32, #tpu.memory_space<vmem>>, vector<16xf32>,
      tpu.vector_store %arg12[%swap3A_531, %swap3A_532], %gather3A_525 {strides = array<i32>} : memref<8x128xf32, #tpu.memory_space<vmem>>, vector<16xf32>,
      %swap3A_534 = arith.constant 4 : i32
      %swap3A_535 = arith.index_cast %swap3A_534 : i32 to index
      %swap3A_536 = arith.constant 96 : index
      %swap3A_537 = tpu.vector_load %arg12[%swap3A_535, %swap3A_536] {strides = array<i32>} : memref<8x128xf32, #tpu.memory_space<vmem>>, vector<16xf32>,
      tpu.vector_store %arg12[%swap3A_535, %swap3A_536], %get3A_529 {strides = array<i32>} : memref<8x128xf32, #tpu.memory_space<vmem>>, vector<16xf32>,
      %add3A_538 = arith.addf %add3A_453, %gather3A_525 : vector<16xf32>
      %add3A_539 = arith.addf %add3A_454, %get3A_529 : vector<16xf32>
      %add3A_540 = arith.constant 304 : i32
      %add3A_541 = vector.broadcast %add3A_540 : i32 to vector<16xi32>
      %add3A_542 = arith.addi %iota3A, %add3A_541 : vector<16xi32>
      %gather3A_543 = tpu.vector_load_idx %arg10[%add3A_542, %broadcast_in_dim3A_485] : memref<512x128xf32, #tpu.memory_space<vmem>>[vector<16xi32>, vector<16xi32>], vector<16xf32>,
      %get3A_544 = arith.constant 4 : i32
      %get3A_545 = arith.index_cast %get3A_544 : i32 to index
      %get3A_546 = arith.constant 48 : index
      %get3A_547 = tpu.vector_load %arg11[%get3A_545, %get3A_546] {strides = array<i32>} : memref<8x128xf32, #tpu.memory_space<vmem>>, vector<16xf32>,
      %swap3A_548 = arith.constant 4 : i32
      %swap3A_549 = arith.index_cast %swap3A_548 : i32 to index
      %swap3A_550 = arith.constant 48 : index
      %swap3A_551 = tpu.vector_load %arg12[%swap3A_549, %swap3A_550] {strides = array<i32>} : memref<8x128xf32, #tpu.memory_space<vmem>>, vector<16xf32>,
      tpu.vector_store %arg12[%swap3A_549, %swap3A_550], %gather3A_543 {strides = array<i32>} : memref<8x128xf32, #tpu.memory_space<vmem>>, vector<16xf32>,
      %swap3A_552 = arith.constant 4 : i32
      %swap3A_553 = arith.index_cast %swap3A_552 : i32 to index
      %swap3A_554 = arith.constant 112 : index
      %swap3A_555 = tpu.vector_load %arg12[%swap3A_553, %swap3A_554] {strides = array<i32>} : memref<8x128xf32, #tpu.memory_space<vmem>>, vector<16xf32>,
      tpu.vector_store %arg12[%swap3A_553, %swap3A_554], %get3A_547 {strides = array<i32>} : memref<8x128xf32, #tpu.memory_space<vmem>>, vector<16xf32>,
      %add3A_556 = arith.addf %add3A_471, %gather3A_543 : vector<16xf32>
      %add3A_557 = arith.addf %add3A_472, %get3A_547 : vector<16xf32>
      %dma_wait3A_558 = arith.constant 320 : i32
      %dma_wait3A_559 = arith.constant 0 : i32
      %dma_wait3A_560 = tpu.memref_slice %arg10[%dma_wait3A_558, %dma_wait3A_559] : memref<512x128xf32, #tpu.memory_space<vmem>> -> memref<64x128xf32, #tpu.memory_space<vmem>>
      %dma_wait3A_561 = arith.constant 0 : i32
      %dma_wait3A_562 = tpu.memref_slice %arg3[%dma_wait3A_561, %multiple_of3A_84] : memref<64x1000000xf32, #tpu.memory_space<hbm>> -> memref<64x128xf32, #tpu.memory_space<hbm>>
      %dma_wait3A_563 = arith.constant 320 : i32
      %dma_wait3A_564 = arith.constant 0 : i32
      %dma_wait3A_565 = tpu.memref_slice %arg10[%dma_wait3A_563, %dma_wait3A_564] : memref<512x128xf32, #tpu.memory_space<vmem>> -> memref<64x128xf32, #tpu.memory_space<vmem>>
      %dma_wait3A_566 = arith.constant 0 : i32
      %dma_wait3A_567 = tpu.memref_slice %arg3[%dma_wait3A_566, %multiple_of3A_84] : memref<64x1000000xf32, #tpu.memory_space<hbm>> -> memref<64x128xf32, #tpu.memory_space<hbm>>
      tpu.wait_dma2 semaphore(%arg24 : memref<!tpu.dma_semaphore, #tpu.memory_space<semaphore_mem>>) src(%dma_wait3A_567 : memref<64x128xf32, #tpu.memory_space<hbm>>) dst(%dma_wait3A_565 : memref<64x128xf32, #tpu.memory_space<vmem>>)
      %slice3A_568 = vector.extract_strided_slice %and3A_20 {offsets = [5], sizes = [1], strides = [1]} : vector<16xi32> to vector<1xi32>
      %squeeze3A_569 = vector.extract %slice3A_568[0] : i32 from vector<1xi32>
      %broadcast_in_dim3A_570 = vector.broadcast %squeeze3A_569 : i32 to vector<16xi32>
      %add3A_571 = arith.constant 320 : i32
      %add3A_572 = vector.broadcast %add3A_571 : i32 to vector<16xi32>
      %add3A_573 = arith.addi %iota3A, %add3A_572 : vector<16xi32>
      %gather3A_574 = tpu.vector_load_idx %arg10[%add3A_573, %broadcast_in_dim3A_570] : memref<512x128xf32, #tpu.memory_space<vmem>>[vector<16xi32>, vector<16xi32>], vector<16xf32>,
      %get3A_575 = arith.constant 5 : i32
      %get3A_576 = arith.index_cast %get3A_575 : i32 to index
      %get3A_577 = arith.constant 0 : index
      %get3A_578 = tpu.vector_load %arg11[%get3A_576, %get3A_577] {strides = array<i32>} : memref<8x128xf32, #tpu.memory_space<vmem>>, vector<16xf32>,
      %swap3A_579 = arith.constant 5 : i32
      %swap3A_580 = arith.index_cast %swap3A_579 : i32 to index
      %swap3A_581 = arith.constant 0 : index
      %swap3A_582 = tpu.vector_load %arg12[%swap3A_580, %swap3A_581] {strides = array<i32>} : memref<8x128xf32, #tpu.memory_space<vmem>>, vector<16xf32>,
      tpu.vector_store %arg12[%swap3A_580, %swap3A_581], %gather3A_574 {strides = array<i32>} : memref<8x128xf32, #tpu.memory_space<vmem>>, vector<16xf32>,
      %swap3A_583 = arith.constant 5 : i32
      %swap3A_584 = arith.index_cast %swap3A_583 : i32 to index
      %swap3A_585 = arith.constant 64 : index
      %swap3A_586 = tpu.vector_load %arg12[%swap3A_584, %swap3A_585] {strides = array<i32>} : memref<8x128xf32, #tpu.memory_space<vmem>>, vector<16xf32>,
      tpu.vector_store %arg12[%swap3A_584, %swap3A_585], %get3A_578 {strides = array<i32>} : memref<8x128xf32, #tpu.memory_space<vmem>>, vector<16xf32>,
      %add3A_587 = arith.addf %add3A_502, %gather3A_574 : vector<16xf32>
      %add3A_588 = arith.addf %add3A_503, %get3A_578 : vector<16xf32>
      %add3A_589 = arith.constant 336 : i32
      %add3A_590 = vector.broadcast %add3A_589 : i32 to vector<16xi32>
      %add3A_591 = arith.addi %iota3A, %add3A_590 : vector<16xi32>
      %gather3A_592 = tpu.vector_load_idx %arg10[%add3A_591, %broadcast_in_dim3A_570] : memref<512x128xf32, #tpu.memory_space<vmem>>[vector<16xi32>, vector<16xi32>], vector<16xf32>,
      %get3A_593 = arith.constant 5 : i32
      %get3A_594 = arith.index_cast %get3A_593 : i32 to index
      %get3A_595 = arith.constant 16 : index
      %get3A_596 = tpu.vector_load %arg11[%get3A_594, %get3A_595] {strides = array<i32>} : memref<8x128xf32, #tpu.memory_space<vmem>>, vector<16xf32>,
      %swap3A_597 = arith.constant 5 : i32
      %swap3A_598 = arith.index_cast %swap3A_597 : i32 to index
      %swap3A_599 = arith.constant 16 : index
      %swap3A_600 = tpu.vector_load %arg12[%swap3A_598, %swap3A_599] {strides = array<i32>} : memref<8x128xf32, #tpu.memory_space<vmem>>, vector<16xf32>,
      tpu.vector_store %arg12[%swap3A_598, %swap3A_599], %gather3A_592 {strides = array<i32>} : memref<8x128xf32, #tpu.memory_space<vmem>>, vector<16xf32>,
      %swap3A_601 = arith.constant 5 : i32
      %swap3A_602 = arith.index_cast %swap3A_601 : i32 to index
      %swap3A_603 = arith.constant 80 : index
      %swap3A_604 = tpu.vector_load %arg12[%swap3A_602, %swap3A_603] {strides = array<i32>} : memref<8x128xf32, #tpu.memory_space<vmem>>, vector<16xf32>,
      tpu.vector_store %arg12[%swap3A_602, %swap3A_603], %get3A_596 {strides = array<i32>} : memref<8x128xf32, #tpu.memory_space<vmem>>, vector<16xf32>,
      %add3A_605 = arith.addf %add3A_520, %gather3A_592 : vector<16xf32>
      %add3A_606 = arith.addf %add3A_521, %get3A_596 : vector<16xf32>
      %add3A_607 = arith.constant 352 : i32
      %add3A_608 = vector.broadcast %add3A_607 : i32 to vector<16xi32>
      %add3A_609 = arith.addi %iota3A, %add3A_608 : vector<16xi32>
      %gather3A_610 = tpu.vector_load_idx %arg10[%add3A_609, %broadcast_in_dim3A_570] : memref<512x128xf32, #tpu.memory_space<vmem>>[vector<16xi32>, vector<16xi32>], vector<16xf32>,
      %get3A_611 = arith.constant 5 : i32
      %get3A_612 = arith.index_cast %get3A_611 : i32 to index
      %get3A_613 = arith.constant 32 : index
      %get3A_614 = tpu.vector_load %arg11[%get3A_612, %get3A_613] {strides = array<i32>} : memref<8x128xf32, #tpu.memory_space<vmem>>, vector<16xf32>,
      %swap3A_615 = arith.constant 5 : i32
      %swap3A_616 = arith.index_cast %swap3A_615 : i32 to index
      %swap3A_617 = arith.constant 32 : index
      %swap3A_618 = tpu.vector_load %arg12[%swap3A_616, %swap3A_617] {strides = array<i32>} : memref<8x128xf32, #tpu.memory_space<vmem>>, vector<16xf32>,
      tpu.vector_store %arg12[%swap3A_616, %swap3A_617], %gather3A_610 {strides = array<i32>} : memref<8x128xf32, #tpu.memory_space<vmem>>, vector<16xf32>,
      %swap3A_619 = arith.constant 5 : i32
      %swap3A_620 = arith.index_cast %swap3A_619 : i32 to index
      %swap3A_621 = arith.constant 96 : index
      %swap3A_622 = tpu.vector_load %arg12[%swap3A_620, %swap3A_621] {strides = array<i32>} : memref<8x128xf32, #tpu.memory_space<vmem>>, vector<16xf32>,
      tpu.vector_store %arg12[%swap3A_620, %swap3A_621], %get3A_614 {strides = array<i32>} : memref<8x128xf32, #tpu.memory_space<vmem>>, vector<16xf32>,
      %add3A_623 = arith.addf %add3A_538, %gather3A_610 : vector<16xf32>
      %add3A_624 = arith.addf %add3A_539, %get3A_614 : vector<16xf32>
      %add3A_625 = arith.constant 368 : i32
      %add3A_626 = vector.broadcast %add3A_625 : i32 to vector<16xi32>
      %add3A_627 = arith.addi %iota3A, %add3A_626 : vector<16xi32>
      %gather3A_628 = tpu.vector_load_idx %arg10[%add3A_627, %broadcast_in_dim3A_570] : memref<512x128xf32, #tpu.memory_space<vmem>>[vector<16xi32>, vector<16xi32>], vector<16xf32>,
      %get3A_629 = arith.constant 5 : i32
      %get3A_630 = arith.index_cast %get3A_629 : i32 to index
      %get3A_631 = arith.constant 48 : index
      %get3A_632 = tpu.vector_load %arg11[%get3A_630, %get3A_631] {strides = array<i32>} : memref<8x128xf32, #tpu.memory_space<vmem>>, vector<16xf32>,
      %swap3A_633 = arith.constant 5 : i32
      %swap3A_634 = arith.index_cast %swap3A_633 : i32 to index
      %swap3A_635 = arith.constant 48 : index
      %swap3A_636 = tpu.vector_load %arg12[%swap3A_634, %swap3A_635] {strides = array<i32>} : memref<8x128xf32, #tpu.memory_space<vmem>>, vector<16xf32>,
      tpu.vector_store %arg12[%swap3A_634, %swap3A_635], %gather3A_628 {strides = array<i32>} : memref<8x128xf32, #tpu.memory_space<vmem>>, vector<16xf32>,
      %swap3A_637 = arith.constant 5 : i32
      %swap3A_638 = arith.index_cast %swap3A_637 : i32 to index
      %swap3A_639 = arith.constant 112 : index
      %swap3A_640 = tpu.vector_load %arg12[%swap3A_638, %swap3A_639] {strides = array<i32>} : memref<8x128xf32, #tpu.memory_space<vmem>>, vector<16xf32>,
      tpu.vector_store %arg12[%swap3A_638, %swap3A_639], %get3A_632 {strides = array<i32>} : memref<8x128xf32, #tpu.memory_space<vmem>>, vector<16xf32>,
      %add3A_641 = arith.addf %add3A_556, %gather3A_628 : vector<16xf32>
      %add3A_642 = arith.addf %add3A_557, %get3A_632 : vector<16xf32>
      %dma_wait3A_643 = arith.constant 384 : i32
      %dma_wait3A_644 = arith.constant 0 : i32
      %dma_wait3A_645 = tpu.memref_slice %arg10[%dma_wait3A_643, %dma_wait3A_644] : memref<512x128xf32, #tpu.memory_space<vmem>> -> memref<64x128xf32, #tpu.memory_space<vmem>>
      %dma_wait3A_646 = arith.constant 0 : i32
      %dma_wait3A_647 = tpu.memref_slice %arg3[%dma_wait3A_646, %multiple_of3A_97] : memref<64x1000000xf32, #tpu.memory_space<hbm>> -> memref<64x128xf32, #tpu.memory_space<hbm>>
      %dma_wait3A_648 = arith.constant 384 : i32
      %dma_wait3A_649 = arith.constant 0 : i32
      %dma_wait3A_650 = tpu.memref_slice %arg10[%dma_wait3A_648, %dma_wait3A_649] : memref<512x128xf32, #tpu.memory_space<vmem>> -> memref<64x128xf32, #tpu.memory_space<vmem>>
      %dma_wait3A_651 = arith.constant 0 : i32
      %dma_wait3A_652 = tpu.memref_slice %arg3[%dma_wait3A_651, %multiple_of3A_97] : memref<64x1000000xf32, #tpu.memory_space<hbm>> -> memref<64x128xf32, #tpu.memory_space<hbm>>
      tpu.wait_dma2 semaphore(%arg25 : memref<!tpu.dma_semaphore, #tpu.memory_space<semaphore_mem>>) src(%dma_wait3A_652 : memref<64x128xf32, #tpu.memory_space<hbm>>) dst(%dma_wait3A_650 : memref<64x128xf32, #tpu.memory_space<vmem>>)
      %slice3A_653 = vector.extract_strided_slice %and3A_20 {offsets = [6], sizes = [1], strides = [1]} : vector<16xi32> to vector<1xi32>
      %squeeze3A_654 = vector.extract %slice3A_653[0] : i32 from vector<1xi32>
      %broadcast_in_dim3A_655 = vector.broadcast %squeeze3A_654 : i32 to vector<16xi32>
      %add3A_656 = arith.constant 384 : i32
      %add3A_657 = vector.broadcast %add3A_656 : i32 to vector<16xi32>
      %add3A_658 = arith.addi %iota3A, %add3A_657 : vector<16xi32>
      %gather3A_659 = tpu.vector_load_idx %arg10[%add3A_658, %broadcast_in_dim3A_655] : memref<512x128xf32, #tpu.memory_space<vmem>>[vector<16xi32>, vector<16xi32>], vector<16xf32>,
      %get3A_660 = arith.constant 6 : i32
      %get3A_661 = arith.index_cast %get3A_660 : i32 to index
      %get3A_662 = arith.constant 0 : index
      %get3A_663 = tpu.vector_load %arg11[%get3A_661, %get3A_662] {strides = array<i32>} : memref<8x128xf32, #tpu.memory_space<vmem>>, vector<16xf32>,
      %swap3A_664 = arith.constant 6 : i32
      %swap3A_665 = arith.index_cast %swap3A_664 : i32 to index
      %swap3A_666 = arith.constant 0 : index
      %swap3A_667 = tpu.vector_load %arg12[%swap3A_665, %swap3A_666] {strides = array<i32>} : memref<8x128xf32, #tpu.memory_space<vmem>>, vector<16xf32>,
      tpu.vector_store %arg12[%swap3A_665, %swap3A_666], %gather3A_659 {strides = array<i32>} : memref<8x128xf32, #tpu.memory_space<vmem>>, vector<16xf32>,
      %swap3A_668 = arith.constant 6 : i32
      %swap3A_669 = arith.index_cast %swap3A_668 : i32 to index
      %swap3A_670 = arith.constant 64 : index
      %swap3A_671 = tpu.vector_load %arg12[%swap3A_669, %swap3A_670] {strides = array<i32>} : memref<8x128xf32, #tpu.memory_space<vmem>>, vector<16xf32>,
      tpu.vector_store %arg12[%swap3A_669, %swap3A_670], %get3A_663 {strides = array<i32>} : memref<8x128xf32, #tpu.memory_space<vmem>>, vector<16xf32>,
      %add3A_672 = arith.addf %add3A_587, %gather3A_659 : vector<16xf32>
      %add3A_673 = arith.addf %add3A_588, %get3A_663 : vector<16xf32>
      %add3A_674 = arith.constant 400 : i32
      %add3A_675 = vector.broadcast %add3A_674 : i32 to vector<16xi32>
      %add3A_676 = arith.addi %iota3A, %add3A_675 : vector<16xi32>
      %gather3A_677 = tpu.vector_load_idx %arg10[%add3A_676, %broadcast_in_dim3A_655] : memref<512x128xf32, #tpu.memory_space<vmem>>[vector<16xi32>, vector<16xi32>], vector<16xf32>,
      %get3A_678 = arith.constant 6 : i32
      %get3A_679 = arith.index_cast %get3A_678 : i32 to index
      %get3A_680 = arith.constant 16 : index
      %get3A_681 = tpu.vector_load %arg11[%get3A_679, %get3A_680] {strides = array<i32>} : memref<8x128xf32, #tpu.memory_space<vmem>>, vector<16xf32>,
      %swap3A_682 = arith.constant 6 : i32
      %swap3A_683 = arith.index_cast %swap3A_682 : i32 to index
      %swap3A_684 = arith.constant 16 : index
      %swap3A_685 = tpu.vector_load %arg12[%swap3A_683, %swap3A_684] {strides = array<i32>} : memref<8x128xf32, #tpu.memory_space<vmem>>, vector<16xf32>,
      tpu.vector_store %arg12[%swap3A_683, %swap3A_684], %gather3A_677 {strides = array<i32>} : memref<8x128xf32, #tpu.memory_space<vmem>>, vector<16xf32>,
      %swap3A_686 = arith.constant 6 : i32
      %swap3A_687 = arith.index_cast %swap3A_686 : i32 to index
      %swap3A_688 = arith.constant 80 : index
      %swap3A_689 = tpu.vector_load %arg12[%swap3A_687, %swap3A_688] {strides = array<i32>} : memref<8x128xf32, #tpu.memory_space<vmem>>, vector<16xf32>,
      tpu.vector_store %arg12[%swap3A_687, %swap3A_688], %get3A_681 {strides = array<i32>} : memref<8x128xf32, #tpu.memory_space<vmem>>, vector<16xf32>,
      %add3A_690 = arith.addf %add3A_605, %gather3A_677 : vector<16xf32>
      %add3A_691 = arith.addf %add3A_606, %get3A_681 : vector<16xf32>
      %add3A_692 = arith.constant 416 : i32
      %add3A_693 = vector.broadcast %add3A_692 : i32 to vector<16xi32>
      %add3A_694 = arith.addi %iota3A, %add3A_693 : vector<16xi32>
      %gather3A_695 = tpu.vector_load_idx %arg10[%add3A_694, %broadcast_in_dim3A_655] : memref<512x128xf32, #tpu.memory_space<vmem>>[vector<16xi32>, vector<16xi32>], vector<16xf32>,
      %get3A_696 = arith.constant 6 : i32
      %get3A_697 = arith.index_cast %get3A_696 : i32 to index
      %get3A_698 = arith.constant 32 : index
      %get3A_699 = tpu.vector_load %arg11[%get3A_697, %get3A_698] {strides = array<i32>} : memref<8x128xf32, #tpu.memory_space<vmem>>, vector<16xf32>,
      %swap3A_700 = arith.constant 6 : i32
      %swap3A_701 = arith.index_cast %swap3A_700 : i32 to index
      %swap3A_702 = arith.constant 32 : index
      %swap3A_703 = tpu.vector_load %arg12[%swap3A_701, %swap3A_702] {strides = array<i32>} : memref<8x128xf32, #tpu.memory_space<vmem>>, vector<16xf32>,
      tpu.vector_store %arg12[%swap3A_701, %swap3A_702], %gather3A_695 {strides = array<i32>} : memref<8x128xf32, #tpu.memory_space<vmem>>, vector<16xf32>,
      %swap3A_704 = arith.constant 6 : i32
      %swap3A_705 = arith.index_cast %swap3A_704 : i32 to index
      %swap3A_706 = arith.constant 96 : index
      %swap3A_707 = tpu.vector_load %arg12[%swap3A_705, %swap3A_706] {strides = array<i32>} : memref<8x128xf32, #tpu.memory_space<vmem>>, vector<16xf32>,
      tpu.vector_store %arg12[%swap3A_705, %swap3A_706], %get3A_699 {strides = array<i32>} : memref<8x128xf32, #tpu.memory_space<vmem>>, vector<16xf32>,
      %add3A_708 = arith.addf %add3A_623, %gather3A_695 : vector<16xf32>
      %add3A_709 = arith.addf %add3A_624, %get3A_699 : vector<16xf32>
      %add3A_710 = arith.constant 432 : i32
      %add3A_711 = vector.broadcast %add3A_710 : i32 to vector<16xi32>
      %add3A_712 = arith.addi %iota3A, %add3A_711 : vector<16xi32>
      %gather3A_713 = tpu.vector_load_idx %arg10[%add3A_712, %broadcast_in_dim3A_655] : memref<512x128xf32, #tpu.memory_space<vmem>>[vector<16xi32>, vector<16xi32>], vector<16xf32>,
      %get3A_714 = arith.constant 6 : i32
      %get3A_715 = arith.index_cast %get3A_714 : i32 to index
      %get3A_716 = arith.constant 48 : index
      %get3A_717 = tpu.vector_load %arg11[%get3A_715, %get3A_716] {strides = array<i32>} : memref<8x128xf32, #tpu.memory_space<vmem>>, vector<16xf32>,
      %swap3A_718 = arith.constant 6 : i32
      %swap3A_719 = arith.index_cast %swap3A_718 : i32 to index
      %swap3A_720 = arith.constant 48 : index
      %swap3A_721 = tpu.vector_load %arg12[%swap3A_719, %swap3A_720] {strides = array<i32>} : memref<8x128xf32, #tpu.memory_space<vmem>>, vector<16xf32>,
      tpu.vector_store %arg12[%swap3A_719, %swap3A_720], %gather3A_713 {strides = array<i32>} : memref<8x128xf32, #tpu.memory_space<vmem>>, vector<16xf32>,
      %swap3A_722 = arith.constant 6 : i32
      %swap3A_723 = arith.index_cast %swap3A_722 : i32 to index
      %swap3A_724 = arith.constant 112 : index
      %swap3A_725 = tpu.vector_load %arg12[%swap3A_723, %swap3A_724] {strides = array<i32>} : memref<8x128xf32, #tpu.memory_space<vmem>>, vector<16xf32>,
      tpu.vector_store %arg12[%swap3A_723, %swap3A_724], %get3A_717 {strides = array<i32>} : memref<8x128xf32, #tpu.memory_space<vmem>>, vector<16xf32>,
      %add3A_726 = arith.addf %add3A_641, %gather3A_713 : vector<16xf32>
      %add3A_727 = arith.addf %add3A_642, %get3A_717 : vector<16xf32>
      %dma_wait3A_728 = arith.constant 448 : i32
      %dma_wait3A_729 = arith.constant 0 : i32
      %dma_wait3A_730 = tpu.memref_slice %arg10[%dma_wait3A_728, %dma_wait3A_729] : memref<512x128xf32, #tpu.memory_space<vmem>> -> memref<64x128xf32, #tpu.memory_space<vmem>>
      %dma_wait3A_731 = arith.constant 0 : i32
      %dma_wait3A_732 = tpu.memref_slice %arg3[%dma_wait3A_731, %multiple_of3A_110] : memref<64x1000000xf32, #tpu.memory_space<hbm>> -> memref<64x128xf32, #tpu.memory_space<hbm>>
      %dma_wait3A_733 = arith.constant 448 : i32
      %dma_wait3A_734 = arith.constant 0 : i32
      %dma_wait3A_735 = tpu.memref_slice %arg10[%dma_wait3A_733, %dma_wait3A_734] : memref<512x128xf32, #tpu.memory_space<vmem>> -> memref<64x128xf32, #tpu.memory_space<vmem>>
      %dma_wait3A_736 = arith.constant 0 : i32
      %dma_wait3A_737 = tpu.memref_slice %arg3[%dma_wait3A_736, %multiple_of3A_110] : memref<64x1000000xf32, #tpu.memory_space<hbm>> -> memref<64x128xf32, #tpu.memory_space<hbm>>
      tpu.wait_dma2 semaphore(%arg26 : memref<!tpu.dma_semaphore, #tpu.memory_space<semaphore_mem>>) src(%dma_wait3A_737 : memref<64x128xf32, #tpu.memory_space<hbm>>) dst(%dma_wait3A_735 : memref<64x128xf32, #tpu.memory_space<vmem>>)
      %slice3A_738 = vector.extract_strided_slice %and3A_20 {offsets = [7], sizes = [1], strides = [1]} : vector<16xi32> to vector<1xi32>
      %squeeze3A_739 = vector.extract %slice3A_738[0] : i32 from vector<1xi32>
      %broadcast_in_dim3A_740 = vector.broadcast %squeeze3A_739 : i32 to vector<16xi32>
      %add3A_741 = arith.constant 448 : i32
      %add3A_742 = vector.broadcast %add3A_741 : i32 to vector<16xi32>
      %add3A_743 = arith.addi %iota3A, %add3A_742 : vector<16xi32>
      %gather3A_744 = tpu.vector_load_idx %arg10[%add3A_743, %broadcast_in_dim3A_740] : memref<512x128xf32, #tpu.memory_space<vmem>>[vector<16xi32>, vector<16xi32>], vector<16xf32>,
      %get3A_745 = arith.constant 7 : i32
      %get3A_746 = arith.index_cast %get3A_745 : i32 to index
      %get3A_747 = arith.constant 0 : index
      %get3A_748 = tpu.vector_load %arg11[%get3A_746, %get3A_747] {strides = array<i32>} : memref<8x128xf32, #tpu.memory_space<vmem>>, vector<16xf32>,
      %swap3A_749 = arith.constant 7 : i32
      %swap3A_750 = arith.index_cast %swap3A_749 : i32 to index
      %swap3A_751 = arith.constant 0 : index
      %swap3A_752 = tpu.vector_load %arg12[%swap3A_750, %swap3A_751] {strides = array<i32>} : memref<8x128xf32, #tpu.memory_space<vmem>>, vector<16xf32>,
      tpu.vector_store %arg12[%swap3A_750, %swap3A_751], %gather3A_744 {strides = array<i32>} : memref<8x128xf32, #tpu.memory_space<vmem>>, vector<16xf32>,
      %swap3A_753 = arith.constant 7 : i32
      %swap3A_754 = arith.index_cast %swap3A_753 : i32 to index
      %swap3A_755 = arith.constant 64 : index
      %swap3A_756 = tpu.vector_load %arg12[%swap3A_754, %swap3A_755] {strides = array<i32>} : memref<8x128xf32, #tpu.memory_space<vmem>>, vector<16xf32>,
      tpu.vector_store %arg12[%swap3A_754, %swap3A_755], %get3A_748 {strides = array<i32>} : memref<8x128xf32, #tpu.memory_space<vmem>>, vector<16xf32>,
      %add3A_757 = arith.addf %add3A_672, %gather3A_744 : vector<16xf32>
      %add3A_758 = arith.addf %add3A_673, %get3A_748 : vector<16xf32>
      %add3A_759 = arith.constant 464 : i32
      %add3A_760 = vector.broadcast %add3A_759 : i32 to vector<16xi32>
      %add3A_761 = arith.addi %iota3A, %add3A_760 : vector<16xi32>
      %gather3A_762 = tpu.vector_load_idx %arg10[%add3A_761, %broadcast_in_dim3A_740] : memref<512x128xf32, #tpu.memory_space<vmem>>[vector<16xi32>, vector<16xi32>], vector<16xf32>,
      %get3A_763 = arith.constant 7 : i32
      %get3A_764 = arith.index_cast %get3A_763 : i32 to index
      %get3A_765 = arith.constant 16 : index
      %get3A_766 = tpu.vector_load %arg11[%get3A_764, %get3A_765] {strides = array<i32>} : memref<8x128xf32, #tpu.memory_space<vmem>>, vector<16xf32>,
      %swap3A_767 = arith.constant 7 : i32
      %swap3A_768 = arith.index_cast %swap3A_767 : i32 to index
      %swap3A_769 = arith.constant 16 : index
      %swap3A_770 = tpu.vector_load %arg12[%swap3A_768, %swap3A_769] {strides = array<i32>} : memref<8x128xf32, #tpu.memory_space<vmem>>, vector<16xf32>,
      tpu.vector_store %arg12[%swap3A_768, %swap3A_769], %gather3A_762 {strides = array<i32>} : memref<8x128xf32, #tpu.memory_space<vmem>>, vector<16xf32>,
      %swap3A_771 = arith.constant 7 : i32
      %swap3A_772 = arith.index_cast %swap3A_771 : i32 to index
      %swap3A_773 = arith.constant 80 : index
      %swap3A_774 = tpu.vector_load %arg12[%swap3A_772, %swap3A_773] {strides = array<i32>} : memref<8x128xf32, #tpu.memory_space<vmem>>, vector<16xf32>,
      tpu.vector_store %arg12[%swap3A_772, %swap3A_773], %get3A_766 {strides = array<i32>} : memref<8x128xf32, #tpu.memory_space<vmem>>, vector<16xf32>,
      %add3A_775 = arith.addf %add3A_690, %gather3A_762 : vector<16xf32>
      %add3A_776 = arith.addf %add3A_691, %get3A_766 : vector<16xf32>
      %add3A_777 = arith.constant 480 : i32
      %add3A_778 = vector.broadcast %add3A_777 : i32 to vector<16xi32>
      %add3A_779 = arith.addi %iota3A, %add3A_778 : vector<16xi32>
      %gather3A_780 = tpu.vector_load_idx %arg10[%add3A_779, %broadcast_in_dim3A_740] : memref<512x128xf32, #tpu.memory_space<vmem>>[vector<16xi32>, vector<16xi32>], vector<16xf32>,
      %get3A_781 = arith.constant 7 : i32
      %get3A_782 = arith.index_cast %get3A_781 : i32 to index
      %get3A_783 = arith.constant 32 : index
      %get3A_784 = tpu.vector_load %arg11[%get3A_782, %get3A_783] {strides = array<i32>} : memref<8x128xf32, #tpu.memory_space<vmem>>, vector<16xf32>,
      %swap3A_785 = arith.constant 7 : i32
      %swap3A_786 = arith.index_cast %swap3A_785 : i32 to index
      %swap3A_787 = arith.constant 32 : index
      %swap3A_788 = tpu.vector_load %arg12[%swap3A_786, %swap3A_787] {strides = array<i32>} : memref<8x128xf32, #tpu.memory_space<vmem>>, vector<16xf32>,
      tpu.vector_store %arg12[%swap3A_786, %swap3A_787], %gather3A_780 {strides = array<i32>} : memref<8x128xf32, #tpu.memory_space<vmem>>, vector<16xf32>,
      %swap3A_789 = arith.constant 7 : i32
      %swap3A_790 = arith.index_cast %swap3A_789 : i32 to index
      %swap3A_791 = arith.constant 96 : index
      %swap3A_792 = tpu.vector_load %arg12[%swap3A_790, %swap3A_791] {strides = array<i32>} : memref<8x128xf32, #tpu.memory_space<vmem>>, vector<16xf32>,
      tpu.vector_store %arg12[%swap3A_790, %swap3A_791], %get3A_784 {strides = array<i32>} : memref<8x128xf32, #tpu.memory_space<vmem>>, vector<16xf32>,
      %add3A_793 = arith.addf %add3A_708, %gather3A_780 : vector<16xf32>
      %add3A_794 = arith.addf %add3A_709, %get3A_784 : vector<16xf32>
      %add3A_795 = arith.constant 496 : i32
      %add3A_796 = vector.broadcast %add3A_795 : i32 to vector<16xi32>
      %add3A_797 = arith.addi %iota3A, %add3A_796 : vector<16xi32>
      %gather3A_798 = tpu.vector_load_idx %arg10[%add3A_797, %broadcast_in_dim3A_740] : memref<512x128xf32, #tpu.memory_space<vmem>>[vector<16xi32>, vector<16xi32>], vector<16xf32>,
      %get3A_799 = arith.constant 7 : i32
      %get3A_800 = arith.index_cast %get3A_799 : i32 to index
      %get3A_801 = arith.constant 48 : index
      %get3A_802 = tpu.vector_load %arg11[%get3A_800, %get3A_801] {strides = array<i32>} : memref<8x128xf32, #tpu.memory_space<vmem>>, vector<16xf32>,
      %swap3A_803 = arith.constant 7 : i32
      %swap3A_804 = arith.index_cast %swap3A_803 : i32 to index
      %swap3A_805 = arith.constant 48 : index
      %swap3A_806 = tpu.vector_load %arg12[%swap3A_804, %swap3A_805] {strides = array<i32>} : memref<8x128xf32, #tpu.memory_space<vmem>>, vector<16xf32>,
      tpu.vector_store %arg12[%swap3A_804, %swap3A_805], %gather3A_798 {strides = array<i32>} : memref<8x128xf32, #tpu.memory_space<vmem>>, vector<16xf32>,
      %swap3A_807 = arith.constant 7 : i32
      %swap3A_808 = arith.index_cast %swap3A_807 : i32 to index
      %swap3A_809 = arith.constant 112 : index
      %swap3A_810 = tpu.vector_load %arg12[%swap3A_808, %swap3A_809] {strides = array<i32>} : memref<8x128xf32, #tpu.memory_space<vmem>>, vector<16xf32>,
      tpu.vector_store %arg12[%swap3A_808, %swap3A_809], %get3A_802 {strides = array<i32>} : memref<8x128xf32, #tpu.memory_space<vmem>>, vector<16xf32>,
      %add3A_811 = arith.addf %add3A_726, %gather3A_798 : vector<16xf32>
      %add3A_812 = arith.addf %add3A_727, %get3A_802 : vector<16xf32>
      "tpu.region"() ({
        %run_scoped3A = tpu.sem_alloc : memref<!tpu.dma_semaphore, #tpu.memory_space<semaphore_mem>>
        %dma_start3A_845 = arith.constant 0 : i32
        %dma_start3A_846 = tpu.memref_slice %arg7[%mul3A_3, %dma_start3A_845] : memref<200x128xf32, #tpu.memory_space<hbm>> -> memref<8x128xf32, #tpu.memory_space<hbm>>
        %dma_start3A_847 = arith.constant 0 : i32
        %dma_start3A_848 = tpu.memref_slice %arg7[%mul3A_3, %dma_start3A_847] : memref<200x128xf32, #tpu.memory_space<hbm>> -> memref<8x128xf32, #tpu.memory_space<hbm>>
        tpu.enqueue_dma source(%arg12 : memref<8x128xf32, #tpu.memory_space<vmem>>) target(%dma_start3A_848 : memref<8x128xf32, #tpu.memory_space<hbm>>) target_semaphore(%run_scoped3A : memref<!tpu.dma_semaphore, #tpu.memory_space<semaphore_mem>>)
        %dma_wait3A_849 = arith.constant 0 : i32
        %dma_wait3A_850 = tpu.memref_slice %arg7[%mul3A_3, %dma_wait3A_849] : memref<200x128xf32, #tpu.memory_space<hbm>> -> memref<8x128xf32, #tpu.memory_space<hbm>>
        %dma_wait3A_851 = arith.constant 0 : i32
        %dma_wait3A_852 = tpu.memref_slice %arg7[%mul3A_3, %dma_wait3A_851] : memref<200x128xf32, #tpu.memory_space<hbm>> -> memref<8x128xf32, #tpu.memory_space<hbm>>
        tpu.wait_dma2 semaphore(%run_scoped3A : memref<!tpu.dma_semaphore, #tpu.memory_space<semaphore_mem>>) src(%arg12 : memref<8x128xf32, #tpu.memory_space<vmem>>) dst(%dma_wait3A_852 : memref<8x128xf32, #tpu.memory_space<hbm>>)
        tpu.yield
      }) : () -> ()
      %swap3A_813 = arith.constant 0 : i32
      %swap3A_814 = arith.index_cast %swap3A_813 : i32 to index
      %swap3A_815 = arith.constant 0 : index
      %swap3A_816 = tpu.vector_load %arg13[%swap3A_814, %swap3A_815] {strides = array<i32>} : memref<1x128xf32, #tpu.memory_space<vmem>>, vector<16xf32>,
      tpu.vector_store %arg13[%swap3A_814, %swap3A_815], %add3A_757 {strides = array<i32>} : memref<1x128xf32, #tpu.memory_space<vmem>>, vector<16xf32>,
      %swap3A_817 = arith.constant 0 : i32
      %swap3A_818 = arith.index_cast %swap3A_817 : i32 to index
      %swap3A_819 = arith.constant 64 : index
      %swap3A_820 = tpu.vector_load %arg13[%swap3A_818, %swap3A_819] {strides = array<i32>} : memref<1x128xf32, #tpu.memory_space<vmem>>, vector<16xf32>,
      tpu.vector_store %arg13[%swap3A_818, %swap3A_819], %add3A_758 {strides = array<i32>} : memref<1x128xf32, #tpu.memory_space<vmem>>, vector<16xf32>,
      %swap3A_821 = arith.constant 0 : i32
      %swap3A_822 = arith.index_cast %swap3A_821 : i32 to index
      %swap3A_823 = arith.constant 16 : index
      %swap3A_824 = tpu.vector_load %arg13[%swap3A_822, %swap3A_823] {strides = array<i32>} : memref<1x128xf32, #tpu.memory_space<vmem>>, vector<16xf32>,
      tpu.vector_store %arg13[%swap3A_822, %swap3A_823], %add3A_775 {strides = array<i32>} : memref<1x128xf32, #tpu.memory_space<vmem>>, vector<16xf32>,
      %swap3A_825 = arith.constant 0 : i32
      %swap3A_826 = arith.index_cast %swap3A_825 : i32 to index
      %swap3A_827 = arith.constant 80 : index
      %swap3A_828 = tpu.vector_load %arg13[%swap3A_826, %swap3A_827] {strides = array<i32>} : memref<1x128xf32, #tpu.memory_space<vmem>>, vector<16xf32>,
      tpu.vector_store %arg13[%swap3A_826, %swap3A_827], %add3A_776 {strides = array<i32>} : memref<1x128xf32, #tpu.memory_space<vmem>>, vector<16xf32>,
      %swap3A_829 = arith.constant 0 : i32
      %swap3A_830 = arith.index_cast %swap3A_829 : i32 to index
      %swap3A_831 = arith.constant 32 : index
      %swap3A_832 = tpu.vector_load %arg13[%swap3A_830, %swap3A_831] {strides = array<i32>} : memref<1x128xf32, #tpu.memory_space<vmem>>, vector<16xf32>,
      tpu.vector_store %arg13[%swap3A_830, %swap3A_831], %add3A_793 {strides = array<i32>} : memref<1x128xf32, #tpu.memory_space<vmem>>, vector<16xf32>,
      %swap3A_833 = arith.constant 0 : i32
      %swap3A_834 = arith.index_cast %swap3A_833 : i32 to index
      %swap3A_835 = arith.constant 96 : index
      %swap3A_836 = tpu.vector_load %arg13[%swap3A_834, %swap3A_835] {strides = array<i32>} : memref<1x128xf32, #tpu.memory_space<vmem>>, vector<16xf32>,
      tpu.vector_store %arg13[%swap3A_834, %swap3A_835], %add3A_794 {strides = array<i32>} : memref<1x128xf32, #tpu.memory_space<vmem>>, vector<16xf32>,
      %swap3A_837 = arith.constant 0 : i32
      %swap3A_838 = arith.index_cast %swap3A_837 : i32 to index
      %swap3A_839 = arith.constant 48 : index
      %swap3A_840 = tpu.vector_load %arg13[%swap3A_838, %swap3A_839] {strides = array<i32>} : memref<1x128xf32, #tpu.memory_space<vmem>>, vector<16xf32>,
      tpu.vector_store %arg13[%swap3A_838, %swap3A_839], %add3A_811 {strides = array<i32>} : memref<1x128xf32, #tpu.memory_space<vmem>>, vector<16xf32>,
      %swap3A_841 = arith.constant 0 : i32
      %swap3A_842 = arith.index_cast %swap3A_841 : i32 to index
      %swap3A_843 = arith.constant 112 : index
      %swap3A_844 = tpu.vector_load %arg13[%swap3A_842, %swap3A_843] {strides = array<i32>} : memref<1x128xf32, #tpu.memory_space<vmem>>, vector<16xf32>,
      tpu.vector_store %arg13[%swap3A_842, %swap3A_843], %add3A_812 {strides = array<i32>} : memref<1x128xf32, #tpu.memory_space<vmem>>, vector<16xf32>,
    } else {
    }
    %not3A = arith.constant true
    %not3A_5 = arith.xori %lt3A_1, %not3A : i1
    %convert_element_type3A_6 = arith.extui %not3A_5 : i1 to i32
    %cond3A_7 = arith.constant 0 : i32
    %cond3A_8 = arith.cmpi ne, %convert_element_type3A_6, %cond3A_7 : i32
    scf.if %cond3A_8 {
      %broadcast_in_dim3A = arith.constant 0.000000e+00 : f32
      %broadcast_in_dim3A_14 = vector.broadcast %broadcast_in_dim3A : f32 to vector<16xf32>
      %swap3A = arith.constant 0 : i32
      %swap3A_15 = arith.index_cast %swap3A : i32 to index
      %swap3A_16 = arith.constant 0 : index
      %swap3A_17 = tpu.vector_load %arg13[%swap3A_15, %swap3A_16] {strides = array<i32>} : memref<1x128xf32, #tpu.memory_space<vmem>>, vector<16xf32>,
      tpu.vector_store %arg13[%swap3A_15, %swap3A_16], %broadcast_in_dim3A_14 {strides = array<i32>} : memref<1x128xf32, #tpu.memory_space<vmem>>, vector<16xf32>,
      %swap3A_18 = arith.constant 0 : i32
      %swap3A_19 = arith.index_cast %swap3A_18 : i32 to index
      %swap3A_20 = arith.constant 16 : index
      %swap3A_21 = tpu.vector_load %arg13[%swap3A_19, %swap3A_20] {strides = array<i32>} : memref<1x128xf32, #tpu.memory_space<vmem>>, vector<16xf32>,
      tpu.vector_store %arg13[%swap3A_19, %swap3A_20], %broadcast_in_dim3A_14 {strides = array<i32>} : memref<1x128xf32, #tpu.memory_space<vmem>>, vector<16xf32>,
      %swap3A_22 = arith.constant 0 : i32
      %swap3A_23 = arith.index_cast %swap3A_22 : i32 to index
      %swap3A_24 = arith.constant 32 : index
      %swap3A_25 = tpu.vector_load %arg13[%swap3A_23, %swap3A_24] {strides = array<i32>} : memref<1x128xf32, #tpu.memory_space<vmem>>, vector<16xf32>,
      tpu.vector_store %arg13[%swap3A_23, %swap3A_24], %broadcast_in_dim3A_14 {strides = array<i32>} : memref<1x128xf32, #tpu.memory_space<vmem>>, vector<16xf32>,
      %swap3A_26 = arith.constant 0 : i32
      %swap3A_27 = arith.index_cast %swap3A_26 : i32 to index
      %swap3A_28 = arith.constant 48 : index
      %swap3A_29 = tpu.vector_load %arg13[%swap3A_27, %swap3A_28] {strides = array<i32>} : memref<1x128xf32, #tpu.memory_space<vmem>>, vector<16xf32>,
      tpu.vector_store %arg13[%swap3A_27, %swap3A_28], %broadcast_in_dim3A_14 {strides = array<i32>} : memref<1x128xf32, #tpu.memory_space<vmem>>, vector<16xf32>,
      %swap3A_30 = arith.constant 0 : i32
      %swap3A_31 = arith.index_cast %swap3A_30 : i32 to index
      %swap3A_32 = arith.constant 64 : index
      %swap3A_33 = tpu.vector_load %arg13[%swap3A_31, %swap3A_32] {strides = array<i32>} : memref<1x128xf32, #tpu.memory_space<vmem>>, vector<16xf32>,
      tpu.vector_store %arg13[%swap3A_31, %swap3A_32], %broadcast_in_dim3A_14 {strides = array<i32>} : memref<1x128xf32, #tpu.memory_space<vmem>>, vector<16xf32>,
      %swap3A_34 = arith.constant 0 : i32
      %swap3A_35 = arith.index_cast %swap3A_34 : i32 to index
      %swap3A_36 = arith.constant 80 : index
      %swap3A_37 = tpu.vector_load %arg13[%swap3A_35, %swap3A_36] {strides = array<i32>} : memref<1x128xf32, #tpu.memory_space<vmem>>, vector<16xf32>,
      tpu.vector_store %arg13[%swap3A_35, %swap3A_36], %broadcast_in_dim3A_14 {strides = array<i32>} : memref<1x128xf32, #tpu.memory_space<vmem>>, vector<16xf32>,
      %swap3A_38 = arith.constant 0 : i32
      %swap3A_39 = arith.index_cast %swap3A_38 : i32 to index
      %swap3A_40 = arith.constant 96 : index
      %swap3A_41 = tpu.vector_load %arg13[%swap3A_39, %swap3A_40] {strides = array<i32>} : memref<1x128xf32, #tpu.memory_space<vmem>>, vector<16xf32>,
      tpu.vector_store %arg13[%swap3A_39, %swap3A_40], %broadcast_in_dim3A_14 {strides = array<i32>} : memref<1x128xf32, #tpu.memory_space<vmem>>, vector<16xf32>,
      %swap3A_42 = arith.constant 0 : i32
      %swap3A_43 = arith.index_cast %swap3A_42 : i32 to index
      %swap3A_44 = arith.constant 112 : index
      %swap3A_45 = tpu.vector_load %arg13[%swap3A_43, %swap3A_44] {strides = array<i32>} : memref<1x128xf32, #tpu.memory_space<vmem>>, vector<16xf32>,
      tpu.vector_store %arg13[%swap3A_43, %swap3A_44], %broadcast_in_dim3A_14 {strides = array<i32>} : memref<1x128xf32, #tpu.memory_space<vmem>>, vector<16xf32>,
    } else {
    }
    "tpu.region"() ({
      %run_scoped3A = tpu.sem_alloc : memref<!tpu.dma_semaphore, #tpu.memory_space<semaphore_mem>>
      %dma_start3A = arith.constant 0 : i32
      %dma_start3A_14 = tpu.memref_slice %arg18[%arg1, %dma_start3A] : memref<16x128xf32, #tpu.memory_space<vmem_shared>> -> memref<1x128xf32, #tpu.memory_space<vmem_shared>>
      %dma_start3A_15 = arith.constant 0 : i32
      %dma_start3A_16 = tpu.memref_slice %arg18[%arg1, %dma_start3A_15] : memref<16x128xf32, #tpu.memory_space<vmem_shared>> -> memref<1x128xf32, #tpu.memory_space<vmem_shared>>
      tpu.enqueue_dma source(%arg13 : memref<1x128xf32, #tpu.memory_space<vmem>>) target(%dma_start3A_16 : memref<1x128xf32, #tpu.memory_space<vmem_shared>>) target_semaphore(%run_scoped3A : memref<!tpu.dma_semaphore, #tpu.memory_space<semaphore_mem>>)
      %dma_wait3A = arith.constant 0 : i32
      %dma_wait3A_17 = tpu.memref_slice %arg18[%arg1, %dma_wait3A] : memref<16x128xf32, #tpu.memory_space<vmem_shared>> -> memref<1x128xf32, #tpu.memory_space<vmem_shared>>
      %dma_wait3A_18 = arith.constant 0 : i32
      %dma_wait3A_19 = tpu.memref_slice %arg18[%arg1, %dma_wait3A_18] : memref<16x128xf32, #tpu.memory_space<vmem_shared>> -> memref<1x128xf32, #tpu.memory_space<vmem_shared>>
      tpu.wait_dma2 semaphore(%run_scoped3A : memref<!tpu.dma_semaphore, #tpu.memory_space<semaphore_mem>>) src(%arg13 : memref<1x128xf32, #tpu.memory_space<vmem>>) dst(%dma_wait3A_19 : memref<1x128xf32, #tpu.memory_space<vmem_shared>>)
      tpu.yield
    }) : () -> ()
    %barrier3A = arith.constant 0 : index
    tpu.barrier barrier_id(%barrier3A)
    %lt3A_9 = arith.constant 8 : i32
    %lt3A_10 = arith.cmpi slt, %arg1, %lt3A_9 : i32
    %convert_element_type3A_11 = arith.extui %lt3A_10 : i1 to i32
    %cond3A_12 = arith.constant 0 : i32
    %cond3A_13 = arith.cmpi ne, %convert_element_type3A_11, %cond3A_12 : i32
    scf.if %cond3A_13 {
      "tpu.region"() ({
        %run_scoped3A = tpu.sem_alloc : memref<!tpu.dma_semaphore, #tpu.memory_space<semaphore_mem>>
        tpu.enqueue_dma source(%arg18 : memref<16x128xf32, #tpu.memory_space<vmem_shared>>) target(%arg14 : memref<16x128xf32, #tpu.memory_space<vmem>>) target_semaphore(%run_scoped3A : memref<!tpu.dma_semaphore, #tpu.memory_space<semaphore_mem>>)
        tpu.wait_dma2 semaphore(%run_scoped3A : memref<!tpu.dma_semaphore, #tpu.memory_space<semaphore_mem>>) src(%arg18 : memref<16x128xf32, #tpu.memory_space<vmem_shared>>) dst(%arg14 : memref<16x128xf32, #tpu.memory_space<vmem>>)
        tpu.yield
      }) : () -> ()
      %mul3A_14 = arith.constant 16 : i32
      %mul3A_15 = arith.muli %arg1, %mul3A_14 : i32
      "tpu.region"() ({
        %run_scoped3A = tpu.sem_alloc : memref<!tpu.dma_semaphore, #tpu.memory_space<semaphore_mem>>
        %dma_start3A = arith.constant 0 : i32
        %dma_start3A_1843 = tpu.memref_slice %arg5[%mul3A_15, %dma_start3A] : memref<128x128xf32, #tpu.memory_space<hbm>> -> memref<16x128xf32, #tpu.memory_space<hbm>>
        %dma_start3A_1844 = arith.constant 0 : i32
        %dma_start3A_1845 = tpu.memref_slice %arg5[%mul3A_15, %dma_start3A_1844] : memref<128x128xf32, #tpu.memory_space<hbm>> -> memref<16x128xf32, #tpu.memory_space<hbm>>
        tpu.enqueue_dma source(%dma_start3A_1845 : memref<16x128xf32, #tpu.memory_space<hbm>>) target(%arg15 : memref<16x128xf32, #tpu.memory_space<vmem>>) target_semaphore(%run_scoped3A : memref<!tpu.dma_semaphore, #tpu.memory_space<semaphore_mem>>)
        %dma_wait3A = arith.constant 0 : i32
        %dma_wait3A_1846 = tpu.memref_slice %arg5[%mul3A_15, %dma_wait3A] : memref<128x128xf32, #tpu.memory_space<hbm>> -> memref<16x128xf32, #tpu.memory_space<hbm>>
        %dma_wait3A_1847 = arith.constant 0 : i32
        %dma_wait3A_1848 = tpu.memref_slice %arg5[%mul3A_15, %dma_wait3A_1847] : memref<128x128xf32, #tpu.memory_space<hbm>> -> memref<16x128xf32, #tpu.memory_space<hbm>>
        tpu.wait_dma2 semaphore(%run_scoped3A : memref<!tpu.dma_semaphore, #tpu.memory_space<semaphore_mem>>) src(%dma_wait3A_1848 : memref<16x128xf32, #tpu.memory_space<hbm>>) dst(%arg15 : memref<16x128xf32, #tpu.memory_space<vmem>>)
        tpu.yield
      }) : () -> ()
      %mul3A_16 = arith.constant 16 : i32
      %mul3A_17 = arith.muli %arg1, %mul3A_16 : i32
      "tpu.region"() ({
        %run_scoped3A = tpu.sem_alloc : memref<!tpu.dma_semaphore, #tpu.memory_space<semaphore_mem>>
        %dma_start3A = tpu.memref_slice %arg6[%mul3A_17] : memref<128xf32, #tpu.memory_space<hbm>> -> memref<16xf32, #tpu.memory_space<hbm>>
        %dma_start3A_1843 = tpu.memref_slice %arg6[%mul3A_17] : memref<128xf32, #tpu.memory_space<hbm>> -> memref<16xf32, #tpu.memory_space<hbm>>
        tpu.enqueue_dma source(%dma_start3A_1843 : memref<16xf32, #tpu.memory_space<hbm>>) target(%arg16 : memref<16xf32, #tpu.memory_space<vmem>>) target_semaphore(%run_scoped3A : memref<!tpu.dma_semaphore, #tpu.memory_space<semaphore_mem>>)
        %dma_wait3A = tpu.memref_slice %arg6[%mul3A_17] : memref<128xf32, #tpu.memory_space<hbm>> -> memref<16xf32, #tpu.memory_space<hbm>>
        %dma_wait3A_1844 = tpu.memref_slice %arg6[%mul3A_17] : memref<128xf32, #tpu.memory_space<hbm>> -> memref<16xf32, #tpu.memory_space<hbm>>
        tpu.wait_dma2 semaphore(%run_scoped3A : memref<!tpu.dma_semaphore, #tpu.memory_space<semaphore_mem>>) src(%dma_wait3A_1844 : memref<16xf32, #tpu.memory_space<hbm>>) dst(%arg16 : memref<16xf32, #tpu.memory_space<vmem>>)
        tpu.yield
      }) : () -> ()
      %iota3A = tpu.iota {dimensions = array<i32: 0>} : vector<16xi32>
      %get3A = arith.constant 0 : i32
      %get3A_18 = arith.index_cast %get3A : i32 to index
      %get3A_19 = arith.constant 0 : index
      %get3A_20 = tpu.vector_load %arg14[%get3A_18, %get3A_19] {strides = array<i32>} : memref<16x128xf32, #tpu.memory_space<vmem>>, vector<16xf32>,
      %get3A_21 = arith.constant 1 : i32
      %get3A_22 = arith.index_cast %get3A_21 : i32 to index
      %get3A_23 = arith.constant 0 : index
      %get3A_24 = tpu.vector_load %arg14[%get3A_22, %get3A_23] {strides = array<i32>} : memref<16x128xf32, #tpu.memory_space<vmem>>, vector<16xf32>,
      %get3A_25 = arith.constant 2 : i32
      %get3A_26 = arith.index_cast %get3A_25 : i32 to index
      %get3A_27 = arith.constant 0 : index
      %get3A_28 = tpu.vector_load %arg14[%get3A_26, %get3A_27] {strides = array<i32>} : memref<16x128xf32, #tpu.memory_space<vmem>>, vector<16xf32>,
      %get3A_29 = arith.constant 3 : i32
      %get3A_30 = arith.index_cast %get3A_29 : i32 to index
      %get3A_31 = arith.constant 0 : index
      %get3A_32 = tpu.vector_load %arg14[%get3A_30, %get3A_31] {strides = array<i32>} : memref<16x128xf32, #tpu.memory_space<vmem>>, vector<16xf32>,
      %get3A_33 = arith.constant 4 : i32
      %get3A_34 = arith.index_cast %get3A_33 : i32 to index
      %get3A_35 = arith.constant 0 : index
      %get3A_36 = tpu.vector_load %arg14[%get3A_34, %get3A_35] {strides = array<i32>} : memref<16x128xf32, #tpu.memory_space<vmem>>, vector<16xf32>,
      %get3A_37 = arith.constant 5 : i32
      %get3A_38 = arith.index_cast %get3A_37 : i32 to index
      %get3A_39 = arith.constant 0 : index
      %get3A_40 = tpu.vector_load %arg14[%get3A_38, %get3A_39] {strides = array<i32>} : memref<16x128xf32, #tpu.memory_space<vmem>>, vector<16xf32>,
      %get3A_41 = arith.constant 6 : i32
      %get3A_42 = arith.index_cast %get3A_41 : i32 to index
      %get3A_43 = arith.constant 0 : index
      %get3A_44 = tpu.vector_load %arg14[%get3A_42, %get3A_43] {strides = array<i32>} : memref<16x128xf32, #tpu.memory_space<vmem>>, vector<16xf32>,
      %get3A_45 = arith.constant 7 : i32
      %get3A_46 = arith.index_cast %get3A_45 : i32 to index
      %get3A_47 = arith.constant 0 : index
      %get3A_48 = tpu.vector_load %arg14[%get3A_46, %get3A_47] {strides = array<i32>} : memref<16x128xf32, #tpu.memory_space<vmem>>, vector<16xf32>,
      %get3A_49 = arith.constant 8 : i32
      %get3A_50 = arith.index_cast %get3A_49 : i32 to index
      %get3A_51 = arith.constant 0 : index
      %get3A_52 = tpu.vector_load %arg14[%get3A_50, %get3A_51] {strides = array<i32>} : memref<16x128xf32, #tpu.memory_space<vmem>>, vector<16xf32>,
      %get3A_53 = arith.constant 9 : i32
      %get3A_54 = arith.index_cast %get3A_53 : i32 to index
      %get3A_55 = arith.constant 0 : index
      %get3A_56 = tpu.vector_load %arg14[%get3A_54, %get3A_55] {strides = array<i32>} : memref<16x128xf32, #tpu.memory_space<vmem>>, vector<16xf32>,
      %get3A_57 = arith.constant 10 : i32
      %get3A_58 = arith.index_cast %get3A_57 : i32 to index
      %get3A_59 = arith.constant 0 : index
      %get3A_60 = tpu.vector_load %arg14[%get3A_58, %get3A_59] {strides = array<i32>} : memref<16x128xf32, #tpu.memory_space<vmem>>, vector<16xf32>,
      %get3A_61 = arith.constant 11 : i32
      %get3A_62 = arith.index_cast %get3A_61 : i32 to index
      %get3A_63 = arith.constant 0 : index
      %get3A_64 = tpu.vector_load %arg14[%get3A_62, %get3A_63] {strides = array<i32>} : memref<16x128xf32, #tpu.memory_space<vmem>>, vector<16xf32>,
      %get3A_65 = arith.constant 12 : i32
      %get3A_66 = arith.index_cast %get3A_65 : i32 to index
      %get3A_67 = arith.constant 0 : index
      %get3A_68 = tpu.vector_load %arg14[%get3A_66, %get3A_67] {strides = array<i32>} : memref<16x128xf32, #tpu.memory_space<vmem>>, vector<16xf32>,
      %get3A_69 = arith.constant 13 : i32
      %get3A_70 = arith.index_cast %get3A_69 : i32 to index
      %get3A_71 = arith.constant 0 : index
      %get3A_72 = tpu.vector_load %arg14[%get3A_70, %get3A_71] {strides = array<i32>} : memref<16x128xf32, #tpu.memory_space<vmem>>, vector<16xf32>,
      %get3A_73 = arith.constant 14 : i32
      %get3A_74 = arith.index_cast %get3A_73 : i32 to index
      %get3A_75 = arith.constant 0 : index
      %get3A_76 = tpu.vector_load %arg14[%get3A_74, %get3A_75] {strides = array<i32>} : memref<16x128xf32, #tpu.memory_space<vmem>>, vector<16xf32>,
      %get3A_77 = arith.constant 15 : i32
      %get3A_78 = arith.index_cast %get3A_77 : i32 to index
      %get3A_79 = arith.constant 0 : index
      %get3A_80 = tpu.vector_load %arg14[%get3A_78, %get3A_79] {strides = array<i32>} : memref<16x128xf32, #tpu.memory_space<vmem>>, vector<16xf32>,
      %add3A_81 = arith.addf %get3A_20, %get3A_24 : vector<16xf32>
      %add3A_82 = arith.addf %get3A_28, %get3A_32 : vector<16xf32>
      %add3A_83 = arith.addf %get3A_36, %get3A_40 : vector<16xf32>
      %add3A_84 = arith.addf %get3A_44, %get3A_48 : vector<16xf32>
      %add3A_85 = arith.addf %get3A_52, %get3A_56 : vector<16xf32>
      %add3A_86 = arith.addf %get3A_60, %get3A_64 : vector<16xf32>
      %add3A_87 = arith.addf %get3A_68, %get3A_72 : vector<16xf32>
      %add3A_88 = arith.addf %get3A_76, %get3A_80 : vector<16xf32>
      %add3A_89 = arith.addf %add3A_81, %add3A_82 : vector<16xf32>
      %add3A_90 = arith.addf %add3A_83, %add3A_84 : vector<16xf32>
      %add3A_91 = arith.addf %add3A_85, %add3A_86 : vector<16xf32>
      %add3A_92 = arith.addf %add3A_87, %add3A_88 : vector<16xf32>
      %add3A_93 = arith.addf %add3A_89, %add3A_90 : vector<16xf32>
      %add3A_94 = arith.addf %add3A_91, %add3A_92 : vector<16xf32>
      %add3A_95 = arith.addf %add3A_93, %add3A_94 : vector<16xf32>
      %mul3A_96 = arith.constant 5.000000e-03 : f32
      %mul3A_97 = vector.broadcast %mul3A_96 : f32 to vector<16xf32>
      %mul3A_98 = arith.mulf %add3A_95, %mul3A_97 : vector<16xf32>
      %get3A_99 = arith.constant 0 : i32
      %get3A_100 = arith.index_cast %get3A_99 : i32 to index
      %get3A_101 = arith.constant 16 : index
      %get3A_102 = tpu.vector_load %arg14[%get3A_100, %get3A_101] {strides = array<i32>} : memref<16x128xf32, #tpu.memory_space<vmem>>, vector<16xf32>,
      %get3A_103 = arith.constant 1 : i32
      %get3A_104 = arith.index_cast %get3A_103 : i32 to index
      %get3A_105 = arith.constant 16 : index
      %get3A_106 = tpu.vector_load %arg14[%get3A_104, %get3A_105] {strides = array<i32>} : memref<16x128xf32, #tpu.memory_space<vmem>>, vector<16xf32>,
      %get3A_107 = arith.constant 2 : i32
      %get3A_108 = arith.index_cast %get3A_107 : i32 to index
      %get3A_109 = arith.constant 16 : index
      %get3A_110 = tpu.vector_load %arg14[%get3A_108, %get3A_109] {strides = array<i32>} : memref<16x128xf32, #tpu.memory_space<vmem>>, vector<16xf32>,
      %get3A_111 = arith.constant 3 : i32
      %get3A_112 = arith.index_cast %get3A_111 : i32 to index
      %get3A_113 = arith.constant 16 : index
      %get3A_114 = tpu.vector_load %arg14[%get3A_112, %get3A_113] {strides = array<i32>} : memref<16x128xf32, #tpu.memory_space<vmem>>, vector<16xf32>,
      %get3A_115 = arith.constant 4 : i32
      %get3A_116 = arith.index_cast %get3A_115 : i32 to index
      %get3A_117 = arith.constant 16 : index
      %get3A_118 = tpu.vector_load %arg14[%get3A_116, %get3A_117] {strides = array<i32>} : memref<16x128xf32, #tpu.memory_space<vmem>>, vector<16xf32>,
      %get3A_119 = arith.constant 5 : i32
      %get3A_120 = arith.index_cast %get3A_119 : i32 to index
      %get3A_121 = arith.constant 16 : index
      %get3A_122 = tpu.vector_load %arg14[%get3A_120, %get3A_121] {strides = array<i32>} : memref<16x128xf32, #tpu.memory_space<vmem>>, vector<16xf32>,
      %get3A_123 = arith.constant 6 : i32
      %get3A_124 = arith.index_cast %get3A_123 : i32 to index
      %get3A_125 = arith.constant 16 : index
      %get3A_126 = tpu.vector_load %arg14[%get3A_124, %get3A_125] {strides = array<i32>} : memref<16x128xf32, #tpu.memory_space<vmem>>, vector<16xf32>,
      %get3A_127 = arith.constant 7 : i32
      %get3A_128 = arith.index_cast %get3A_127 : i32 to index
      %get3A_129 = arith.constant 16 : index
      %get3A_130 = tpu.vector_load %arg14[%get3A_128, %get3A_129] {strides = array<i32>} : memref<16x128xf32, #tpu.memory_space<vmem>>, vector<16xf32>,
      %get3A_131 = arith.constant 8 : i32
      %get3A_132 = arith.index_cast %get3A_131 : i32 to index
      %get3A_133 = arith.constant 16 : index
      %get3A_134 = tpu.vector_load %arg14[%get3A_132, %get3A_133] {strides = array<i32>} : memref<16x128xf32, #tpu.memory_space<vmem>>, vector<16xf32>,
      %get3A_135 = arith.constant 9 : i32
      %get3A_136 = arith.index_cast %get3A_135 : i32 to index
      %get3A_137 = arith.constant 16 : index
      %get3A_138 = tpu.vector_load %arg14[%get3A_136, %get3A_137] {strides = array<i32>} : memref<16x128xf32, #tpu.memory_space<vmem>>, vector<16xf32>,
      %get3A_139 = arith.constant 10 : i32
      %get3A_140 = arith.index_cast %get3A_139 : i32 to index
      %get3A_141 = arith.constant 16 : index
      %get3A_142 = tpu.vector_load %arg14[%get3A_140, %get3A_141] {strides = array<i32>} : memref<16x128xf32, #tpu.memory_space<vmem>>, vector<16xf32>,
      %get3A_143 = arith.constant 11 : i32
      %get3A_144 = arith.index_cast %get3A_143 : i32 to index
      %get3A_145 = arith.constant 16 : index
      %get3A_146 = tpu.vector_load %arg14[%get3A_144, %get3A_145] {strides = array<i32>} : memref<16x128xf32, #tpu.memory_space<vmem>>, vector<16xf32>,
      %get3A_147 = arith.constant 12 : i32
      %get3A_148 = arith.index_cast %get3A_147 : i32 to index
      %get3A_149 = arith.constant 16 : index
      %get3A_150 = tpu.vector_load %arg14[%get3A_148, %get3A_149] {strides = array<i32>} : memref<16x128xf32, #tpu.memory_space<vmem>>, vector<16xf32>,
      %get3A_151 = arith.constant 13 : i32
      %get3A_152 = arith.index_cast %get3A_151 : i32 to index
      %get3A_153 = arith.constant 16 : index
      %get3A_154 = tpu.vector_load %arg14[%get3A_152, %get3A_153] {strides = array<i32>} : memref<16x128xf32, #tpu.memory_space<vmem>>, vector<16xf32>,
      %get3A_155 = arith.constant 14 : i32
      %get3A_156 = arith.index_cast %get3A_155 : i32 to index
      %get3A_157 = arith.constant 16 : index
      %get3A_158 = tpu.vector_load %arg14[%get3A_156, %get3A_157] {strides = array<i32>} : memref<16x128xf32, #tpu.memory_space<vmem>>, vector<16xf32>,
      %get3A_159 = arith.constant 15 : i32
      %get3A_160 = arith.index_cast %get3A_159 : i32 to index
      %get3A_161 = arith.constant 16 : index
      %get3A_162 = tpu.vector_load %arg14[%get3A_160, %get3A_161] {strides = array<i32>} : memref<16x128xf32, #tpu.memory_space<vmem>>, vector<16xf32>,
      %add3A_163 = arith.addf %get3A_102, %get3A_106 : vector<16xf32>
      %add3A_164 = arith.addf %get3A_110, %get3A_114 : vector<16xf32>
      %add3A_165 = arith.addf %get3A_118, %get3A_122 : vector<16xf32>
      %add3A_166 = arith.addf %get3A_126, %get3A_130 : vector<16xf32>
      %add3A_167 = arith.addf %get3A_134, %get3A_138 : vector<16xf32>
      %add3A_168 = arith.addf %get3A_142, %get3A_146 : vector<16xf32>
      %add3A_169 = arith.addf %get3A_150, %get3A_154 : vector<16xf32>
      %add3A_170 = arith.addf %get3A_158, %get3A_162 : vector<16xf32>
      %add3A_171 = arith.addf %add3A_163, %add3A_164 : vector<16xf32>
      %add3A_172 = arith.addf %add3A_165, %add3A_166 : vector<16xf32>
      %add3A_173 = arith.addf %add3A_167, %add3A_168 : vector<16xf32>
      %add3A_174 = arith.addf %add3A_169, %add3A_170 : vector<16xf32>
      %add3A_175 = arith.addf %add3A_171, %add3A_172 : vector<16xf32>
      %add3A_176 = arith.addf %add3A_173, %add3A_174 : vector<16xf32>
      %add3A_177 = arith.addf %add3A_175, %add3A_176 : vector<16xf32>
      %mul3A_178 = arith.constant 5.000000e-03 : f32
      %mul3A_179 = vector.broadcast %mul3A_178 : f32 to vector<16xf32>
      %mul3A_180 = arith.mulf %add3A_177, %mul3A_179 : vector<16xf32>
      %get3A_181 = arith.constant 0 : i32
      %get3A_182 = arith.index_cast %get3A_181 : i32 to index
      %get3A_183 = arith.constant 32 : index
      %get3A_184 = tpu.vector_load %arg14[%get3A_182, %get3A_183] {strides = array<i32>} : memref<16x128xf32, #tpu.memory_space<vmem>>, vector<16xf32>,
      %get3A_185 = arith.constant 1 : i32
      %get3A_186 = arith.index_cast %get3A_185 : i32 to index
      %get3A_187 = arith.constant 32 : index
      %get3A_188 = tpu.vector_load %arg14[%get3A_186, %get3A_187] {strides = array<i32>} : memref<16x128xf32, #tpu.memory_space<vmem>>, vector<16xf32>,
      %get3A_189 = arith.constant 2 : i32
      %get3A_190 = arith.index_cast %get3A_189 : i32 to index
      %get3A_191 = arith.constant 32 : index
      %get3A_192 = tpu.vector_load %arg14[%get3A_190, %get3A_191] {strides = array<i32>} : memref<16x128xf32, #tpu.memory_space<vmem>>, vector<16xf32>,
      %get3A_193 = arith.constant 3 : i32
      %get3A_194 = arith.index_cast %get3A_193 : i32 to index
      %get3A_195 = arith.constant 32 : index
      %get3A_196 = tpu.vector_load %arg14[%get3A_194, %get3A_195] {strides = array<i32>} : memref<16x128xf32, #tpu.memory_space<vmem>>, vector<16xf32>,
      %get3A_197 = arith.constant 4 : i32
      %get3A_198 = arith.index_cast %get3A_197 : i32 to index
      %get3A_199 = arith.constant 32 : index
      %get3A_200 = tpu.vector_load %arg14[%get3A_198, %get3A_199] {strides = array<i32>} : memref<16x128xf32, #tpu.memory_space<vmem>>, vector<16xf32>,
      %get3A_201 = arith.constant 5 : i32
      %get3A_202 = arith.index_cast %get3A_201 : i32 to index
      %get3A_203 = arith.constant 32 : index
      %get3A_204 = tpu.vector_load %arg14[%get3A_202, %get3A_203] {strides = array<i32>} : memref<16x128xf32, #tpu.memory_space<vmem>>, vector<16xf32>,
      %get3A_205 = arith.constant 6 : i32
      %get3A_206 = arith.index_cast %get3A_205 : i32 to index
      %get3A_207 = arith.constant 32 : index
      %get3A_208 = tpu.vector_load %arg14[%get3A_206, %get3A_207] {strides = array<i32>} : memref<16x128xf32, #tpu.memory_space<vmem>>, vector<16xf32>,
      %get3A_209 = arith.constant 7 : i32
      %get3A_210 = arith.index_cast %get3A_209 : i32 to index
      %get3A_211 = arith.constant 32 : index
      %get3A_212 = tpu.vector_load %arg14[%get3A_210, %get3A_211] {strides = array<i32>} : memref<16x128xf32, #tpu.memory_space<vmem>>, vector<16xf32>,
      %get3A_213 = arith.constant 8 : i32
      %get3A_214 = arith.index_cast %get3A_213 : i32 to index
      %get3A_215 = arith.constant 32 : index
      %get3A_216 = tpu.vector_load %arg14[%get3A_214, %get3A_215] {strides = array<i32>} : memref<16x128xf32, #tpu.memory_space<vmem>>, vector<16xf32>,
      %get3A_217 = arith.constant 9 : i32
      %get3A_218 = arith.index_cast %get3A_217 : i32 to index
      %get3A_219 = arith.constant 32 : index
      %get3A_220 = tpu.vector_load %arg14[%get3A_218, %get3A_219] {strides = array<i32>} : memref<16x128xf32, #tpu.memory_space<vmem>>, vector<16xf32>,
      %get3A_221 = arith.constant 10 : i32
      %get3A_222 = arith.index_cast %get3A_221 : i32 to index
      %get3A_223 = arith.constant 32 : index
      %get3A_224 = tpu.vector_load %arg14[%get3A_222, %get3A_223] {strides = array<i32>} : memref<16x128xf32, #tpu.memory_space<vmem>>, vector<16xf32>,
      %get3A_225 = arith.constant 11 : i32
      %get3A_226 = arith.index_cast %get3A_225 : i32 to index
      %get3A_227 = arith.constant 32 : index
      %get3A_228 = tpu.vector_load %arg14[%get3A_226, %get3A_227] {strides = array<i32>} : memref<16x128xf32, #tpu.memory_space<vmem>>, vector<16xf32>,
      %get3A_229 = arith.constant 12 : i32
      %get3A_230 = arith.index_cast %get3A_229 : i32 to index
      %get3A_231 = arith.constant 32 : index
      %get3A_232 = tpu.vector_load %arg14[%get3A_230, %get3A_231] {strides = array<i32>} : memref<16x128xf32, #tpu.memory_space<vmem>>, vector<16xf32>,
      %get3A_233 = arith.constant 13 : i32
      %get3A_234 = arith.index_cast %get3A_233 : i32 to index
      %get3A_235 = arith.constant 32 : index
      %get3A_236 = tpu.vector_load %arg14[%get3A_234, %get3A_235] {strides = array<i32>} : memref<16x128xf32, #tpu.memory_space<vmem>>, vector<16xf32>,
      %get3A_237 = arith.constant 14 : i32
      %get3A_238 = arith.index_cast %get3A_237 : i32 to index
      %get3A_239 = arith.constant 32 : index
      %get3A_240 = tpu.vector_load %arg14[%get3A_238, %get3A_239] {strides = array<i32>} : memref<16x128xf32, #tpu.memory_space<vmem>>, vector<16xf32>,
      %get3A_241 = arith.constant 15 : i32
      %get3A_242 = arith.index_cast %get3A_241 : i32 to index
      %get3A_243 = arith.constant 32 : index
      %get3A_244 = tpu.vector_load %arg14[%get3A_242, %get3A_243] {strides = array<i32>} : memref<16x128xf32, #tpu.memory_space<vmem>>, vector<16xf32>,
      %add3A_245 = arith.addf %get3A_184, %get3A_188 : vector<16xf32>
      %add3A_246 = arith.addf %get3A_192, %get3A_196 : vector<16xf32>
      %add3A_247 = arith.addf %get3A_200, %get3A_204 : vector<16xf32>
      %add3A_248 = arith.addf %get3A_208, %get3A_212 : vector<16xf32>
      %add3A_249 = arith.addf %get3A_216, %get3A_220 : vector<16xf32>
      %add3A_250 = arith.addf %get3A_224, %get3A_228 : vector<16xf32>
      %add3A_251 = arith.addf %get3A_232, %get3A_236 : vector<16xf32>
      %add3A_252 = arith.addf %get3A_240, %get3A_244 : vector<16xf32>
      %add3A_253 = arith.addf %add3A_245, %add3A_246 : vector<16xf32>
      %add3A_254 = arith.addf %add3A_247, %add3A_248 : vector<16xf32>
      %add3A_255 = arith.addf %add3A_249, %add3A_250 : vector<16xf32>
      %add3A_256 = arith.addf %add3A_251, %add3A_252 : vector<16xf32>
      %add3A_257 = arith.addf %add3A_253, %add3A_254 : vector<16xf32>
      %add3A_258 = arith.addf %add3A_255, %add3A_256 : vector<16xf32>
      %add3A_259 = arith.addf %add3A_257, %add3A_258 : vector<16xf32>
      %mul3A_260 = arith.constant 5.000000e-03 : f32
      %mul3A_261 = vector.broadcast %mul3A_260 : f32 to vector<16xf32>
      %mul3A_262 = arith.mulf %add3A_259, %mul3A_261 : vector<16xf32>
      %get3A_263 = arith.constant 0 : i32
      %get3A_264 = arith.index_cast %get3A_263 : i32 to index
      %get3A_265 = arith.constant 48 : index
      %get3A_266 = tpu.vector_load %arg14[%get3A_264, %get3A_265] {strides = array<i32>} : memref<16x128xf32, #tpu.memory_space<vmem>>, vector<16xf32>,
      %get3A_267 = arith.constant 1 : i32
      %get3A_268 = arith.index_cast %get3A_267 : i32 to index
      %get3A_269 = arith.constant 48 : index
      %get3A_270 = tpu.vector_load %arg14[%get3A_268, %get3A_269] {strides = array<i32>} : memref<16x128xf32, #tpu.memory_space<vmem>>, vector<16xf32>,
      %get3A_271 = arith.constant 2 : i32
      %get3A_272 = arith.index_cast %get3A_271 : i32 to index
      %get3A_273 = arith.constant 48 : index
      %get3A_274 = tpu.vector_load %arg14[%get3A_272, %get3A_273] {strides = array<i32>} : memref<16x128xf32, #tpu.memory_space<vmem>>, vector<16xf32>,
      %get3A_275 = arith.constant 3 : i32
      %get3A_276 = arith.index_cast %get3A_275 : i32 to index
      %get3A_277 = arith.constant 48 : index
      %get3A_278 = tpu.vector_load %arg14[%get3A_276, %get3A_277] {strides = array<i32>} : memref<16x128xf32, #tpu.memory_space<vmem>>, vector<16xf32>,
      %get3A_279 = arith.constant 4 : i32
      %get3A_280 = arith.index_cast %get3A_279 : i32 to index
      %get3A_281 = arith.constant 48 : index
      %get3A_282 = tpu.vector_load %arg14[%get3A_280, %get3A_281] {strides = array<i32>} : memref<16x128xf32, #tpu.memory_space<vmem>>, vector<16xf32>,
      %get3A_283 = arith.constant 5 : i32
      %get3A_284 = arith.index_cast %get3A_283 : i32 to index
      %get3A_285 = arith.constant 48 : index
      %get3A_286 = tpu.vector_load %arg14[%get3A_284, %get3A_285] {strides = array<i32>} : memref<16x128xf32, #tpu.memory_space<vmem>>, vector<16xf32>,
      %get3A_287 = arith.constant 6 : i32
      %get3A_288 = arith.index_cast %get3A_287 : i32 to index
      %get3A_289 = arith.constant 48 : index
      %get3A_290 = tpu.vector_load %arg14[%get3A_288, %get3A_289] {strides = array<i32>} : memref<16x128xf32, #tpu.memory_space<vmem>>, vector<16xf32>,
      %get3A_291 = arith.constant 7 : i32
      %get3A_292 = arith.index_cast %get3A_291 : i32 to index
      %get3A_293 = arith.constant 48 : index
      %get3A_294 = tpu.vector_load %arg14[%get3A_292, %get3A_293] {strides = array<i32>} : memref<16x128xf32, #tpu.memory_space<vmem>>, vector<16xf32>,
      %get3A_295 = arith.constant 8 : i32
      %get3A_296 = arith.index_cast %get3A_295 : i32 to index
      %get3A_297 = arith.constant 48 : index
      %get3A_298 = tpu.vector_load %arg14[%get3A_296, %get3A_297] {strides = array<i32>} : memref<16x128xf32, #tpu.memory_space<vmem>>, vector<16xf32>,
      %get3A_299 = arith.constant 9 : i32
      %get3A_300 = arith.index_cast %get3A_299 : i32 to index
      %get3A_301 = arith.constant 48 : index
      %get3A_302 = tpu.vector_load %arg14[%get3A_300, %get3A_301] {strides = array<i32>} : memref<16x128xf32, #tpu.memory_space<vmem>>, vector<16xf32>,
      %get3A_303 = arith.constant 10 : i32
      %get3A_304 = arith.index_cast %get3A_303 : i32 to index
      %get3A_305 = arith.constant 48 : index
      %get3A_306 = tpu.vector_load %arg14[%get3A_304, %get3A_305] {strides = array<i32>} : memref<16x128xf32, #tpu.memory_space<vmem>>, vector<16xf32>,
      %get3A_307 = arith.constant 11 : i32
      %get3A_308 = arith.index_cast %get3A_307 : i32 to index
      %get3A_309 = arith.constant 48 : index
      %get3A_310 = tpu.vector_load %arg14[%get3A_308, %get3A_309] {strides = array<i32>} : memref<16x128xf32, #tpu.memory_space<vmem>>, vector<16xf32>,
      %get3A_311 = arith.constant 12 : i32
      %get3A_312 = arith.index_cast %get3A_311 : i32 to index
      %get3A_313 = arith.constant 48 : index
      %get3A_314 = tpu.vector_load %arg14[%get3A_312, %get3A_313] {strides = array<i32>} : memref<16x128xf32, #tpu.memory_space<vmem>>, vector<16xf32>,
      %get3A_315 = arith.constant 13 : i32
      %get3A_316 = arith.index_cast %get3A_315 : i32 to index
      %get3A_317 = arith.constant 48 : index
      %get3A_318 = tpu.vector_load %arg14[%get3A_316, %get3A_317] {strides = array<i32>} : memref<16x128xf32, #tpu.memory_space<vmem>>, vector<16xf32>,
      %get3A_319 = arith.constant 14 : i32
      %get3A_320 = arith.index_cast %get3A_319 : i32 to index
      %get3A_321 = arith.constant 48 : index
      %get3A_322 = tpu.vector_load %arg14[%get3A_320, %get3A_321] {strides = array<i32>} : memref<16x128xf32, #tpu.memory_space<vmem>>, vector<16xf32>,
      %get3A_323 = arith.constant 15 : i32
      %get3A_324 = arith.index_cast %get3A_323 : i32 to index
      %get3A_325 = arith.constant 48 : index
      %get3A_326 = tpu.vector_load %arg14[%get3A_324, %get3A_325] {strides = array<i32>} : memref<16x128xf32, #tpu.memory_space<vmem>>, vector<16xf32>,
      %add3A_327 = arith.addf %get3A_266, %get3A_270 : vector<16xf32>
      %add3A_328 = arith.addf %get3A_274, %get3A_278 : vector<16xf32>
      %add3A_329 = arith.addf %get3A_282, %get3A_286 : vector<16xf32>
      %add3A_330 = arith.addf %get3A_290, %get3A_294 : vector<16xf32>
      %add3A_331 = arith.addf %get3A_298, %get3A_302 : vector<16xf32>
      %add3A_332 = arith.addf %get3A_306, %get3A_310 : vector<16xf32>
      %add3A_333 = arith.addf %get3A_314, %get3A_318 : vector<16xf32>
      %add3A_334 = arith.addf %get3A_322, %get3A_326 : vector<16xf32>
      %add3A_335 = arith.addf %add3A_327, %add3A_328 : vector<16xf32>
      %add3A_336 = arith.addf %add3A_329, %add3A_330 : vector<16xf32>
      %add3A_337 = arith.addf %add3A_331, %add3A_332 : vector<16xf32>
      %add3A_338 = arith.addf %add3A_333, %add3A_334 : vector<16xf32>
      %add3A_339 = arith.addf %add3A_335, %add3A_336 : vector<16xf32>
      %add3A_340 = arith.addf %add3A_337, %add3A_338 : vector<16xf32>
      %add3A_341 = arith.addf %add3A_339, %add3A_340 : vector<16xf32>
      %mul3A_342 = arith.constant 5.000000e-03 : f32
      %mul3A_343 = vector.broadcast %mul3A_342 : f32 to vector<16xf32>
      %mul3A_344 = arith.mulf %add3A_341, %mul3A_343 : vector<16xf32>
      %get3A_345 = arith.constant 0 : i32
      %get3A_346 = arith.index_cast %get3A_345 : i32 to index
      %get3A_347 = arith.constant 64 : index
      %get3A_348 = tpu.vector_load %arg14[%get3A_346, %get3A_347] {strides = array<i32>} : memref<16x128xf32, #tpu.memory_space<vmem>>, vector<16xf32>,
      %get3A_349 = arith.constant 1 : i32
      %get3A_350 = arith.index_cast %get3A_349 : i32 to index
      %get3A_351 = arith.constant 64 : index
      %get3A_352 = tpu.vector_load %arg14[%get3A_350, %get3A_351] {strides = array<i32>} : memref<16x128xf32, #tpu.memory_space<vmem>>, vector<16xf32>,
      %get3A_353 = arith.constant 2 : i32
      %get3A_354 = arith.index_cast %get3A_353 : i32 to index
      %get3A_355 = arith.constant 64 : index
      %get3A_356 = tpu.vector_load %arg14[%get3A_354, %get3A_355] {strides = array<i32>} : memref<16x128xf32, #tpu.memory_space<vmem>>, vector<16xf32>,
      %get3A_357 = arith.constant 3 : i32
      %get3A_358 = arith.index_cast %get3A_357 : i32 to index
      %get3A_359 = arith.constant 64 : index
      %get3A_360 = tpu.vector_load %arg14[%get3A_358, %get3A_359] {strides = array<i32>} : memref<16x128xf32, #tpu.memory_space<vmem>>, vector<16xf32>,
      %get3A_361 = arith.constant 4 : i32
      %get3A_362 = arith.index_cast %get3A_361 : i32 to index
      %get3A_363 = arith.constant 64 : index
      %get3A_364 = tpu.vector_load %arg14[%get3A_362, %get3A_363] {strides = array<i32>} : memref<16x128xf32, #tpu.memory_space<vmem>>, vector<16xf32>,
      %get3A_365 = arith.constant 5 : i32
      %get3A_366 = arith.index_cast %get3A_365 : i32 to index
      %get3A_367 = arith.constant 64 : index
      %get3A_368 = tpu.vector_load %arg14[%get3A_366, %get3A_367] {strides = array<i32>} : memref<16x128xf32, #tpu.memory_space<vmem>>, vector<16xf32>,
      %get3A_369 = arith.constant 6 : i32
      %get3A_370 = arith.index_cast %get3A_369 : i32 to index
      %get3A_371 = arith.constant 64 : index
      %get3A_372 = tpu.vector_load %arg14[%get3A_370, %get3A_371] {strides = array<i32>} : memref<16x128xf32, #tpu.memory_space<vmem>>, vector<16xf32>,
      %get3A_373 = arith.constant 7 : i32
      %get3A_374 = arith.index_cast %get3A_373 : i32 to index
      %get3A_375 = arith.constant 64 : index
      %get3A_376 = tpu.vector_load %arg14[%get3A_374, %get3A_375] {strides = array<i32>} : memref<16x128xf32, #tpu.memory_space<vmem>>, vector<16xf32>,
      %get3A_377 = arith.constant 8 : i32
      %get3A_378 = arith.index_cast %get3A_377 : i32 to index
      %get3A_379 = arith.constant 64 : index
      %get3A_380 = tpu.vector_load %arg14[%get3A_378, %get3A_379] {strides = array<i32>} : memref<16x128xf32, #tpu.memory_space<vmem>>, vector<16xf32>,
      %get3A_381 = arith.constant 9 : i32
      %get3A_382 = arith.index_cast %get3A_381 : i32 to index
      %get3A_383 = arith.constant 64 : index
      %get3A_384 = tpu.vector_load %arg14[%get3A_382, %get3A_383] {strides = array<i32>} : memref<16x128xf32, #tpu.memory_space<vmem>>, vector<16xf32>,
      %get3A_385 = arith.constant 10 : i32
      %get3A_386 = arith.index_cast %get3A_385 : i32 to index
      %get3A_387 = arith.constant 64 : index
      %get3A_388 = tpu.vector_load %arg14[%get3A_386, %get3A_387] {strides = array<i32>} : memref<16x128xf32, #tpu.memory_space<vmem>>, vector<16xf32>,
      %get3A_389 = arith.constant 11 : i32
      %get3A_390 = arith.index_cast %get3A_389 : i32 to index
      %get3A_391 = arith.constant 64 : index
      %get3A_392 = tpu.vector_load %arg14[%get3A_390, %get3A_391] {strides = array<i32>} : memref<16x128xf32, #tpu.memory_space<vmem>>, vector<16xf32>,
      %get3A_393 = arith.constant 12 : i32
      %get3A_394 = arith.index_cast %get3A_393 : i32 to index
      %get3A_395 = arith.constant 64 : index
      %get3A_396 = tpu.vector_load %arg14[%get3A_394, %get3A_395] {strides = array<i32>} : memref<16x128xf32, #tpu.memory_space<vmem>>, vector<16xf32>,
      %get3A_397 = arith.constant 13 : i32
      %get3A_398 = arith.index_cast %get3A_397 : i32 to index
      %get3A_399 = arith.constant 64 : index
      %get3A_400 = tpu.vector_load %arg14[%get3A_398, %get3A_399] {strides = array<i32>} : memref<16x128xf32, #tpu.memory_space<vmem>>, vector<16xf32>,
      %get3A_401 = arith.constant 14 : i32
      %get3A_402 = arith.index_cast %get3A_401 : i32 to index
      %get3A_403 = arith.constant 64 : index
      %get3A_404 = tpu.vector_load %arg14[%get3A_402, %get3A_403] {strides = array<i32>} : memref<16x128xf32, #tpu.memory_space<vmem>>, vector<16xf32>,
      %get3A_405 = arith.constant 15 : i32
      %get3A_406 = arith.index_cast %get3A_405 : i32 to index
      %get3A_407 = arith.constant 64 : index
      %get3A_408 = tpu.vector_load %arg14[%get3A_406, %get3A_407] {strides = array<i32>} : memref<16x128xf32, #tpu.memory_space<vmem>>, vector<16xf32>,
      %add3A_409 = arith.addf %get3A_348, %get3A_352 : vector<16xf32>
      %add3A_410 = arith.addf %get3A_356, %get3A_360 : vector<16xf32>
      %add3A_411 = arith.addf %get3A_364, %get3A_368 : vector<16xf32>
      %add3A_412 = arith.addf %get3A_372, %get3A_376 : vector<16xf32>
      %add3A_413 = arith.addf %get3A_380, %get3A_384 : vector<16xf32>
      %add3A_414 = arith.addf %get3A_388, %get3A_392 : vector<16xf32>
      %add3A_415 = arith.addf %get3A_396, %get3A_400 : vector<16xf32>
      %add3A_416 = arith.addf %get3A_404, %get3A_408 : vector<16xf32>
      %add3A_417 = arith.addf %add3A_409, %add3A_410 : vector<16xf32>
      %add3A_418 = arith.addf %add3A_411, %add3A_412 : vector<16xf32>
      %add3A_419 = arith.addf %add3A_413, %add3A_414 : vector<16xf32>
      %add3A_420 = arith.addf %add3A_415, %add3A_416 : vector<16xf32>
      %add3A_421 = arith.addf %add3A_417, %add3A_418 : vector<16xf32>
      %add3A_422 = arith.addf %add3A_419, %add3A_420 : vector<16xf32>
      %add3A_423 = arith.addf %add3A_421, %add3A_422 : vector<16xf32>
      %mul3A_424 = arith.constant 5.000000e-03 : f32
      %mul3A_425 = vector.broadcast %mul3A_424 : f32 to vector<16xf32>
      %mul3A_426 = arith.mulf %add3A_423, %mul3A_425 : vector<16xf32>
      %get3A_427 = arith.constant 0 : i32
      %get3A_428 = arith.index_cast %get3A_427 : i32 to index
      %get3A_429 = arith.constant 80 : index
      %get3A_430 = tpu.vector_load %arg14[%get3A_428, %get3A_429] {strides = array<i32>} : memref<16x128xf32, #tpu.memory_space<vmem>>, vector<16xf32>,
      %get3A_431 = arith.constant 1 : i32
      %get3A_432 = arith.index_cast %get3A_431 : i32 to index
      %get3A_433 = arith.constant 80 : index
      %get3A_434 = tpu.vector_load %arg14[%get3A_432, %get3A_433] {strides = array<i32>} : memref<16x128xf32, #tpu.memory_space<vmem>>, vector<16xf32>,
      %get3A_435 = arith.constant 2 : i32
      %get3A_436 = arith.index_cast %get3A_435 : i32 to index
      %get3A_437 = arith.constant 80 : index
      %get3A_438 = tpu.vector_load %arg14[%get3A_436, %get3A_437] {strides = array<i32>} : memref<16x128xf32, #tpu.memory_space<vmem>>, vector<16xf32>,
      %get3A_439 = arith.constant 3 : i32
      %get3A_440 = arith.index_cast %get3A_439 : i32 to index
      %get3A_441 = arith.constant 80 : index
      %get3A_442 = tpu.vector_load %arg14[%get3A_440, %get3A_441] {strides = array<i32>} : memref<16x128xf32, #tpu.memory_space<vmem>>, vector<16xf32>,
      %get3A_443 = arith.constant 4 : i32
      %get3A_444 = arith.index_cast %get3A_443 : i32 to index
      %get3A_445 = arith.constant 80 : index
      %get3A_446 = tpu.vector_load %arg14[%get3A_444, %get3A_445] {strides = array<i32>} : memref<16x128xf32, #tpu.memory_space<vmem>>, vector<16xf32>,
      %get3A_447 = arith.constant 5 : i32
      %get3A_448 = arith.index_cast %get3A_447 : i32 to index
      %get3A_449 = arith.constant 80 : index
      %get3A_450 = tpu.vector_load %arg14[%get3A_448, %get3A_449] {strides = array<i32>} : memref<16x128xf32, #tpu.memory_space<vmem>>, vector<16xf32>,
      %get3A_451 = arith.constant 6 : i32
      %get3A_452 = arith.index_cast %get3A_451 : i32 to index
      %get3A_453 = arith.constant 80 : index
      %get3A_454 = tpu.vector_load %arg14[%get3A_452, %get3A_453] {strides = array<i32>} : memref<16x128xf32, #tpu.memory_space<vmem>>, vector<16xf32>,
      %get3A_455 = arith.constant 7 : i32
      %get3A_456 = arith.index_cast %get3A_455 : i32 to index
      %get3A_457 = arith.constant 80 : index
      %get3A_458 = tpu.vector_load %arg14[%get3A_456, %get3A_457] {strides = array<i32>} : memref<16x128xf32, #tpu.memory_space<vmem>>, vector<16xf32>,
      %get3A_459 = arith.constant 8 : i32
      %get3A_460 = arith.index_cast %get3A_459 : i32 to index
      %get3A_461 = arith.constant 80 : index
      %get3A_462 = tpu.vector_load %arg14[%get3A_460, %get3A_461] {strides = array<i32>} : memref<16x128xf32, #tpu.memory_space<vmem>>, vector<16xf32>,
      %get3A_463 = arith.constant 9 : i32
      %get3A_464 = arith.index_cast %get3A_463 : i32 to index
      %get3A_465 = arith.constant 80 : index
      %get3A_466 = tpu.vector_load %arg14[%get3A_464, %get3A_465] {strides = array<i32>} : memref<16x128xf32, #tpu.memory_space<vmem>>, vector<16xf32>,
      %get3A_467 = arith.constant 10 : i32
      %get3A_468 = arith.index_cast %get3A_467 : i32 to index
      %get3A_469 = arith.constant 80 : index
      %get3A_470 = tpu.vector_load %arg14[%get3A_468, %get3A_469] {strides = array<i32>} : memref<16x128xf32, #tpu.memory_space<vmem>>, vector<16xf32>,
      %get3A_471 = arith.constant 11 : i32
      %get3A_472 = arith.index_cast %get3A_471 : i32 to index
      %get3A_473 = arith.constant 80 : index
      %get3A_474 = tpu.vector_load %arg14[%get3A_472, %get3A_473] {strides = array<i32>} : memref<16x128xf32, #tpu.memory_space<vmem>>, vector<16xf32>,
      %get3A_475 = arith.constant 12 : i32
      %get3A_476 = arith.index_cast %get3A_475 : i32 to index
      %get3A_477 = arith.constant 80 : index
      %get3A_478 = tpu.vector_load %arg14[%get3A_476, %get3A_477] {strides = array<i32>} : memref<16x128xf32, #tpu.memory_space<vmem>>, vector<16xf32>,
      %get3A_479 = arith.constant 13 : i32
      %get3A_480 = arith.index_cast %get3A_479 : i32 to index
      %get3A_481 = arith.constant 80 : index
      %get3A_482 = tpu.vector_load %arg14[%get3A_480, %get3A_481] {strides = array<i32>} : memref<16x128xf32, #tpu.memory_space<vmem>>, vector<16xf32>,
      %get3A_483 = arith.constant 14 : i32
      %get3A_484 = arith.index_cast %get3A_483 : i32 to index
      %get3A_485 = arith.constant 80 : index
      %get3A_486 = tpu.vector_load %arg14[%get3A_484, %get3A_485] {strides = array<i32>} : memref<16x128xf32, #tpu.memory_space<vmem>>, vector<16xf32>,
      %get3A_487 = arith.constant 15 : i32
      %get3A_488 = arith.index_cast %get3A_487 : i32 to index
      %get3A_489 = arith.constant 80 : index
      %get3A_490 = tpu.vector_load %arg14[%get3A_488, %get3A_489] {strides = array<i32>} : memref<16x128xf32, #tpu.memory_space<vmem>>, vector<16xf32>,
      %add3A_491 = arith.addf %get3A_430, %get3A_434 : vector<16xf32>
      %add3A_492 = arith.addf %get3A_438, %get3A_442 : vector<16xf32>
      %add3A_493 = arith.addf %get3A_446, %get3A_450 : vector<16xf32>
      %add3A_494 = arith.addf %get3A_454, %get3A_458 : vector<16xf32>
      %add3A_495 = arith.addf %get3A_462, %get3A_466 : vector<16xf32>
      %add3A_496 = arith.addf %get3A_470, %get3A_474 : vector<16xf32>
      %add3A_497 = arith.addf %get3A_478, %get3A_482 : vector<16xf32>
      %add3A_498 = arith.addf %get3A_486, %get3A_490 : vector<16xf32>
      %add3A_499 = arith.addf %add3A_491, %add3A_492 : vector<16xf32>
      %add3A_500 = arith.addf %add3A_493, %add3A_494 : vector<16xf32>
      %add3A_501 = arith.addf %add3A_495, %add3A_496 : vector<16xf32>
      %add3A_502 = arith.addf %add3A_497, %add3A_498 : vector<16xf32>
      %add3A_503 = arith.addf %add3A_499, %add3A_500 : vector<16xf32>
      %add3A_504 = arith.addf %add3A_501, %add3A_502 : vector<16xf32>
      %add3A_505 = arith.addf %add3A_503, %add3A_504 : vector<16xf32>
      %mul3A_506 = arith.constant 5.000000e-03 : f32
      %mul3A_507 = vector.broadcast %mul3A_506 : f32 to vector<16xf32>
      %mul3A_508 = arith.mulf %add3A_505, %mul3A_507 : vector<16xf32>
      %get3A_509 = arith.constant 0 : i32
      %get3A_510 = arith.index_cast %get3A_509 : i32 to index
      %get3A_511 = arith.constant 96 : index
      %get3A_512 = tpu.vector_load %arg14[%get3A_510, %get3A_511] {strides = array<i32>} : memref<16x128xf32, #tpu.memory_space<vmem>>, vector<16xf32>,
      %get3A_513 = arith.constant 1 : i32
      %get3A_514 = arith.index_cast %get3A_513 : i32 to index
      %get3A_515 = arith.constant 96 : index
      %get3A_516 = tpu.vector_load %arg14[%get3A_514, %get3A_515] {strides = array<i32>} : memref<16x128xf32, #tpu.memory_space<vmem>>, vector<16xf32>,
      %get3A_517 = arith.constant 2 : i32
      %get3A_518 = arith.index_cast %get3A_517 : i32 to index
      %get3A_519 = arith.constant 96 : index
      %get3A_520 = tpu.vector_load %arg14[%get3A_518, %get3A_519] {strides = array<i32>} : memref<16x128xf32, #tpu.memory_space<vmem>>, vector<16xf32>,
      %get3A_521 = arith.constant 3 : i32
      %get3A_522 = arith.index_cast %get3A_521 : i32 to index
      %get3A_523 = arith.constant 96 : index
      %get3A_524 = tpu.vector_load %arg14[%get3A_522, %get3A_523] {strides = array<i32>} : memref<16x128xf32, #tpu.memory_space<vmem>>, vector<16xf32>,
      %get3A_525 = arith.constant 4 : i32
      %get3A_526 = arith.index_cast %get3A_525 : i32 to index
      %get3A_527 = arith.constant 96 : index
      %get3A_528 = tpu.vector_load %arg14[%get3A_526, %get3A_527] {strides = array<i32>} : memref<16x128xf32, #tpu.memory_space<vmem>>, vector<16xf32>,
      %get3A_529 = arith.constant 5 : i32
      %get3A_530 = arith.index_cast %get3A_529 : i32 to index
      %get3A_531 = arith.constant 96 : index
      %get3A_532 = tpu.vector_load %arg14[%get3A_530, %get3A_531] {strides = array<i32>} : memref<16x128xf32, #tpu.memory_space<vmem>>, vector<16xf32>,
      %get3A_533 = arith.constant 6 : i32
      %get3A_534 = arith.index_cast %get3A_533 : i32 to index
      %get3A_535 = arith.constant 96 : index
      %get3A_536 = tpu.vector_load %arg14[%get3A_534, %get3A_535] {strides = array<i32>} : memref<16x128xf32, #tpu.memory_space<vmem>>, vector<16xf32>,
      %get3A_537 = arith.constant 7 : i32
      %get3A_538 = arith.index_cast %get3A_537 : i32 to index
      %get3A_539 = arith.constant 96 : index
      %get3A_540 = tpu.vector_load %arg14[%get3A_538, %get3A_539] {strides = array<i32>} : memref<16x128xf32, #tpu.memory_space<vmem>>, vector<16xf32>,
      %get3A_541 = arith.constant 8 : i32
      %get3A_542 = arith.index_cast %get3A_541 : i32 to index
      %get3A_543 = arith.constant 96 : index
      %get3A_544 = tpu.vector_load %arg14[%get3A_542, %get3A_543] {strides = array<i32>} : memref<16x128xf32, #tpu.memory_space<vmem>>, vector<16xf32>,
      %get3A_545 = arith.constant 9 : i32
      %get3A_546 = arith.index_cast %get3A_545 : i32 to index
      %get3A_547 = arith.constant 96 : index
      %get3A_548 = tpu.vector_load %arg14[%get3A_546, %get3A_547] {strides = array<i32>} : memref<16x128xf32, #tpu.memory_space<vmem>>, vector<16xf32>,
      %get3A_549 = arith.constant 10 : i32
      %get3A_550 = arith.index_cast %get3A_549 : i32 to index
      %get3A_551 = arith.constant 96 : index
      %get3A_552 = tpu.vector_load %arg14[%get3A_550, %get3A_551] {strides = array<i32>} : memref<16x128xf32, #tpu.memory_space<vmem>>, vector<16xf32>,
      %get3A_553 = arith.constant 11 : i32
      %get3A_554 = arith.index_cast %get3A_553 : i32 to index
      %get3A_555 = arith.constant 96 : index
      %get3A_556 = tpu.vector_load %arg14[%get3A_554, %get3A_555] {strides = array<i32>} : memref<16x128xf32, #tpu.memory_space<vmem>>, vector<16xf32>,
      %get3A_557 = arith.constant 12 : i32
      %get3A_558 = arith.index_cast %get3A_557 : i32 to index
      %get3A_559 = arith.constant 96 : index
      %get3A_560 = tpu.vector_load %arg14[%get3A_558, %get3A_559] {strides = array<i32>} : memref<16x128xf32, #tpu.memory_space<vmem>>, vector<16xf32>,
      %get3A_561 = arith.constant 13 : i32
      %get3A_562 = arith.index_cast %get3A_561 : i32 to index
      %get3A_563 = arith.constant 96 : index
      %get3A_564 = tpu.vector_load %arg14[%get3A_562, %get3A_563] {strides = array<i32>} : memref<16x128xf32, #tpu.memory_space<vmem>>, vector<16xf32>,
      %get3A_565 = arith.constant 14 : i32
      %get3A_566 = arith.index_cast %get3A_565 : i32 to index
      %get3A_567 = arith.constant 96 : index
      %get3A_568 = tpu.vector_load %arg14[%get3A_566, %get3A_567] {strides = array<i32>} : memref<16x128xf32, #tpu.memory_space<vmem>>, vector<16xf32>,
      %get3A_569 = arith.constant 15 : i32
      %get3A_570 = arith.index_cast %get3A_569 : i32 to index
      %get3A_571 = arith.constant 96 : index
      %get3A_572 = tpu.vector_load %arg14[%get3A_570, %get3A_571] {strides = array<i32>} : memref<16x128xf32, #tpu.memory_space<vmem>>, vector<16xf32>,
      %add3A_573 = arith.addf %get3A_512, %get3A_516 : vector<16xf32>
      %add3A_574 = arith.addf %get3A_520, %get3A_524 : vector<16xf32>
      %add3A_575 = arith.addf %get3A_528, %get3A_532 : vector<16xf32>
      %add3A_576 = arith.addf %get3A_536, %get3A_540 : vector<16xf32>
      %add3A_577 = arith.addf %get3A_544, %get3A_548 : vector<16xf32>
      %add3A_578 = arith.addf %get3A_552, %get3A_556 : vector<16xf32>
      %add3A_579 = arith.addf %get3A_560, %get3A_564 : vector<16xf32>
      %add3A_580 = arith.addf %get3A_568, %get3A_572 : vector<16xf32>
      %add3A_581 = arith.addf %add3A_573, %add3A_574 : vector<16xf32>
      %add3A_582 = arith.addf %add3A_575, %add3A_576 : vector<16xf32>
      %add3A_583 = arith.addf %add3A_577, %add3A_578 : vector<16xf32>
      %add3A_584 = arith.addf %add3A_579, %add3A_580 : vector<16xf32>
      %add3A_585 = arith.addf %add3A_581, %add3A_582 : vector<16xf32>
      %add3A_586 = arith.addf %add3A_583, %add3A_584 : vector<16xf32>
      %add3A_587 = arith.addf %add3A_585, %add3A_586 : vector<16xf32>
      %mul3A_588 = arith.constant 5.000000e-03 : f32
      %mul3A_589 = vector.broadcast %mul3A_588 : f32 to vector<16xf32>
      %mul3A_590 = arith.mulf %add3A_587, %mul3A_589 : vector<16xf32>
      %get3A_591 = arith.constant 0 : i32
      %get3A_592 = arith.index_cast %get3A_591 : i32 to index
      %get3A_593 = arith.constant 112 : index
      %get3A_594 = tpu.vector_load %arg14[%get3A_592, %get3A_593] {strides = array<i32>} : memref<16x128xf32, #tpu.memory_space<vmem>>, vector<16xf32>,
      %get3A_595 = arith.constant 1 : i32
      %get3A_596 = arith.index_cast %get3A_595 : i32 to index
      %get3A_597 = arith.constant 112 : index
      %get3A_598 = tpu.vector_load %arg14[%get3A_596, %get3A_597] {strides = array<i32>} : memref<16x128xf32, #tpu.memory_space<vmem>>, vector<16xf32>,
      %get3A_599 = arith.constant 2 : i32
      %get3A_600 = arith.index_cast %get3A_599 : i32 to index
      %get3A_601 = arith.constant 112 : index
      %get3A_602 = tpu.vector_load %arg14[%get3A_600, %get3A_601] {strides = array<i32>} : memref<16x128xf32, #tpu.memory_space<vmem>>, vector<16xf32>,
      %get3A_603 = arith.constant 3 : i32
      %get3A_604 = arith.index_cast %get3A_603 : i32 to index
      %get3A_605 = arith.constant 112 : index
      %get3A_606 = tpu.vector_load %arg14[%get3A_604, %get3A_605] {strides = array<i32>} : memref<16x128xf32, #tpu.memory_space<vmem>>, vector<16xf32>,
      %get3A_607 = arith.constant 4 : i32
      %get3A_608 = arith.index_cast %get3A_607 : i32 to index
      %get3A_609 = arith.constant 112 : index
      %get3A_610 = tpu.vector_load %arg14[%get3A_608, %get3A_609] {strides = array<i32>} : memref<16x128xf32, #tpu.memory_space<vmem>>, vector<16xf32>,
      %get3A_611 = arith.constant 5 : i32
      %get3A_612 = arith.index_cast %get3A_611 : i32 to index
      %get3A_613 = arith.constant 112 : index
      %get3A_614 = tpu.vector_load %arg14[%get3A_612, %get3A_613] {strides = array<i32>} : memref<16x128xf32, #tpu.memory_space<vmem>>, vector<16xf32>,
      %get3A_615 = arith.constant 6 : i32
      %get3A_616 = arith.index_cast %get3A_615 : i32 to index
      %get3A_617 = arith.constant 112 : index
      %get3A_618 = tpu.vector_load %arg14[%get3A_616, %get3A_617] {strides = array<i32>} : memref<16x128xf32, #tpu.memory_space<vmem>>, vector<16xf32>,
      %get3A_619 = arith.constant 7 : i32
      %get3A_620 = arith.index_cast %get3A_619 : i32 to index
      %get3A_621 = arith.constant 112 : index
      %get3A_622 = tpu.vector_load %arg14[%get3A_620, %get3A_621] {strides = array<i32>} : memref<16x128xf32, #tpu.memory_space<vmem>>, vector<16xf32>,
      %get3A_623 = arith.constant 8 : i32
      %get3A_624 = arith.index_cast %get3A_623 : i32 to index
      %get3A_625 = arith.constant 112 : index
      %get3A_626 = tpu.vector_load %arg14[%get3A_624, %get3A_625] {strides = array<i32>} : memref<16x128xf32, #tpu.memory_space<vmem>>, vector<16xf32>,
      %get3A_627 = arith.constant 9 : i32
      %get3A_628 = arith.index_cast %get3A_627 : i32 to index
      %get3A_629 = arith.constant 112 : index
      %get3A_630 = tpu.vector_load %arg14[%get3A_628, %get3A_629] {strides = array<i32>} : memref<16x128xf32, #tpu.memory_space<vmem>>, vector<16xf32>,
      %get3A_631 = arith.constant 10 : i32
      %get3A_632 = arith.index_cast %get3A_631 : i32 to index
      %get3A_633 = arith.constant 112 : index
      %get3A_634 = tpu.vector_load %arg14[%get3A_632, %get3A_633] {strides = array<i32>} : memref<16x128xf32, #tpu.memory_space<vmem>>, vector<16xf32>,
      %get3A_635 = arith.constant 11 : i32
      %get3A_636 = arith.index_cast %get3A_635 : i32 to index
      %get3A_637 = arith.constant 112 : index
      %get3A_638 = tpu.vector_load %arg14[%get3A_636, %get3A_637] {strides = array<i32>} : memref<16x128xf32, #tpu.memory_space<vmem>>, vector<16xf32>,
      %get3A_639 = arith.constant 12 : i32
      %get3A_640 = arith.index_cast %get3A_639 : i32 to index
      %get3A_641 = arith.constant 112 : index
      %get3A_642 = tpu.vector_load %arg14[%get3A_640, %get3A_641] {strides = array<i32>} : memref<16x128xf32, #tpu.memory_space<vmem>>, vector<16xf32>,
      %get3A_643 = arith.constant 13 : i32
      %get3A_644 = arith.index_cast %get3A_643 : i32 to index
      %get3A_645 = arith.constant 112 : index
      %get3A_646 = tpu.vector_load %arg14[%get3A_644, %get3A_645] {strides = array<i32>} : memref<16x128xf32, #tpu.memory_space<vmem>>, vector<16xf32>,
      %get3A_647 = arith.constant 14 : i32
      %get3A_648 = arith.index_cast %get3A_647 : i32 to index
      %get3A_649 = arith.constant 112 : index
      %get3A_650 = tpu.vector_load %arg14[%get3A_648, %get3A_649] {strides = array<i32>} : memref<16x128xf32, #tpu.memory_space<vmem>>, vector<16xf32>,
      %get3A_651 = arith.constant 15 : i32
      %get3A_652 = arith.index_cast %get3A_651 : i32 to index
      %get3A_653 = arith.constant 112 : index
      %get3A_654 = tpu.vector_load %arg14[%get3A_652, %get3A_653] {strides = array<i32>} : memref<16x128xf32, #tpu.memory_space<vmem>>, vector<16xf32>,
      %add3A_655 = arith.addf %get3A_594, %get3A_598 : vector<16xf32>
      %add3A_656 = arith.addf %get3A_602, %get3A_606 : vector<16xf32>
      %add3A_657 = arith.addf %get3A_610, %get3A_614 : vector<16xf32>
      %add3A_658 = arith.addf %get3A_618, %get3A_622 : vector<16xf32>
      %add3A_659 = arith.addf %get3A_626, %get3A_630 : vector<16xf32>
      %add3A_660 = arith.addf %get3A_634, %get3A_638 : vector<16xf32>
      %add3A_661 = arith.addf %get3A_642, %get3A_646 : vector<16xf32>
      %add3A_662 = arith.addf %get3A_650, %get3A_654 : vector<16xf32>
      %add3A_663 = arith.addf %add3A_655, %add3A_656 : vector<16xf32>
      %add3A_664 = arith.addf %add3A_657, %add3A_658 : vector<16xf32>
      %add3A_665 = arith.addf %add3A_659, %add3A_660 : vector<16xf32>
      %add3A_666 = arith.addf %add3A_661, %add3A_662 : vector<16xf32>
      %add3A_667 = arith.addf %add3A_663, %add3A_664 : vector<16xf32>
      %add3A_668 = arith.addf %add3A_665, %add3A_666 : vector<16xf32>
      %add3A_669 = arith.addf %add3A_667, %add3A_668 : vector<16xf32>
      %mul3A_670 = arith.constant 5.000000e-03 : f32
      %mul3A_671 = vector.broadcast %mul3A_670 : f32 to vector<16xf32>
      %mul3A_672 = arith.mulf %add3A_669, %mul3A_671 : vector<16xf32>
      %get3A_673 = arith.constant 0 : index
      %get3A_674 = tpu.vector_load %arg16[%get3A_673] {strides = array<i32>} : memref<16xf32, #tpu.memory_space<vmem>>, vector<16xf32>,
      %eq3A = arith.constant 0 : i32
      %eq3A_675 = arith.cmpi eq, %arg0, %eq3A : i32
      %broadcast_in_dim3A = arith.constant 0.000000e+00 : f32
      %broadcast_in_dim3A_676 = vector.broadcast %broadcast_in_dim3A : f32 to vector<16xf32>
      %select_n3A = arith.select %eq3A_675, %get3A_674, %broadcast_in_dim3A_676 : vector<16xf32>
      %broadcast_in_dim3A_677 = arith.constant 0.000000e+00 : f32
      %broadcast_in_dim3A_678 = vector.broadcast %broadcast_in_dim3A_677 : f32 to vector<16xf32>
      %broadcast_in_dim3A_679 = arith.constant 0.000000e+00 : f32
      %broadcast_in_dim3A_680 = vector.broadcast %broadcast_in_dim3A_679 : f32 to vector<16xf32>
      %broadcast_in_dim3A_681 = arith.constant 0.000000e+00 : f32
      %broadcast_in_dim3A_682 = vector.broadcast %broadcast_in_dim3A_681 : f32 to vector<16xf32>
      %broadcast_in_dim3A_683 = arith.constant 0 : i32
      %broadcast_in_dim3A_684 = vector.broadcast %broadcast_in_dim3A_683 : i32 to vector<16x1xi32>
      %gather3A = vector.shape_cast %broadcast_in_dim3A_684 : vector<16x1xi32> to vector<16xi32>
      %gather3A_685 = tpu.dynamic_gather %mul3A_98[%gather3A] in [0] : vector<16xf32>, vector<16xi32> -> vector<16xf32>
      %broadcast_in_dim3A_686 = arith.constant 0 : i32
      %broadcast_in_dim3A_687 = vector.broadcast %broadcast_in_dim3A_686 : i32 to vector<16xi32>
      %gather3A_688 = tpu.vector_load_idx %arg15[%iota3A, %broadcast_in_dim3A_687] : memref<16x128xf32, #tpu.memory_space<vmem>>[vector<16xi32>, vector<16xi32>], vector<16xf32>,
      %mul3A_689 = arith.mulf %gather3A_685, %gather3A_688 : vector<16xf32>
      %add3A_690 = arith.addf %select_n3A, %mul3A_689 : vector<16xf32>
      %broadcast_in_dim3A_691 = arith.constant 1 : i32
      %broadcast_in_dim3A_692 = vector.broadcast %broadcast_in_dim3A_691 : i32 to vector<16x1xi32>
      %gather3A_693 = vector.shape_cast %broadcast_in_dim3A_692 : vector<16x1xi32> to vector<16xi32>
      %gather3A_694 = tpu.dynamic_gather %mul3A_98[%gather3A_693] in [0] : vector<16xf32>, vector<16xi32> -> vector<16xf32>
      %broadcast_in_dim3A_695 = arith.constant 1 : i32
      %broadcast_in_dim3A_696 = vector.broadcast %broadcast_in_dim3A_695 : i32 to vector<16xi32>
      %gather3A_697 = tpu.vector_load_idx %arg15[%iota3A, %broadcast_in_dim3A_696] : memref<16x128xf32, #tpu.memory_space<vmem>>[vector<16xi32>, vector<16xi32>], vector<16xf32>,
      %mul3A_698 = arith.mulf %gather3A_694, %gather3A_697 : vector<16xf32>
      %add3A_699 = arith.addf %broadcast_in_dim3A_678, %mul3A_698 : vector<16xf32>
      %broadcast_in_dim3A_700 = arith.constant 2 : i32
      %broadcast_in_dim3A_701 = vector.broadcast %broadcast_in_dim3A_700 : i32 to vector<16x1xi32>
      %gather3A_702 = vector.shape_cast %broadcast_in_dim3A_701 : vector<16x1xi32> to vector<16xi32>
      %gather3A_703 = tpu.dynamic_gather %mul3A_98[%gather3A_702] in [0] : vector<16xf32>, vector<16xi32> -> vector<16xf32>
      %broadcast_in_dim3A_704 = arith.constant 2 : i32
      %broadcast_in_dim3A_705 = vector.broadcast %broadcast_in_dim3A_704 : i32 to vector<16xi32>
      %gather3A_706 = tpu.vector_load_idx %arg15[%iota3A, %broadcast_in_dim3A_705] : memref<16x128xf32, #tpu.memory_space<vmem>>[vector<16xi32>, vector<16xi32>], vector<16xf32>,
      %mul3A_707 = arith.mulf %gather3A_703, %gather3A_706 : vector<16xf32>
      %add3A_708 = arith.addf %broadcast_in_dim3A_680, %mul3A_707 : vector<16xf32>
      %broadcast_in_dim3A_709 = arith.constant 3 : i32
      %broadcast_in_dim3A_710 = vector.broadcast %broadcast_in_dim3A_709 : i32 to vector<16x1xi32>
      %gather3A_711 = vector.shape_cast %broadcast_in_dim3A_710 : vector<16x1xi32> to vector<16xi32>
      %gather3A_712 = tpu.dynamic_gather %mul3A_98[%gather3A_711] in [0] : vector<16xf32>, vector<16xi32> -> vector<16xf32>
      %broadcast_in_dim3A_713 = arith.constant 3 : i32
      %broadcast_in_dim3A_714 = vector.broadcast %broadcast_in_dim3A_713 : i32 to vector<16xi32>
      %gather3A_715 = tpu.vector_load_idx %arg15[%iota3A, %broadcast_in_dim3A_714] : memref<16x128xf32, #tpu.memory_space<vmem>>[vector<16xi32>, vector<16xi32>], vector<16xf32>,
      %mul3A_716 = arith.mulf %gather3A_712, %gather3A_715 : vector<16xf32>
      %add3A_717 = arith.addf %broadcast_in_dim3A_682, %mul3A_716 : vector<16xf32>
      %broadcast_in_dim3A_718 = arith.constant 4 : i32
      %broadcast_in_dim3A_719 = vector.broadcast %broadcast_in_dim3A_718 : i32 to vector<16x1xi32>
      %gather3A_720 = vector.shape_cast %broadcast_in_dim3A_719 : vector<16x1xi32> to vector<16xi32>
      %gather3A_721 = tpu.dynamic_gather %mul3A_98[%gather3A_720] in [0] : vector<16xf32>, vector<16xi32> -> vector<16xf32>
      %broadcast_in_dim3A_722 = arith.constant 4 : i32
      %broadcast_in_dim3A_723 = vector.broadcast %broadcast_in_dim3A_722 : i32 to vector<16xi32>
      %gather3A_724 = tpu.vector_load_idx %arg15[%iota3A, %broadcast_in_dim3A_723] : memref<16x128xf32, #tpu.memory_space<vmem>>[vector<16xi32>, vector<16xi32>], vector<16xf32>,
      %mul3A_725 = arith.mulf %gather3A_721, %gather3A_724 : vector<16xf32>
      %add3A_726 = arith.addf %add3A_690, %mul3A_725 : vector<16xf32>
      %broadcast_in_dim3A_727 = arith.constant 5 : i32
      %broadcast_in_dim3A_728 = vector.broadcast %broadcast_in_dim3A_727 : i32 to vector<16x1xi32>
      %gather3A_729 = vector.shape_cast %broadcast_in_dim3A_728 : vector<16x1xi32> to vector<16xi32>
      %gather3A_730 = tpu.dynamic_gather %mul3A_98[%gather3A_729] in [0] : vector<16xf32>, vector<16xi32> -> vector<16xf32>
      %broadcast_in_dim3A_731 = arith.constant 5 : i32
      %broadcast_in_dim3A_732 = vector.broadcast %broadcast_in_dim3A_731 : i32 to vector<16xi32>
      %gather3A_733 = tpu.vector_load_idx %arg15[%iota3A, %broadcast_in_dim3A_732] : memref<16x128xf32, #tpu.memory_space<vmem>>[vector<16xi32>, vector<16xi32>], vector<16xf32>,
      %mul3A_734 = arith.mulf %gather3A_730, %gather3A_733 : vector<16xf32>
      %add3A_735 = arith.addf %add3A_699, %mul3A_734 : vector<16xf32>
      %broadcast_in_dim3A_736 = arith.constant 6 : i32
      %broadcast_in_dim3A_737 = vector.broadcast %broadcast_in_dim3A_736 : i32 to vector<16x1xi32>
      %gather3A_738 = vector.shape_cast %broadcast_in_dim3A_737 : vector<16x1xi32> to vector<16xi32>
      %gather3A_739 = tpu.dynamic_gather %mul3A_98[%gather3A_738] in [0] : vector<16xf32>, vector<16xi32> -> vector<16xf32>
      %broadcast_in_dim3A_740 = arith.constant 6 : i32
      %broadcast_in_dim3A_741 = vector.broadcast %broadcast_in_dim3A_740 : i32 to vector<16xi32>
      %gather3A_742 = tpu.vector_load_idx %arg15[%iota3A, %broadcast_in_dim3A_741] : memref<16x128xf32, #tpu.memory_space<vmem>>[vector<16xi32>, vector<16xi32>], vector<16xf32>,
      %mul3A_743 = arith.mulf %gather3A_739, %gather3A_742 : vector<16xf32>
      %add3A_744 = arith.addf %add3A_708, %mul3A_743 : vector<16xf32>
      %broadcast_in_dim3A_745 = arith.constant 7 : i32
      %broadcast_in_dim3A_746 = vector.broadcast %broadcast_in_dim3A_745 : i32 to vector<16x1xi32>
      %gather3A_747 = vector.shape_cast %broadcast_in_dim3A_746 : vector<16x1xi32> to vector<16xi32>
      %gather3A_748 = tpu.dynamic_gather %mul3A_98[%gather3A_747] in [0] : vector<16xf32>, vector<16xi32> -> vector<16xf32>
      %broadcast_in_dim3A_749 = arith.constant 7 : i32
      %broadcast_in_dim3A_750 = vector.broadcast %broadcast_in_dim3A_749 : i32 to vector<16xi32>
      %gather3A_751 = tpu.vector_load_idx %arg15[%iota3A, %broadcast_in_dim3A_750] : memref<16x128xf32, #tpu.memory_space<vmem>>[vector<16xi32>, vector<16xi32>], vector<16xf32>,
      %mul3A_752 = arith.mulf %gather3A_748, %gather3A_751 : vector<16xf32>
      %add3A_753 = arith.addf %add3A_717, %mul3A_752 : vector<16xf32>
      %broadcast_in_dim3A_754 = arith.constant 8 : i32
      %broadcast_in_dim3A_755 = vector.broadcast %broadcast_in_dim3A_754 : i32 to vector<16x1xi32>
      %gather3A_756 = vector.shape_cast %broadcast_in_dim3A_755 : vector<16x1xi32> to vector<16xi32>
      %gather3A_757 = tpu.dynamic_gather %mul3A_98[%gather3A_756] in [0] : vector<16xf32>, vector<16xi32> -> vector<16xf32>
      %broadcast_in_dim3A_758 = arith.constant 8 : i32
      %broadcast_in_dim3A_759 = vector.broadcast %broadcast_in_dim3A_758 : i32 to vector<16xi32>
      %gather3A_760 = tpu.vector_load_idx %arg15[%iota3A, %broadcast_in_dim3A_759] : memref<16x128xf32, #tpu.memory_space<vmem>>[vector<16xi32>, vector<16xi32>], vector<16xf32>,
      %mul3A_761 = arith.mulf %gather3A_757, %gather3A_760 : vector<16xf32>
      %add3A_762 = arith.addf %add3A_726, %mul3A_761 : vector<16xf32>
      %broadcast_in_dim3A_763 = arith.constant 9 : i32
      %broadcast_in_dim3A_764 = vector.broadcast %broadcast_in_dim3A_763 : i32 to vector<16x1xi32>
      %gather3A_765 = vector.shape_cast %broadcast_in_dim3A_764 : vector<16x1xi32> to vector<16xi32>
      %gather3A_766 = tpu.dynamic_gather %mul3A_98[%gather3A_765] in [0] : vector<16xf32>, vector<16xi32> -> vector<16xf32>
      %broadcast_in_dim3A_767 = arith.constant 9 : i32
      %broadcast_in_dim3A_768 = vector.broadcast %broadcast_in_dim3A_767 : i32 to vector<16xi32>
      %gather3A_769 = tpu.vector_load_idx %arg15[%iota3A, %broadcast_in_dim3A_768] : memref<16x128xf32, #tpu.memory_space<vmem>>[vector<16xi32>, vector<16xi32>], vector<16xf32>,
      %mul3A_770 = arith.mulf %gather3A_766, %gather3A_769 : vector<16xf32>
      %add3A_771 = arith.addf %add3A_735, %mul3A_770 : vector<16xf32>
      %broadcast_in_dim3A_772 = arith.constant 10 : i32
      %broadcast_in_dim3A_773 = vector.broadcast %broadcast_in_dim3A_772 : i32 to vector<16x1xi32>
      %gather3A_774 = vector.shape_cast %broadcast_in_dim3A_773 : vector<16x1xi32> to vector<16xi32>
      %gather3A_775 = tpu.dynamic_gather %mul3A_98[%gather3A_774] in [0] : vector<16xf32>, vector<16xi32> -> vector<16xf32>
      %broadcast_in_dim3A_776 = arith.constant 10 : i32
      %broadcast_in_dim3A_777 = vector.broadcast %broadcast_in_dim3A_776 : i32 to vector<16xi32>
      %gather3A_778 = tpu.vector_load_idx %arg15[%iota3A, %broadcast_in_dim3A_777] : memref<16x128xf32, #tpu.memory_space<vmem>>[vector<16xi32>, vector<16xi32>], vector<16xf32>,
      %mul3A_779 = arith.mulf %gather3A_775, %gather3A_778 : vector<16xf32>
      %add3A_780 = arith.addf %add3A_744, %mul3A_779 : vector<16xf32>
      %broadcast_in_dim3A_781 = arith.constant 11 : i32
      %broadcast_in_dim3A_782 = vector.broadcast %broadcast_in_dim3A_781 : i32 to vector<16x1xi32>
      %gather3A_783 = vector.shape_cast %broadcast_in_dim3A_782 : vector<16x1xi32> to vector<16xi32>
      %gather3A_784 = tpu.dynamic_gather %mul3A_98[%gather3A_783] in [0] : vector<16xf32>, vector<16xi32> -> vector<16xf32>
      %broadcast_in_dim3A_785 = arith.constant 11 : i32
      %broadcast_in_dim3A_786 = vector.broadcast %broadcast_in_dim3A_785 : i32 to vector<16xi32>
      %gather3A_787 = tpu.vector_load_idx %arg15[%iota3A, %broadcast_in_dim3A_786] : memref<16x128xf32, #tpu.memory_space<vmem>>[vector<16xi32>, vector<16xi32>], vector<16xf32>,
      %mul3A_788 = arith.mulf %gather3A_784, %gather3A_787 : vector<16xf32>
      %add3A_789 = arith.addf %add3A_753, %mul3A_788 : vector<16xf32>
      %broadcast_in_dim3A_790 = arith.constant 12 : i32
      %broadcast_in_dim3A_791 = vector.broadcast %broadcast_in_dim3A_790 : i32 to vector<16x1xi32>
      %gather3A_792 = vector.shape_cast %broadcast_in_dim3A_791 : vector<16x1xi32> to vector<16xi32>
      %gather3A_793 = tpu.dynamic_gather %mul3A_98[%gather3A_792] in [0] : vector<16xf32>, vector<16xi32> -> vector<16xf32>
      %broadcast_in_dim3A_794 = arith.constant 12 : i32
      %broadcast_in_dim3A_795 = vector.broadcast %broadcast_in_dim3A_794 : i32 to vector<16xi32>
      %gather3A_796 = tpu.vector_load_idx %arg15[%iota3A, %broadcast_in_dim3A_795] : memref<16x128xf32, #tpu.memory_space<vmem>>[vector<16xi32>, vector<16xi32>], vector<16xf32>,
      %mul3A_797 = arith.mulf %gather3A_793, %gather3A_796 : vector<16xf32>
      %add3A_798 = arith.addf %add3A_762, %mul3A_797 : vector<16xf32>
      %broadcast_in_dim3A_799 = arith.constant 13 : i32
      %broadcast_in_dim3A_800 = vector.broadcast %broadcast_in_dim3A_799 : i32 to vector<16x1xi32>
      %gather3A_801 = vector.shape_cast %broadcast_in_dim3A_800 : vector<16x1xi32> to vector<16xi32>
      %gather3A_802 = tpu.dynamic_gather %mul3A_98[%gather3A_801] in [0] : vector<16xf32>, vector<16xi32> -> vector<16xf32>
      %broadcast_in_dim3A_803 = arith.constant 13 : i32
      %broadcast_in_dim3A_804 = vector.broadcast %broadcast_in_dim3A_803 : i32 to vector<16xi32>
      %gather3A_805 = tpu.vector_load_idx %arg15[%iota3A, %broadcast_in_dim3A_804] : memref<16x128xf32, #tpu.memory_space<vmem>>[vector<16xi32>, vector<16xi32>], vector<16xf32>,
      %mul3A_806 = arith.mulf %gather3A_802, %gather3A_805 : vector<16xf32>
      %add3A_807 = arith.addf %add3A_771, %mul3A_806 : vector<16xf32>
      %broadcast_in_dim3A_808 = arith.constant 14 : i32
      %broadcast_in_dim3A_809 = vector.broadcast %broadcast_in_dim3A_808 : i32 to vector<16x1xi32>
      %gather3A_810 = vector.shape_cast %broadcast_in_dim3A_809 : vector<16x1xi32> to vector<16xi32>
      %gather3A_811 = tpu.dynamic_gather %mul3A_98[%gather3A_810] in [0] : vector<16xf32>, vector<16xi32> -> vector<16xf32>
      %broadcast_in_dim3A_812 = arith.constant 14 : i32
      %broadcast_in_dim3A_813 = vector.broadcast %broadcast_in_dim3A_812 : i32 to vector<16xi32>
      %gather3A_814 = tpu.vector_load_idx %arg15[%iota3A, %broadcast_in_dim3A_813] : memref<16x128xf32, #tpu.memory_space<vmem>>[vector<16xi32>, vector<16xi32>], vector<16xf32>,
      %mul3A_815 = arith.mulf %gather3A_811, %gather3A_814 : vector<16xf32>
      %add3A_816 = arith.addf %add3A_780, %mul3A_815 : vector<16xf32>
      %broadcast_in_dim3A_817 = arith.constant 15 : i32
      %broadcast_in_dim3A_818 = vector.broadcast %broadcast_in_dim3A_817 : i32 to vector<16x1xi32>
      %gather3A_819 = vector.shape_cast %broadcast_in_dim3A_818 : vector<16x1xi32> to vector<16xi32>
      %gather3A_820 = tpu.dynamic_gather %mul3A_98[%gather3A_819] in [0] : vector<16xf32>, vector<16xi32> -> vector<16xf32>
      %broadcast_in_dim3A_821 = arith.constant 15 : i32
      %broadcast_in_dim3A_822 = vector.broadcast %broadcast_in_dim3A_821 : i32 to vector<16xi32>
      %gather3A_823 = tpu.vector_load_idx %arg15[%iota3A, %broadcast_in_dim3A_822] : memref<16x128xf32, #tpu.memory_space<vmem>>[vector<16xi32>, vector<16xi32>], vector<16xf32>,
      %mul3A_824 = arith.mulf %gather3A_820, %gather3A_823 : vector<16xf32>
      %add3A_825 = arith.addf %add3A_789, %mul3A_824 : vector<16xf32>
      %broadcast_in_dim3A_826 = arith.constant 0 : i32
      %broadcast_in_dim3A_827 = vector.broadcast %broadcast_in_dim3A_826 : i32 to vector<16x1xi32>
      %gather3A_828 = vector.shape_cast %broadcast_in_dim3A_827 : vector<16x1xi32> to vector<16xi32>
      %gather3A_829 = tpu.dynamic_gather %mul3A_180[%gather3A_828] in [0] : vector<16xf32>, vector<16xi32> -> vector<16xf32>
      %broadcast_in_dim3A_830 = arith.constant 16 : i32
      %broadcast_in_dim3A_831 = vector.broadcast %broadcast_in_dim3A_830 : i32 to vector<16xi32>
      %gather3A_832 = tpu.vector_load_idx %arg15[%iota3A, %broadcast_in_dim3A_831] : memref<16x128xf32, #tpu.memory_space<vmem>>[vector<16xi32>, vector<16xi32>], vector<16xf32>,
      %mul3A_833 = arith.mulf %gather3A_829, %gather3A_832 : vector<16xf32>
      %add3A_834 = arith.addf %add3A_798, %mul3A_833 : vector<16xf32>
      %broadcast_in_dim3A_835 = arith.constant 1 : i32
      %broadcast_in_dim3A_836 = vector.broadcast %broadcast_in_dim3A_835 : i32 to vector<16x1xi32>
      %gather3A_837 = vector.shape_cast %broadcast_in_dim3A_836 : vector<16x1xi32> to vector<16xi32>
      %gather3A_838 = tpu.dynamic_gather %mul3A_180[%gather3A_837] in [0] : vector<16xf32>, vector<16xi32> -> vector<16xf32>
      %broadcast_in_dim3A_839 = arith.constant 17 : i32
      %broadcast_in_dim3A_840 = vector.broadcast %broadcast_in_dim3A_839 : i32 to vector<16xi32>
      %gather3A_841 = tpu.vector_load_idx %arg15[%iota3A, %broadcast_in_dim3A_840] : memref<16x128xf32, #tpu.memory_space<vmem>>[vector<16xi32>, vector<16xi32>], vector<16xf32>,
      %mul3A_842 = arith.mulf %gather3A_838, %gather3A_841 : vector<16xf32>
      %add3A_843 = arith.addf %add3A_807, %mul3A_842 : vector<16xf32>
      %broadcast_in_dim3A_844 = arith.constant 2 : i32
      %broadcast_in_dim3A_845 = vector.broadcast %broadcast_in_dim3A_844 : i32 to vector<16x1xi32>
      %gather3A_846 = vector.shape_cast %broadcast_in_dim3A_845 : vector<16x1xi32> to vector<16xi32>
      %gather3A_847 = tpu.dynamic_gather %mul3A_180[%gather3A_846] in [0] : vector<16xf32>, vector<16xi32> -> vector<16xf32>
      %broadcast_in_dim3A_848 = arith.constant 18 : i32
      %broadcast_in_dim3A_849 = vector.broadcast %broadcast_in_dim3A_848 : i32 to vector<16xi32>
      %gather3A_850 = tpu.vector_load_idx %arg15[%iota3A, %broadcast_in_dim3A_849] : memref<16x128xf32, #tpu.memory_space<vmem>>[vector<16xi32>, vector<16xi32>], vector<16xf32>,
      %mul3A_851 = arith.mulf %gather3A_847, %gather3A_850 : vector<16xf32>
      %add3A_852 = arith.addf %add3A_816, %mul3A_851 : vector<16xf32>
      %broadcast_in_dim3A_853 = arith.constant 3 : i32
      %broadcast_in_dim3A_854 = vector.broadcast %broadcast_in_dim3A_853 : i32 to vector<16x1xi32>
      %gather3A_855 = vector.shape_cast %broadcast_in_dim3A_854 : vector<16x1xi32> to vector<16xi32>
      %gather3A_856 = tpu.dynamic_gather %mul3A_180[%gather3A_855] in [0] : vector<16xf32>, vector<16xi32> -> vector<16xf32>
      %broadcast_in_dim3A_857 = arith.constant 19 : i32
      %broadcast_in_dim3A_858 = vector.broadcast %broadcast_in_dim3A_857 : i32 to vector<16xi32>
      %gather3A_859 = tpu.vector_load_idx %arg15[%iota3A, %broadcast_in_dim3A_858] : memref<16x128xf32, #tpu.memory_space<vmem>>[vector<16xi32>, vector<16xi32>], vector<16xf32>,
      %mul3A_860 = arith.mulf %gather3A_856, %gather3A_859 : vector<16xf32>
      %add3A_861 = arith.addf %add3A_825, %mul3A_860 : vector<16xf32>
      %broadcast_in_dim3A_862 = arith.constant 4 : i32
      %broadcast_in_dim3A_863 = vector.broadcast %broadcast_in_dim3A_862 : i32 to vector<16x1xi32>
      %gather3A_864 = vector.shape_cast %broadcast_in_dim3A_863 : vector<16x1xi32> to vector<16xi32>
      %gather3A_865 = tpu.dynamic_gather %mul3A_180[%gather3A_864] in [0] : vector<16xf32>, vector<16xi32> -> vector<16xf32>
      %broadcast_in_dim3A_866 = arith.constant 20 : i32
      %broadcast_in_dim3A_867 = vector.broadcast %broadcast_in_dim3A_866 : i32 to vector<16xi32>
      %gather3A_868 = tpu.vector_load_idx %arg15[%iota3A, %broadcast_in_dim3A_867] : memref<16x128xf32, #tpu.memory_space<vmem>>[vector<16xi32>, vector<16xi32>], vector<16xf32>,
      %mul3A_869 = arith.mulf %gather3A_865, %gather3A_868 : vector<16xf32>
      %add3A_870 = arith.addf %add3A_834, %mul3A_869 : vector<16xf32>
      %broadcast_in_dim3A_871 = arith.constant 5 : i32
      %broadcast_in_dim3A_872 = vector.broadcast %broadcast_in_dim3A_871 : i32 to vector<16x1xi32>
      %gather3A_873 = vector.shape_cast %broadcast_in_dim3A_872 : vector<16x1xi32> to vector<16xi32>
      %gather3A_874 = tpu.dynamic_gather %mul3A_180[%gather3A_873] in [0] : vector<16xf32>, vector<16xi32> -> vector<16xf32>
      %broadcast_in_dim3A_875 = arith.constant 21 : i32
      %broadcast_in_dim3A_876 = vector.broadcast %broadcast_in_dim3A_875 : i32 to vector<16xi32>
      %gather3A_877 = tpu.vector_load_idx %arg15[%iota3A, %broadcast_in_dim3A_876] : memref<16x128xf32, #tpu.memory_space<vmem>>[vector<16xi32>, vector<16xi32>], vector<16xf32>,
      %mul3A_878 = arith.mulf %gather3A_874, %gather3A_877 : vector<16xf32>
      %add3A_879 = arith.addf %add3A_843, %mul3A_878 : vector<16xf32>
      %broadcast_in_dim3A_880 = arith.constant 6 : i32
      %broadcast_in_dim3A_881 = vector.broadcast %broadcast_in_dim3A_880 : i32 to vector<16x1xi32>
      %gather3A_882 = vector.shape_cast %broadcast_in_dim3A_881 : vector<16x1xi32> to vector<16xi32>
      %gather3A_883 = tpu.dynamic_gather %mul3A_180[%gather3A_882] in [0] : vector<16xf32>, vector<16xi32> -> vector<16xf32>
      %broadcast_in_dim3A_884 = arith.constant 22 : i32
      %broadcast_in_dim3A_885 = vector.broadcast %broadcast_in_dim3A_884 : i32 to vector<16xi32>
      %gather3A_886 = tpu.vector_load_idx %arg15[%iota3A, %broadcast_in_dim3A_885] : memref<16x128xf32, #tpu.memory_space<vmem>>[vector<16xi32>, vector<16xi32>], vector<16xf32>,
      %mul3A_887 = arith.mulf %gather3A_883, %gather3A_886 : vector<16xf32>
      %add3A_888 = arith.addf %add3A_852, %mul3A_887 : vector<16xf32>
      %broadcast_in_dim3A_889 = arith.constant 7 : i32
      %broadcast_in_dim3A_890 = vector.broadcast %broadcast_in_dim3A_889 : i32 to vector<16x1xi32>
      %gather3A_891 = vector.shape_cast %broadcast_in_dim3A_890 : vector<16x1xi32> to vector<16xi32>
      %gather3A_892 = tpu.dynamic_gather %mul3A_180[%gather3A_891] in [0] : vector<16xf32>, vector<16xi32> -> vector<16xf32>
      %broadcast_in_dim3A_893 = arith.constant 23 : i32
      %broadcast_in_dim3A_894 = vector.broadcast %broadcast_in_dim3A_893 : i32 to vector<16xi32>
      %gather3A_895 = tpu.vector_load_idx %arg15[%iota3A, %broadcast_in_dim3A_894] : memref<16x128xf32, #tpu.memory_space<vmem>>[vector<16xi32>, vector<16xi32>], vector<16xf32>,
      %mul3A_896 = arith.mulf %gather3A_892, %gather3A_895 : vector<16xf32>
      %add3A_897 = arith.addf %add3A_861, %mul3A_896 : vector<16xf32>
      %broadcast_in_dim3A_898 = arith.constant 8 : i32
      %broadcast_in_dim3A_899 = vector.broadcast %broadcast_in_dim3A_898 : i32 to vector<16x1xi32>
      %gather3A_900 = vector.shape_cast %broadcast_in_dim3A_899 : vector<16x1xi32> to vector<16xi32>
      %gather3A_901 = tpu.dynamic_gather %mul3A_180[%gather3A_900] in [0] : vector<16xf32>, vector<16xi32> -> vector<16xf32>
      %broadcast_in_dim3A_902 = arith.constant 24 : i32
      %broadcast_in_dim3A_903 = vector.broadcast %broadcast_in_dim3A_902 : i32 to vector<16xi32>
      %gather3A_904 = tpu.vector_load_idx %arg15[%iota3A, %broadcast_in_dim3A_903] : memref<16x128xf32, #tpu.memory_space<vmem>>[vector<16xi32>, vector<16xi32>], vector<16xf32>,
      %mul3A_905 = arith.mulf %gather3A_901, %gather3A_904 : vector<16xf32>
      %add3A_906 = arith.addf %add3A_870, %mul3A_905 : vector<16xf32>
      %broadcast_in_dim3A_907 = arith.constant 9 : i32
      %broadcast_in_dim3A_908 = vector.broadcast %broadcast_in_dim3A_907 : i32 to vector<16x1xi32>
      %gather3A_909 = vector.shape_cast %broadcast_in_dim3A_908 : vector<16x1xi32> to vector<16xi32>
      %gather3A_910 = tpu.dynamic_gather %mul3A_180[%gather3A_909] in [0] : vector<16xf32>, vector<16xi32> -> vector<16xf32>
      %broadcast_in_dim3A_911 = arith.constant 25 : i32
      %broadcast_in_dim3A_912 = vector.broadcast %broadcast_in_dim3A_911 : i32 to vector<16xi32>
      %gather3A_913 = tpu.vector_load_idx %arg15[%iota3A, %broadcast_in_dim3A_912] : memref<16x128xf32, #tpu.memory_space<vmem>>[vector<16xi32>, vector<16xi32>], vector<16xf32>,
      %mul3A_914 = arith.mulf %gather3A_910, %gather3A_913 : vector<16xf32>
      %add3A_915 = arith.addf %add3A_879, %mul3A_914 : vector<16xf32>
      %broadcast_in_dim3A_916 = arith.constant 10 : i32
      %broadcast_in_dim3A_917 = vector.broadcast %broadcast_in_dim3A_916 : i32 to vector<16x1xi32>
      %gather3A_918 = vector.shape_cast %broadcast_in_dim3A_917 : vector<16x1xi32> to vector<16xi32>
      %gather3A_919 = tpu.dynamic_gather %mul3A_180[%gather3A_918] in [0] : vector<16xf32>, vector<16xi32> -> vector<16xf32>
      %broadcast_in_dim3A_920 = arith.constant 26 : i32
      %broadcast_in_dim3A_921 = vector.broadcast %broadcast_in_dim3A_920 : i32 to vector<16xi32>
      %gather3A_922 = tpu.vector_load_idx %arg15[%iota3A, %broadcast_in_dim3A_921] : memref<16x128xf32, #tpu.memory_space<vmem>>[vector<16xi32>, vector<16xi32>], vector<16xf32>,
      %mul3A_923 = arith.mulf %gather3A_919, %gather3A_922 : vector<16xf32>
      %add3A_924 = arith.addf %add3A_888, %mul3A_923 : vector<16xf32>
      %broadcast_in_dim3A_925 = arith.constant 11 : i32
      %broadcast_in_dim3A_926 = vector.broadcast %broadcast_in_dim3A_925 : i32 to vector<16x1xi32>
      %gather3A_927 = vector.shape_cast %broadcast_in_dim3A_926 : vector<16x1xi32> to vector<16xi32>
      %gather3A_928 = tpu.dynamic_gather %mul3A_180[%gather3A_927] in [0] : vector<16xf32>, vector<16xi32> -> vector<16xf32>
      %broadcast_in_dim3A_929 = arith.constant 27 : i32
      %broadcast_in_dim3A_930 = vector.broadcast %broadcast_in_dim3A_929 : i32 to vector<16xi32>
      %gather3A_931 = tpu.vector_load_idx %arg15[%iota3A, %broadcast_in_dim3A_930] : memref<16x128xf32, #tpu.memory_space<vmem>>[vector<16xi32>, vector<16xi32>], vector<16xf32>,
      %mul3A_932 = arith.mulf %gather3A_928, %gather3A_931 : vector<16xf32>
      %add3A_933 = arith.addf %add3A_897, %mul3A_932 : vector<16xf32>
      %broadcast_in_dim3A_934 = arith.constant 12 : i32
      %broadcast_in_dim3A_935 = vector.broadcast %broadcast_in_dim3A_934 : i32 to vector<16x1xi32>
      %gather3A_936 = vector.shape_cast %broadcast_in_dim3A_935 : vector<16x1xi32> to vector<16xi32>
      %gather3A_937 = tpu.dynamic_gather %mul3A_180[%gather3A_936] in [0] : vector<16xf32>, vector<16xi32> -> vector<16xf32>
      %broadcast_in_dim3A_938 = arith.constant 28 : i32
      %broadcast_in_dim3A_939 = vector.broadcast %broadcast_in_dim3A_938 : i32 to vector<16xi32>
      %gather3A_940 = tpu.vector_load_idx %arg15[%iota3A, %broadcast_in_dim3A_939] : memref<16x128xf32, #tpu.memory_space<vmem>>[vector<16xi32>, vector<16xi32>], vector<16xf32>,
      %mul3A_941 = arith.mulf %gather3A_937, %gather3A_940 : vector<16xf32>
      %add3A_942 = arith.addf %add3A_906, %mul3A_941 : vector<16xf32>
      %broadcast_in_dim3A_943 = arith.constant 13 : i32
      %broadcast_in_dim3A_944 = vector.broadcast %broadcast_in_dim3A_943 : i32 to vector<16x1xi32>
      %gather3A_945 = vector.shape_cast %broadcast_in_dim3A_944 : vector<16x1xi32> to vector<16xi32>
      %gather3A_946 = tpu.dynamic_gather %mul3A_180[%gather3A_945] in [0] : vector<16xf32>, vector<16xi32> -> vector<16xf32>
      %broadcast_in_dim3A_947 = arith.constant 29 : i32
      %broadcast_in_dim3A_948 = vector.broadcast %broadcast_in_dim3A_947 : i32 to vector<16xi32>
      %gather3A_949 = tpu.vector_load_idx %arg15[%iota3A, %broadcast_in_dim3A_948] : memref<16x128xf32, #tpu.memory_space<vmem>>[vector<16xi32>, vector<16xi32>], vector<16xf32>,
      %mul3A_950 = arith.mulf %gather3A_946, %gather3A_949 : vector<16xf32>
      %add3A_951 = arith.addf %add3A_915, %mul3A_950 : vector<16xf32>
      %broadcast_in_dim3A_952 = arith.constant 14 : i32
      %broadcast_in_dim3A_953 = vector.broadcast %broadcast_in_dim3A_952 : i32 to vector<16x1xi32>
      %gather3A_954 = vector.shape_cast %broadcast_in_dim3A_953 : vector<16x1xi32> to vector<16xi32>
      %gather3A_955 = tpu.dynamic_gather %mul3A_180[%gather3A_954] in [0] : vector<16xf32>, vector<16xi32> -> vector<16xf32>
      %broadcast_in_dim3A_956 = arith.constant 30 : i32
      %broadcast_in_dim3A_957 = vector.broadcast %broadcast_in_dim3A_956 : i32 to vector<16xi32>
      %gather3A_958 = tpu.vector_load_idx %arg15[%iota3A, %broadcast_in_dim3A_957] : memref<16x128xf32, #tpu.memory_space<vmem>>[vector<16xi32>, vector<16xi32>], vector<16xf32>,
      %mul3A_959 = arith.mulf %gather3A_955, %gather3A_958 : vector<16xf32>
      %add3A_960 = arith.addf %add3A_924, %mul3A_959 : vector<16xf32>
      %broadcast_in_dim3A_961 = arith.constant 15 : i32
      %broadcast_in_dim3A_962 = vector.broadcast %broadcast_in_dim3A_961 : i32 to vector<16x1xi32>
      %gather3A_963 = vector.shape_cast %broadcast_in_dim3A_962 : vector<16x1xi32> to vector<16xi32>
      %gather3A_964 = tpu.dynamic_gather %mul3A_180[%gather3A_963] in [0] : vector<16xf32>, vector<16xi32> -> vector<16xf32>
      %broadcast_in_dim3A_965 = arith.constant 31 : i32
      %broadcast_in_dim3A_966 = vector.broadcast %broadcast_in_dim3A_965 : i32 to vector<16xi32>
      %gather3A_967 = tpu.vector_load_idx %arg15[%iota3A, %broadcast_in_dim3A_966] : memref<16x128xf32, #tpu.memory_space<vmem>>[vector<16xi32>, vector<16xi32>], vector<16xf32>,
      %mul3A_968 = arith.mulf %gather3A_964, %gather3A_967 : vector<16xf32>
      %add3A_969 = arith.addf %add3A_933, %mul3A_968 : vector<16xf32>
      %broadcast_in_dim3A_970 = arith.constant 0 : i32
      %broadcast_in_dim3A_971 = vector.broadcast %broadcast_in_dim3A_970 : i32 to vector<16x1xi32>
      %gather3A_972 = vector.shape_cast %broadcast_in_dim3A_971 : vector<16x1xi32> to vector<16xi32>
      %gather3A_973 = tpu.dynamic_gather %mul3A_262[%gather3A_972] in [0] : vector<16xf32>, vector<16xi32> -> vector<16xf32>
      %broadcast_in_dim3A_974 = arith.constant 32 : i32
      %broadcast_in_dim3A_975 = vector.broadcast %broadcast_in_dim3A_974 : i32 to vector<16xi32>
      %gather3A_976 = tpu.vector_load_idx %arg15[%iota3A, %broadcast_in_dim3A_975] : memref<16x128xf32, #tpu.memory_space<vmem>>[vector<16xi32>, vector<16xi32>], vector<16xf32>,
      %mul3A_977 = arith.mulf %gather3A_973, %gather3A_976 : vector<16xf32>
      %add3A_978 = arith.addf %add3A_942, %mul3A_977 : vector<16xf32>
      %broadcast_in_dim3A_979 = arith.constant 1 : i32
      %broadcast_in_dim3A_980 = vector.broadcast %broadcast_in_dim3A_979 : i32 to vector<16x1xi32>
      %gather3A_981 = vector.shape_cast %broadcast_in_dim3A_980 : vector<16x1xi32> to vector<16xi32>
      %gather3A_982 = tpu.dynamic_gather %mul3A_262[%gather3A_981] in [0] : vector<16xf32>, vector<16xi32> -> vector<16xf32>
      %broadcast_in_dim3A_983 = arith.constant 33 : i32
      %broadcast_in_dim3A_984 = vector.broadcast %broadcast_in_dim3A_983 : i32 to vector<16xi32>
      %gather3A_985 = tpu.vector_load_idx %arg15[%iota3A, %broadcast_in_dim3A_984] : memref<16x128xf32, #tpu.memory_space<vmem>>[vector<16xi32>, vector<16xi32>], vector<16xf32>,
      %mul3A_986 = arith.mulf %gather3A_982, %gather3A_985 : vector<16xf32>
      %add3A_987 = arith.addf %add3A_951, %mul3A_986 : vector<16xf32>
      %broadcast_in_dim3A_988 = arith.constant 2 : i32
      %broadcast_in_dim3A_989 = vector.broadcast %broadcast_in_dim3A_988 : i32 to vector<16x1xi32>
      %gather3A_990 = vector.shape_cast %broadcast_in_dim3A_989 : vector<16x1xi32> to vector<16xi32>
      %gather3A_991 = tpu.dynamic_gather %mul3A_262[%gather3A_990] in [0] : vector<16xf32>, vector<16xi32> -> vector<16xf32>
      %broadcast_in_dim3A_992 = arith.constant 34 : i32
      %broadcast_in_dim3A_993 = vector.broadcast %broadcast_in_dim3A_992 : i32 to vector<16xi32>
      %gather3A_994 = tpu.vector_load_idx %arg15[%iota3A, %broadcast_in_dim3A_993] : memref<16x128xf32, #tpu.memory_space<vmem>>[vector<16xi32>, vector<16xi32>], vector<16xf32>,
      %mul3A_995 = arith.mulf %gather3A_991, %gather3A_994 : vector<16xf32>
      %add3A_996 = arith.addf %add3A_960, %mul3A_995 : vector<16xf32>
      %broadcast_in_dim3A_997 = arith.constant 3 : i32
      %broadcast_in_dim3A_998 = vector.broadcast %broadcast_in_dim3A_997 : i32 to vector<16x1xi32>
      %gather3A_999 = vector.shape_cast %broadcast_in_dim3A_998 : vector<16x1xi32> to vector<16xi32>
      %gather3A_1000 = tpu.dynamic_gather %mul3A_262[%gather3A_999] in [0] : vector<16xf32>, vector<16xi32> -> vector<16xf32>
      %broadcast_in_dim3A_1001 = arith.constant 35 : i32
      %broadcast_in_dim3A_1002 = vector.broadcast %broadcast_in_dim3A_1001 : i32 to vector<16xi32>
      %gather3A_1003 = tpu.vector_load_idx %arg15[%iota3A, %broadcast_in_dim3A_1002] : memref<16x128xf32, #tpu.memory_space<vmem>>[vector<16xi32>, vector<16xi32>], vector<16xf32>,
      %mul3A_1004 = arith.mulf %gather3A_1000, %gather3A_1003 : vector<16xf32>
      %add3A_1005 = arith.addf %add3A_969, %mul3A_1004 : vector<16xf32>
      %broadcast_in_dim3A_1006 = arith.constant 4 : i32
      %broadcast_in_dim3A_1007 = vector.broadcast %broadcast_in_dim3A_1006 : i32 to vector<16x1xi32>
      %gather3A_1008 = vector.shape_cast %broadcast_in_dim3A_1007 : vector<16x1xi32> to vector<16xi32>
      %gather3A_1009 = tpu.dynamic_gather %mul3A_262[%gather3A_1008] in [0] : vector<16xf32>, vector<16xi32> -> vector<16xf32>
      %broadcast_in_dim3A_1010 = arith.constant 36 : i32
      %broadcast_in_dim3A_1011 = vector.broadcast %broadcast_in_dim3A_1010 : i32 to vector<16xi32>
      %gather3A_1012 = tpu.vector_load_idx %arg15[%iota3A, %broadcast_in_dim3A_1011] : memref<16x128xf32, #tpu.memory_space<vmem>>[vector<16xi32>, vector<16xi32>], vector<16xf32>,
      %mul3A_1013 = arith.mulf %gather3A_1009, %gather3A_1012 : vector<16xf32>
      %add3A_1014 = arith.addf %add3A_978, %mul3A_1013 : vector<16xf32>
      %broadcast_in_dim3A_1015 = arith.constant 5 : i32
      %broadcast_in_dim3A_1016 = vector.broadcast %broadcast_in_dim3A_1015 : i32 to vector<16x1xi32>
      %gather3A_1017 = vector.shape_cast %broadcast_in_dim3A_1016 : vector<16x1xi32> to vector<16xi32>
      %gather3A_1018 = tpu.dynamic_gather %mul3A_262[%gather3A_1017] in [0] : vector<16xf32>, vector<16xi32> -> vector<16xf32>
      %broadcast_in_dim3A_1019 = arith.constant 37 : i32
      %broadcast_in_dim3A_1020 = vector.broadcast %broadcast_in_dim3A_1019 : i32 to vector<16xi32>
      %gather3A_1021 = tpu.vector_load_idx %arg15[%iota3A, %broadcast_in_dim3A_1020] : memref<16x128xf32, #tpu.memory_space<vmem>>[vector<16xi32>, vector<16xi32>], vector<16xf32>,
      %mul3A_1022 = arith.mulf %gather3A_1018, %gather3A_1021 : vector<16xf32>
      %add3A_1023 = arith.addf %add3A_987, %mul3A_1022 : vector<16xf32>
      %broadcast_in_dim3A_1024 = arith.constant 6 : i32
      %broadcast_in_dim3A_1025 = vector.broadcast %broadcast_in_dim3A_1024 : i32 to vector<16x1xi32>
      %gather3A_1026 = vector.shape_cast %broadcast_in_dim3A_1025 : vector<16x1xi32> to vector<16xi32>
      %gather3A_1027 = tpu.dynamic_gather %mul3A_262[%gather3A_1026] in [0] : vector<16xf32>, vector<16xi32> -> vector<16xf32>
      %broadcast_in_dim3A_1028 = arith.constant 38 : i32
      %broadcast_in_dim3A_1029 = vector.broadcast %broadcast_in_dim3A_1028 : i32 to vector<16xi32>
      %gather3A_1030 = tpu.vector_load_idx %arg15[%iota3A, %broadcast_in_dim3A_1029] : memref<16x128xf32, #tpu.memory_space<vmem>>[vector<16xi32>, vector<16xi32>], vector<16xf32>,
      %mul3A_1031 = arith.mulf %gather3A_1027, %gather3A_1030 : vector<16xf32>
      %add3A_1032 = arith.addf %add3A_996, %mul3A_1031 : vector<16xf32>
      %broadcast_in_dim3A_1033 = arith.constant 7 : i32
      %broadcast_in_dim3A_1034 = vector.broadcast %broadcast_in_dim3A_1033 : i32 to vector<16x1xi32>
      %gather3A_1035 = vector.shape_cast %broadcast_in_dim3A_1034 : vector<16x1xi32> to vector<16xi32>
      %gather3A_1036 = tpu.dynamic_gather %mul3A_262[%gather3A_1035] in [0] : vector<16xf32>, vector<16xi32> -> vector<16xf32>
      %broadcast_in_dim3A_1037 = arith.constant 39 : i32
      %broadcast_in_dim3A_1038 = vector.broadcast %broadcast_in_dim3A_1037 : i32 to vector<16xi32>
      %gather3A_1039 = tpu.vector_load_idx %arg15[%iota3A, %broadcast_in_dim3A_1038] : memref<16x128xf32, #tpu.memory_space<vmem>>[vector<16xi32>, vector<16xi32>], vector<16xf32>,
      %mul3A_1040 = arith.mulf %gather3A_1036, %gather3A_1039 : vector<16xf32>
      %add3A_1041 = arith.addf %add3A_1005, %mul3A_1040 : vector<16xf32>
      %broadcast_in_dim3A_1042 = arith.constant 8 : i32
      %broadcast_in_dim3A_1043 = vector.broadcast %broadcast_in_dim3A_1042 : i32 to vector<16x1xi32>
      %gather3A_1044 = vector.shape_cast %broadcast_in_dim3A_1043 : vector<16x1xi32> to vector<16xi32>
      %gather3A_1045 = tpu.dynamic_gather %mul3A_262[%gather3A_1044] in [0] : vector<16xf32>, vector<16xi32> -> vector<16xf32>
      %broadcast_in_dim3A_1046 = arith.constant 40 : i32
      %broadcast_in_dim3A_1047 = vector.broadcast %broadcast_in_dim3A_1046 : i32 to vector<16xi32>
      %gather3A_1048 = tpu.vector_load_idx %arg15[%iota3A, %broadcast_in_dim3A_1047] : memref<16x128xf32, #tpu.memory_space<vmem>>[vector<16xi32>, vector<16xi32>], vector<16xf32>,
      %mul3A_1049 = arith.mulf %gather3A_1045, %gather3A_1048 : vector<16xf32>
      %add3A_1050 = arith.addf %add3A_1014, %mul3A_1049 : vector<16xf32>
      %broadcast_in_dim3A_1051 = arith.constant 9 : i32
      %broadcast_in_dim3A_1052 = vector.broadcast %broadcast_in_dim3A_1051 : i32 to vector<16x1xi32>
      %gather3A_1053 = vector.shape_cast %broadcast_in_dim3A_1052 : vector<16x1xi32> to vector<16xi32>
      %gather3A_1054 = tpu.dynamic_gather %mul3A_262[%gather3A_1053] in [0] : vector<16xf32>, vector<16xi32> -> vector<16xf32>
      %broadcast_in_dim3A_1055 = arith.constant 41 : i32
      %broadcast_in_dim3A_1056 = vector.broadcast %broadcast_in_dim3A_1055 : i32 to vector<16xi32>
      %gather3A_1057 = tpu.vector_load_idx %arg15[%iota3A, %broadcast_in_dim3A_1056] : memref<16x128xf32, #tpu.memory_space<vmem>>[vector<16xi32>, vector<16xi32>], vector<16xf32>,
      %mul3A_1058 = arith.mulf %gather3A_1054, %gather3A_1057 : vector<16xf32>
      %add3A_1059 = arith.addf %add3A_1023, %mul3A_1058 : vector<16xf32>
      %broadcast_in_dim3A_1060 = arith.constant 10 : i32
      %broadcast_in_dim3A_1061 = vector.broadcast %broadcast_in_dim3A_1060 : i32 to vector<16x1xi32>
      %gather3A_1062 = vector.shape_cast %broadcast_in_dim3A_1061 : vector<16x1xi32> to vector<16xi32>
      %gather3A_1063 = tpu.dynamic_gather %mul3A_262[%gather3A_1062] in [0] : vector<16xf32>, vector<16xi32> -> vector<16xf32>
      %broadcast_in_dim3A_1064 = arith.constant 42 : i32
      %broadcast_in_dim3A_1065 = vector.broadcast %broadcast_in_dim3A_1064 : i32 to vector<16xi32>
      %gather3A_1066 = tpu.vector_load_idx %arg15[%iota3A, %broadcast_in_dim3A_1065] : memref<16x128xf32, #tpu.memory_space<vmem>>[vector<16xi32>, vector<16xi32>], vector<16xf32>,
      %mul3A_1067 = arith.mulf %gather3A_1063, %gather3A_1066 : vector<16xf32>
      %add3A_1068 = arith.addf %add3A_1032, %mul3A_1067 : vector<16xf32>
      %broadcast_in_dim3A_1069 = arith.constant 11 : i32
      %broadcast_in_dim3A_1070 = vector.broadcast %broadcast_in_dim3A_1069 : i32 to vector<16x1xi32>
      %gather3A_1071 = vector.shape_cast %broadcast_in_dim3A_1070 : vector<16x1xi32> to vector<16xi32>
      %gather3A_1072 = tpu.dynamic_gather %mul3A_262[%gather3A_1071] in [0] : vector<16xf32>, vector<16xi32> -> vector<16xf32>
      %broadcast_in_dim3A_1073 = arith.constant 43 : i32
      %broadcast_in_dim3A_1074 = vector.broadcast %broadcast_in_dim3A_1073 : i32 to vector<16xi32>
      %gather3A_1075 = tpu.vector_load_idx %arg15[%iota3A, %broadcast_in_dim3A_1074] : memref<16x128xf32, #tpu.memory_space<vmem>>[vector<16xi32>, vector<16xi32>], vector<16xf32>,
      %mul3A_1076 = arith.mulf %gather3A_1072, %gather3A_1075 : vector<16xf32>
      %add3A_1077 = arith.addf %add3A_1041, %mul3A_1076 : vector<16xf32>
      %broadcast_in_dim3A_1078 = arith.constant 12 : i32
      %broadcast_in_dim3A_1079 = vector.broadcast %broadcast_in_dim3A_1078 : i32 to vector<16x1xi32>
      %gather3A_1080 = vector.shape_cast %broadcast_in_dim3A_1079 : vector<16x1xi32> to vector<16xi32>
      %gather3A_1081 = tpu.dynamic_gather %mul3A_262[%gather3A_1080] in [0] : vector<16xf32>, vector<16xi32> -> vector<16xf32>
      %broadcast_in_dim3A_1082 = arith.constant 44 : i32
      %broadcast_in_dim3A_1083 = vector.broadcast %broadcast_in_dim3A_1082 : i32 to vector<16xi32>
      %gather3A_1084 = tpu.vector_load_idx %arg15[%iota3A, %broadcast_in_dim3A_1083] : memref<16x128xf32, #tpu.memory_space<vmem>>[vector<16xi32>, vector<16xi32>], vector<16xf32>,
      %mul3A_1085 = arith.mulf %gather3A_1081, %gather3A_1084 : vector<16xf32>
      %add3A_1086 = arith.addf %add3A_1050, %mul3A_1085 : vector<16xf32>
      %broadcast_in_dim3A_1087 = arith.constant 13 : i32
      %broadcast_in_dim3A_1088 = vector.broadcast %broadcast_in_dim3A_1087 : i32 to vector<16x1xi32>
      %gather3A_1089 = vector.shape_cast %broadcast_in_dim3A_1088 : vector<16x1xi32> to vector<16xi32>
      %gather3A_1090 = tpu.dynamic_gather %mul3A_262[%gather3A_1089] in [0] : vector<16xf32>, vector<16xi32> -> vector<16xf32>
      %broadcast_in_dim3A_1091 = arith.constant 45 : i32
      %broadcast_in_dim3A_1092 = vector.broadcast %broadcast_in_dim3A_1091 : i32 to vector<16xi32>
      %gather3A_1093 = tpu.vector_load_idx %arg15[%iota3A, %broadcast_in_dim3A_1092] : memref<16x128xf32, #tpu.memory_space<vmem>>[vector<16xi32>, vector<16xi32>], vector<16xf32>,
      %mul3A_1094 = arith.mulf %gather3A_1090, %gather3A_1093 : vector<16xf32>
      %add3A_1095 = arith.addf %add3A_1059, %mul3A_1094 : vector<16xf32>
      %broadcast_in_dim3A_1096 = arith.constant 14 : i32
      %broadcast_in_dim3A_1097 = vector.broadcast %broadcast_in_dim3A_1096 : i32 to vector<16x1xi32>
      %gather3A_1098 = vector.shape_cast %broadcast_in_dim3A_1097 : vector<16x1xi32> to vector<16xi32>
      %gather3A_1099 = tpu.dynamic_gather %mul3A_262[%gather3A_1098] in [0] : vector<16xf32>, vector<16xi32> -> vector<16xf32>
      %broadcast_in_dim3A_1100 = arith.constant 46 : i32
      %broadcast_in_dim3A_1101 = vector.broadcast %broadcast_in_dim3A_1100 : i32 to vector<16xi32>
      %gather3A_1102 = tpu.vector_load_idx %arg15[%iota3A, %broadcast_in_dim3A_1101] : memref<16x128xf32, #tpu.memory_space<vmem>>[vector<16xi32>, vector<16xi32>], vector<16xf32>,
      %mul3A_1103 = arith.mulf %gather3A_1099, %gather3A_1102 : vector<16xf32>
      %add3A_1104 = arith.addf %add3A_1068, %mul3A_1103 : vector<16xf32>
      %broadcast_in_dim3A_1105 = arith.constant 15 : i32
      %broadcast_in_dim3A_1106 = vector.broadcast %broadcast_in_dim3A_1105 : i32 to vector<16x1xi32>
      %gather3A_1107 = vector.shape_cast %broadcast_in_dim3A_1106 : vector<16x1xi32> to vector<16xi32>
      %gather3A_1108 = tpu.dynamic_gather %mul3A_262[%gather3A_1107] in [0] : vector<16xf32>, vector<16xi32> -> vector<16xf32>
      %broadcast_in_dim3A_1109 = arith.constant 47 : i32
      %broadcast_in_dim3A_1110 = vector.broadcast %broadcast_in_dim3A_1109 : i32 to vector<16xi32>
      %gather3A_1111 = tpu.vector_load_idx %arg15[%iota3A, %broadcast_in_dim3A_1110] : memref<16x128xf32, #tpu.memory_space<vmem>>[vector<16xi32>, vector<16xi32>], vector<16xf32>,
      %mul3A_1112 = arith.mulf %gather3A_1108, %gather3A_1111 : vector<16xf32>
      %add3A_1113 = arith.addf %add3A_1077, %mul3A_1112 : vector<16xf32>
      %broadcast_in_dim3A_1114 = arith.constant 0 : i32
      %broadcast_in_dim3A_1115 = vector.broadcast %broadcast_in_dim3A_1114 : i32 to vector<16x1xi32>
      %gather3A_1116 = vector.shape_cast %broadcast_in_dim3A_1115 : vector<16x1xi32> to vector<16xi32>
      %gather3A_1117 = tpu.dynamic_gather %mul3A_344[%gather3A_1116] in [0] : vector<16xf32>, vector<16xi32> -> vector<16xf32>
      %broadcast_in_dim3A_1118 = arith.constant 48 : i32
      %broadcast_in_dim3A_1119 = vector.broadcast %broadcast_in_dim3A_1118 : i32 to vector<16xi32>
      %gather3A_1120 = tpu.vector_load_idx %arg15[%iota3A, %broadcast_in_dim3A_1119] : memref<16x128xf32, #tpu.memory_space<vmem>>[vector<16xi32>, vector<16xi32>], vector<16xf32>,
      %mul3A_1121 = arith.mulf %gather3A_1117, %gather3A_1120 : vector<16xf32>
      %add3A_1122 = arith.addf %add3A_1086, %mul3A_1121 : vector<16xf32>
      %broadcast_in_dim3A_1123 = arith.constant 1 : i32
      %broadcast_in_dim3A_1124 = vector.broadcast %broadcast_in_dim3A_1123 : i32 to vector<16x1xi32>
      %gather3A_1125 = vector.shape_cast %broadcast_in_dim3A_1124 : vector<16x1xi32> to vector<16xi32>
      %gather3A_1126 = tpu.dynamic_gather %mul3A_344[%gather3A_1125] in [0] : vector<16xf32>, vector<16xi32> -> vector<16xf32>
      %broadcast_in_dim3A_1127 = arith.constant 49 : i32
      %broadcast_in_dim3A_1128 = vector.broadcast %broadcast_in_dim3A_1127 : i32 to vector<16xi32>
      %gather3A_1129 = tpu.vector_load_idx %arg15[%iota3A, %broadcast_in_dim3A_1128] : memref<16x128xf32, #tpu.memory_space<vmem>>[vector<16xi32>, vector<16xi32>], vector<16xf32>,
      %mul3A_1130 = arith.mulf %gather3A_1126, %gather3A_1129 : vector<16xf32>
      %add3A_1131 = arith.addf %add3A_1095, %mul3A_1130 : vector<16xf32>
      %broadcast_in_dim3A_1132 = arith.constant 2 : i32
      %broadcast_in_dim3A_1133 = vector.broadcast %broadcast_in_dim3A_1132 : i32 to vector<16x1xi32>
      %gather3A_1134 = vector.shape_cast %broadcast_in_dim3A_1133 : vector<16x1xi32> to vector<16xi32>
      %gather3A_1135 = tpu.dynamic_gather %mul3A_344[%gather3A_1134] in [0] : vector<16xf32>, vector<16xi32> -> vector<16xf32>
      %broadcast_in_dim3A_1136 = arith.constant 50 : i32
      %broadcast_in_dim3A_1137 = vector.broadcast %broadcast_in_dim3A_1136 : i32 to vector<16xi32>
      %gather3A_1138 = tpu.vector_load_idx %arg15[%iota3A, %broadcast_in_dim3A_1137] : memref<16x128xf32, #tpu.memory_space<vmem>>[vector<16xi32>, vector<16xi32>], vector<16xf32>,
      %mul3A_1139 = arith.mulf %gather3A_1135, %gather3A_1138 : vector<16xf32>
      %add3A_1140 = arith.addf %add3A_1104, %mul3A_1139 : vector<16xf32>
      %broadcast_in_dim3A_1141 = arith.constant 3 : i32
      %broadcast_in_dim3A_1142 = vector.broadcast %broadcast_in_dim3A_1141 : i32 to vector<16x1xi32>
      %gather3A_1143 = vector.shape_cast %broadcast_in_dim3A_1142 : vector<16x1xi32> to vector<16xi32>
      %gather3A_1144 = tpu.dynamic_gather %mul3A_344[%gather3A_1143] in [0] : vector<16xf32>, vector<16xi32> -> vector<16xf32>
      %broadcast_in_dim3A_1145 = arith.constant 51 : i32
      %broadcast_in_dim3A_1146 = vector.broadcast %broadcast_in_dim3A_1145 : i32 to vector<16xi32>
      %gather3A_1147 = tpu.vector_load_idx %arg15[%iota3A, %broadcast_in_dim3A_1146] : memref<16x128xf32, #tpu.memory_space<vmem>>[vector<16xi32>, vector<16xi32>], vector<16xf32>,
      %mul3A_1148 = arith.mulf %gather3A_1144, %gather3A_1147 : vector<16xf32>
      %add3A_1149 = arith.addf %add3A_1113, %mul3A_1148 : vector<16xf32>
      %broadcast_in_dim3A_1150 = arith.constant 4 : i32
      %broadcast_in_dim3A_1151 = vector.broadcast %broadcast_in_dim3A_1150 : i32 to vector<16x1xi32>
      %gather3A_1152 = vector.shape_cast %broadcast_in_dim3A_1151 : vector<16x1xi32> to vector<16xi32>
      %gather3A_1153 = tpu.dynamic_gather %mul3A_344[%gather3A_1152] in [0] : vector<16xf32>, vector<16xi32> -> vector<16xf32>
      %broadcast_in_dim3A_1154 = arith.constant 52 : i32
      %broadcast_in_dim3A_1155 = vector.broadcast %broadcast_in_dim3A_1154 : i32 to vector<16xi32>
      %gather3A_1156 = tpu.vector_load_idx %arg15[%iota3A, %broadcast_in_dim3A_1155] : memref<16x128xf32, #tpu.memory_space<vmem>>[vector<16xi32>, vector<16xi32>], vector<16xf32>,
      %mul3A_1157 = arith.mulf %gather3A_1153, %gather3A_1156 : vector<16xf32>
      %add3A_1158 = arith.addf %add3A_1122, %mul3A_1157 : vector<16xf32>
      %broadcast_in_dim3A_1159 = arith.constant 5 : i32
      %broadcast_in_dim3A_1160 = vector.broadcast %broadcast_in_dim3A_1159 : i32 to vector<16x1xi32>
      %gather3A_1161 = vector.shape_cast %broadcast_in_dim3A_1160 : vector<16x1xi32> to vector<16xi32>
      %gather3A_1162 = tpu.dynamic_gather %mul3A_344[%gather3A_1161] in [0] : vector<16xf32>, vector<16xi32> -> vector<16xf32>
      %broadcast_in_dim3A_1163 = arith.constant 53 : i32
      %broadcast_in_dim3A_1164 = vector.broadcast %broadcast_in_dim3A_1163 : i32 to vector<16xi32>
      %gather3A_1165 = tpu.vector_load_idx %arg15[%iota3A, %broadcast_in_dim3A_1164] : memref<16x128xf32, #tpu.memory_space<vmem>>[vector<16xi32>, vector<16xi32>], vector<16xf32>,
      %mul3A_1166 = arith.mulf %gather3A_1162, %gather3A_1165 : vector<16xf32>
      %add3A_1167 = arith.addf %add3A_1131, %mul3A_1166 : vector<16xf32>
      %broadcast_in_dim3A_1168 = arith.constant 6 : i32
      %broadcast_in_dim3A_1169 = vector.broadcast %broadcast_in_dim3A_1168 : i32 to vector<16x1xi32>
      %gather3A_1170 = vector.shape_cast %broadcast_in_dim3A_1169 : vector<16x1xi32> to vector<16xi32>
      %gather3A_1171 = tpu.dynamic_gather %mul3A_344[%gather3A_1170] in [0] : vector<16xf32>, vector<16xi32> -> vector<16xf32>
      %broadcast_in_dim3A_1172 = arith.constant 54 : i32
      %broadcast_in_dim3A_1173 = vector.broadcast %broadcast_in_dim3A_1172 : i32 to vector<16xi32>
      %gather3A_1174 = tpu.vector_load_idx %arg15[%iota3A, %broadcast_in_dim3A_1173] : memref<16x128xf32, #tpu.memory_space<vmem>>[vector<16xi32>, vector<16xi32>], vector<16xf32>,
      %mul3A_1175 = arith.mulf %gather3A_1171, %gather3A_1174 : vector<16xf32>
      %add3A_1176 = arith.addf %add3A_1140, %mul3A_1175 : vector<16xf32>
      %broadcast_in_dim3A_1177 = arith.constant 7 : i32
      %broadcast_in_dim3A_1178 = vector.broadcast %broadcast_in_dim3A_1177 : i32 to vector<16x1xi32>
      %gather3A_1179 = vector.shape_cast %broadcast_in_dim3A_1178 : vector<16x1xi32> to vector<16xi32>
      %gather3A_1180 = tpu.dynamic_gather %mul3A_344[%gather3A_1179] in [0] : vector<16xf32>, vector<16xi32> -> vector<16xf32>
      %broadcast_in_dim3A_1181 = arith.constant 55 : i32
      %broadcast_in_dim3A_1182 = vector.broadcast %broadcast_in_dim3A_1181 : i32 to vector<16xi32>
      %gather3A_1183 = tpu.vector_load_idx %arg15[%iota3A, %broadcast_in_dim3A_1182] : memref<16x128xf32, #tpu.memory_space<vmem>>[vector<16xi32>, vector<16xi32>], vector<16xf32>,
      %mul3A_1184 = arith.mulf %gather3A_1180, %gather3A_1183 : vector<16xf32>
      %add3A_1185 = arith.addf %add3A_1149, %mul3A_1184 : vector<16xf32>
      %broadcast_in_dim3A_1186 = arith.constant 8 : i32
      %broadcast_in_dim3A_1187 = vector.broadcast %broadcast_in_dim3A_1186 : i32 to vector<16x1xi32>
      %gather3A_1188 = vector.shape_cast %broadcast_in_dim3A_1187 : vector<16x1xi32> to vector<16xi32>
      %gather3A_1189 = tpu.dynamic_gather %mul3A_344[%gather3A_1188] in [0] : vector<16xf32>, vector<16xi32> -> vector<16xf32>
      %broadcast_in_dim3A_1190 = arith.constant 56 : i32
      %broadcast_in_dim3A_1191 = vector.broadcast %broadcast_in_dim3A_1190 : i32 to vector<16xi32>
      %gather3A_1192 = tpu.vector_load_idx %arg15[%iota3A, %broadcast_in_dim3A_1191] : memref<16x128xf32, #tpu.memory_space<vmem>>[vector<16xi32>, vector<16xi32>], vector<16xf32>,
      %mul3A_1193 = arith.mulf %gather3A_1189, %gather3A_1192 : vector<16xf32>
      %add3A_1194 = arith.addf %add3A_1158, %mul3A_1193 : vector<16xf32>
      %broadcast_in_dim3A_1195 = arith.constant 9 : i32
      %broadcast_in_dim3A_1196 = vector.broadcast %broadcast_in_dim3A_1195 : i32 to vector<16x1xi32>
      %gather3A_1197 = vector.shape_cast %broadcast_in_dim3A_1196 : vector<16x1xi32> to vector<16xi32>
      %gather3A_1198 = tpu.dynamic_gather %mul3A_344[%gather3A_1197] in [0] : vector<16xf32>, vector<16xi32> -> vector<16xf32>
      %broadcast_in_dim3A_1199 = arith.constant 57 : i32
      %broadcast_in_dim3A_1200 = vector.broadcast %broadcast_in_dim3A_1199 : i32 to vector<16xi32>
      %gather3A_1201 = tpu.vector_load_idx %arg15[%iota3A, %broadcast_in_dim3A_1200] : memref<16x128xf32, #tpu.memory_space<vmem>>[vector<16xi32>, vector<16xi32>], vector<16xf32>,
      %mul3A_1202 = arith.mulf %gather3A_1198, %gather3A_1201 : vector<16xf32>
      %add3A_1203 = arith.addf %add3A_1167, %mul3A_1202 : vector<16xf32>
      %broadcast_in_dim3A_1204 = arith.constant 10 : i32
      %broadcast_in_dim3A_1205 = vector.broadcast %broadcast_in_dim3A_1204 : i32 to vector<16x1xi32>
      %gather3A_1206 = vector.shape_cast %broadcast_in_dim3A_1205 : vector<16x1xi32> to vector<16xi32>
      %gather3A_1207 = tpu.dynamic_gather %mul3A_344[%gather3A_1206] in [0] : vector<16xf32>, vector<16xi32> -> vector<16xf32>
      %broadcast_in_dim3A_1208 = arith.constant 58 : i32
      %broadcast_in_dim3A_1209 = vector.broadcast %broadcast_in_dim3A_1208 : i32 to vector<16xi32>
      %gather3A_1210 = tpu.vector_load_idx %arg15[%iota3A, %broadcast_in_dim3A_1209] : memref<16x128xf32, #tpu.memory_space<vmem>>[vector<16xi32>, vector<16xi32>], vector<16xf32>,
      %mul3A_1211 = arith.mulf %gather3A_1207, %gather3A_1210 : vector<16xf32>
      %add3A_1212 = arith.addf %add3A_1176, %mul3A_1211 : vector<16xf32>
      %broadcast_in_dim3A_1213 = arith.constant 11 : i32
      %broadcast_in_dim3A_1214 = vector.broadcast %broadcast_in_dim3A_1213 : i32 to vector<16x1xi32>
      %gather3A_1215 = vector.shape_cast %broadcast_in_dim3A_1214 : vector<16x1xi32> to vector<16xi32>
      %gather3A_1216 = tpu.dynamic_gather %mul3A_344[%gather3A_1215] in [0] : vector<16xf32>, vector<16xi32> -> vector<16xf32>
      %broadcast_in_dim3A_1217 = arith.constant 59 : i32
      %broadcast_in_dim3A_1218 = vector.broadcast %broadcast_in_dim3A_1217 : i32 to vector<16xi32>
      %gather3A_1219 = tpu.vector_load_idx %arg15[%iota3A, %broadcast_in_dim3A_1218] : memref<16x128xf32, #tpu.memory_space<vmem>>[vector<16xi32>, vector<16xi32>], vector<16xf32>,
      %mul3A_1220 = arith.mulf %gather3A_1216, %gather3A_1219 : vector<16xf32>
      %add3A_1221 = arith.addf %add3A_1185, %mul3A_1220 : vector<16xf32>
      %broadcast_in_dim3A_1222 = arith.constant 12 : i32
      %broadcast_in_dim3A_1223 = vector.broadcast %broadcast_in_dim3A_1222 : i32 to vector<16x1xi32>
      %gather3A_1224 = vector.shape_cast %broadcast_in_dim3A_1223 : vector<16x1xi32> to vector<16xi32>
      %gather3A_1225 = tpu.dynamic_gather %mul3A_344[%gather3A_1224] in [0] : vector<16xf32>, vector<16xi32> -> vector<16xf32>
      %broadcast_in_dim3A_1226 = arith.constant 60 : i32
      %broadcast_in_dim3A_1227 = vector.broadcast %broadcast_in_dim3A_1226 : i32 to vector<16xi32>
      %gather3A_1228 = tpu.vector_load_idx %arg15[%iota3A, %broadcast_in_dim3A_1227] : memref<16x128xf32, #tpu.memory_space<vmem>>[vector<16xi32>, vector<16xi32>], vector<16xf32>,
      %mul3A_1229 = arith.mulf %gather3A_1225, %gather3A_1228 : vector<16xf32>
      %add3A_1230 = arith.addf %add3A_1194, %mul3A_1229 : vector<16xf32>
      %broadcast_in_dim3A_1231 = arith.constant 13 : i32
      %broadcast_in_dim3A_1232 = vector.broadcast %broadcast_in_dim3A_1231 : i32 to vector<16x1xi32>
      %gather3A_1233 = vector.shape_cast %broadcast_in_dim3A_1232 : vector<16x1xi32> to vector<16xi32>
      %gather3A_1234 = tpu.dynamic_gather %mul3A_344[%gather3A_1233] in [0] : vector<16xf32>, vector<16xi32> -> vector<16xf32>
      %broadcast_in_dim3A_1235 = arith.constant 61 : i32
      %broadcast_in_dim3A_1236 = vector.broadcast %broadcast_in_dim3A_1235 : i32 to vector<16xi32>
      %gather3A_1237 = tpu.vector_load_idx %arg15[%iota3A, %broadcast_in_dim3A_1236] : memref<16x128xf32, #tpu.memory_space<vmem>>[vector<16xi32>, vector<16xi32>], vector<16xf32>,
      %mul3A_1238 = arith.mulf %gather3A_1234, %gather3A_1237 : vector<16xf32>
      %add3A_1239 = arith.addf %add3A_1203, %mul3A_1238 : vector<16xf32>
      %broadcast_in_dim3A_1240 = arith.constant 14 : i32
      %broadcast_in_dim3A_1241 = vector.broadcast %broadcast_in_dim3A_1240 : i32 to vector<16x1xi32>
      %gather3A_1242 = vector.shape_cast %broadcast_in_dim3A_1241 : vector<16x1xi32> to vector<16xi32>
      %gather3A_1243 = tpu.dynamic_gather %mul3A_344[%gather3A_1242] in [0] : vector<16xf32>, vector<16xi32> -> vector<16xf32>
      %broadcast_in_dim3A_1244 = arith.constant 62 : i32
      %broadcast_in_dim3A_1245 = vector.broadcast %broadcast_in_dim3A_1244 : i32 to vector<16xi32>
      %gather3A_1246 = tpu.vector_load_idx %arg15[%iota3A, %broadcast_in_dim3A_1245] : memref<16x128xf32, #tpu.memory_space<vmem>>[vector<16xi32>, vector<16xi32>], vector<16xf32>,
      %mul3A_1247 = arith.mulf %gather3A_1243, %gather3A_1246 : vector<16xf32>
      %add3A_1248 = arith.addf %add3A_1212, %mul3A_1247 : vector<16xf32>
      %broadcast_in_dim3A_1249 = arith.constant 15 : i32
      %broadcast_in_dim3A_1250 = vector.broadcast %broadcast_in_dim3A_1249 : i32 to vector<16x1xi32>
      %gather3A_1251 = vector.shape_cast %broadcast_in_dim3A_1250 : vector<16x1xi32> to vector<16xi32>
      %gather3A_1252 = tpu.dynamic_gather %mul3A_344[%gather3A_1251] in [0] : vector<16xf32>, vector<16xi32> -> vector<16xf32>
      %broadcast_in_dim3A_1253 = arith.constant 63 : i32
      %broadcast_in_dim3A_1254 = vector.broadcast %broadcast_in_dim3A_1253 : i32 to vector<16xi32>
      %gather3A_1255 = tpu.vector_load_idx %arg15[%iota3A, %broadcast_in_dim3A_1254] : memref<16x128xf32, #tpu.memory_space<vmem>>[vector<16xi32>, vector<16xi32>], vector<16xf32>,
      %mul3A_1256 = arith.mulf %gather3A_1252, %gather3A_1255 : vector<16xf32>
      %add3A_1257 = arith.addf %add3A_1221, %mul3A_1256 : vector<16xf32>
      %broadcast_in_dim3A_1258 = arith.constant 0 : i32
      %broadcast_in_dim3A_1259 = vector.broadcast %broadcast_in_dim3A_1258 : i32 to vector<16x1xi32>
      %gather3A_1260 = vector.shape_cast %broadcast_in_dim3A_1259 : vector<16x1xi32> to vector<16xi32>
      %gather3A_1261 = tpu.dynamic_gather %mul3A_426[%gather3A_1260] in [0] : vector<16xf32>, vector<16xi32> -> vector<16xf32>
      %broadcast_in_dim3A_1262 = arith.constant 64 : i32
      %broadcast_in_dim3A_1263 = vector.broadcast %broadcast_in_dim3A_1262 : i32 to vector<16xi32>
      %gather3A_1264 = tpu.vector_load_idx %arg15[%iota3A, %broadcast_in_dim3A_1263] : memref<16x128xf32, #tpu.memory_space<vmem>>[vector<16xi32>, vector<16xi32>], vector<16xf32>,
      %mul3A_1265 = arith.mulf %gather3A_1261, %gather3A_1264 : vector<16xf32>
      %add3A_1266 = arith.addf %add3A_1230, %mul3A_1265 : vector<16xf32>
      %broadcast_in_dim3A_1267 = arith.constant 1 : i32
      %broadcast_in_dim3A_1268 = vector.broadcast %broadcast_in_dim3A_1267 : i32 to vector<16x1xi32>
      %gather3A_1269 = vector.shape_cast %broadcast_in_dim3A_1268 : vector<16x1xi32> to vector<16xi32>
      %gather3A_1270 = tpu.dynamic_gather %mul3A_426[%gather3A_1269] in [0] : vector<16xf32>, vector<16xi32> -> vector<16xf32>
      %broadcast_in_dim3A_1271 = arith.constant 65 : i32
      %broadcast_in_dim3A_1272 = vector.broadcast %broadcast_in_dim3A_1271 : i32 to vector<16xi32>
      %gather3A_1273 = tpu.vector_load_idx %arg15[%iota3A, %broadcast_in_dim3A_1272] : memref<16x128xf32, #tpu.memory_space<vmem>>[vector<16xi32>, vector<16xi32>], vector<16xf32>,
      %mul3A_1274 = arith.mulf %gather3A_1270, %gather3A_1273 : vector<16xf32>
      %add3A_1275 = arith.addf %add3A_1239, %mul3A_1274 : vector<16xf32>
      %broadcast_in_dim3A_1276 = arith.constant 2 : i32
      %broadcast_in_dim3A_1277 = vector.broadcast %broadcast_in_dim3A_1276 : i32 to vector<16x1xi32>
      %gather3A_1278 = vector.shape_cast %broadcast_in_dim3A_1277 : vector<16x1xi32> to vector<16xi32>
      %gather3A_1279 = tpu.dynamic_gather %mul3A_426[%gather3A_1278] in [0] : vector<16xf32>, vector<16xi32> -> vector<16xf32>
      %broadcast_in_dim3A_1280 = arith.constant 66 : i32
      %broadcast_in_dim3A_1281 = vector.broadcast %broadcast_in_dim3A_1280 : i32 to vector<16xi32>
      %gather3A_1282 = tpu.vector_load_idx %arg15[%iota3A, %broadcast_in_dim3A_1281] : memref<16x128xf32, #tpu.memory_space<vmem>>[vector<16xi32>, vector<16xi32>], vector<16xf32>,
      %mul3A_1283 = arith.mulf %gather3A_1279, %gather3A_1282 : vector<16xf32>
      %add3A_1284 = arith.addf %add3A_1248, %mul3A_1283 : vector<16xf32>
      %broadcast_in_dim3A_1285 = arith.constant 3 : i32
      %broadcast_in_dim3A_1286 = vector.broadcast %broadcast_in_dim3A_1285 : i32 to vector<16x1xi32>
      %gather3A_1287 = vector.shape_cast %broadcast_in_dim3A_1286 : vector<16x1xi32> to vector<16xi32>
      %gather3A_1288 = tpu.dynamic_gather %mul3A_426[%gather3A_1287] in [0] : vector<16xf32>, vector<16xi32> -> vector<16xf32>
      %broadcast_in_dim3A_1289 = arith.constant 67 : i32
      %broadcast_in_dim3A_1290 = vector.broadcast %broadcast_in_dim3A_1289 : i32 to vector<16xi32>
      %gather3A_1291 = tpu.vector_load_idx %arg15[%iota3A, %broadcast_in_dim3A_1290] : memref<16x128xf32, #tpu.memory_space<vmem>>[vector<16xi32>, vector<16xi32>], vector<16xf32>,
      %mul3A_1292 = arith.mulf %gather3A_1288, %gather3A_1291 : vector<16xf32>
      %add3A_1293 = arith.addf %add3A_1257, %mul3A_1292 : vector<16xf32>
      %broadcast_in_dim3A_1294 = arith.constant 4 : i32
      %broadcast_in_dim3A_1295 = vector.broadcast %broadcast_in_dim3A_1294 : i32 to vector<16x1xi32>
      %gather3A_1296 = vector.shape_cast %broadcast_in_dim3A_1295 : vector<16x1xi32> to vector<16xi32>
      %gather3A_1297 = tpu.dynamic_gather %mul3A_426[%gather3A_1296] in [0] : vector<16xf32>, vector<16xi32> -> vector<16xf32>
      %broadcast_in_dim3A_1298 = arith.constant 68 : i32
      %broadcast_in_dim3A_1299 = vector.broadcast %broadcast_in_dim3A_1298 : i32 to vector<16xi32>
      %gather3A_1300 = tpu.vector_load_idx %arg15[%iota3A, %broadcast_in_dim3A_1299] : memref<16x128xf32, #tpu.memory_space<vmem>>[vector<16xi32>, vector<16xi32>], vector<16xf32>,
      %mul3A_1301 = arith.mulf %gather3A_1297, %gather3A_1300 : vector<16xf32>
      %add3A_1302 = arith.addf %add3A_1266, %mul3A_1301 : vector<16xf32>
      %broadcast_in_dim3A_1303 = arith.constant 5 : i32
      %broadcast_in_dim3A_1304 = vector.broadcast %broadcast_in_dim3A_1303 : i32 to vector<16x1xi32>
      %gather3A_1305 = vector.shape_cast %broadcast_in_dim3A_1304 : vector<16x1xi32> to vector<16xi32>
      %gather3A_1306 = tpu.dynamic_gather %mul3A_426[%gather3A_1305] in [0] : vector<16xf32>, vector<16xi32> -> vector<16xf32>
      %broadcast_in_dim3A_1307 = arith.constant 69 : i32
      %broadcast_in_dim3A_1308 = vector.broadcast %broadcast_in_dim3A_1307 : i32 to vector<16xi32>
      %gather3A_1309 = tpu.vector_load_idx %arg15[%iota3A, %broadcast_in_dim3A_1308] : memref<16x128xf32, #tpu.memory_space<vmem>>[vector<16xi32>, vector<16xi32>], vector<16xf32>,
      %mul3A_1310 = arith.mulf %gather3A_1306, %gather3A_1309 : vector<16xf32>
      %add3A_1311 = arith.addf %add3A_1275, %mul3A_1310 : vector<16xf32>
      %broadcast_in_dim3A_1312 = arith.constant 6 : i32
      %broadcast_in_dim3A_1313 = vector.broadcast %broadcast_in_dim3A_1312 : i32 to vector<16x1xi32>
      %gather3A_1314 = vector.shape_cast %broadcast_in_dim3A_1313 : vector<16x1xi32> to vector<16xi32>
      %gather3A_1315 = tpu.dynamic_gather %mul3A_426[%gather3A_1314] in [0] : vector<16xf32>, vector<16xi32> -> vector<16xf32>
      %broadcast_in_dim3A_1316 = arith.constant 70 : i32
      %broadcast_in_dim3A_1317 = vector.broadcast %broadcast_in_dim3A_1316 : i32 to vector<16xi32>
      %gather3A_1318 = tpu.vector_load_idx %arg15[%iota3A, %broadcast_in_dim3A_1317] : memref<16x128xf32, #tpu.memory_space<vmem>>[vector<16xi32>, vector<16xi32>], vector<16xf32>,
      %mul3A_1319 = arith.mulf %gather3A_1315, %gather3A_1318 : vector<16xf32>
      %add3A_1320 = arith.addf %add3A_1284, %mul3A_1319 : vector<16xf32>
      %broadcast_in_dim3A_1321 = arith.constant 7 : i32
      %broadcast_in_dim3A_1322 = vector.broadcast %broadcast_in_dim3A_1321 : i32 to vector<16x1xi32>
      %gather3A_1323 = vector.shape_cast %broadcast_in_dim3A_1322 : vector<16x1xi32> to vector<16xi32>
      %gather3A_1324 = tpu.dynamic_gather %mul3A_426[%gather3A_1323] in [0] : vector<16xf32>, vector<16xi32> -> vector<16xf32>
      %broadcast_in_dim3A_1325 = arith.constant 71 : i32
      %broadcast_in_dim3A_1326 = vector.broadcast %broadcast_in_dim3A_1325 : i32 to vector<16xi32>
      %gather3A_1327 = tpu.vector_load_idx %arg15[%iota3A, %broadcast_in_dim3A_1326] : memref<16x128xf32, #tpu.memory_space<vmem>>[vector<16xi32>, vector<16xi32>], vector<16xf32>,
      %mul3A_1328 = arith.mulf %gather3A_1324, %gather3A_1327 : vector<16xf32>
      %add3A_1329 = arith.addf %add3A_1293, %mul3A_1328 : vector<16xf32>
      %broadcast_in_dim3A_1330 = arith.constant 8 : i32
      %broadcast_in_dim3A_1331 = vector.broadcast %broadcast_in_dim3A_1330 : i32 to vector<16x1xi32>
      %gather3A_1332 = vector.shape_cast %broadcast_in_dim3A_1331 : vector<16x1xi32> to vector<16xi32>
      %gather3A_1333 = tpu.dynamic_gather %mul3A_426[%gather3A_1332] in [0] : vector<16xf32>, vector<16xi32> -> vector<16xf32>
      %broadcast_in_dim3A_1334 = arith.constant 72 : i32
      %broadcast_in_dim3A_1335 = vector.broadcast %broadcast_in_dim3A_1334 : i32 to vector<16xi32>
      %gather3A_1336 = tpu.vector_load_idx %arg15[%iota3A, %broadcast_in_dim3A_1335] : memref<16x128xf32, #tpu.memory_space<vmem>>[vector<16xi32>, vector<16xi32>], vector<16xf32>,
      %mul3A_1337 = arith.mulf %gather3A_1333, %gather3A_1336 : vector<16xf32>
      %add3A_1338 = arith.addf %add3A_1302, %mul3A_1337 : vector<16xf32>
      %broadcast_in_dim3A_1339 = arith.constant 9 : i32
      %broadcast_in_dim3A_1340 = vector.broadcast %broadcast_in_dim3A_1339 : i32 to vector<16x1xi32>
      %gather3A_1341 = vector.shape_cast %broadcast_in_dim3A_1340 : vector<16x1xi32> to vector<16xi32>
      %gather3A_1342 = tpu.dynamic_gather %mul3A_426[%gather3A_1341] in [0] : vector<16xf32>, vector<16xi32> -> vector<16xf32>
      %broadcast_in_dim3A_1343 = arith.constant 73 : i32
      %broadcast_in_dim3A_1344 = vector.broadcast %broadcast_in_dim3A_1343 : i32 to vector<16xi32>
      %gather3A_1345 = tpu.vector_load_idx %arg15[%iota3A, %broadcast_in_dim3A_1344] : memref<16x128xf32, #tpu.memory_space<vmem>>[vector<16xi32>, vector<16xi32>], vector<16xf32>,
      %mul3A_1346 = arith.mulf %gather3A_1342, %gather3A_1345 : vector<16xf32>
      %add3A_1347 = arith.addf %add3A_1311, %mul3A_1346 : vector<16xf32>
      %broadcast_in_dim3A_1348 = arith.constant 10 : i32
      %broadcast_in_dim3A_1349 = vector.broadcast %broadcast_in_dim3A_1348 : i32 to vector<16x1xi32>
      %gather3A_1350 = vector.shape_cast %broadcast_in_dim3A_1349 : vector<16x1xi32> to vector<16xi32>
      %gather3A_1351 = tpu.dynamic_gather %mul3A_426[%gather3A_1350] in [0] : vector<16xf32>, vector<16xi32> -> vector<16xf32>
      %broadcast_in_dim3A_1352 = arith.constant 74 : i32
      %broadcast_in_dim3A_1353 = vector.broadcast %broadcast_in_dim3A_1352 : i32 to vector<16xi32>
      %gather3A_1354 = tpu.vector_load_idx %arg15[%iota3A, %broadcast_in_dim3A_1353] : memref<16x128xf32, #tpu.memory_space<vmem>>[vector<16xi32>, vector<16xi32>], vector<16xf32>,
      %mul3A_1355 = arith.mulf %gather3A_1351, %gather3A_1354 : vector<16xf32>
      %add3A_1356 = arith.addf %add3A_1320, %mul3A_1355 : vector<16xf32>
      %broadcast_in_dim3A_1357 = arith.constant 11 : i32
      %broadcast_in_dim3A_1358 = vector.broadcast %broadcast_in_dim3A_1357 : i32 to vector<16x1xi32>
      %gather3A_1359 = vector.shape_cast %broadcast_in_dim3A_1358 : vector<16x1xi32> to vector<16xi32>
      %gather3A_1360 = tpu.dynamic_gather %mul3A_426[%gather3A_1359] in [0] : vector<16xf32>, vector<16xi32> -> vector<16xf32>
      %broadcast_in_dim3A_1361 = arith.constant 75 : i32
      %broadcast_in_dim3A_1362 = vector.broadcast %broadcast_in_dim3A_1361 : i32 to vector<16xi32>
      %gather3A_1363 = tpu.vector_load_idx %arg15[%iota3A, %broadcast_in_dim3A_1362] : memref<16x128xf32, #tpu.memory_space<vmem>>[vector<16xi32>, vector<16xi32>], vector<16xf32>,
      %mul3A_1364 = arith.mulf %gather3A_1360, %gather3A_1363 : vector<16xf32>
      %add3A_1365 = arith.addf %add3A_1329, %mul3A_1364 : vector<16xf32>
      %broadcast_in_dim3A_1366 = arith.constant 12 : i32
      %broadcast_in_dim3A_1367 = vector.broadcast %broadcast_in_dim3A_1366 : i32 to vector<16x1xi32>
      %gather3A_1368 = vector.shape_cast %broadcast_in_dim3A_1367 : vector<16x1xi32> to vector<16xi32>
      %gather3A_1369 = tpu.dynamic_gather %mul3A_426[%gather3A_1368] in [0] : vector<16xf32>, vector<16xi32> -> vector<16xf32>
      %broadcast_in_dim3A_1370 = arith.constant 76 : i32
      %broadcast_in_dim3A_1371 = vector.broadcast %broadcast_in_dim3A_1370 : i32 to vector<16xi32>
      %gather3A_1372 = tpu.vector_load_idx %arg15[%iota3A, %broadcast_in_dim3A_1371] : memref<16x128xf32, #tpu.memory_space<vmem>>[vector<16xi32>, vector<16xi32>], vector<16xf32>,
      %mul3A_1373 = arith.mulf %gather3A_1369, %gather3A_1372 : vector<16xf32>
      %add3A_1374 = arith.addf %add3A_1338, %mul3A_1373 : vector<16xf32>
      %broadcast_in_dim3A_1375 = arith.constant 13 : i32
      %broadcast_in_dim3A_1376 = vector.broadcast %broadcast_in_dim3A_1375 : i32 to vector<16x1xi32>
      %gather3A_1377 = vector.shape_cast %broadcast_in_dim3A_1376 : vector<16x1xi32> to vector<16xi32>
      %gather3A_1378 = tpu.dynamic_gather %mul3A_426[%gather3A_1377] in [0] : vector<16xf32>, vector<16xi32> -> vector<16xf32>
      %broadcast_in_dim3A_1379 = arith.constant 77 : i32
      %broadcast_in_dim3A_1380 = vector.broadcast %broadcast_in_dim3A_1379 : i32 to vector<16xi32>
      %gather3A_1381 = tpu.vector_load_idx %arg15[%iota3A, %broadcast_in_dim3A_1380] : memref<16x128xf32, #tpu.memory_space<vmem>>[vector<16xi32>, vector<16xi32>], vector<16xf32>,
      %mul3A_1382 = arith.mulf %gather3A_1378, %gather3A_1381 : vector<16xf32>
      %add3A_1383 = arith.addf %add3A_1347, %mul3A_1382 : vector<16xf32>
      %broadcast_in_dim3A_1384 = arith.constant 14 : i32
      %broadcast_in_dim3A_1385 = vector.broadcast %broadcast_in_dim3A_1384 : i32 to vector<16x1xi32>
      %gather3A_1386 = vector.shape_cast %broadcast_in_dim3A_1385 : vector<16x1xi32> to vector<16xi32>
      %gather3A_1387 = tpu.dynamic_gather %mul3A_426[%gather3A_1386] in [0] : vector<16xf32>, vector<16xi32> -> vector<16xf32>
      %broadcast_in_dim3A_1388 = arith.constant 78 : i32
      %broadcast_in_dim3A_1389 = vector.broadcast %broadcast_in_dim3A_1388 : i32 to vector<16xi32>
      %gather3A_1390 = tpu.vector_load_idx %arg15[%iota3A, %broadcast_in_dim3A_1389] : memref<16x128xf32, #tpu.memory_space<vmem>>[vector<16xi32>, vector<16xi32>], vector<16xf32>,
      %mul3A_1391 = arith.mulf %gather3A_1387, %gather3A_1390 : vector<16xf32>
      %add3A_1392 = arith.addf %add3A_1356, %mul3A_1391 : vector<16xf32>
      %broadcast_in_dim3A_1393 = arith.constant 15 : i32
      %broadcast_in_dim3A_1394 = vector.broadcast %broadcast_in_dim3A_1393 : i32 to vector<16x1xi32>
      %gather3A_1395 = vector.shape_cast %broadcast_in_dim3A_1394 : vector<16x1xi32> to vector<16xi32>
      %gather3A_1396 = tpu.dynamic_gather %mul3A_426[%gather3A_1395] in [0] : vector<16xf32>, vector<16xi32> -> vector<16xf32>
      %broadcast_in_dim3A_1397 = arith.constant 79 : i32
      %broadcast_in_dim3A_1398 = vector.broadcast %broadcast_in_dim3A_1397 : i32 to vector<16xi32>
      %gather3A_1399 = tpu.vector_load_idx %arg15[%iota3A, %broadcast_in_dim3A_1398] : memref<16x128xf32, #tpu.memory_space<vmem>>[vector<16xi32>, vector<16xi32>], vector<16xf32>,
      %mul3A_1400 = arith.mulf %gather3A_1396, %gather3A_1399 : vector<16xf32>
      %add3A_1401 = arith.addf %add3A_1365, %mul3A_1400 : vector<16xf32>
      %broadcast_in_dim3A_1402 = arith.constant 0 : i32
      %broadcast_in_dim3A_1403 = vector.broadcast %broadcast_in_dim3A_1402 : i32 to vector<16x1xi32>
      %gather3A_1404 = vector.shape_cast %broadcast_in_dim3A_1403 : vector<16x1xi32> to vector<16xi32>
      %gather3A_1405 = tpu.dynamic_gather %mul3A_508[%gather3A_1404] in [0] : vector<16xf32>, vector<16xi32> -> vector<16xf32>
      %broadcast_in_dim3A_1406 = arith.constant 80 : i32
      %broadcast_in_dim3A_1407 = vector.broadcast %broadcast_in_dim3A_1406 : i32 to vector<16xi32>
      %gather3A_1408 = tpu.vector_load_idx %arg15[%iota3A, %broadcast_in_dim3A_1407] : memref<16x128xf32, #tpu.memory_space<vmem>>[vector<16xi32>, vector<16xi32>], vector<16xf32>,
      %mul3A_1409 = arith.mulf %gather3A_1405, %gather3A_1408 : vector<16xf32>
      %add3A_1410 = arith.addf %add3A_1374, %mul3A_1409 : vector<16xf32>
      %broadcast_in_dim3A_1411 = arith.constant 1 : i32
      %broadcast_in_dim3A_1412 = vector.broadcast %broadcast_in_dim3A_1411 : i32 to vector<16x1xi32>
      %gather3A_1413 = vector.shape_cast %broadcast_in_dim3A_1412 : vector<16x1xi32> to vector<16xi32>
      %gather3A_1414 = tpu.dynamic_gather %mul3A_508[%gather3A_1413] in [0] : vector<16xf32>, vector<16xi32> -> vector<16xf32>
      %broadcast_in_dim3A_1415 = arith.constant 81 : i32
      %broadcast_in_dim3A_1416 = vector.broadcast %broadcast_in_dim3A_1415 : i32 to vector<16xi32>
      %gather3A_1417 = tpu.vector_load_idx %arg15[%iota3A, %broadcast_in_dim3A_1416] : memref<16x128xf32, #tpu.memory_space<vmem>>[vector<16xi32>, vector<16xi32>], vector<16xf32>,
      %mul3A_1418 = arith.mulf %gather3A_1414, %gather3A_1417 : vector<16xf32>
      %add3A_1419 = arith.addf %add3A_1383, %mul3A_1418 : vector<16xf32>
      %broadcast_in_dim3A_1420 = arith.constant 2 : i32
      %broadcast_in_dim3A_1421 = vector.broadcast %broadcast_in_dim3A_1420 : i32 to vector<16x1xi32>
      %gather3A_1422 = vector.shape_cast %broadcast_in_dim3A_1421 : vector<16x1xi32> to vector<16xi32>
      %gather3A_1423 = tpu.dynamic_gather %mul3A_508[%gather3A_1422] in [0] : vector<16xf32>, vector<16xi32> -> vector<16xf32>
      %broadcast_in_dim3A_1424 = arith.constant 82 : i32
      %broadcast_in_dim3A_1425 = vector.broadcast %broadcast_in_dim3A_1424 : i32 to vector<16xi32>
      %gather3A_1426 = tpu.vector_load_idx %arg15[%iota3A, %broadcast_in_dim3A_1425] : memref<16x128xf32, #tpu.memory_space<vmem>>[vector<16xi32>, vector<16xi32>], vector<16xf32>,
      %mul3A_1427 = arith.mulf %gather3A_1423, %gather3A_1426 : vector<16xf32>
      %add3A_1428 = arith.addf %add3A_1392, %mul3A_1427 : vector<16xf32>
      %broadcast_in_dim3A_1429 = arith.constant 3 : i32
      %broadcast_in_dim3A_1430 = vector.broadcast %broadcast_in_dim3A_1429 : i32 to vector<16x1xi32>
      %gather3A_1431 = vector.shape_cast %broadcast_in_dim3A_1430 : vector<16x1xi32> to vector<16xi32>
      %gather3A_1432 = tpu.dynamic_gather %mul3A_508[%gather3A_1431] in [0] : vector<16xf32>, vector<16xi32> -> vector<16xf32>
      %broadcast_in_dim3A_1433 = arith.constant 83 : i32
      %broadcast_in_dim3A_1434 = vector.broadcast %broadcast_in_dim3A_1433 : i32 to vector<16xi32>
      %gather3A_1435 = tpu.vector_load_idx %arg15[%iota3A, %broadcast_in_dim3A_1434] : memref<16x128xf32, #tpu.memory_space<vmem>>[vector<16xi32>, vector<16xi32>], vector<16xf32>,
      %mul3A_1436 = arith.mulf %gather3A_1432, %gather3A_1435 : vector<16xf32>
      %add3A_1437 = arith.addf %add3A_1401, %mul3A_1436 : vector<16xf32>
      %broadcast_in_dim3A_1438 = arith.constant 4 : i32
      %broadcast_in_dim3A_1439 = vector.broadcast %broadcast_in_dim3A_1438 : i32 to vector<16x1xi32>
      %gather3A_1440 = vector.shape_cast %broadcast_in_dim3A_1439 : vector<16x1xi32> to vector<16xi32>
      %gather3A_1441 = tpu.dynamic_gather %mul3A_508[%gather3A_1440] in [0] : vector<16xf32>, vector<16xi32> -> vector<16xf32>
      %broadcast_in_dim3A_1442 = arith.constant 84 : i32
      %broadcast_in_dim3A_1443 = vector.broadcast %broadcast_in_dim3A_1442 : i32 to vector<16xi32>
      %gather3A_1444 = tpu.vector_load_idx %arg15[%iota3A, %broadcast_in_dim3A_1443] : memref<16x128xf32, #tpu.memory_space<vmem>>[vector<16xi32>, vector<16xi32>], vector<16xf32>,
      %mul3A_1445 = arith.mulf %gather3A_1441, %gather3A_1444 : vector<16xf32>
      %add3A_1446 = arith.addf %add3A_1410, %mul3A_1445 : vector<16xf32>
      %broadcast_in_dim3A_1447 = arith.constant 5 : i32
      %broadcast_in_dim3A_1448 = vector.broadcast %broadcast_in_dim3A_1447 : i32 to vector<16x1xi32>
      %gather3A_1449 = vector.shape_cast %broadcast_in_dim3A_1448 : vector<16x1xi32> to vector<16xi32>
      %gather3A_1450 = tpu.dynamic_gather %mul3A_508[%gather3A_1449] in [0] : vector<16xf32>, vector<16xi32> -> vector<16xf32>
      %broadcast_in_dim3A_1451 = arith.constant 85 : i32
      %broadcast_in_dim3A_1452 = vector.broadcast %broadcast_in_dim3A_1451 : i32 to vector<16xi32>
      %gather3A_1453 = tpu.vector_load_idx %arg15[%iota3A, %broadcast_in_dim3A_1452] : memref<16x128xf32, #tpu.memory_space<vmem>>[vector<16xi32>, vector<16xi32>], vector<16xf32>,
      %mul3A_1454 = arith.mulf %gather3A_1450, %gather3A_1453 : vector<16xf32>
      %add3A_1455 = arith.addf %add3A_1419, %mul3A_1454 : vector<16xf32>
      %broadcast_in_dim3A_1456 = arith.constant 6 : i32
      %broadcast_in_dim3A_1457 = vector.broadcast %broadcast_in_dim3A_1456 : i32 to vector<16x1xi32>
      %gather3A_1458 = vector.shape_cast %broadcast_in_dim3A_1457 : vector<16x1xi32> to vector<16xi32>
      %gather3A_1459 = tpu.dynamic_gather %mul3A_508[%gather3A_1458] in [0] : vector<16xf32>, vector<16xi32> -> vector<16xf32>
      %broadcast_in_dim3A_1460 = arith.constant 86 : i32
      %broadcast_in_dim3A_1461 = vector.broadcast %broadcast_in_dim3A_1460 : i32 to vector<16xi32>
      %gather3A_1462 = tpu.vector_load_idx %arg15[%iota3A, %broadcast_in_dim3A_1461] : memref<16x128xf32, #tpu.memory_space<vmem>>[vector<16xi32>, vector<16xi32>], vector<16xf32>,
      %mul3A_1463 = arith.mulf %gather3A_1459, %gather3A_1462 : vector<16xf32>
      %add3A_1464 = arith.addf %add3A_1428, %mul3A_1463 : vector<16xf32>
      %broadcast_in_dim3A_1465 = arith.constant 7 : i32
      %broadcast_in_dim3A_1466 = vector.broadcast %broadcast_in_dim3A_1465 : i32 to vector<16x1xi32>
      %gather3A_1467 = vector.shape_cast %broadcast_in_dim3A_1466 : vector<16x1xi32> to vector<16xi32>
      %gather3A_1468 = tpu.dynamic_gather %mul3A_508[%gather3A_1467] in [0] : vector<16xf32>, vector<16xi32> -> vector<16xf32>
      %broadcast_in_dim3A_1469 = arith.constant 87 : i32
      %broadcast_in_dim3A_1470 = vector.broadcast %broadcast_in_dim3A_1469 : i32 to vector<16xi32>
      %gather3A_1471 = tpu.vector_load_idx %arg15[%iota3A, %broadcast_in_dim3A_1470] : memref<16x128xf32, #tpu.memory_space<vmem>>[vector<16xi32>, vector<16xi32>], vector<16xf32>,
      %mul3A_1472 = arith.mulf %gather3A_1468, %gather3A_1471 : vector<16xf32>
      %add3A_1473 = arith.addf %add3A_1437, %mul3A_1472 : vector<16xf32>
      %broadcast_in_dim3A_1474 = arith.constant 8 : i32
      %broadcast_in_dim3A_1475 = vector.broadcast %broadcast_in_dim3A_1474 : i32 to vector<16x1xi32>
      %gather3A_1476 = vector.shape_cast %broadcast_in_dim3A_1475 : vector<16x1xi32> to vector<16xi32>
      %gather3A_1477 = tpu.dynamic_gather %mul3A_508[%gather3A_1476] in [0] : vector<16xf32>, vector<16xi32> -> vector<16xf32>
      %broadcast_in_dim3A_1478 = arith.constant 88 : i32
      %broadcast_in_dim3A_1479 = vector.broadcast %broadcast_in_dim3A_1478 : i32 to vector<16xi32>
      %gather3A_1480 = tpu.vector_load_idx %arg15[%iota3A, %broadcast_in_dim3A_1479] : memref<16x128xf32, #tpu.memory_space<vmem>>[vector<16xi32>, vector<16xi32>], vector<16xf32>,
      %mul3A_1481 = arith.mulf %gather3A_1477, %gather3A_1480 : vector<16xf32>
      %add3A_1482 = arith.addf %add3A_1446, %mul3A_1481 : vector<16xf32>
      %broadcast_in_dim3A_1483 = arith.constant 9 : i32
      %broadcast_in_dim3A_1484 = vector.broadcast %broadcast_in_dim3A_1483 : i32 to vector<16x1xi32>
      %gather3A_1485 = vector.shape_cast %broadcast_in_dim3A_1484 : vector<16x1xi32> to vector<16xi32>
      %gather3A_1486 = tpu.dynamic_gather %mul3A_508[%gather3A_1485] in [0] : vector<16xf32>, vector<16xi32> -> vector<16xf32>
      %broadcast_in_dim3A_1487 = arith.constant 89 : i32
      %broadcast_in_dim3A_1488 = vector.broadcast %broadcast_in_dim3A_1487 : i32 to vector<16xi32>
      %gather3A_1489 = tpu.vector_load_idx %arg15[%iota3A, %broadcast_in_dim3A_1488] : memref<16x128xf32, #tpu.memory_space<vmem>>[vector<16xi32>, vector<16xi32>], vector<16xf32>,
      %mul3A_1490 = arith.mulf %gather3A_1486, %gather3A_1489 : vector<16xf32>
      %add3A_1491 = arith.addf %add3A_1455, %mul3A_1490 : vector<16xf32>
      %broadcast_in_dim3A_1492 = arith.constant 10 : i32
      %broadcast_in_dim3A_1493 = vector.broadcast %broadcast_in_dim3A_1492 : i32 to vector<16x1xi32>
      %gather3A_1494 = vector.shape_cast %broadcast_in_dim3A_1493 : vector<16x1xi32> to vector<16xi32>
      %gather3A_1495 = tpu.dynamic_gather %mul3A_508[%gather3A_1494] in [0] : vector<16xf32>, vector<16xi32> -> vector<16xf32>
      %broadcast_in_dim3A_1496 = arith.constant 90 : i32
      %broadcast_in_dim3A_1497 = vector.broadcast %broadcast_in_dim3A_1496 : i32 to vector<16xi32>
      %gather3A_1498 = tpu.vector_load_idx %arg15[%iota3A, %broadcast_in_dim3A_1497] : memref<16x128xf32, #tpu.memory_space<vmem>>[vector<16xi32>, vector<16xi32>], vector<16xf32>,
      %mul3A_1499 = arith.mulf %gather3A_1495, %gather3A_1498 : vector<16xf32>
      %add3A_1500 = arith.addf %add3A_1464, %mul3A_1499 : vector<16xf32>
      %broadcast_in_dim3A_1501 = arith.constant 11 : i32
      %broadcast_in_dim3A_1502 = vector.broadcast %broadcast_in_dim3A_1501 : i32 to vector<16x1xi32>
      %gather3A_1503 = vector.shape_cast %broadcast_in_dim3A_1502 : vector<16x1xi32> to vector<16xi32>
      %gather3A_1504 = tpu.dynamic_gather %mul3A_508[%gather3A_1503] in [0] : vector<16xf32>, vector<16xi32> -> vector<16xf32>
      %broadcast_in_dim3A_1505 = arith.constant 91 : i32
      %broadcast_in_dim3A_1506 = vector.broadcast %broadcast_in_dim3A_1505 : i32 to vector<16xi32>
      %gather3A_1507 = tpu.vector_load_idx %arg15[%iota3A, %broadcast_in_dim3A_1506] : memref<16x128xf32, #tpu.memory_space<vmem>>[vector<16xi32>, vector<16xi32>], vector<16xf32>,
      %mul3A_1508 = arith.mulf %gather3A_1504, %gather3A_1507 : vector<16xf32>
      %add3A_1509 = arith.addf %add3A_1473, %mul3A_1508 : vector<16xf32>
      %broadcast_in_dim3A_1510 = arith.constant 12 : i32
      %broadcast_in_dim3A_1511 = vector.broadcast %broadcast_in_dim3A_1510 : i32 to vector<16x1xi32>
      %gather3A_1512 = vector.shape_cast %broadcast_in_dim3A_1511 : vector<16x1xi32> to vector<16xi32>
      %gather3A_1513 = tpu.dynamic_gather %mul3A_508[%gather3A_1512] in [0] : vector<16xf32>, vector<16xi32> -> vector<16xf32>
      %broadcast_in_dim3A_1514 = arith.constant 92 : i32
      %broadcast_in_dim3A_1515 = vector.broadcast %broadcast_in_dim3A_1514 : i32 to vector<16xi32>
      %gather3A_1516 = tpu.vector_load_idx %arg15[%iota3A, %broadcast_in_dim3A_1515] : memref<16x128xf32, #tpu.memory_space<vmem>>[vector<16xi32>, vector<16xi32>], vector<16xf32>,
      %mul3A_1517 = arith.mulf %gather3A_1513, %gather3A_1516 : vector<16xf32>
      %add3A_1518 = arith.addf %add3A_1482, %mul3A_1517 : vector<16xf32>
      %broadcast_in_dim3A_1519 = arith.constant 13 : i32
      %broadcast_in_dim3A_1520 = vector.broadcast %broadcast_in_dim3A_1519 : i32 to vector<16x1xi32>
      %gather3A_1521 = vector.shape_cast %broadcast_in_dim3A_1520 : vector<16x1xi32> to vector<16xi32>
      %gather3A_1522 = tpu.dynamic_gather %mul3A_508[%gather3A_1521] in [0] : vector<16xf32>, vector<16xi32> -> vector<16xf32>
      %broadcast_in_dim3A_1523 = arith.constant 93 : i32
      %broadcast_in_dim3A_1524 = vector.broadcast %broadcast_in_dim3A_1523 : i32 to vector<16xi32>
      %gather3A_1525 = tpu.vector_load_idx %arg15[%iota3A, %broadcast_in_dim3A_1524] : memref<16x128xf32, #tpu.memory_space<vmem>>[vector<16xi32>, vector<16xi32>], vector<16xf32>,
      %mul3A_1526 = arith.mulf %gather3A_1522, %gather3A_1525 : vector<16xf32>
      %add3A_1527 = arith.addf %add3A_1491, %mul3A_1526 : vector<16xf32>
      %broadcast_in_dim3A_1528 = arith.constant 14 : i32
      %broadcast_in_dim3A_1529 = vector.broadcast %broadcast_in_dim3A_1528 : i32 to vector<16x1xi32>
      %gather3A_1530 = vector.shape_cast %broadcast_in_dim3A_1529 : vector<16x1xi32> to vector<16xi32>
      %gather3A_1531 = tpu.dynamic_gather %mul3A_508[%gather3A_1530] in [0] : vector<16xf32>, vector<16xi32> -> vector<16xf32>
      %broadcast_in_dim3A_1532 = arith.constant 94 : i32
      %broadcast_in_dim3A_1533 = vector.broadcast %broadcast_in_dim3A_1532 : i32 to vector<16xi32>
      %gather3A_1534 = tpu.vector_load_idx %arg15[%iota3A, %broadcast_in_dim3A_1533] : memref<16x128xf32, #tpu.memory_space<vmem>>[vector<16xi32>, vector<16xi32>], vector<16xf32>,
      %mul3A_1535 = arith.mulf %gather3A_1531, %gather3A_1534 : vector<16xf32>
      %add3A_1536 = arith.addf %add3A_1500, %mul3A_1535 : vector<16xf32>
      %broadcast_in_dim3A_1537 = arith.constant 15 : i32
      %broadcast_in_dim3A_1538 = vector.broadcast %broadcast_in_dim3A_1537 : i32 to vector<16x1xi32>
      %gather3A_1539 = vector.shape_cast %broadcast_in_dim3A_1538 : vector<16x1xi32> to vector<16xi32>
      %gather3A_1540 = tpu.dynamic_gather %mul3A_508[%gather3A_1539] in [0] : vector<16xf32>, vector<16xi32> -> vector<16xf32>
      %broadcast_in_dim3A_1541 = arith.constant 95 : i32
      %broadcast_in_dim3A_1542 = vector.broadcast %broadcast_in_dim3A_1541 : i32 to vector<16xi32>
      %gather3A_1543 = tpu.vector_load_idx %arg15[%iota3A, %broadcast_in_dim3A_1542] : memref<16x128xf32, #tpu.memory_space<vmem>>[vector<16xi32>, vector<16xi32>], vector<16xf32>,
      %mul3A_1544 = arith.mulf %gather3A_1540, %gather3A_1543 : vector<16xf32>
      %add3A_1545 = arith.addf %add3A_1509, %mul3A_1544 : vector<16xf32>
      %broadcast_in_dim3A_1546 = arith.constant 0 : i32
      %broadcast_in_dim3A_1547 = vector.broadcast %broadcast_in_dim3A_1546 : i32 to vector<16x1xi32>
      %gather3A_1548 = vector.shape_cast %broadcast_in_dim3A_1547 : vector<16x1xi32> to vector<16xi32>
      %gather3A_1549 = tpu.dynamic_gather %mul3A_590[%gather3A_1548] in [0] : vector<16xf32>, vector<16xi32> -> vector<16xf32>
      %broadcast_in_dim3A_1550 = arith.constant 96 : i32
      %broadcast_in_dim3A_1551 = vector.broadcast %broadcast_in_dim3A_1550 : i32 to vector<16xi32>
      %gather3A_1552 = tpu.vector_load_idx %arg15[%iota3A, %broadcast_in_dim3A_1551] : memref<16x128xf32, #tpu.memory_space<vmem>>[vector<16xi32>, vector<16xi32>], vector<16xf32>,
      %mul3A_1553 = arith.mulf %gather3A_1549, %gather3A_1552 : vector<16xf32>
      %add3A_1554 = arith.addf %add3A_1518, %mul3A_1553 : vector<16xf32>
      %broadcast_in_dim3A_1555 = arith.constant 1 : i32
      %broadcast_in_dim3A_1556 = vector.broadcast %broadcast_in_dim3A_1555 : i32 to vector<16x1xi32>
      %gather3A_1557 = vector.shape_cast %broadcast_in_dim3A_1556 : vector<16x1xi32> to vector<16xi32>
      %gather3A_1558 = tpu.dynamic_gather %mul3A_590[%gather3A_1557] in [0] : vector<16xf32>, vector<16xi32> -> vector<16xf32>
      %broadcast_in_dim3A_1559 = arith.constant 97 : i32
      %broadcast_in_dim3A_1560 = vector.broadcast %broadcast_in_dim3A_1559 : i32 to vector<16xi32>
      %gather3A_1561 = tpu.vector_load_idx %arg15[%iota3A, %broadcast_in_dim3A_1560] : memref<16x128xf32, #tpu.memory_space<vmem>>[vector<16xi32>, vector<16xi32>], vector<16xf32>,
      %mul3A_1562 = arith.mulf %gather3A_1558, %gather3A_1561 : vector<16xf32>
      %add3A_1563 = arith.addf %add3A_1527, %mul3A_1562 : vector<16xf32>
      %broadcast_in_dim3A_1564 = arith.constant 2 : i32
      %broadcast_in_dim3A_1565 = vector.broadcast %broadcast_in_dim3A_1564 : i32 to vector<16x1xi32>
      %gather3A_1566 = vector.shape_cast %broadcast_in_dim3A_1565 : vector<16x1xi32> to vector<16xi32>
      %gather3A_1567 = tpu.dynamic_gather %mul3A_590[%gather3A_1566] in [0] : vector<16xf32>, vector<16xi32> -> vector<16xf32>
      %broadcast_in_dim3A_1568 = arith.constant 98 : i32
      %broadcast_in_dim3A_1569 = vector.broadcast %broadcast_in_dim3A_1568 : i32 to vector<16xi32>
      %gather3A_1570 = tpu.vector_load_idx %arg15[%iota3A, %broadcast_in_dim3A_1569] : memref<16x128xf32, #tpu.memory_space<vmem>>[vector<16xi32>, vector<16xi32>], vector<16xf32>,
      %mul3A_1571 = arith.mulf %gather3A_1567, %gather3A_1570 : vector<16xf32>
      %add3A_1572 = arith.addf %add3A_1536, %mul3A_1571 : vector<16xf32>
      %broadcast_in_dim3A_1573 = arith.constant 3 : i32
      %broadcast_in_dim3A_1574 = vector.broadcast %broadcast_in_dim3A_1573 : i32 to vector<16x1xi32>
      %gather3A_1575 = vector.shape_cast %broadcast_in_dim3A_1574 : vector<16x1xi32> to vector<16xi32>
      %gather3A_1576 = tpu.dynamic_gather %mul3A_590[%gather3A_1575] in [0] : vector<16xf32>, vector<16xi32> -> vector<16xf32>
      %broadcast_in_dim3A_1577 = arith.constant 99 : i32
      %broadcast_in_dim3A_1578 = vector.broadcast %broadcast_in_dim3A_1577 : i32 to vector<16xi32>
      %gather3A_1579 = tpu.vector_load_idx %arg15[%iota3A, %broadcast_in_dim3A_1578] : memref<16x128xf32, #tpu.memory_space<vmem>>[vector<16xi32>, vector<16xi32>], vector<16xf32>,
      %mul3A_1580 = arith.mulf %gather3A_1576, %gather3A_1579 : vector<16xf32>
      %add3A_1581 = arith.addf %add3A_1545, %mul3A_1580 : vector<16xf32>
      %broadcast_in_dim3A_1582 = arith.constant 4 : i32
      %broadcast_in_dim3A_1583 = vector.broadcast %broadcast_in_dim3A_1582 : i32 to vector<16x1xi32>
      %gather3A_1584 = vector.shape_cast %broadcast_in_dim3A_1583 : vector<16x1xi32> to vector<16xi32>
      %gather3A_1585 = tpu.dynamic_gather %mul3A_590[%gather3A_1584] in [0] : vector<16xf32>, vector<16xi32> -> vector<16xf32>
      %broadcast_in_dim3A_1586 = arith.constant 100 : i32
      %broadcast_in_dim3A_1587 = vector.broadcast %broadcast_in_dim3A_1586 : i32 to vector<16xi32>
      %gather3A_1588 = tpu.vector_load_idx %arg15[%iota3A, %broadcast_in_dim3A_1587] : memref<16x128xf32, #tpu.memory_space<vmem>>[vector<16xi32>, vector<16xi32>], vector<16xf32>,
      %mul3A_1589 = arith.mulf %gather3A_1585, %gather3A_1588 : vector<16xf32>
      %add3A_1590 = arith.addf %add3A_1554, %mul3A_1589 : vector<16xf32>
      %broadcast_in_dim3A_1591 = arith.constant 5 : i32
      %broadcast_in_dim3A_1592 = vector.broadcast %broadcast_in_dim3A_1591 : i32 to vector<16x1xi32>
      %gather3A_1593 = vector.shape_cast %broadcast_in_dim3A_1592 : vector<16x1xi32> to vector<16xi32>
      %gather3A_1594 = tpu.dynamic_gather %mul3A_590[%gather3A_1593] in [0] : vector<16xf32>, vector<16xi32> -> vector<16xf32>
      %broadcast_in_dim3A_1595 = arith.constant 101 : i32
      %broadcast_in_dim3A_1596 = vector.broadcast %broadcast_in_dim3A_1595 : i32 to vector<16xi32>
      %gather3A_1597 = tpu.vector_load_idx %arg15[%iota3A, %broadcast_in_dim3A_1596] : memref<16x128xf32, #tpu.memory_space<vmem>>[vector<16xi32>, vector<16xi32>], vector<16xf32>,
      %mul3A_1598 = arith.mulf %gather3A_1594, %gather3A_1597 : vector<16xf32>
      %add3A_1599 = arith.addf %add3A_1563, %mul3A_1598 : vector<16xf32>
      %broadcast_in_dim3A_1600 = arith.constant 6 : i32
      %broadcast_in_dim3A_1601 = vector.broadcast %broadcast_in_dim3A_1600 : i32 to vector<16x1xi32>
      %gather3A_1602 = vector.shape_cast %broadcast_in_dim3A_1601 : vector<16x1xi32> to vector<16xi32>
      %gather3A_1603 = tpu.dynamic_gather %mul3A_590[%gather3A_1602] in [0] : vector<16xf32>, vector<16xi32> -> vector<16xf32>
      %broadcast_in_dim3A_1604 = arith.constant 102 : i32
      %broadcast_in_dim3A_1605 = vector.broadcast %broadcast_in_dim3A_1604 : i32 to vector<16xi32>
      %gather3A_1606 = tpu.vector_load_idx %arg15[%iota3A, %broadcast_in_dim3A_1605] : memref<16x128xf32, #tpu.memory_space<vmem>>[vector<16xi32>, vector<16xi32>], vector<16xf32>,
      %mul3A_1607 = arith.mulf %gather3A_1603, %gather3A_1606 : vector<16xf32>
      %add3A_1608 = arith.addf %add3A_1572, %mul3A_1607 : vector<16xf32>
      %broadcast_in_dim3A_1609 = arith.constant 7 : i32
      %broadcast_in_dim3A_1610 = vector.broadcast %broadcast_in_dim3A_1609 : i32 to vector<16x1xi32>
      %gather3A_1611 = vector.shape_cast %broadcast_in_dim3A_1610 : vector<16x1xi32> to vector<16xi32>
      %gather3A_1612 = tpu.dynamic_gather %mul3A_590[%gather3A_1611] in [0] : vector<16xf32>, vector<16xi32> -> vector<16xf32>
      %broadcast_in_dim3A_1613 = arith.constant 103 : i32
      %broadcast_in_dim3A_1614 = vector.broadcast %broadcast_in_dim3A_1613 : i32 to vector<16xi32>
      %gather3A_1615 = tpu.vector_load_idx %arg15[%iota3A, %broadcast_in_dim3A_1614] : memref<16x128xf32, #tpu.memory_space<vmem>>[vector<16xi32>, vector<16xi32>], vector<16xf32>,
      %mul3A_1616 = arith.mulf %gather3A_1612, %gather3A_1615 : vector<16xf32>
      %add3A_1617 = arith.addf %add3A_1581, %mul3A_1616 : vector<16xf32>
      %broadcast_in_dim3A_1618 = arith.constant 8 : i32
      %broadcast_in_dim3A_1619 = vector.broadcast %broadcast_in_dim3A_1618 : i32 to vector<16x1xi32>
      %gather3A_1620 = vector.shape_cast %broadcast_in_dim3A_1619 : vector<16x1xi32> to vector<16xi32>
      %gather3A_1621 = tpu.dynamic_gather %mul3A_590[%gather3A_1620] in [0] : vector<16xf32>, vector<16xi32> -> vector<16xf32>
      %broadcast_in_dim3A_1622 = arith.constant 104 : i32
      %broadcast_in_dim3A_1623 = vector.broadcast %broadcast_in_dim3A_1622 : i32 to vector<16xi32>
      %gather3A_1624 = tpu.vector_load_idx %arg15[%iota3A, %broadcast_in_dim3A_1623] : memref<16x128xf32, #tpu.memory_space<vmem>>[vector<16xi32>, vector<16xi32>], vector<16xf32>,
      %mul3A_1625 = arith.mulf %gather3A_1621, %gather3A_1624 : vector<16xf32>
      %add3A_1626 = arith.addf %add3A_1590, %mul3A_1625 : vector<16xf32>
      %broadcast_in_dim3A_1627 = arith.constant 9 : i32
      %broadcast_in_dim3A_1628 = vector.broadcast %broadcast_in_dim3A_1627 : i32 to vector<16x1xi32>
      %gather3A_1629 = vector.shape_cast %broadcast_in_dim3A_1628 : vector<16x1xi32> to vector<16xi32>
      %gather3A_1630 = tpu.dynamic_gather %mul3A_590[%gather3A_1629] in [0] : vector<16xf32>, vector<16xi32> -> vector<16xf32>
      %broadcast_in_dim3A_1631 = arith.constant 105 : i32
      %broadcast_in_dim3A_1632 = vector.broadcast %broadcast_in_dim3A_1631 : i32 to vector<16xi32>
      %gather3A_1633 = tpu.vector_load_idx %arg15[%iota3A, %broadcast_in_dim3A_1632] : memref<16x128xf32, #tpu.memory_space<vmem>>[vector<16xi32>, vector<16xi32>], vector<16xf32>,
      %mul3A_1634 = arith.mulf %gather3A_1630, %gather3A_1633 : vector<16xf32>
      %add3A_1635 = arith.addf %add3A_1599, %mul3A_1634 : vector<16xf32>
      %broadcast_in_dim3A_1636 = arith.constant 10 : i32
      %broadcast_in_dim3A_1637 = vector.broadcast %broadcast_in_dim3A_1636 : i32 to vector<16x1xi32>
      %gather3A_1638 = vector.shape_cast %broadcast_in_dim3A_1637 : vector<16x1xi32> to vector<16xi32>
      %gather3A_1639 = tpu.dynamic_gather %mul3A_590[%gather3A_1638] in [0] : vector<16xf32>, vector<16xi32> -> vector<16xf32>
      %broadcast_in_dim3A_1640 = arith.constant 106 : i32
      %broadcast_in_dim3A_1641 = vector.broadcast %broadcast_in_dim3A_1640 : i32 to vector<16xi32>
      %gather3A_1642 = tpu.vector_load_idx %arg15[%iota3A, %broadcast_in_dim3A_1641] : memref<16x128xf32, #tpu.memory_space<vmem>>[vector<16xi32>, vector<16xi32>], vector<16xf32>,
      %mul3A_1643 = arith.mulf %gather3A_1639, %gather3A_1642 : vector<16xf32>
      %add3A_1644 = arith.addf %add3A_1608, %mul3A_1643 : vector<16xf32>
      %broadcast_in_dim3A_1645 = arith.constant 11 : i32
      %broadcast_in_dim3A_1646 = vector.broadcast %broadcast_in_dim3A_1645 : i32 to vector<16x1xi32>
      %gather3A_1647 = vector.shape_cast %broadcast_in_dim3A_1646 : vector<16x1xi32> to vector<16xi32>
      %gather3A_1648 = tpu.dynamic_gather %mul3A_590[%gather3A_1647] in [0] : vector<16xf32>, vector<16xi32> -> vector<16xf32>
      %broadcast_in_dim3A_1649 = arith.constant 107 : i32
      %broadcast_in_dim3A_1650 = vector.broadcast %broadcast_in_dim3A_1649 : i32 to vector<16xi32>
      %gather3A_1651 = tpu.vector_load_idx %arg15[%iota3A, %broadcast_in_dim3A_1650] : memref<16x128xf32, #tpu.memory_space<vmem>>[vector<16xi32>, vector<16xi32>], vector<16xf32>,
      %mul3A_1652 = arith.mulf %gather3A_1648, %gather3A_1651 : vector<16xf32>
      %add3A_1653 = arith.addf %add3A_1617, %mul3A_1652 : vector<16xf32>
      %broadcast_in_dim3A_1654 = arith.constant 12 : i32
      %broadcast_in_dim3A_1655 = vector.broadcast %broadcast_in_dim3A_1654 : i32 to vector<16x1xi32>
      %gather3A_1656 = vector.shape_cast %broadcast_in_dim3A_1655 : vector<16x1xi32> to vector<16xi32>
      %gather3A_1657 = tpu.dynamic_gather %mul3A_590[%gather3A_1656] in [0] : vector<16xf32>, vector<16xi32> -> vector<16xf32>
      %broadcast_in_dim3A_1658 = arith.constant 108 : i32
      %broadcast_in_dim3A_1659 = vector.broadcast %broadcast_in_dim3A_1658 : i32 to vector<16xi32>
      %gather3A_1660 = tpu.vector_load_idx %arg15[%iota3A, %broadcast_in_dim3A_1659] : memref<16x128xf32, #tpu.memory_space<vmem>>[vector<16xi32>, vector<16xi32>], vector<16xf32>,
      %mul3A_1661 = arith.mulf %gather3A_1657, %gather3A_1660 : vector<16xf32>
      %add3A_1662 = arith.addf %add3A_1626, %mul3A_1661 : vector<16xf32>
      %broadcast_in_dim3A_1663 = arith.constant 13 : i32
      %broadcast_in_dim3A_1664 = vector.broadcast %broadcast_in_dim3A_1663 : i32 to vector<16x1xi32>
      %gather3A_1665 = vector.shape_cast %broadcast_in_dim3A_1664 : vector<16x1xi32> to vector<16xi32>
      %gather3A_1666 = tpu.dynamic_gather %mul3A_590[%gather3A_1665] in [0] : vector<16xf32>, vector<16xi32> -> vector<16xf32>
      %broadcast_in_dim3A_1667 = arith.constant 109 : i32
      %broadcast_in_dim3A_1668 = vector.broadcast %broadcast_in_dim3A_1667 : i32 to vector<16xi32>
      %gather3A_1669 = tpu.vector_load_idx %arg15[%iota3A, %broadcast_in_dim3A_1668] : memref<16x128xf32, #tpu.memory_space<vmem>>[vector<16xi32>, vector<16xi32>], vector<16xf32>,
      %mul3A_1670 = arith.mulf %gather3A_1666, %gather3A_1669 : vector<16xf32>
      %add3A_1671 = arith.addf %add3A_1635, %mul3A_1670 : vector<16xf32>
      %broadcast_in_dim3A_1672 = arith.constant 14 : i32
      %broadcast_in_dim3A_1673 = vector.broadcast %broadcast_in_dim3A_1672 : i32 to vector<16x1xi32>
      %gather3A_1674 = vector.shape_cast %broadcast_in_dim3A_1673 : vector<16x1xi32> to vector<16xi32>
      %gather3A_1675 = tpu.dynamic_gather %mul3A_590[%gather3A_1674] in [0] : vector<16xf32>, vector<16xi32> -> vector<16xf32>
      %broadcast_in_dim3A_1676 = arith.constant 110 : i32
      %broadcast_in_dim3A_1677 = vector.broadcast %broadcast_in_dim3A_1676 : i32 to vector<16xi32>
      %gather3A_1678 = tpu.vector_load_idx %arg15[%iota3A, %broadcast_in_dim3A_1677] : memref<16x128xf32, #tpu.memory_space<vmem>>[vector<16xi32>, vector<16xi32>], vector<16xf32>,
      %mul3A_1679 = arith.mulf %gather3A_1675, %gather3A_1678 : vector<16xf32>
      %add3A_1680 = arith.addf %add3A_1644, %mul3A_1679 : vector<16xf32>
      %broadcast_in_dim3A_1681 = arith.constant 15 : i32
      %broadcast_in_dim3A_1682 = vector.broadcast %broadcast_in_dim3A_1681 : i32 to vector<16x1xi32>
      %gather3A_1683 = vector.shape_cast %broadcast_in_dim3A_1682 : vector<16x1xi32> to vector<16xi32>
      %gather3A_1684 = tpu.dynamic_gather %mul3A_590[%gather3A_1683] in [0] : vector<16xf32>, vector<16xi32> -> vector<16xf32>
      %broadcast_in_dim3A_1685 = arith.constant 111 : i32
      %broadcast_in_dim3A_1686 = vector.broadcast %broadcast_in_dim3A_1685 : i32 to vector<16xi32>
      %gather3A_1687 = tpu.vector_load_idx %arg15[%iota3A, %broadcast_in_dim3A_1686] : memref<16x128xf32, #tpu.memory_space<vmem>>[vector<16xi32>, vector<16xi32>], vector<16xf32>,
      %mul3A_1688 = arith.mulf %gather3A_1684, %gather3A_1687 : vector<16xf32>
      %add3A_1689 = arith.addf %add3A_1653, %mul3A_1688 : vector<16xf32>
      %broadcast_in_dim3A_1690 = arith.constant 0 : i32
      %broadcast_in_dim3A_1691 = vector.broadcast %broadcast_in_dim3A_1690 : i32 to vector<16x1xi32>
      %gather3A_1692 = vector.shape_cast %broadcast_in_dim3A_1691 : vector<16x1xi32> to vector<16xi32>
      %gather3A_1693 = tpu.dynamic_gather %mul3A_672[%gather3A_1692] in [0] : vector<16xf32>, vector<16xi32> -> vector<16xf32>
      %broadcast_in_dim3A_1694 = arith.constant 112 : i32
      %broadcast_in_dim3A_1695 = vector.broadcast %broadcast_in_dim3A_1694 : i32 to vector<16xi32>
      %gather3A_1696 = tpu.vector_load_idx %arg15[%iota3A, %broadcast_in_dim3A_1695] : memref<16x128xf32, #tpu.memory_space<vmem>>[vector<16xi32>, vector<16xi32>], vector<16xf32>,
      %mul3A_1697 = arith.mulf %gather3A_1693, %gather3A_1696 : vector<16xf32>
      %add3A_1698 = arith.addf %add3A_1662, %mul3A_1697 : vector<16xf32>
      %broadcast_in_dim3A_1699 = arith.constant 1 : i32
      %broadcast_in_dim3A_1700 = vector.broadcast %broadcast_in_dim3A_1699 : i32 to vector<16x1xi32>
      %gather3A_1701 = vector.shape_cast %broadcast_in_dim3A_1700 : vector<16x1xi32> to vector<16xi32>
      %gather3A_1702 = tpu.dynamic_gather %mul3A_672[%gather3A_1701] in [0] : vector<16xf32>, vector<16xi32> -> vector<16xf32>
      %broadcast_in_dim3A_1703 = arith.constant 113 : i32
      %broadcast_in_dim3A_1704 = vector.broadcast %broadcast_in_dim3A_1703 : i32 to vector<16xi32>
      %gather3A_1705 = tpu.vector_load_idx %arg15[%iota3A, %broadcast_in_dim3A_1704] : memref<16x128xf32, #tpu.memory_space<vmem>>[vector<16xi32>, vector<16xi32>], vector<16xf32>,
      %mul3A_1706 = arith.mulf %gather3A_1702, %gather3A_1705 : vector<16xf32>
      %add3A_1707 = arith.addf %add3A_1671, %mul3A_1706 : vector<16xf32>
      %broadcast_in_dim3A_1708 = arith.constant 2 : i32
      %broadcast_in_dim3A_1709 = vector.broadcast %broadcast_in_dim3A_1708 : i32 to vector<16x1xi32>
      %gather3A_1710 = vector.shape_cast %broadcast_in_dim3A_1709 : vector<16x1xi32> to vector<16xi32>
      %gather3A_1711 = tpu.dynamic_gather %mul3A_672[%gather3A_1710] in [0] : vector<16xf32>, vector<16xi32> -> vector<16xf32>
      %broadcast_in_dim3A_1712 = arith.constant 114 : i32
      %broadcast_in_dim3A_1713 = vector.broadcast %broadcast_in_dim3A_1712 : i32 to vector<16xi32>
      %gather3A_1714 = tpu.vector_load_idx %arg15[%iota3A, %broadcast_in_dim3A_1713] : memref<16x128xf32, #tpu.memory_space<vmem>>[vector<16xi32>, vector<16xi32>], vector<16xf32>,
      %mul3A_1715 = arith.mulf %gather3A_1711, %gather3A_1714 : vector<16xf32>
      %add3A_1716 = arith.addf %add3A_1680, %mul3A_1715 : vector<16xf32>
      %broadcast_in_dim3A_1717 = arith.constant 3 : i32
      %broadcast_in_dim3A_1718 = vector.broadcast %broadcast_in_dim3A_1717 : i32 to vector<16x1xi32>
      %gather3A_1719 = vector.shape_cast %broadcast_in_dim3A_1718 : vector<16x1xi32> to vector<16xi32>
      %gather3A_1720 = tpu.dynamic_gather %mul3A_672[%gather3A_1719] in [0] : vector<16xf32>, vector<16xi32> -> vector<16xf32>
      %broadcast_in_dim3A_1721 = arith.constant 115 : i32
      %broadcast_in_dim3A_1722 = vector.broadcast %broadcast_in_dim3A_1721 : i32 to vector<16xi32>
      %gather3A_1723 = tpu.vector_load_idx %arg15[%iota3A, %broadcast_in_dim3A_1722] : memref<16x128xf32, #tpu.memory_space<vmem>>[vector<16xi32>, vector<16xi32>], vector<16xf32>,
      %mul3A_1724 = arith.mulf %gather3A_1720, %gather3A_1723 : vector<16xf32>
      %add3A_1725 = arith.addf %add3A_1689, %mul3A_1724 : vector<16xf32>
      %broadcast_in_dim3A_1726 = arith.constant 4 : i32
      %broadcast_in_dim3A_1727 = vector.broadcast %broadcast_in_dim3A_1726 : i32 to vector<16x1xi32>
      %gather3A_1728 = vector.shape_cast %broadcast_in_dim3A_1727 : vector<16x1xi32> to vector<16xi32>
      %gather3A_1729 = tpu.dynamic_gather %mul3A_672[%gather3A_1728] in [0] : vector<16xf32>, vector<16xi32> -> vector<16xf32>
      %broadcast_in_dim3A_1730 = arith.constant 116 : i32
      %broadcast_in_dim3A_1731 = vector.broadcast %broadcast_in_dim3A_1730 : i32 to vector<16xi32>
      %gather3A_1732 = tpu.vector_load_idx %arg15[%iota3A, %broadcast_in_dim3A_1731] : memref<16x128xf32, #tpu.memory_space<vmem>>[vector<16xi32>, vector<16xi32>], vector<16xf32>,
      %mul3A_1733 = arith.mulf %gather3A_1729, %gather3A_1732 : vector<16xf32>
      %add3A_1734 = arith.addf %add3A_1698, %mul3A_1733 : vector<16xf32>
      %broadcast_in_dim3A_1735 = arith.constant 5 : i32
      %broadcast_in_dim3A_1736 = vector.broadcast %broadcast_in_dim3A_1735 : i32 to vector<16x1xi32>
      %gather3A_1737 = vector.shape_cast %broadcast_in_dim3A_1736 : vector<16x1xi32> to vector<16xi32>
      %gather3A_1738 = tpu.dynamic_gather %mul3A_672[%gather3A_1737] in [0] : vector<16xf32>, vector<16xi32> -> vector<16xf32>
      %broadcast_in_dim3A_1739 = arith.constant 117 : i32
      %broadcast_in_dim3A_1740 = vector.broadcast %broadcast_in_dim3A_1739 : i32 to vector<16xi32>
      %gather3A_1741 = tpu.vector_load_idx %arg15[%iota3A, %broadcast_in_dim3A_1740] : memref<16x128xf32, #tpu.memory_space<vmem>>[vector<16xi32>, vector<16xi32>], vector<16xf32>,
      %mul3A_1742 = arith.mulf %gather3A_1738, %gather3A_1741 : vector<16xf32>
      %add3A_1743 = arith.addf %add3A_1707, %mul3A_1742 : vector<16xf32>
      %broadcast_in_dim3A_1744 = arith.constant 6 : i32
      %broadcast_in_dim3A_1745 = vector.broadcast %broadcast_in_dim3A_1744 : i32 to vector<16x1xi32>
      %gather3A_1746 = vector.shape_cast %broadcast_in_dim3A_1745 : vector<16x1xi32> to vector<16xi32>
      %gather3A_1747 = tpu.dynamic_gather %mul3A_672[%gather3A_1746] in [0] : vector<16xf32>, vector<16xi32> -> vector<16xf32>
      %broadcast_in_dim3A_1748 = arith.constant 118 : i32
      %broadcast_in_dim3A_1749 = vector.broadcast %broadcast_in_dim3A_1748 : i32 to vector<16xi32>
      %gather3A_1750 = tpu.vector_load_idx %arg15[%iota3A, %broadcast_in_dim3A_1749] : memref<16x128xf32, #tpu.memory_space<vmem>>[vector<16xi32>, vector<16xi32>], vector<16xf32>,
      %mul3A_1751 = arith.mulf %gather3A_1747, %gather3A_1750 : vector<16xf32>
      %add3A_1752 = arith.addf %add3A_1716, %mul3A_1751 : vector<16xf32>
      %broadcast_in_dim3A_1753 = arith.constant 7 : i32
      %broadcast_in_dim3A_1754 = vector.broadcast %broadcast_in_dim3A_1753 : i32 to vector<16x1xi32>
      %gather3A_1755 = vector.shape_cast %broadcast_in_dim3A_1754 : vector<16x1xi32> to vector<16xi32>
      %gather3A_1756 = tpu.dynamic_gather %mul3A_672[%gather3A_1755] in [0] : vector<16xf32>, vector<16xi32> -> vector<16xf32>
      %broadcast_in_dim3A_1757 = arith.constant 119 : i32
      %broadcast_in_dim3A_1758 = vector.broadcast %broadcast_in_dim3A_1757 : i32 to vector<16xi32>
      %gather3A_1759 = tpu.vector_load_idx %arg15[%iota3A, %broadcast_in_dim3A_1758] : memref<16x128xf32, #tpu.memory_space<vmem>>[vector<16xi32>, vector<16xi32>], vector<16xf32>,
      %mul3A_1760 = arith.mulf %gather3A_1756, %gather3A_1759 : vector<16xf32>
      %add3A_1761 = arith.addf %add3A_1725, %mul3A_1760 : vector<16xf32>
      %broadcast_in_dim3A_1762 = arith.constant 8 : i32
      %broadcast_in_dim3A_1763 = vector.broadcast %broadcast_in_dim3A_1762 : i32 to vector<16x1xi32>
      %gather3A_1764 = vector.shape_cast %broadcast_in_dim3A_1763 : vector<16x1xi32> to vector<16xi32>
      %gather3A_1765 = tpu.dynamic_gather %mul3A_672[%gather3A_1764] in [0] : vector<16xf32>, vector<16xi32> -> vector<16xf32>
      %broadcast_in_dim3A_1766 = arith.constant 120 : i32
      %broadcast_in_dim3A_1767 = vector.broadcast %broadcast_in_dim3A_1766 : i32 to vector<16xi32>
      %gather3A_1768 = tpu.vector_load_idx %arg15[%iota3A, %broadcast_in_dim3A_1767] : memref<16x128xf32, #tpu.memory_space<vmem>>[vector<16xi32>, vector<16xi32>], vector<16xf32>,
      %mul3A_1769 = arith.mulf %gather3A_1765, %gather3A_1768 : vector<16xf32>
      %add3A_1770 = arith.addf %add3A_1734, %mul3A_1769 : vector<16xf32>
      %broadcast_in_dim3A_1771 = arith.constant 9 : i32
      %broadcast_in_dim3A_1772 = vector.broadcast %broadcast_in_dim3A_1771 : i32 to vector<16x1xi32>
      %gather3A_1773 = vector.shape_cast %broadcast_in_dim3A_1772 : vector<16x1xi32> to vector<16xi32>
      %gather3A_1774 = tpu.dynamic_gather %mul3A_672[%gather3A_1773] in [0] : vector<16xf32>, vector<16xi32> -> vector<16xf32>
      %broadcast_in_dim3A_1775 = arith.constant 121 : i32
      %broadcast_in_dim3A_1776 = vector.broadcast %broadcast_in_dim3A_1775 : i32 to vector<16xi32>
      %gather3A_1777 = tpu.vector_load_idx %arg15[%iota3A, %broadcast_in_dim3A_1776] : memref<16x128xf32, #tpu.memory_space<vmem>>[vector<16xi32>, vector<16xi32>], vector<16xf32>,
      %mul3A_1778 = arith.mulf %gather3A_1774, %gather3A_1777 : vector<16xf32>
      %add3A_1779 = arith.addf %add3A_1743, %mul3A_1778 : vector<16xf32>
      %broadcast_in_dim3A_1780 = arith.constant 10 : i32
      %broadcast_in_dim3A_1781 = vector.broadcast %broadcast_in_dim3A_1780 : i32 to vector<16x1xi32>
      %gather3A_1782 = vector.shape_cast %broadcast_in_dim3A_1781 : vector<16x1xi32> to vector<16xi32>
      %gather3A_1783 = tpu.dynamic_gather %mul3A_672[%gather3A_1782] in [0] : vector<16xf32>, vector<16xi32> -> vector<16xf32>
      %broadcast_in_dim3A_1784 = arith.constant 122 : i32
      %broadcast_in_dim3A_1785 = vector.broadcast %broadcast_in_dim3A_1784 : i32 to vector<16xi32>
      %gather3A_1786 = tpu.vector_load_idx %arg15[%iota3A, %broadcast_in_dim3A_1785] : memref<16x128xf32, #tpu.memory_space<vmem>>[vector<16xi32>, vector<16xi32>], vector<16xf32>,
      %mul3A_1787 = arith.mulf %gather3A_1783, %gather3A_1786 : vector<16xf32>
      %add3A_1788 = arith.addf %add3A_1752, %mul3A_1787 : vector<16xf32>
      %broadcast_in_dim3A_1789 = arith.constant 11 : i32
      %broadcast_in_dim3A_1790 = vector.broadcast %broadcast_in_dim3A_1789 : i32 to vector<16x1xi32>
      %gather3A_1791 = vector.shape_cast %broadcast_in_dim3A_1790 : vector<16x1xi32> to vector<16xi32>
      %gather3A_1792 = tpu.dynamic_gather %mul3A_672[%gather3A_1791] in [0] : vector<16xf32>, vector<16xi32> -> vector<16xf32>
      %broadcast_in_dim3A_1793 = arith.constant 123 : i32
      %broadcast_in_dim3A_1794 = vector.broadcast %broadcast_in_dim3A_1793 : i32 to vector<16xi32>
      %gather3A_1795 = tpu.vector_load_idx %arg15[%iota3A, %broadcast_in_dim3A_1794] : memref<16x128xf32, #tpu.memory_space<vmem>>[vector<16xi32>, vector<16xi32>], vector<16xf32>,
      %mul3A_1796 = arith.mulf %gather3A_1792, %gather3A_1795 : vector<16xf32>
      %add3A_1797 = arith.addf %add3A_1761, %mul3A_1796 : vector<16xf32>
      %broadcast_in_dim3A_1798 = arith.constant 12 : i32
      %broadcast_in_dim3A_1799 = vector.broadcast %broadcast_in_dim3A_1798 : i32 to vector<16x1xi32>
      %gather3A_1800 = vector.shape_cast %broadcast_in_dim3A_1799 : vector<16x1xi32> to vector<16xi32>
      %gather3A_1801 = tpu.dynamic_gather %mul3A_672[%gather3A_1800] in [0] : vector<16xf32>, vector<16xi32> -> vector<16xf32>
      %broadcast_in_dim3A_1802 = arith.constant 124 : i32
      %broadcast_in_dim3A_1803 = vector.broadcast %broadcast_in_dim3A_1802 : i32 to vector<16xi32>
      %gather3A_1804 = tpu.vector_load_idx %arg15[%iota3A, %broadcast_in_dim3A_1803] : memref<16x128xf32, #tpu.memory_space<vmem>>[vector<16xi32>, vector<16xi32>], vector<16xf32>,
      %mul3A_1805 = arith.mulf %gather3A_1801, %gather3A_1804 : vector<16xf32>
      %add3A_1806 = arith.addf %add3A_1770, %mul3A_1805 : vector<16xf32>
      %broadcast_in_dim3A_1807 = arith.constant 13 : i32
      %broadcast_in_dim3A_1808 = vector.broadcast %broadcast_in_dim3A_1807 : i32 to vector<16x1xi32>
      %gather3A_1809 = vector.shape_cast %broadcast_in_dim3A_1808 : vector<16x1xi32> to vector<16xi32>
      %gather3A_1810 = tpu.dynamic_gather %mul3A_672[%gather3A_1809] in [0] : vector<16xf32>, vector<16xi32> -> vector<16xf32>
      %broadcast_in_dim3A_1811 = arith.constant 125 : i32
      %broadcast_in_dim3A_1812 = vector.broadcast %broadcast_in_dim3A_1811 : i32 to vector<16xi32>
      %gather3A_1813 = tpu.vector_load_idx %arg15[%iota3A, %broadcast_in_dim3A_1812] : memref<16x128xf32, #tpu.memory_space<vmem>>[vector<16xi32>, vector<16xi32>], vector<16xf32>,
      %mul3A_1814 = arith.mulf %gather3A_1810, %gather3A_1813 : vector<16xf32>
      %add3A_1815 = arith.addf %add3A_1779, %mul3A_1814 : vector<16xf32>
      %broadcast_in_dim3A_1816 = arith.constant 14 : i32
      %broadcast_in_dim3A_1817 = vector.broadcast %broadcast_in_dim3A_1816 : i32 to vector<16x1xi32>
      %gather3A_1818 = vector.shape_cast %broadcast_in_dim3A_1817 : vector<16x1xi32> to vector<16xi32>
      %gather3A_1819 = tpu.dynamic_gather %mul3A_672[%gather3A_1818] in [0] : vector<16xf32>, vector<16xi32> -> vector<16xf32>
      %broadcast_in_dim3A_1820 = arith.constant 126 : i32
      %broadcast_in_dim3A_1821 = vector.broadcast %broadcast_in_dim3A_1820 : i32 to vector<16xi32>
      %gather3A_1822 = tpu.vector_load_idx %arg15[%iota3A, %broadcast_in_dim3A_1821] : memref<16x128xf32, #tpu.memory_space<vmem>>[vector<16xi32>, vector<16xi32>], vector<16xf32>,
      %mul3A_1823 = arith.mulf %gather3A_1819, %gather3A_1822 : vector<16xf32>
      %add3A_1824 = arith.addf %add3A_1788, %mul3A_1823 : vector<16xf32>
      %broadcast_in_dim3A_1825 = arith.constant 15 : i32
      %broadcast_in_dim3A_1826 = vector.broadcast %broadcast_in_dim3A_1825 : i32 to vector<16x1xi32>
      %gather3A_1827 = vector.shape_cast %broadcast_in_dim3A_1826 : vector<16x1xi32> to vector<16xi32>
      %gather3A_1828 = tpu.dynamic_gather %mul3A_672[%gather3A_1827] in [0] : vector<16xf32>, vector<16xi32> -> vector<16xf32>
      %broadcast_in_dim3A_1829 = arith.constant 127 : i32
      %broadcast_in_dim3A_1830 = vector.broadcast %broadcast_in_dim3A_1829 : i32 to vector<16xi32>
      %gather3A_1831 = tpu.vector_load_idx %arg15[%iota3A, %broadcast_in_dim3A_1830] : memref<16x128xf32, #tpu.memory_space<vmem>>[vector<16xi32>, vector<16xi32>], vector<16xf32>,
      %mul3A_1832 = arith.mulf %gather3A_1828, %gather3A_1831 : vector<16xf32>
      %add3A_1833 = arith.addf %add3A_1797, %mul3A_1832 : vector<16xf32>
      %add3A_1834 = arith.addf %add3A_1806, %add3A_1815 : vector<16xf32>
      %add3A_1835 = arith.addf %add3A_1824, %add3A_1833 : vector<16xf32>
      %add3A_1836 = arith.addf %add3A_1834, %add3A_1835 : vector<16xf32>
      %swap3A = arith.constant 0 : index
      %swap3A_1837 = tpu.vector_load %arg17[%swap3A] {strides = array<i32>} : memref<16xf32, #tpu.memory_space<vmem>>, vector<16xf32>,
      tpu.vector_store %arg17[%swap3A], %add3A_1836 {strides = array<i32>} : memref<16xf32, #tpu.memory_space<vmem>>, vector<16xf32>,
      %mul3A_1838 = arith.constant 128 : i32
      %mul3A_1839 = arith.muli %arg0, %mul3A_1838 : i32
      %mul3A_1840 = arith.constant 16 : i32
      %mul3A_1841 = arith.muli %arg1, %mul3A_1840 : i32
      %add3A_1842 = arith.addi %mul3A_1839, %mul3A_1841 : i32
      "tpu.region"() ({
        %run_scoped3A = tpu.sem_alloc : memref<!tpu.dma_semaphore, #tpu.memory_space<semaphore_mem>>
        %dma_start3A = tpu.memref_slice %arg8[%add3A_1842] : memref<256xf32, #tpu.memory_space<hbm>> -> memref<16xf32, #tpu.memory_space<hbm>>
        %dma_start3A_1843 = tpu.memref_slice %arg8[%add3A_1842] : memref<256xf32, #tpu.memory_space<hbm>> -> memref<16xf32, #tpu.memory_space<hbm>>
        tpu.enqueue_dma source(%arg17 : memref<16xf32, #tpu.memory_space<vmem>>) target(%dma_start3A_1843 : memref<16xf32, #tpu.memory_space<hbm>>) target_semaphore(%run_scoped3A : memref<!tpu.dma_semaphore, #tpu.memory_space<semaphore_mem>>)
        %dma_wait3A = tpu.memref_slice %arg8[%add3A_1842] : memref<256xf32, #tpu.memory_space<hbm>> -> memref<16xf32, #tpu.memory_space<hbm>>
        %dma_wait3A_1844 = tpu.memref_slice %arg8[%add3A_1842] : memref<256xf32, #tpu.memory_space<hbm>> -> memref<16xf32, #tpu.memory_space<hbm>>
        tpu.wait_dma2 semaphore(%run_scoped3A : memref<!tpu.dma_semaphore, #tpu.memory_space<semaphore_mem>>) src(%arg17 : memref<16xf32, #tpu.memory_space<vmem>>) dst(%dma_wait3A_1844 : memref<16xf32, #tpu.memory_space<hbm>>)
        tpu.yield
      }) : () -> ()
    } else {
    }
    return
  }
}

</mosaic_0001>

<sc_bundles>
// kernel: _encode.3.cloned.1.call-start
scs
__scs_entry_jumppad:
0x0: {  	(pc) =	sbr.rel $0x88, $3  }
0x1: {  	(tag) =	ssettag $0x0;
	lr =	simm.s32 $0x1  }
0x2: {  	[smem:$0x3F9C] =	sst lr;
	_ =	strace $0xD0000000  }
0x3: {  	_ = 	snop  }
0x4: {  	_ = 	snop  }
0x5: {  	_ = 	snop  }
0x6: {  	_ = 	snop  }
0x7: {  	_ = 	snop  }
__scs_overlays_trampoline_lowered:
0x8: {  	[smem:$0x3FAB] =	sst s0  }
0x9: {  	[smem:$0x3FAC] =	sst s1  }
0xa: {  	[smem:$0x3FAD] =	sst s2  }
0xb: {  	[smem:$0x3FAE] =	sst s3  }
0xc: {  	[smem:$0x3FAF] =	sst s4  }
0xd: {  	[smem:$0x3FB0] =	sst s5  }
0xe: {  	[smem:$0x3FB1] =	sst s6  }
0xf: {  	[smem:$0x3FB2] =	sst s7  }
0x10: {  	[smem:$0x3FB3] =	sst s8  }
0x11: {  	[smem:$0x3FB4] =	sst s9;
	s0 =	simm.s32 @!p0 $0x0  }
0x12: {  	s1 =	sld [smem:$0x3F9A];
	s0 =	simm.s32 @p0 $0x1  }
0x13: {  	[smem:$0x3FB5] =	sst s0;
	s0 =	simm.s32 @!p1 $0x0  }
0x14: {  	s2 =	sld [smem:$0x3F99];
	s0 =	simm.s32 @p1 $0x1  }
0x15: {  	[smem:$0x3FB6] =	sst s0;
	s0 =	simm.s32 @!p2 $0x0  }
0x16: {  	s3 =	sld [smem:$0x3FDB];
	s0 =	simm.s32 @p2 $0x1  }
0x17: {  	s4 =	simm.s32 $0x1BF5;
	[smem:$0x3FB8] =	sst s0  }
0x18: {  	s0 =	sld [smem:$0x3F9B];
	_ =	swait.ge [sflag:s4], $0x0  }
0x19: {  	s7 =	sld [smem:$0x3F9C]  }
0x1a: {  	s8 =	sadd.s32 $0xFFFFE003, lr  }
0x1b: {  	s9 =	sadd.s32 $0xFFFFFEF7, lr;
	s5 =	simm.s32 $0xFFFFFFFF;
	p2 =	slt.u32 s8, $0xFFFFF086  }
0x1c: {  	p1 =	slt.u32 s9, $0xF7A;
	s5 =	simm.s32 @!p2 $0x0  }
0x1d: {  	s5 =	simm.s32 @p1 $0x1;
	p0 =	seq.s32 s7, s2  }
0x1e: {  	s7 =	smul.u32 @!p0 $0xF7A, s2;
	p2 =	seq.s32 @!p0 s5, $0x0  }
0x1f: {  	s9 =	smul.u32 $0xF7A, s1;
	s8 =	simm.s32 @!p0 $0x1BF5;
	p2 =	por !p2, p0  }
0x20: {  	[sflag:s8] =	ssyncset.s32 @!p0 $0xFFFFF086;
	s6 =	sadd.s32 @!p0 s3, s7;
	s7 =	simm.s32 @!p0 $0x108  }
0x21: {  	s3 =	sadd.s32 s3, s9;
	s6 =	sadd.s32 @!p0 $0x88, s6;
	s7 =	simm.s32 @p2 $0x1082  }
0x22: {  	[simem:s7], [sflag:s8] =	dma.local @!p0 [hbm:s6], $0xF7A  }
0x23: {  	s9 =	sor.u32 $0xD0000000, s2;
	s6 =	simm.s32 $0x108;
	_ =	swait.ge @!p0 [sflag:s8], $0x0  }
0x24: {  	s3 =	sadd.s32 $0x88, s3;
	s6 =	simm.s32 @!p1 $0x1082;
	[sflag:s4] =	ssyncset.s32 $0xFFFFF086  }
0x25: {  	[simem:s6], [sflag:s4] =	dma.local [hbm:s3], $0xF7A  }
0x26: {  	[smem:$0x3F9C] =	sst s1;
	(tag) =	ssettag s2;
	_ =	strace s9  }
0x27: {  	s1 =	sld [smem:$0x3FAC]  }
0x28: {  	s2 =	sld [smem:$0x3FAD]  }
0x29: {  	s4 =	sld [smem:$0x3FAF]  }
0x2a: {  	p0 =	seq.s32 s5, $0x0;
	s5 =	sld [smem:$0x3FB0]  }
0x2b: {  	s6 =	sld [smem:$0x3FB1]  }
0x2c: {  	s7 =	sld [smem:$0x3FB2]  }
0x2d: {  	s3 =	simm.s32 $0x108;
	s8 =	sld [smem:$0x3FB3]  }
0x2e: {  	s3 =	simm.s32 @!p0 $0x1082;
	s9 =	sld [smem:$0x3FB4]  }
0x2f: {  	lr =	sadd.s32 s0, s3;
	s0 =	sld [smem:$0x3FAB]  }
0x30: {  	s3 =	sld [smem:$0x3FAE]  }
0x31: {  	[smem:$0x3FB7] =	sst s10  }
0x32: {  	s10 =	sld [smem:$0x3FB5];
	_ =	sdelay $0x3  }
0x33: {  	p0 =	seq.s32 s10, $0x1;
	s10 =	sld [smem:$0x3FB7];
	_ =	sdelay $0x3  }
0x34: {  	[smem:$0x3FB7] =	sst s10  }
0x35: {  	s10 =	sld [smem:$0x3FB6];
	_ =	sdelay $0x3  }
0x36: {  	p1 =	seq.s32 s10, $0x1;
	s10 =	sld [smem:$0x3FB7];
	_ =	sdelay $0x3  }
0x37: {  	[smem:$0x3FB7] =	sst s10  }
0x38: {  	s10 =	sld [smem:$0x3FB8]  }
0x39: {  	_ = 	snop;
	(pc) =	sbr.ind lr, $3  }
0x3a: {  	_ = 	snop  }
0x3b: {  	_ = 	snop  }
0x3c: {  	p2 =	seq.s32 s10, $0x1;
	s10 =	sld [smem:$0x3FB7]  }
0x3d: {  	_ =	shalt  }
0x3e: {  	_ =	shalt  }
0x3f: {  	_ =	shalt  }
0x40: {  	_ =	shalt  }
0x41: {  	_ =	shalt  }
0x42: {  	_ =	shalt  }
0x43: {  	_ =	shalt  }
0x44: {  	_ =	shalt  }
0x45: {  	_ =	shalt  }
0x46: {  	_ =	shalt  }
0x47: {  	_ =	shalt  }
0x48: {  	_ =	shalt  }
0x49: {  	_ =	shalt  }
0x4a: {  	_ =	shalt  }
0x4b: {  	_ =	shalt  }
0x4c: {  	_ =	shalt  }
0x4d: {  	_ =	shalt  }
0x4e: {  	_ =	shalt  }
0x4f: {  	_ =	shalt  }
0x50: {  	_ =	shalt  }
0x51: {  	_ =	shalt  }
0x52: {  	_ =	shalt  }
0x53: {  	_ =	shalt  }
0x54: {  	_ =	shalt  }
0x55: {  	_ =	shalt  }
0x56: {  	_ =	shalt  }
0x57: {  	_ =	shalt  }
0x58: {  	_ =	shalt  }
0x59: {  	_ =	shalt  }
0x5a: {  	_ =	shalt  }
0x5b: {  	_ =	shalt  }
0x5c: {  	_ =	shalt  }
0x5d: {  	_ =	shalt  }
0x5e: {  	_ =	shalt  }
0x5f: {  	_ =	shalt  }
0x60: {  	_ =	shalt  }
0x61: {  	_ =	shalt  }
0x62: {  	_ =	shalt  }
0x63: {  	_ =	shalt  }
0x64: {  	_ =	shalt  }
0x65: {  	_ =	shalt  }
0x66: {  	_ =	shalt  }
0x67: {  	_ =	shalt  }
0x68: {  	_ =	shalt  }
0x69: {  	_ =	shalt  }
0x6a: {  	_ =	shalt  }
0x6b: {  	_ =	shalt  }
0x6c: {  	_ =	shalt  }
0x6d: {  	_ =	shalt  }
0x6e: {  	_ =	shalt  }
0x6f: {  	_ =	shalt  }
0x70: {  	_ =	shalt  }
0x71: {  	_ =	shalt  }
0x72: {  	_ =	shalt  }
0x73: {  	_ =	shalt  }
0x74: {  	_ =	shalt  }
0x75: {  	_ =	shalt  }
0x76: {  	_ =	shalt  }
0x77: {  	_ =	shalt  }
0x78: {  	_ =	shalt  }
0x79: {  	_ =	shalt  }
0x7a: {  	_ =	shalt  }
0x7b: {  	_ =	shalt  }
0x7c: {  	_ =	shalt  }
0x7d: {  	_ =	shalt  }
0x7e: {  	_ =	shalt  }
0x7f: {  	_ =	shalt  }
0x80: {  	_ =	shalt  }
0x81: {  	_ =	shalt  }
0x82: {  	_ =	shalt  }
0x83: {  	_ =	shalt  }
0x84: {  	_ =	shalt  }
0x85: {  	_ =	shalt  }
0x86: {  	_ =	shalt  }
0x87: {  	_ =	shalt  }
.Lfunc_end0:
.L_simem_size_0:
called_computation_lowered:
.L_overlay_start_0:
0x88: {  	s2 =	sld [smem:$0x3FD9]  }
0x89: {  	s3 =	sld [smem:$0x3FFE];
	_ =	sdelay $0x1  }
0x8a: {  	s1 =	srdreg.scid  }
0x8b: {  	s0 =	sand.u32 $0x1, s1  }
0x8c: {  	s15 =	sshll.u32 s0, $0xA;
	s2 =	sadd.s32 s3, s2  }
0x8d: {  	s2 =	sadd.s32 s2, s15  }
0x8e: {  	[smem:$0x3FC3] =	sst s2  }
0x8f: {  	_ = 	snop  }
0x90: {  	s2 =	sld [smem:$0x3FC9]  }
0x91: {  	s16 =	sld [smem:$0x3FC8]  }
0x92: {  	s4 =	sld [smem:$0x3FD0]  }
0x93: {  	s5 =	sld [smem:$0x3FC7]  }
0x94: {  	s6 =	sld [smem:$0x3FC6]  }
0x95: {  	s8 =	simm.s32 $0xA;
	s9 =	simm.s32 $0x10;
	s7 =	sld [smem:$0x3FC5]  }
0x96: {  	[smem:s9], [sflag:s8] =	dma.local [hbm:s4], $0x1  }
0x97: {  	_ =	swait.eq [sflag:s8], $0x1  }
0x98: {  	[sflag:s8] =	ssyncset.done $0x0  }
0x99: {  	s17 =	sld [smem:$0x10];
	[sflag:s8] =	ssyncadd.s32 $0xFFFFFFFF  }
0x9a: {  	s18 =	sld [smem:$0x11];
	(tm) =	ssettm $0x1  }
0x9b: {  	s19 =	sld [smem:$0x3FFB];
	_ =	sdelay $0x3  }
0x9c: {  	_ =	strace s19  }
0x9d: {  	s9 =	sld [smem:$0x3FFC];
	_ =	sdelay $0x3  }
0x9e: {  	_ =	strace s9  }
0x9f: {  	s9 =	sld [smem:$0x3FFD];
	_ =	sdelay $0x3  }
0xa0: {  	_ =	strace s9  }
0xa1: {  	_ =	strace $0x8FFFFFFF  }
0xa2: {  	s20 =	sld [smem:$0x3FDB];
	_ =	sdelay $0x1  }
0xa3: {  	s10 =	simm.s32 $_scs_section_size  }
0xa4: {  	s11 =	simm.s32 $_size__tile_overlayer_lowered;
	s12 =	simm.s32 $_tile_overlayer_lowered  }
0xa5: {  	s23 =	simm.s32 $0x1BFF;
	s22 =	sshll.u32 s12, $0x1;
	s9 =	sadd.s32 s10, s20  }
0xa6: {  	s13 =	simm.s32 $0x0;
	s21 =	sshll.u32 s11, $0x1;
	s11 =	sadd.s32 s22, s9  }
0xa7: {  	[timem:s13], [sflag:s23] =	dma.local [hbm:s11], s21  }
0xa8: {  	_ =	swait.ge [sflag:s23], s21  }
0xa9: {  	s10 =	ssub.s32 $0x0, s21;
	[sflag:s23] =	ssyncset.done $0x0  }
0xaa: {  	[sflag:s23] =	ssyncadd.s32 s10;
	_ =	sdelay $0x1  }
0xab: {  	s24 =	simm.s32 $0x1B8B  }
0xac: {  	_ =	swait.ge [sflag:s24], $0x1  }
0xad: {  	[sflag:s24] =	ssyncset.done $0x0  }
0xae: {  	s25 =	simm.s32 $0x1B8E;
	[sflag:s24] =	ssyncadd.s32 $0xFFFFFFFF  }
0xaf: {  	s26 =	simm.s32 $execute0_lowered;
	[smem:$0x3FD2] =	sst s25  }
0xb0: {  	s10 =	sshll.u32 s26, $0x1;
	_ =	strace $0x80000046;
	[dreg:$0x1] =	wrdreg $0xFFFFFFFF  }
0xb1: {  	s28 =	simm.s32 $_size_execute0_lowered;
	s9 =	sadd.s32 s9, s10;
	[dreg:$0x0] =	wrdreg $0x0  }
0xb2: {  	s10 =	sshll.u32 s28, $0x1;
	[dreg:$0x2] =	wrdreg s9  }
0xb3: {  	[dreg:$0x3] =	wrdreg s10  }
0xb4: {  	[dreg:$0x4] =	wrdreg $0xC0  }
0xb5: {  	_ =	task [dreg:s13], $0x5FFFF  }
0xb6: {  	[dreg:$0x1] =	wrdreg $0xFFFFFFFF  }
0xb7: {  	[dreg:$0x0] =	wrdreg $0x60  }
0xb8: {  	[dreg:$0x2] =	wrdreg s2  }
0xb9: {  	[dreg:$0x3] =	wrdreg s16  }
0xba: {  	[dreg:$0x4] =	wrdreg s5  }
0xbb: {  	[dreg:$0x5] =	wrdreg s6  }
0xbc: {  	[dreg:$0x6] =	wrdreg s7  }
0xbd: {  	[dreg:$0x7] =	wrdreg s17  }
0xbe: {  	[dreg:$0x8] =	wrdreg s18  }
0xbf: {  	[dreg:$0x9] =	wrdreg $0x11A000  }
0xc0: {  	[dreg:$0xa] =	wrdreg $0x9  }
0xc1: {  	_ =	task.clear_ibuf [dreg:s13], $0xBFFFF;
	_ =	strace $0x90000046  }
0xc2: {  	s29 =	simm.s32 $0x9;
	_ =	strace $0x80000048  }
0xc3: {  	_ =	swait.ge [sflag:s29], $0x1  }
0xc4: {  	[sflag:s29] =	ssyncadd.s32 $0xFFFFFFFF  }
0xc5: {  	_ =	strace $0x90000048  }
0xc6: {  	_ =	sfence  }
0xc7: {  	s30 =	sld [smem:$0x0];
	_ =	sdelay $0x2  }
0xc8: {  	s31 =	sshll.u32 s1, $0xD;
	s1 =	sshrl.u32 s1, $0x2  }
0xc9: {  	s3 =	sand.u32 $0x4000, s31;
	s1 =	sadd.s32 s1, s30  }
0xca: {  	s0 =	sor.u32 s3, s0;
	s1 =	sshll.u32 s1, $0x11  }
0xcb: {  	s0 =	sor.u32 s1, s0  }
0xcc: {  	s0 =	sadd.s32 $0x8F2B, s0  }
0xcd: {  	[sflag:s0] =	ssyncadd.remote.s32 $0x1  }
0xce: {  	_ =	sfence.sel $0xFFFF  }
0xcf: {  	[dreg:$0x0] =	wrdreg $0xFFFFFFFF;
	(pc) =	sbr.abs _section_cstart, $3  }
0xd0: {  	[dreg:$0x1] =	wrdreg $0xFFFFFFFF  }
0xd1: {  	_ =	task.clear_ibuf [dreg:s13], $0x2FFFF;
	_ =	strace $0x9FFFFFFF  }
0xd2: {  	(tm) =	ssettm $0x7FFFFFFF  }
0xd3: {  	_ =	shalt  }
tec
execute0_lowered:
.L_overlay_start_1:
0x0: {  	(tag) =	ssettag $0x1  }
0x1: {  	s1 =	rddreg [dreg:$0x0]  }
0x2: {  	s3 =	rddreg [dreg:$0x2];
	v0 =	vlaneseq.u32  }
0x3: {  	s9 =	rddreg [dreg:$0x3];
	v0 =	vmul.u32 $0x80, v0  }
0x4: {  	s10 =	rddreg [dreg:$0x4]  }
0x5: {  	s7 =	rddreg [dreg:$0x5];
	v1 =	vor.u32 $0x800, v0  }
0x6: {  	s11 =	rddreg [dreg:$0x6];
	s4 =	simm.s32 $0x0;
	[tilespmem:$0x1FE10] =	vst v1;
	v1 =	vor.u32 $0x1000, v0  }
0x7: {  	[smem:$0x7FF] =	sst s4;
	[tilespmem:$0x1FE20] =	vst v1;
	v1 =	vor.u32 $0x1800, v0  }
0x8: {  	s2 =	rddreg [dreg:$0x7];
	_ =	strace $0x80000047;
	[tilespmem:$0x1FE30] =	vst v1;
	v1 =	vor.u32 $0x2000, v0  }
0x9: {  	[tilespmem:$0x1FE40] =	vst v1;
	v1 =	vor.u32 $0x2800, v0  }
0xa: {  	[tilespmem:$0x1FE50] =	vst v1;
	v1 =	vor.u32 $0x3000, v0  }
0xb: {  	[tilespmem:$0x1FE60] =	vst v1;
	v1 =	vor.u32 $0x3800, v0  }
0xc: {  	[tilespmem:$0x1FE70] =	vst v1;
	v1 =	vor.u32 $0x4000, v0  }
0xd: {  	[tilespmem:$0x1FE80] =	vst v1;
	v1 =	vor.u32 $0x4800, v0  }
0xe: {  	[tilespmem:$0x1FE90] =	vst v1;
	v1 =	vor.u32 $0x5000, v0  }
0xf: {  	[tilespmem:$0x1FEA0] =	vst v1;
	v1 =	vor.u32 $0x5800, v0  }
0x10: {  	[tilespmem:$0x1FEB0] =	vst v1;
	v1 =	vor.u32 $0x6000, v0  }
0x11: {  	[tilespmem:$0x1FEC0] =	vst v1;
	v1 =	vor.u32 $0x6800, v0  }
0x12: {  	[tilespmem:$0x1FED0] =	vst v1;
	v1 =	vor.u32 $0x7000, v0  }
0x13: {  	[tilespmem:$0x1FEE0] =	vst v1;
	v1 =	vor.u32 $0x7800, v0  }
0x14: {  	[tilespmem:$0x1FEF0] =	vst v1;
	v1 =	vor.u32 $0x8000, v0  }
0x15: {  	[tilespmem:$0x1FF00] =	vst v1;
	v1 =	vor.u32 $0x8800, v0  }
0x16: {  	s0 =	srdreg.scid;
	s18 =	stileid.u32;
	[tilespmem:$0x1FF10] =	vst v1;
	v1 =	vor.u32 $0x9000, v0  }
0x17: {  	s15 =	simm.s32 $0x400;
	s16 =	simm.s32 $0x7A1400;
	s17 =	simm.s32 $0x80;
	[tilespmem:$0x1FF20] =	vst v1;
	v1 =	vor.u32 $0x9800, v0  }
0x18: {  	s28 =	simm.s32 $0x3;
	s29 =	simm.s32 $0x4;
	s30 =	simm.s32 $0x5;
	[tilespmem:$0x1FF30] =	vst v1;
	v1 =	vor.u32 $0xA000, v0  }
0x19: {  	s31 =	simm.s32 $0x6;
	s19 =	simm.s32 $0x11100;
	s20 =	simm.s32 $0x11900;
	[tilespmem:$0x1FF40] =	vst v1;
	v1 =	vor.u32 $0xA800, v0  }
0x1a: {  	s21 =	simm.s32 $0x11980;
	s0 =	sand.u32 $0x1, s0;
	s24 =	sshll.u32 s18, $0x7;
	[tilespmem:$0x1FF50] =	vst v1;
	v1 =	vor.u32 $0xB000, v0  }
0x1b: {  	s25 =	sshll.u32 s18, $0x1;
	s26 =	sshll.u32 s18, $0x8;
	p2 =	sgt.u32 s18, $0x7;
	[tilespmem:$0x1FF60] =	vst v1;
	v1 =	vor.u32 $0xB800, v0  }
0x1c: {  	s12 =	sshll.u32 s0, $0x4;
	s5 =	ssub.s32 $0x2, s0;
	s11 =	sadd.s32 s11, s25;
	[tilespmem:$0x1FF70] =	vst v1;
	v1 =	vor.u32 $0xC000, v0  }
0x1d: {  	s9 =	sadd.s32 s9, s26;
	s10 =	sadd.s32 s10, s25;
	p1 =	seq.s32 s0, $0x0;
	[tilespmem:$0x1FF80] =	vst v1;
	v1 =	vor.u32 $0xC800, v0  }
0x1e: {  	s25 =	simm.s32 $0x1;
	s26 =	simm.s32 $0x2;
	s0 =	simm.s32 $0x10480;
	[tilespmem:$0x1FF90] =	vst v1;
	v1 =	vor.u32 $0xD000, v0  }
0x1f: {  	s14 =	sor.u32 s18, s12;
	s6 =	sshrl.u32 s5, $0x1;
	s11 =	sadd.s32 s12, s11;
	[tilespmem:$0x1FFA0] =	vst v1;
	v1 =	vor.u32 $0xD800, v0  }
.Ltmp0:
0x20: {  	s18 =	simm.s32 $0x10900;
	s8 =	sshll.u32 s14, $0x7;
	[tilespmem:$0x1FFB0] =	vst v1;
	v1 =	vor.u32 $0xE000, v0;
	(pc) =	sbr.rel .LBB2_1-.Ltmp0, $4  }
0x21: {  	s13 =	ssub.s32 s5, s6;
	s5 =	sadd.s32 s1, s14;
	p0 =	sgt.u32 s14, $0x18;
	[tilespmem:$0x1FFC0] =	vst v1;
	v1 =	vor.u32 $0xE800, v0  }
0x22: {  	s1 =	simm.s32 $0x7;
	s14 =	simm.s32 $0x10880;
	s6 =	sadd.s32 s3, s8;
	[tilespmem:$0x1FFD0] =	vst v1;
	v1 =	vor.u32 $0xF000, v0  }
0x23: {  	s7 =	sadd.s32 s7, s8;
	s8 =	sadd.s32 s24, s2;
	s12 =	smax.u32 s13, $0x1;
	[tilespmem:$0x1FFE0] =	vst v1;
	v1 =	vor.u32 $0xF800, v0  }
0x24: {  	s13 =	simm.s32 $0x9;
	s24 =	simm.s32 $0xE080;
	s3 =	simm.s32 $0x8;
	[tilespmem:$0x1FFF0] =	vst v1  }
.LBB2_6:
0x25: {  	s12 =	sadd.s32 $0xFFFFFFFF, s12  }
0x26: {  	p3 =	sne.s32 s12, $0x0  }
.Ltmp1:
0x27: {  	_ = 	snop;
	(pc) =	sbr.rel @!p3 .LBB2_7-.Ltmp1, $1  }
0x28: {  	_ =	sdelay $0x3  }
.LBB2_1:
.Ltmp2:
0x29: {  	(pc) =	sbr.rel @p0 .LBB2_3-.Ltmp2, $1  }
0x2a: {  	_ =	sdelay $0x3  }
0x2b: {  	[tilespmem:s4], [sflag:$0x9] =	stream.linear.gather [hbm4b:s5+s4], $0x8, $0x38;
	[tilespmem:$0x11A80] =	vst v63  }
0x2c: {  	_ =	swait.ge [sflag:s13], $0x8  }
0x2d: {  	[sflag:s13] =	ssyncset.done $0x0  }
0x2e: {  	s22 =	simm.s32 $0x10080;
	[sflag:s13] =	ssyncadd.s32 $0xFFFFFFF8  }
0x2f: {  	[tilespmem:s22], [sflag:$0x9] =	stream.linear.gather [hbm4b:s6+s4], $0x400, $0x38;
	[tilespmem:$0x11A80] =	vst v63  }
0x30: {  	_ =	swait.ge [sflag:s13], $0x400  }
0x31: {  	[sflag:s13] =	ssyncset.done $0x0  }
0x32: {  	[sflag:s13] =	ssyncadd.s32 $0xFFFFFC00  }
0x33: {  	v1 =	vld [tilespmem:$0x0];
	_ =	sdelay $0x4  }
0x34: {  	s23 =	rddreg [dreg:$0x1];
	v2 =	vand.u32 $0xFFFFFF80, v1  }
0x35: {  	v2 =	vadd.s32 s23, v2  }
0x36: {  	(v2sf) =	vpush v2, $0x0;
	_ =	sdelay $0x1  }
0x37: {  	(v2sf) =	vpush v2, $0x1;
	_ =	sdelay $0x1  }
0x38: {  	(v2sf) =	vpush v2, $0x2;
	_ =	sdelay $0x1  }
0x39: {  	(v2sf) =	vpush v2, $0x3;
	_ =	sdelay $0x1  }
0x3a: {  	(v2sf) =	vpush v2, $0x4;
	_ =	sdelay $0x1  }
0x3b: {  	(v2sf) =	vpush v2, $0x5;
	_ =	sdelay $0x1  }
0x3c: {  	(v2sf) =	vpush v2, $0x6;
	_ =	sdelay $0x1  }
0x3d: {  	(v2sf) =	vpush v2, $0x7  }
0x3e: {  	s23 =	spop (v2sf)  }
0x3f: {  	[tilespmem:s17], [sflag:$0x1] =	stream.strided.gather [hbm4b:s23+s15], $0x2000, s16, s15, $0x38;
	[tilespmem:$0x11A80] =	vst v63  }
0x40: {  	s22 =	spop (v2sf);
	s23 =	simm.s32 $0x2080  }
0x41: {  	[tilespmem:s23], [sflag:$0x2] =	stream.strided.gather [hbm4b:s22+s15], $0x2000, s16, s15, $0x38;
	[tilespmem:$0x11A80] =	vst v63  }
0x42: {  	s22 =	spop (v2sf);
	s23 =	simm.s32 $0x4080  }
0x43: {  	[tilespmem:s23], [sflag:$0x3] =	stream.strided.gather [hbm4b:s22+s15], $0x2000, s16, s15, $0x38;
	[tilespmem:$0x11A80] =	vst v63  }
0x44: {  	s22 =	spop (v2sf);
	s23 =	simm.s32 $0x6080  }
0x45: {  	[tilespmem:s23], [sflag:$0x4] =	stream.strided.gather [hbm4b:s22+s15], $0x2000, s16, s15, $0x38;
	[tilespmem:$0x11A80] =	vst v63  }
0x46: {  	s22 =	spop (v2sf);
	s23 =	simm.s32 $0x8080  }
0x47: {  	[tilespmem:s23], [sflag:$0x5] =	stream.strided.gather [hbm4b:s22+s15], $0x2000, s16, s15, $0x38;
	[tilespmem:$0x11A80] =	vst v63  }
0x48: {  	s22 =	spop (v2sf);
	s23 =	simm.s32 $0xA080  }
0x49: {  	v56 =	vand.u32 $0x7F, v1;
	[tilespmem:s23], [sflag:$0x6] =	stream.strided.gather [hbm4b:s22+s15], $0x2000, s16, s15, $0x38;
	[tilespmem:$0x11A80] =	vst v63  }
0x4a: {  	v1 =	vbroadcast v56, $0x0;
	s22 =	spop (v2sf);
	s23 =	simm.s32 $0xC080  }
0x4b: {  	[tilespmem:s23], [sflag:$0x7] =	stream.strided.gather [hbm4b:s22+s15], $0x2000, s16, s15, $0x38;
	[tilespmem:$0x11A80] =	vst v63  }
0x4c: {  	v2 =	vor.u32 v0, v1;
	s23 =	spop (v2sf)  }
0x4d: {  	[tilespmem:s24], [sflag:$0x8] =	stream.strided.gather [hbm4b:s23+s15], $0x2000, s16, s15, $0x38;
	[tilespmem:$0x11A80] =	vst v63  }
0x4e: {  	_ =	swait.ge [sflag:s25], $0x2000  }
0x4f: {  	[sflag:s25] =	ssyncset.done $0x0  }
0x50: {  	[sflag:s25] =	ssyncadd.s32 $0xFFFFE000  }
0x51: {  	v50 =	vld.idx.msk [tilespmem:v2+s17+$0x0], $0xffff  }
0x52: {  	v2 =	vld [tilespmem:$0x1FE10];
	_ =	sdelay $0x3  }
0x53: {  	v48 =	vld [tilespmem:$0x10080]  }
0x54: {  	v2 =	vor.u32 v2, v1;
	_ =	sdelay $0x2  }
0x55: {  	[tilespmem:$0x10480] =	vst v50  }
0x56: {  	[tilespmem:$0x104C0] =	vst v48  }
0x57: {  	v51 =	vld.idx.msk [tilespmem:v2+s17+$0x0], $0xffff  }
0x58: {  	v2 =	vld [tilespmem:$0x1FE20];
	_ =	sdelay $0x2  }
0x59: {  	v49 =	vld [tilespmem:$0x10090];
	_ =	sdelay $0x1  }
0x5a: {  	v2 =	vor.u32 v2, v1;
	_ =	sdelay $0x2  }
0x5b: {  	[tilespmem:$0x104D0] =	vst v49  }
0x5c: {  	[tilespmem:$0x10490] =	vst v51  }
0x5d: {  	v57 =	vld.idx.msk [tilespmem:v2+s17+$0x0], $0xffff  }
0x5e: {  	v2 =	vld [tilespmem:$0x1FE30];
	_ =	sdelay $0x2  }
0x5f: {  	v60 =	vld [tilespmem:$0x100A0];
	_ =	sdelay $0x1  }
0x60: {  	v1 =	vor.u32 v2, v1;
	_ =	sdelay $0x2  }
0x61: {  	[tilespmem:$0x104E0] =	vst v60  }
0x62: {  	[tilespmem:$0x104A0] =	vst v57;
	v2 =	vld [tilespmem:$0x1FE40]  }
0x63: {  	v63 =	vld.idx.msk [tilespmem:v1+s17+$0x0], $0xffff  }
0x64: {  	v1 =	vld [tilespmem:$0x100B0];
	_ =	sdelay $0x1  }
0x65: {  	v3 =	vbroadcast v56, $0x1;
	_ =	sdelay $0x1  }
0x66: {  	v2 =	vor.u32 v2, v3;
	[tilespmem:$0x104B0] =	vst v63  }
0x67: {  	[tilespmem:$0x104F0] =	vst v1  }
0x68: {  	_ =	swait.ge [sflag:s26], $0x2000  }
0x69: {  	[sflag:s26] =	ssyncset.done $0x0  }
0x6a: {  	[sflag:s26] =	ssyncadd.s32 $0xFFFFE000  }
0x6b: {  	v54 =	vld.idx.msk [tilespmem:v2+s17+$0x0], $0xffff  }
0x6c: {  	v2 =	vld [tilespmem:$0x1FE50];
	_ =	sdelay $0x3  }
0x6d: {  	v53 =	vld [tilespmem:$0x10100]  }
0x6e: {  	v2 =	vor.u32 v2, v3;
	_ =	sdelay $0x2  }
0x6f: {  	[tilespmem:$0x10500] =	vst v54  }
0x70: {  	[tilespmem:$0x10540] =	vst v53  }
0x71: {  	v55 =	vld.idx.msk [tilespmem:v2+s17+$0x0], $0xffff  }
0x72: {  	v2 =	vld [tilespmem:$0x1FE60];
	_ =	sdelay $0x2  }
0x73: {  	v52 =	vld [tilespmem:$0x10110];
	_ =	sdelay $0x1  }
0x74: {  	v2 =	vor.u32 v2, v3  }
0x75: {  	v4 =	vld [tilespmem:$0x1FE70];
	_ =	sdelay $0x1  }
0x76: {  	[tilespmem:$0x10550] =	vst v52  }
0x77: {  	v6 =	vld [tilespmem:$0x10120];
	[tilespmem:$0x10510] =	vst v55  }
0x78: {  	v2 =	vld.idx.msk [tilespmem:v2+s17+$0x0], $0xffff  }
0x79: {  	v3 =	vor.u32 v4, v3;
	_ =	sdelay $0x2  }
0x7a: {  	v43 =	vld [tilespmem:$0x1FE80];
	[tilespmem:$0x10560] =	vst v6  }
0x7b: {  	v9 =	vld [tilespmem:$0x10130];
	[tilespmem:$0x10520] =	vst v2  }
0x7c: {  	v8 =	vld.idx.msk [tilespmem:v3+s17+$0x0], $0xffff;
	_ =	sdelay $0x2  }
0x7d: {  	v3 =	vbroadcast v56, $0x2  }
0x7e: {  	[tilespmem:$0x10570] =	vst v9  }
0x7f: {  	v4 =	vor.u32 v43, v3;
	[tilespmem:$0x10530] =	vst v8  }
0x80: {  	_ =	swait.ge [sflag:s28], $0x2000  }
0x81: {  	v44 =	vld [tilespmem:$0x1FE90]  }
0x82: {  	[sflag:s28] =	ssyncset.done $0x0  }
0x83: {  	[sflag:s28] =	ssyncadd.s32 $0xFFFFE000  }
0x84: {  	v61 =	vld.idx.msk [tilespmem:v4+s17+$0x0], $0xffff  }
0x85: {  	v58 =	vld [tilespmem:$0x10180]  }
0x86: {  	v4 =	vor.u32 v44, v3  }
0x87: {  	v45 =	vld [tilespmem:$0x1FEA0];
	_ =	sdelay $0x1  }
0x88: {  	[tilespmem:$0x10580] =	vst v61  }
0x89: {  	v59 =	vld [tilespmem:$0x10190];
	[tilespmem:$0x105C0] =	vst v58  }
0x8a: {  	v62 =	vld.idx.msk [tilespmem:v4+s17+$0x0], $0xffff  }
0x8b: {  	v4 =	vor.u32 v45, v3  }
0x8c: {  	v46 =	vld [tilespmem:$0x1FEB0];
	_ =	sdelay $0x1  }
0x8d: {  	[tilespmem:$0x105D0] =	vst v59  }
0x8e: {  	v12 =	vld [tilespmem:$0x101A0];
	[tilespmem:$0x10590] =	vst v62  }
0x8f: {  	v10 =	vld.idx.msk [tilespmem:v4+s17+$0x0], $0xffff  }
0x90: {  	v3 =	vor.u32 v46, v3;
	_ =	sdelay $0x2  }
0x91: {  	[tilespmem:$0x105E0] =	vst v12  }
0x92: {  	v14 =	vld [tilespmem:$0x101B0];
	[tilespmem:$0x105A0] =	vst v10  }
0x93: {  	v13 =	vld.idx.msk [tilespmem:v3+s17+$0x0], $0xffff  }
0x94: {  	v3 =	vld [tilespmem:$0x1FEC0];
	_ =	sdelay $0x2  }
0x95: {  	v11 =	vbroadcast v56, $0x3  }
0x96: {  	[tilespmem:$0x105F0] =	vst v14  }
0x97: {  	[tilespmem:$0x105B0] =	vst v13;
	v3 =	vor.u32 v3, v11  }
0x98: {  	_ =	swait.ge [sflag:s29], $0x2000  }
0x99: {  	v5 =	vld [tilespmem:$0x1FED0]  }
0x9a: {  	[sflag:s29] =	ssyncset.done $0x0  }
0x9b: {  	[sflag:s29] =	ssyncadd.s32 $0xFFFFE000  }
0x9c: {  	v4 =	vld.idx.msk [tilespmem:v3+s17+$0x0], $0xffff  }
0x9d: {  	v3 =	vld [tilespmem:$0x10200]  }
0x9e: {  	v5 =	vor.u32 v5, v11;
	_ =	sdelay $0x1  }
0x9f: {  	v15 =	vld [tilespmem:$0x1FEE0]  }
0xa0: {  	[tilespmem:$0x10600] =	vst v4  }
0xa1: {  	[tilespmem:$0x10640] =	vst v3  }
0xa2: {  	v7 =	vld.idx.msk [tilespmem:v5+s17+$0x0], $0xffff  }
0xa3: {  	v5 =	vld [tilespmem:$0x10210]  }
0xa4: {  	v15 =	vor.u32 v15, v11  }
0xa5: {  	v17 =	vld [tilespmem:$0x1FEF0];
	_ =	sdelay $0x1  }
0xa6: {  	[tilespmem:$0x10610] =	vst v7  }
0xa7: {  	v16 =	vld [tilespmem:$0x10220];
	[tilespmem:$0x10650] =	vst v5  }
0xa8: {  	v15 =	vld.idx.msk [tilespmem:v15+s17+$0x0], $0xffff  }
0xa9: {  	v11 =	vor.u32 v17, v11;
	_ =	sdelay $0x2  }
0xaa: {  	v47 =	vld [tilespmem:$0x1FF00];
	[tilespmem:$0x10660] =	vst v16  }
0xab: {  	v18 =	vld [tilespmem:$0x10230];
	[tilespmem:$0x10620] =	vst v15  }
0xac: {  	v17 =	vld.idx.msk [tilespmem:v11+s17+$0x0], $0xffff;
	_ =	sdelay $0x2  }
0xad: {  	v19 =	vbroadcast v56, $0x4  }
0xae: {  	[tilespmem:$0x10670] =	vst v18  }
0xaf: {  	v11 =	vor.u32 v47, v19;
	[tilespmem:$0x10630] =	vst v17  }
0xb0: {  	_ =	swait.ge [sflag:s30], $0x2000  }
0xb1: {  	v21 =	vld [tilespmem:$0x1FF10]  }
0xb2: {  	[sflag:s30] =	ssyncset.done $0x0  }
0xb3: {  	[sflag:s30] =	ssyncadd.s32 $0xFFFFE000  }
0xb4: {  	v20 =	vld.idx.msk [tilespmem:v11+s17+$0x0], $0xffff  }
0xb5: {  	v11 =	vld [tilespmem:$0x10280]  }
0xb6: {  	v21 =	vor.u32 v21, v19  }
0xb7: {  	v23 =	vld [tilespmem:$0x1FF20];
	_ =	sdelay $0x1  }
0xb8: {  	[tilespmem:$0x10680] =	vst v20  }
0xb9: {  	v22 =	vld [tilespmem:$0x10290];
	[tilespmem:$0x106C0] =	vst v11  }
0xba: {  	v21 =	vld.idx.msk [tilespmem:v21+s17+$0x0], $0xffff  }
0xbb: {  	v23 =	vor.u32 v23, v19  }
0xbc: {  	v25 =	vld [tilespmem:$0x1FF30];
	_ =	sdelay $0x1  }
0xbd: {  	[tilespmem:$0x106D0] =	vst v22  }
0xbe: {  	v24 =	vld [tilespmem:$0x102A0];
	[tilespmem:$0x10690] =	vst v21  }
0xbf: {  	v23 =	vld.idx.msk [tilespmem:v23+s17+$0x0], $0xffff  }
0xc0: {  	v19 =	vor.u32 v25, v19;
	_ =	sdelay $0x2  }
0xc1: {  	v27 =	vld [tilespmem:$0x1FF40];
	[tilespmem:$0x106E0] =	vst v24  }
0xc2: {  	v25 =	vld [tilespmem:$0x102B0];
	[tilespmem:$0x106A0] =	vst v23  }
0xc3: {  	v19 =	vld.idx.msk [tilespmem:v19+s17+$0x0], $0xffff;
	_ =	sdelay $0x2  }
0xc4: {  	v26 =	vbroadcast v56, $0x5  }
0xc5: {  	[tilespmem:$0x106F0] =	vst v25  }
0xc6: {  	v27 =	vor.u32 v27, v26;
	[tilespmem:$0x106B0] =	vst v19  }
0xc7: {  	_ =	swait.ge [sflag:s31], $0x2000  }
0xc8: {  	v29 =	vld [tilespmem:$0x1FF50]  }
0xc9: {  	[sflag:s31] =	ssyncset.done $0x0  }
0xca: {  	[sflag:s31] =	ssyncadd.s32 $0xFFFFE000  }
0xcb: {  	v27 =	vld.idx.msk [tilespmem:v27+s17+$0x0], $0xffff  }
0xcc: {  	v28 =	vld [tilespmem:$0x10300]  }
0xcd: {  	v29 =	vor.u32 v29, v26  }
0xce: {  	v31 =	vld [tilespmem:$0x1FF60];
	_ =	sdelay $0x1  }
0xcf: {  	[tilespmem:$0x10700] =	vst v27  }
0xd0: {  	v30 =	vld [tilespmem:$0x10310];
	[tilespmem:$0x10740] =	vst v28  }
0xd1: {  	v29 =	vld.idx.msk [tilespmem:v29+s17+$0x0], $0xffff  }
0xd2: {  	v31 =	vor.u32 v31, v26  }
0xd3: {  	v33 =	vld [tilespmem:$0x1FF70];
	_ =	sdelay $0x1  }
0xd4: {  	[tilespmem:$0x10750] =	vst v30  }
0xd5: {  	v32 =	vld [tilespmem:$0x10320];
	[tilespmem:$0x10710] =	vst v29  }
0xd6: {  	v31 =	vld.idx.msk [tilespmem:v31+s17+$0x0], $0xffff  }
0xd7: {  	v26 =	vor.u32 v33, v26;
	_ =	sdelay $0x2  }
0xd8: {  	v35 =	vld [tilespmem:$0x1FF80];
	[tilespmem:$0x10760] =	vst v32  }
0xd9: {  	v33 =	vld [tilespmem:$0x10330];
	[tilespmem:$0x10720] =	vst v31  }
0xda: {  	v26 =	vld.idx.msk [tilespmem:v26+s17+$0x0], $0xffff;
	_ =	sdelay $0x2  }
0xdb: {  	v34 =	vbroadcast v56, $0x6  }
0xdc: {  	[tilespmem:$0x10770] =	vst v33  }
0xdd: {  	v35 =	vor.u32 v35, v34;
	[tilespmem:$0x10730] =	vst v26  }
0xde: {  	_ =	swait.ge [sflag:s1], $0x2000  }
0xdf: {  	v37 =	vld [tilespmem:$0x1FF90]  }
0xe0: {  	[sflag:s1] =	ssyncset.done $0x0  }
0xe1: {  	[sflag:s1] =	ssyncadd.s32 $0xFFFFE000  }
0xe2: {  	v35 =	vld.idx.msk [tilespmem:v35+s17+$0x0], $0xffff  }
0xe3: {  	v36 =	vld [tilespmem:$0x10380]  }
0xe4: {  	v37 =	vor.u32 v37, v34  }
0xe5: {  	v39 =	vld [tilespmem:$0x1FFA0];
	_ =	sdelay $0x1  }
0xe6: {  	[tilespmem:$0x10780] =	vst v35  }
0xe7: {  	v38 =	vld [tilespmem:$0x10390];
	[tilespmem:$0x107C0] =	vst v36  }
0xe8: {  	v37 =	vld.idx.msk [tilespmem:v37+s17+$0x0], $0xffff  }
0xe9: {  	v39 =	vor.u32 v39, v34  }
0xea: {  	v41 =	vld [tilespmem:$0x1FFB0];
	_ =	sdelay $0x1  }
0xeb: {  	[tilespmem:$0x107D0] =	vst v38  }
0xec: {  	v40 =	vld [tilespmem:$0x103A0];
	[tilespmem:$0x10790] =	vst v37  }
0xed: {  	v39 =	vld.idx.msk [tilespmem:v39+s17+$0x0], $0xffff  }
0xee: {  	v34 =	vor.u32 v41, v34;
	_ =	sdelay $0x2  }
0xef: {  	v42 =	vld [tilespmem:$0x1FFC0];
	[tilespmem:$0x107E0] =	vst v40  }
0xf0: {  	v41 =	vld [tilespmem:$0x103B0];
	[tilespmem:$0x107A0] =	vst v39  }
0xf1: {  	v34 =	vld.idx.msk [tilespmem:v34+s17+$0x0], $0xffff;
	_ =	sdelay $0x2  }
0xf2: {  	v56 =	vbroadcast v56, $0x7  }
0xf3: {  	[tilespmem:$0x107F0] =	vst v41  }
0xf4: {  	v42 =	vor.u32 v42, v56;
	[tilespmem:$0x107B0] =	vst v34  }
0xf5: {  	_ =	swait.ge [sflag:s3], $0x2000  }
0xf6: {  	v44 =	vld [tilespmem:$0x1FFD0]  }
0xf7: {  	[sflag:s3] =	ssyncset.done $0x0  }
0xf8: {  	[sflag:s3] =	ssyncadd.s32 $0xFFFFE000  }
0xf9: {  	v42 =	vld.idx.msk [tilespmem:v42+s17+$0x0], $0xffff  }
0xfa: {  	v63 =	vadd.f32 $0.0e+00, v63;
	v43 =	vld [tilespmem:$0x10400]  }
0xfb: {  	v60 =	vadd.f32 $0.0e+00, v60;
	v44 =	vor.u32 v44, v56  }
0xfc: {  	v1 =	vadd.f32 $0.0e+00, v1;
	v8 =	vadd.f32 v8, v63;
	v63 =	vld [tilespmem:$0x1FFE0]  }
0xfd: {  	v50 =	vadd.f32 $0.0e+00, v50;
	v57 =	vadd.f32 $0.0e+00, v57  }
0xfe: {  	v1 =	vadd.f32 v9, v1;
	v6 =	vadd.f32 v6, v60;
	[tilespmem:$0x10800] =	vst v42  }
0xff: {  	v60 =	vadd.f32 $0.0e+00, v49;
	v2 =	vadd.f32 v2, v57;
	v9 =	vld [tilespmem:$0x10410];
	[tilespmem:$0x10840] =	vst v43  }
0x100: {  	v57 =	vadd.f32 $0.0e+00, v51;
	v1 =	vadd.f32 v14, v1;
	v44 =	vld.idx.msk [tilespmem:v44+s17+$0x0], $0xffff  }
0x101: {  	v14 =	vadd.f32 v54, v50;
	v8 =	vadd.f32 v13, v8;
	v13 =	vor.u32 v63, v56  }
0x102: {  	v6 =	vadd.f32 v12, v6;
	v2 =	vadd.f32 v10, v2;
	v47 =	vld [tilespmem:$0x1FFF0]  }
0x103: {  	v14 =	vadd.f32 v61, v14;
	v1 =	vadd.f32 v18, v1  }
0x104: {  	v6 =	vadd.f32 v16, v6;
	v16 =	vadd.f32 v55, v57;
	[tilespmem:$0x10850] =	vst v9  }
0x105: {  	v8 =	vadd.f32 v17, v8;
	v17 =	vadd.f32 v52, v60;
	v46 =	vld [tilespmem:$0x10420];
	[tilespmem:$0x10810] =	vst v44  }
0x106: {  	v4 =	vadd.f32 v4, v14;
	v16 =	vadd.f32 v62, v16;
	v45 =	vld.idx.msk [tilespmem:v13+s17+$0x0], $0xffff  }
0x107: {  	v17 =	vadd.f32 v59, v17;
	v13 =	vor.u32 v47, v56;
	v56 =	vadd.f32 $0.0e+00, v48  }
0x108: {  	v7 =	vadd.f32 v7, v16;
	v2 =	vadd.f32 v15, v2  }
0x109: {  	v5 =	vadd.f32 v5, v17;
	v15 =	vadd.f32 v53, v56  }
0x10a: {  	v6 =	vadd.f32 v24, v6;
	v4 =	vadd.f32 v20, v4;
	[tilespmem:$0x10860] =	vst v46  }
0x10b: {  	v5 =	vadd.f32 v22, v5;
	v62 =	vld [tilespmem:$0x10430];
	v15 =	vadd.f32 v58, v15;
	[tilespmem:$0x10820] =	vst v45  }
0x10c: {  	v1 =	vadd.f32 v25, v1;
	v7 =	vadd.f32 v21, v7;
	v13 =	vld.idx.msk [tilespmem:v13+s17+$0x0], $0xffff  }
0x10d: {  	v2 =	vadd.f32 v23, v2;
	v3 =	vadd.f32 v3, v15  }
0x10e: {  	v8 =	vadd.f32 v19, v8;
	v6 =	vadd.f32 v32, v6  }
0x10f: {  	v4 =	vadd.f32 v27, v4;
	v3 =	vadd.f32 v11, v3  }
0x110: {  	v5 =	vadd.f32 v30, v5;
	v1 =	vadd.f32 v33, v1;
	[tilespmem:$0x10870] =	vst v62  }
0x111: {  	v7 =	vadd.f32 v29, v7;
	v3 =	vadd.f32 v28, v3;
	[tilespmem:$0x10830] =	vst v13  }
0x112: {  	v2 =	vadd.f32 v31, v2;
	v4 =	vadd.f32 v35, v4;
	[hbm4b:s7+s4] =	stream.linear.scatter [tilespmem:s0], [sflag:$0x9], $0x400, $0x38;
	[tilespmem:$0x11A80] =	vst v63  }
0x113: {  	v8 =	vadd.f32 v26, v8;
	v3 =	vadd.f32 v36, v3;
	_ =	swait.ge [sflag:s13], $0x400  }
0x114: {  	v7 =	vadd.f32 v37, v7;
	v4 =	vadd.f32 v42, v4;
	[sflag:s13] =	ssyncset.done $0x0  }
0x115: {  	v5 =	vadd.f32 v38, v5;
	v3 =	vadd.f32 v43, v3;
	[sflag:s13] =	ssyncadd.s32 $0xFFFFFC00  }
0x116: {  	v2 =	vadd.f32 v39, v2;
	v7 =	vadd.f32 v44, v7;
	[tilespmem:$0x10880] =	vst v4  }
0x117: {  	v63 =	vadd.f32 v40, v6;
	v5 =	vadd.f32 v9, v5;
	[tilespmem:$0x108C0] =	vst v3  }
.Ltmp3:
0x118: {  	v2 =	vadd.f32 v45, v2;
	v3 =	vadd.f32 v34, v8;
	[tilespmem:$0x10890] =	vst v7;
	(pc) =	sbr.rel .LBB2_4-.Ltmp3, $4  }
0x119: {  	v4 =	vadd.f32 v46, v63;
	[tilespmem:$0x108D0] =	vst v5  }
0x11a: {  	v1 =	vadd.f32 v41, v1;
	[tilespmem:$0x108A0] =	vst v2;
	v3 =	vadd.f32 v13, v3  }
0x11b: {  	[tilespmem:$0x108E0] =	vst v4  }
0x11c: {  	v1 =	vadd.f32 v62, v1;
	[tilespmem:$0x108B0] =	vst v3  }
.LBB2_3:
0x11d: {  	v1 =	vimm.f32 $0.0e+00  }
0x11e: {  	[tilespmem:$0x10880] =	vst v1  }
0x11f: {  	[tilespmem:$0x10890] =	vst v1  }
0x120: {  	[tilespmem:$0x108A0] =	vst v1  }
0x121: {  	[tilespmem:$0x108B0] =	vst v1  }
0x122: {  	[tilespmem:$0x108C0] =	vst v1  }
0x123: {  	[tilespmem:$0x108D0] =	vst v1  }
0x124: {  	[tilespmem:$0x108E0] =	vst v1  }
.LBB2_4:
0x125: {  	_ = 	snop  }
0x126: {  	[tilespmem:$0x108F0] =	vst v1  }
0x127: {  	[spmem:s8] =	stream.linear.scatter [tilespmem:s14], [sflag:$0x9], $0x80, $0x38;
	[tilespmem:$0x11A80] =	vst v63  }
.Ltmp4:
0x128: {  	_ =	swait.ge [sflag:s13], $0x80;
	(pc) =	sbr.rel @p2 .LBB2_6-.Ltmp4, $3  }
0x129: {  	[sflag:s13] =	ssyncset.done $0x0  }
0x12a: {  	[sflag:s13] =	ssyncadd.s32 $0xFFFFFF80  }
0x12b: {  	[bflag:$0x0] =	sbarrier.arrive $0xFFFF;
	_ =	sdelay $0x1  }
0x12c: {  	[tilespmem:s18], [sflag:$0x9] =	stream.linear.gather [spmem:s2], $0x800, $0x38;
	[tilespmem:$0x11A80] =	vst v63  }
0x12d: {  	_ =	swait.ge [sflag:s13], $0x800  }
0x12e: {  	[sflag:s13] =	ssyncset.done $0x0  }
0x12f: {  	[sflag:s13] =	ssyncadd.s32 $0xFFFFF800  }
0x130: {  	[tilespmem:s19], [sflag:$0x9] =	stream.linear.gather [hbm4b:s9+s4], $0x800, $0x38;
	[tilespmem:$0x11A80] =	vst v63  }
0x131: {  	_ =	swait.ge [sflag:s13], $0x800  }
0x132: {  	[sflag:s13] =	ssyncset.done $0x0  }
0x133: {  	[sflag:s13] =	ssyncadd.s32 $0xFFFFF800  }
0x134: {  	[tilespmem:s20], [sflag:$0x9] =	stream.linear.gather [hbm4b:s10+s4], $0x10, $0x38;
	[tilespmem:$0x11A80] =	vst v63  }
0x135: {  	_ =	swait.ge [sflag:s13], $0x10  }
0x136: {  	[sflag:s13] =	ssyncset.done $0x0  }
0x137: {  	[sflag:s13] =	ssyncadd.s32 $0xFFFFFFF0  }
0x138: {  	v1 =	vld [tilespmem:$0x10900]  }
0x139: {  	v2 =	vld [tilespmem:$0x10980]  }
0x13a: {  	v3 =	vld [tilespmem:$0x10A00]  }
0x13b: {  	v4 =	vld [tilespmem:$0x10A80]  }
0x13c: {  	v5 =	vld [tilespmem:$0x10B00]  }
0x13d: {  	v6 =	vld [tilespmem:$0x10B80]  }
0x13e: {  	v7 =	vld [tilespmem:$0x10C00]  }
0x13f: {  	v8 =	vld [tilespmem:$0x10C80]  }
0x140: {  	v9 =	vld [tilespmem:$0x10D00]  }
0x141: {  	v10 =	vld [tilespmem:$0x10D80]  }
0x142: {  	v11 =	vld [tilespmem:$0x10E00]  }
0x143: {  	v12 =	vld [tilespmem:$0x10E80]  }
0x144: {  	v13 =	vld [tilespmem:$0x10F00]  }
0x145: {  	v14 =	vld [tilespmem:$0x10F80]  }
0x146: {  	v15 =	vld [tilespmem:$0x11000]  }
0x147: {  	v16 =	vld [tilespmem:$0x11080]  }
0x148: {  	v17 =	vld [tilespmem:$0x10910]  }
0x149: {  	v18 =	vld [tilespmem:$0x10990]  }
0x14a: {  	v19 =	vld [tilespmem:$0x10A10]  }
0x14b: {  	v20 =	vld [tilespmem:$0x10A90]  }
0x14c: {  	v21 =	vld [tilespmem:$0x10B10]  }
0x14d: {  	v22 =	vld [tilespmem:$0x10B90]  }
0x14e: {  	v23 =	vld [tilespmem:$0x10C10]  }
0x14f: {  	v24 =	vld [tilespmem:$0x10C90]  }
0x150: {  	v25 =	vld [tilespmem:$0x10D10]  }
0x151: {  	v26 =	vld [tilespmem:$0x10D90]  }
0x152: {  	v27 =	vld [tilespmem:$0x10E10]  }
0x153: {  	v28 =	vld [tilespmem:$0x10E90]  }
0x154: {  	v29 =	vld [tilespmem:$0x10F10]  }
0x155: {  	v30 =	vld [tilespmem:$0x10F90]  }
0x156: {  	v31 =	vld [tilespmem:$0x11010]  }
0x157: {  	v32 =	vld [tilespmem:$0x11090]  }
0x158: {  	v52 =	vld [tilespmem:$0x10920]  }
0x159: {  	v34 =	vld [tilespmem:$0x109A0]  }
0x15a: {  	v35 =	vld [tilespmem:$0x10A20]  }
0x15b: {  	v36 =	vld [tilespmem:$0x10AA0]  }
0x15c: {  	v37 =	vld [tilespmem:$0x10B20]  }
0x15d: {  	v38 =	vld [tilespmem:$0x10BA0]  }
0x15e: {  	v39 =	vld [tilespmem:$0x10C20]  }
0x15f: {  	v40 =	vld [tilespmem:$0x10CA0]  }
0x160: {  	v41 =	vld [tilespmem:$0x10D20]  }
0x161: {  	v42 =	vld [tilespmem:$0x10DA0]  }
0x162: {  	v43 =	vld [tilespmem:$0x10E20]  }
0x163: {  	v44 =	vld [tilespmem:$0x10EA0]  }
0x164: {  	v48 =	vld [tilespmem:$0x10F20]  }
0x165: {  	v49 =	vld [tilespmem:$0x10FA0]  }
0x166: {  	v50 =	vld [tilespmem:$0x11020]  }
0x167: {  	v53 =	vld [tilespmem:$0x10940]  }
0x168: {  	v51 =	vld [tilespmem:$0x110A0]  }
0x169: {  	v33 =	vld [tilespmem:$0x10930]  }
0x16a: {  	v47 =	vld [tilespmem:$0x109B0]  }
0x16b: {  	v54 =	vld [tilespmem:$0x10A30]  }
0x16c: {  	[tilespmem:$0x1FD60] =	vst v53;
	v53 =	vld [tilespmem:$0x109C0]  }
0x16d: {  	v55 =	vld [tilespmem:$0x10AB0]  }
0x16e: {  	v56 =	vld [tilespmem:$0x10B30]  }
0x16f: {  	v57 =	vld [tilespmem:$0x10BB0]  }
0x170: {  	v58 =	vld [tilespmem:$0x10C30]  }
0x171: {  	[tilespmem:$0x1FD70] =	vst v53;
	v53 =	vld [tilespmem:$0x10A40]  }
0x172: {  	v59 =	vld [tilespmem:$0x10CB0]  }
0x173: {  	v60 =	vld [tilespmem:$0x10D30]  }
0x174: {  	v61 =	vld [tilespmem:$0x10DB0]  }
0x175: {  	v62 =	vld [tilespmem:$0x10E30]  }
0x176: {  	[tilespmem:$0x1FD80] =	vst v53;
	v53 =	vld [tilespmem:$0x10AC0]  }
0x177: {  	v63 =	vld [tilespmem:$0x10EB0]  }
0x178: {  	v45 =	vld [tilespmem:$0x10F30]  }
0x179: {  	v46 =	vld [tilespmem:$0x10FB0]  }
0x17a: {  	[tilespmem:$0x1FD50] =	vst v47;
	v47 =	vld [tilespmem:$0x11030]  }
0x17b: {  	[tilespmem:$0x1FD90] =	vst v53;
	v53 =	vld [tilespmem:$0x10B40]  }
0x17c: {  	[tilespmem:$0x1FD40] =	vst v33;
	v33 =	vld [tilespmem:$0x110B0]  }
0x17d: {  	v1 =	vadd.f32 v2, v1;
	v2 =	vadd.f32 v4, v3;
	v3 =	vld [tilespmem:$0x10EC0]  }
0x17e: {  	v4 =	vadd.f32 v6, v5;
	v6 =	vld [tilespmem:$0x10F40]  }
0x17f: {  	v5 =	vadd.f32 v8, v7;
	v7 =	vadd.f32 v10, v9;
	v9 =	vld [tilespmem:$0x10FC0]  }
0x180: {  	[tilespmem:$0x1FDB0] =	vst v53;
	v53 =	vld [tilespmem:$0x10BC0]  }
0x181: {  	v8 =	vadd.f32 v12, v11;
	v12 =	vld [tilespmem:$0x11040]  }
0x182: {  	v11 =	vadd.f32 v20, v19;
	v19 =	vld [tilespmem:$0x10AD0]  }
0x183: {  	v10 =	vadd.f32 v18, v17;
	v18 =	vld [tilespmem:$0x10C50]  }
0x184: {  	v16 =	vadd.f32 v16, v15;
	v15 =	vld [tilespmem:$0x10DD0]  }
0x185: {  	[tilespmem:$0x1FDA0] =	vst v53;
	v53 =	vld [tilespmem:$0x10C40]  }
0x186: {  	v20 =	vld [tilespmem:$0x10ED0]  }
0x187: {  	v36 =	vadd.f32 v36, v35;
	v35 =	vld [tilespmem:$0x10A60]  }
0x188: {  	v38 =	vadd.f32 v38, v37;
	v37 =	vld [tilespmem:$0x10DE0]  }
0x189: {  	v61 =	vadd.f32 v61, v60;
	v60 =	vld [tilespmem:$0x10FE0]  }
0x18a: {  	[tilespmem:$0x1FDC0] =	vst v53;
	v53 =	vld [tilespmem:$0x10CC0]  }
0x18b: {  	v34 =	vadd.f32 v34, v52;
	v52 =	vld [tilespmem:$0x1FD40]  }
0x18c: {  	v1 =	vadd.f32 v2, v1;
	v2 =	vadd.f32 v5, v4;
	v4 =	vld [tilespmem:$0x110C0]  }
0x18d: {  	v40 =	vadd.f32 v40, v39;
	v5 =	vadd.f32 v8, v7;
	v8 =	vld [tilespmem:$0x10950]  }
0x18e: {  	v43 =	vadd.f32 v44, v43;
	v10 =	vadd.f32 v11, v10;
	v11 =	vld [tilespmem:$0x10D50]  }
0x18f: {  	v44 =	vadd.f32 v49, v48;
	v48 =	vadd.f32 v51, v50;
	[tilespmem:$0x1FDD0] =	vst v53;
	v53 =	vld [tilespmem:$0x10D40]  }
0x190: {  	v42 =	vadd.f32 v42, v41;
	v49 =	vadd.f32 v40, v38;
	v38 =	vld [tilespmem:$0x10AE0]  }
0x191: {  	v51 =	vadd.f32 v48, v44;
	v44 =	vadd.f32 v63, v62;
	v40 =	vld [tilespmem:$0x10B60]  }
0x192: {  	v57 =	vadd.f32 v57, v56;
	v50 =	vadd.f32 v43, v42;
	v63 =	vld [tilespmem:$0x110E0]  }
0x193: {  	v59 =	vadd.f32 v59, v58;
	v48 =	vadd.f32 v44, v61;
	v61 =	vld [tilespmem:$0x11060]  }
0x194: {  	v17 =	vadd.f32 v51, v50;
	[tilespmem:$0x1FDE0] =	vst v53;
	v53 =	vld [tilespmem:$0x10DC0]  }
0x195: {  	v33 =	vadd.f32 v33, v47;
	v47 =	vadd.f32 v59, v57;
	v57 =	vld [tilespmem:$0x10E60]  }
0x196: {  	v6 =	vadd.f32 v9, v6;
	v50 =	vld [tilespmem:$0x1FD70];
	v4 =	vadd.f32 v4, v12  }
0x197: {  	v11 =	vadd.f32 v15, v11;
	v15 =	vld [tilespmem:$0x109F0]  }
0x198: {  	v4 =	vadd.f32 v4, v6;
	v6 =	vadd.f32 v63, v61;
	v61 =	vld [tilespmem:$0x10FF0]  }
0x199: {  	[tilespmem:$0x1FDF0] =	vst v53;
	v53 =	vld [tilespmem:$0x10E40]  }
0x19a: {  	v63 =	vld [tilespmem:$0x11070]  }
0x19b: {  	v51 =	vld [tilespmem:$0x1FD80]  }
0x19c: {  	v55 =	vadd.f32 v55, v54;
	v54 =	vld [tilespmem:$0x1FDB0]  }
0x19d: {  	v56 =	vld [tilespmem:$0x1FDD0]  }
0x19e: {  	[tilespmem:$0x1FE00] =	vst v53;
	v53 =	vadd.f32 v14, v13;
	v13 =	vld [tilespmem:$0x109D0]  }
0x19f: {  	v14 =	vadd.f32 v22, v21;
	v22 =	vld [tilespmem:$0x10B50]  }
0x1a0: {  	v1 =	vadd.f32 v2, v1;
	v21 =	vld [tilespmem:$0x110D0]  }
0x1a1: {  	v7 =	vadd.f32 v16, v53;
	v53 =	vadd.f32 v24, v23;
	v16 =	vld [tilespmem:$0x10A50]  }
0x1a2: {  	v24 =	vadd.f32 v26, v25;
	v25 =	vadd.f32 v28, v27;
	v23 =	vld [tilespmem:$0x10CE0]  }
0x1a3: {  	v26 =	vadd.f32 v30, v29;
	v28 =	vadd.f32 v53, v14;
	v14 =	vld [tilespmem:$0x10BD0]  }
0x1a4: {  	v27 =	vadd.f32 v32, v31;
	v2 =	vadd.f32 v7, v5;
	v5 =	vld [tilespmem:$0x10CD0]  }
0x1a5: {  	v29 =	vadd.f32 v25, v24;
	v24 =	vld [tilespmem:$0x10F50]  }
0x1a6: {  	v30 =	vadd.f32 v27, v26;
	v27 =	vld [tilespmem:$0x10FD0]  }
0x1a7: {  	v26 =	vld [tilespmem:$0x10960]  }
0x1a8: {  	v53 =	vld [tilespmem:$0x1FD50]  }
0x1a9: {  	v8 =	vadd.f32 v13, v8;
	v13 =	vld [tilespmem:$0x10AF0]  }
0x1aa: {  	v2 =	vadd.f32 v2, v1;
	v1 =	vld [tilespmem:$0x10E50]  }
0x1ab: {  	v46 =	vadd.f32 v46, v45;
	v32 =	vadd.f32 v30, v29;
	v30 =	vld [tilespmem:$0x11050]  }
0x1ac: {  	v31 =	vadd.f32 v28, v10;
	v10 =	vadd.f32 v36, v34;
	v36 =	vld [tilespmem:$0x10C60]  }
0x1ad: {  	v33 =	vadd.f32 v33, v46;
	v29 =	vld [tilespmem:$0x10D60]  }
0x1ae: {  	v62 =	vadd.f32 v19, v16;
	v19 =	vld [tilespmem:$0x110F0];
	v7 =	vadd.f32 v32, v31  }
0x1af: {  	v31 =	vld [tilespmem:$0x109E0];
	v10 =	vadd.f32 v49, v10;
	v28 =	vadd.f32 v53, v52  }
0x1b0: {  	v32 =	vld [tilespmem:$0x10BE0];
	v14 =	vadd.f32 v14, v22;
	v5 =	vadd.f32 v5, v18  }
0x1b1: {  	v49 =	vld [tilespmem:$0x1FD60];
	v45 =	vadd.f32 v27, v24;
	v8 =	vadd.f32 v62, v8  }
0x1b2: {  	v52 =	vld [tilespmem:$0x1FD90];
	v10 =	vadd.f32 v17, v10;
	v28 =	vadd.f32 v55, v28  }
0x1b3: {  	v53 =	vld [tilespmem:$0x1FDA0];
	v1 =	vadd.f32 v20, v1;
	v46 =	vadd.f32 v21, v30  }
0x1b4: {  	v18 =	vld [tilespmem:$0x10970];
	v5 =	vadd.f32 v5, v14;
	v23 =	vadd.f32 v23, v36  }
0x1b5: {  	v55 =	vld [tilespmem:$0x1FDC0];
	v25 =	vadd.f32 v47, v28;
	v28 =	vadd.f32 v33, v48  }
0x1b6: {  	v21 =	vld [tilespmem:$0x10A70];
	v33 =	vadd.f32 v50, v49;
	v1 =	vadd.f32 v1, v11  }
0x1b7: {  	v22 =	vimm.s32 $0x2;
	v47 =	vadd.f32 v46, v45;
	v48 =	vld [tilespmem:$0x10B70];
	v5 =	vadd.f32 v5, v8  }
0x1b8: {  	v24 =	vimm.s32 $0x4;
	v46 =	vadd.f32 v32, v40;
	v34 =	vadd.f32 v52, v51;
	v51 =	vld [tilespmem:$0x1FDE0]  }
0x1b9: {  	v27 =	vimm.s32 $0x6;
	v39 =	vadd.f32 v53, v54;
	v52 =	vld [tilespmem:$0x1FDF0];
	v1 =	vadd.f32 v47, v1  }
0x1ba: {  	v36 =	vor.u32 $0x4, v0;
	v53 =	vld [tilespmem:$0x1FE00];
	v30 =	vadd.f32 v28, v25;
	v28 =	vadd.f32 v15, v18  }
0x1bb: {  	v20 =	vimm.s32 $0x0;
	v54 =	vld [tilespmem:$0x10EE0];
	v41 =	vadd.f32 v56, v55;
	v58 =	vadd.f32 v34, v33  }
0x1bc: {  	v49 =	vld [tilespmem:$0x10BF0];
	v25 =	vmul.f32 $4.999999890e-03, v2;
	v56 =	vadd.f32 v37, v29;
	v13 =	vadd.f32 v13, v21  }
0x1bd: {  	v50 =	vld [tilespmem:$0x10C70];
	v29 =	vor.u32 $0x2, v0;
	v34 =	vor.u32 $0x3, v0;
	v21 =	vimm.s32 $0x1  }
0x1be: {  	v55 =	vld [tilespmem:$0x10F60];
	v1 =	vadd.f32 v1, v5;
	v40 =	vperm.xlane v25, v20;
	v59 =	vadd.f32 v41, v39  }
0x1bf: {  	v33 =	vld [tilespmem:$0x10CF0];
	v42 =	vperm.xlane v25, v21;
	v41 =	vadd.f32 v31, v26;
	v43 =	vadd.f32 v52, v51  }
0x1c0: {  	v47 =	vld [tilespmem:$0x10E70];
	v44 =	vperm.xlane v25, v22;
	v3 =	vadd.f32 v3, v53;
	v57 =	vadd.f32 v54, v57  }
0x1c1: {  	v31 =	vld [tilespmem:$0x11900];
	v54 =	vmul.f32 $4.999999890e-03, v7;
	v7 =	vadd.f32 v19, v63;
	v12 =	vadd.f32 v59, v58  }
0x1c2: {  	v26 =	vor.u32 $0x1, v0;
	v58 =	vld [tilespmem:$0x10EF0];
	v3 =	vadd.f32 v3, v43;
	v43 =	vadd.f32 v38, v35  }
0x1c3: {  	v53 =	vmul.f32 $4.999999890e-03, v10;
	v59 =	vld [tilespmem:$0x10F70];
	v9 =	vadd.f32 v60, v55;
	v60 =	vadd.f32 v23, v46  }
0x1c4: {  	v52 =	vmul.f32 $4.999999890e-03, v30;
	v62 =	vadd.f32 v57, v56;
	v8 =	vadd.f32 v33, v50;
	v38 =	vld.idx.msk [tilespmem:v29+s19+$0x0], $0xffff  }
0x1c5: {  	v16 =	vld.idx.msk [tilespmem:v34+s19+$0x0], $0xffff;
	v23 =	vimm.s32 $0x3;
	v34 =	vor.u32 $0xC, v0;
	v29 =	vimm.s32 $0x8  }
0x1c6: {  	v50 =	vor.u32 $0x10, v0;
	v19 =	vperm.xlane v53, v20;
	v3 =	vadd.f32 v4, v3  }
0x1c7: {  	v45 =	vld [tilespmem:$0x10DF0];
	v56 =	vperm.xlane v25, v23;
	v6 =	vadd.f32 v6, v9;
	v4 =	vadd.f32 v49, v48  }
0x1c8: {  	v33 =	vld.idx.msk [tilespmem:v0+s19+$0x0], $0xffff;
	v46 =	vpsel !p1, $0x0, v31;
	v3 =	vadd.f32 v3, v12;
	v12 =	vadd.f32 v43, v41  }
0x1c9: {  	v35 =	vld.idx.msk [tilespmem:v26+s19+$0x0], $0xffff;
	v26 =	vimm.s32 $0x5;
	v6 =	vadd.f32 v6, v62;
	v30 =	vadd.f32 v58, v47  }
0x1ca: {  	v39 =	vld [tilespmem:$0x10D70];
	v31 =	vimm.s32 $0xA;
	v32 =	vadd.f32 v61, v59;
	v4 =	vadd.f32 v8, v4  }
0x1cb: {  	v41 =	vor.u32 $0x6, v0;
	v43 =	vor.u32 $0x7, v0;
	v58 =	vor.u32 $0x9, v0  }
0x1cc: {  	v59 =	vperm.xlane v25, v24;
	v61 =	vor.u32 $0xA, v0;
	v62 =	vperm.xlane v25, v26  }
0x1cd: {  	v47 =	vld.idx.msk [tilespmem:v36+s19+$0x0], $0xffff;
	v36 =	vor.u32 $0xD, v0;
	v9 =	vmul.f32 v33, v40;
	v51 =	vmul.f32 v38, v44  }
0x1ce: {  	v33 =	vperm.xlane v25, v27;
	v38 =	vor.u32 $0xE, v0;
	v44 =	vld.idx.msk [tilespmem:v34+s19+$0x0], $0xffff;
	v34 =	vimm.s32 $0xD  }
0x1cf: {  	v2 =	vadd.f32 v60, v12;
	v49 =	vmul.f32 $4.999999890e-03, v3;
	v3 =	vadd.f32 v45, v39  }
0x1d0: {  	v12 =	vadd.f32 v13, v28;
	v37 =	vadd.f32 v7, v32;
	v39 =	vor.u32 $0x5, v0  }
0x1d1: {  	v45 =	vor.u32 $0x8, v0;
	v7 =	vmul.f32 v16, v56;
	v32 =	vor.u32 $0xB, v0  }
0x1d2: {  	v28 =	vimm.s32 $0x7;
	v56 =	vor.u32 $0x11, v0;
	v5 =	vmul.f32 v35, v42  }
0x1d3: {  	v35 =	vperm.xlane v25, v28;
	v3 =	vadd.f32 v30, v3;
	v4 =	vadd.f32 v4, v12;
	v57 =	vld.idx.msk [tilespmem:v41+s19+$0x0], $0xffff  }
0x1d4: {  	v2 =	vadd.f32 v6, v2;
	v7 =	vadd.f32 $0.0e+00, v7;
	v30 =	vimm.s32 $0x9;
	v60 =	vld.idx.msk [tilespmem:v43+s19+$0x0], $0xffff  }
0x1d5: {  	v18 =	vperm.xlane v49, v34;
	v5 =	vadd.f32 $0.0e+00, v5;
	v8 =	vmul.f32 v47, v59;
	v10 =	vld.idx.msk [tilespmem:v58+s19+$0x0], $0xffff  }
0x1d6: {  	v43 =	vperm.xlane v25, v30;
	v47 =	vld.idx.msk [tilespmem:v36+s19+$0x0], $0xffff;
	v58 =	vor.u32 $0x12, v0;
	v3 =	vadd.f32 v37, v3  }
0x1d7: {  	v59 =	vperm.xlane v25, v34;
	v36 =	vimm.s32 $0xF;
	v37 =	vperm.xlane v25, v29;
	v55 =	vld.idx.msk [tilespmem:v39+s19+$0x0], $0xffff  }
0x1d8: {  	v63 =	vld.idx.msk [tilespmem:v45+s19+$0x0], $0xffff;
	v45 =	vor.u32 $0xF, v0;
	v48 =	vadd.f32 v3, v4;
	v3 =	vadd.f32 v9, v46  }
0x1d9: {  	v42 =	vld.idx.msk [tilespmem:v32+s19+$0x0], $0xffff;
	v32 =	vimm.s32 $0xB;
	v4 =	vadd.f32 $0.0e+00, v51;
	v46 =	vperm.xlane v25, v31  }
0x1da: {  	v51 =	vperm.xlane v25, v32;
	v9 =	vmul.f32 v57, v33;
	v3 =	vadd.f32 v8, v3  }
0x1db: {  	v39 =	vmul.f32 v60, v35;
	v8 =	vmul.f32 v10, v43;
	v33 =	vimm.s32 $0xC  }
0x1dc: {  	v60 =	vor.u32 $0x13, v0;
	v48 =	vmul.f32 $4.999999890e-03, v48;
	v57 =	vperm.xlane v25, v33  }
0x1dd: {  	v40 =	vld.idx.msk [tilespmem:v61+s19+$0x0], $0xffff;
	v35 =	vimm.s32 $0xE;
	v17 =	vperm.xlane v49, v33;
	v6 =	vmul.f32 v55, v62  }
0x1de: {  	v4 =	vadd.f32 v9, v4;
	v41 =	vmul.f32 v63, v37;
	v9 =	vmul.f32 v42, v51  }
0x1df: {  	v7 =	vadd.f32 v39, v7;
	v62 =	vperm.xlane v25, v35;
	v63 =	vld.idx.msk [tilespmem:v45+s19+$0x0], $0xffff;
	v45 =	vperm.xlane v25, v36  }
0x1e0: {  	v43 =	vld.idx.msk [tilespmem:v56+s19+$0x0], $0xffff;
	v51 =	vmul.f32 $4.999999890e-03, v1;
	v61 =	vmul.f32 v44, v57;
	v44 =	vor.u32 $0x14, v0  }
0x1e1: {  	v55 =	vld.idx.msk [tilespmem:v38+s19+$0x0], $0xffff;
	v57 =	vor.u32 $0x16, v0;
	v5 =	vadd.f32 v6, v5;
	v3 =	vadd.f32 v41, v3  }
0x1e2: {  	v6 =	vmul.f32 v40, v46;
	v40 =	vmul.f32 v47, v59;
	v41 =	vld.idx.msk [tilespmem:v50+s19+$0x0], $0xffff;
	v47 =	vor.u32 $0x15, v0  }
0x1e3: {  	v46 =	vld.idx.msk [tilespmem:v58+s19+$0x0], $0xffff;
	v58 =	vperm.xlane v54, v21;
	v59 =	vor.u32 $0x17, v0;
	v50 =	vor.u32 $0x1C, v0  }
0x1e4: {  	v56 =	vld.idx.msk [tilespmem:v60+s19+$0x0], $0xffff;
	v60 =	vperm.xlane v54, v22;
	v5 =	vadd.f32 v8, v5;
	v4 =	vadd.f32 v6, v4  }
0x1e5: {  	v6 =	vadd.f32 v9, v7;
	v3 =	vadd.f32 v61, v3;
	v10 =	vmul.f32 v43, v58  }
0x1e6: {  	v61 =	vor.u32 $0x18, v0;
	v43 =	vperm.xlane v54, v26;
	v42 =	vmul.f32 v55, v62  }
0x1e7: {  	v58 =	vor.u32 $0x1E, v0;
	v55 =	vperm.xlane v54, v20;
	v7 =	vmul.f32 v63, v45  }
0x1e8: {  	v62 =	vperm.xlane v54, v23;
	v63 =	vor.u32 $0x19, v0;
	v45 =	vor.u32 $0x1B, v0  }
0x1e9: {  	v5 =	vadd.f32 v40, v5;
	v39 =	vld.idx.msk [tilespmem:v57+s19+$0x0], $0xffff;
	v40 =	vperm.xlane v54, v24;
	v57 =	vperm.xlane v54, v29  }
0x1ea: {  	v11 =	vld.idx.msk [tilespmem:v44+s19+$0x0], $0xffff;
	v4 =	vadd.f32 v42, v4;
	v8 =	vmul.f32 v41, v55;
	v25 =	vmul.f32 v46, v60  }
0x1eb: {  	v1 =	vadd.f32 v7, v6;
	v37 =	vld.idx.msk [tilespmem:v47+s19+$0x0], $0xffff;
	v46 =	vperm.xlane v54, v27;
	v55 =	vperm.xlane v54, v28  }
0x1ec: {  	v41 =	vld.idx.msk [tilespmem:v59+s19+$0x0], $0xffff;
	v42 =	vor.u32 $0x1A, v0;
	v60 =	vperm.xlane v54, v30;
	v38 =	vmul.f32 v56, v62  }
0x1ed: {  	v5 =	vadd.f32 v10, v5;
	v56 =	vor.u32 $0x1D, v0;
	v3 =	vadd.f32 v8, v3;
	v47 =	vld.idx.msk [tilespmem:v63+s19+$0x0], $0xffff  }
0x1ee: {  	v4 =	vadd.f32 v25, v4;
	v1 =	vadd.f32 v38, v1;
	v63 =	vld.idx.msk [tilespmem:v45+s19+$0x0], $0xffff;
	v45 =	vperm.xlane v54, v33  }
0x1ef: {  	v44 =	vld.idx.msk [tilespmem:v61+s19+$0x0], $0xffff;
	v38 =	vor.u32 $0x1F, v0;
	v6 =	vmul.f32 v11, v40;
	v9 =	vmul.f32 v39, v46  }
0x1f0: {  	v39 =	vperm.xlane v54, v31;
	v46 =	vor.u32 $0x22, v0;
	v7 =	vmul.f32 v37, v43  }
0x1f1: {  	v59 =	vmul.f32 v41, v55;
	v61 =	vld.idx.msk [tilespmem:v42+s19+$0x0], $0xffff;
	v41 =	vor.u32 $0x20, v0;
	v42 =	vperm.xlane v54, v32  }
0x1f2: {  	v37 =	vld.idx.msk [tilespmem:v50+s19+$0x0], $0xffff;
	v55 =	vor.u32 $0x23, v0;
	v50 =	vmul.f32 $4.999999890e-03, v2;
	v3 =	vadd.f32 v6, v3  }
0x1f3: {  	v4 =	vadd.f32 v9, v4;
	v40 =	vld.idx.msk [tilespmem:v56+s19+$0x0], $0xffff;
	v56 =	vperm.xlane v54, v35;
	v5 =	vadd.f32 v7, v5  }
0x1f4: {  	v43 =	vld.idx.msk [tilespmem:v58+s19+$0x0], $0xffff;
	v62 =	vmul.f32 v44, v57;
	v1 =	vadd.f32 v59, v1;
	v44 =	vor.u32 $0x21, v0  }
0x1f5: {  	v57 =	vor.u32 $0x24, v0;
	v25 =	vmul.f32 v47, v60;
	v6 =	vmul.f32 v63, v42  }
0x1f6: {  	v47 =	vperm.xlane v54, v34;
	v11 =	vld.idx.msk [tilespmem:v38+s19+$0x0], $0xffff;
	v63 =	vor.u32 $0x25, v0;
	v38 =	vperm.xlane v53, v21  }
0x1f7: {  	v42 =	vor.u32 $0x28, v0;
	v3 =	vadd.f32 v62, v3;
	v62 =	vld.idx.msk [tilespmem:v46+s19+$0x0], $0xffff;
	v46 =	vperm.xlane v53, v24  }
0x1f8: {  	v5 =	vadd.f32 v25, v5;
	v7 =	vmul.f32 v61, v39;
	v8 =	vmul.f32 v37, v45  }
0x1f9: {  	v1 =	vadd.f32 v6, v1;
	v59 =	vmul.f32 v43, v56;
	v61 =	vperm.xlane v54, v36  }
0x1fa: {  	v58 =	vld.idx.msk [tilespmem:v41+s19+$0x0], $0xffff;
	v37 =	vor.u32 $0x26, v0;
	v41 =	vperm.xlane v53, v22;
	v2 =	vmul.f32 v40, v47  }
0x1fb: {  	v25 =	vld.idx.msk [tilespmem:v55+s19+$0x0], $0xffff;
	v43 =	vperm.xlane v53, v23;
	v40 =	vor.u32 $0x27, v0;
	v4 =	vadd.f32 v7, v4  }
0x1fc: {  	v3 =	vadd.f32 v8, v3;
	v60 =	vld.idx.msk [tilespmem:v44+s19+$0x0], $0xffff;
	v44 =	vor.u32 $0x29, v0;
	v2 =	vadd.f32 v2, v5  }
0x1fd: {  	v39 =	vld.idx.msk [tilespmem:v57+s19+$0x0], $0xffff;
	v5 =	vmul.f32 v11, v61;
	v61 =	vor.u32 $0x2B, v0;
	v45 =	vmul.f32 v62, v41  }
0x1fe: {  	v4 =	vadd.f32 v59, v4;
	v59 =	vperm.xlane v53, v26;
	v62 =	vperm.xlane v53, v27  }
0x1ff: {  	v47 =	vld.idx.msk [tilespmem:v63+s19+$0x0], $0xffff;
	v41 =	vperm.xlane v53, v30;
	v6 =	vmul.f32 v58, v19;
	v1 =	vadd.f32 v5, v1  }
0x200: {  	v54 =	vmul.f32 v25, v43;
	v55 =	vld.idx.msk [tilespmem:v37+s19+$0x0], $0xffff;
	v58 =	vor.u32 $0x2A, v0;
	v25 =	vor.u32 $0x2C, v0  }
0x201: {  	v37 =	vperm.xlane v53, v28;
	v4 =	vadd.f32 v45, v4;
	v57 =	vld.idx.msk [tilespmem:v40+s19+$0x0], $0xffff;
	v40 =	vor.u32 $0x2E, v0  }
0x202: {  	v8 =	vmul.f32 v60, v38;
	v3 =	vadd.f32 v6, v3;
	v56 =	vmul.f32 v39, v46  }
0x203: {  	v1 =	vadd.f32 v54, v1;
	v60 =	vld.idx.msk [tilespmem:v42+s19+$0x0], $0xffff;
	v38 =	vor.u32 $0x2D, v0;
	v39 =	vperm.xlane v53, v29  }
0x204: {  	v63 =	vld.idx.msk [tilespmem:v44+s19+$0x0], $0xffff;
	v42 =	vor.u32 $0x2F, v0;
	v6 =	vmul.f32 v47, v59;
	v47 =	vperm.xlane v53, v31  }
0x205: {  	v44 =	vld.idx.msk [tilespmem:v61+s19+$0x0], $0xffff;
	v59 =	vperm.xlane v53, v33;
	v61 =	vor.u32 $0x32, v0;
	v2 =	vadd.f32 v8, v2  }
0x206: {  	v3 =	vadd.f32 v56, v3;
	v56 =	vperm.xlane v53, v32;
	v5 =	vmul.f32 v55, v62  }
0x207: {  	v10 =	vld.idx.msk [tilespmem:v58+s19+$0x0], $0xffff;
	v55 =	vor.u32 $0x30, v0;
	v58 =	vor.u32 $0x31, v0;
	v62 =	vperm.xlane v53, v34  }
0x208: {  	v46 =	vld.idx.msk [tilespmem:v25+s19+$0x0], $0xffff;
	v25 =	vperm.xlane v53, v35;
	v7 =	vmul.f32 v57, v37;
	v2 =	vadd.f32 v6, v2  }
0x209: {  	v37 =	vor.u32 $0x34, v0;
	v43 =	vmul.f32 v60, v39;
	v4 =	vadd.f32 v5, v4  }
0x20a: {  	v45 =	vmul.f32 v63, v41;
	v54 =	vld.idx.msk [tilespmem:v38+s19+$0x0], $0xffff;
	v63 =	vor.u32 $0x33, v0;
	v38 =	vperm.xlane v53, v36  }
0x20b: {  	v57 =	vld.idx.msk [tilespmem:v40+s19+$0x0], $0xffff;
	v39 =	vor.u32 $0x35, v0;
	v1 =	vadd.f32 v7, v1;
	v5 =	vmul.f32 v44, v56  }
0x20c: {  	v60 =	vld.idx.msk [tilespmem:v42+s19+$0x0], $0xffff;
	v44 =	vperm.xlane v52, v20;
	v3 =	vadd.f32 v43, v3;
	v2 =	vadd.f32 v45, v2  }
0x20d: {  	v43 =	vld.idx.msk [tilespmem:v61+s19+$0x0], $0xffff;
	v61 =	vor.u32 $0x3A, v0;
	v6 =	vmul.f32 v10, v47;
	v7 =	vmul.f32 v46, v59  }
0x20e: {  	v11 =	vld.idx.msk [tilespmem:v55+s19+$0x0], $0xffff;
	v1 =	vadd.f32 v5, v1;
	v46 =	vor.u32 $0x36, v0;
	v47 =	vperm.xlane v52, v21  }
0x20f: {  	v41 =	vld.idx.msk [tilespmem:v58+s19+$0x0], $0xffff;
	v55 =	vperm.xlane v52, v22;
	v58 =	vperm.xlane v52, v23;
	v59 =	vor.u32 $0x39, v0  }
0x210: {  	v40 =	vmul.f32 v57, v25;
	v57 =	vor.u32 $0x38, v0;
	v8 =	vmul.f32 v54, v62  }
0x211: {  	v4 =	vadd.f32 v6, v4;
	v3 =	vadd.f32 v7, v3;
	v42 =	vmul.f32 v60, v38  }
0x212: {  	v53 =	vld.idx.msk [tilespmem:v37+s19+$0x0], $0xffff;
	v54 =	vor.u32 $0x37, v0;
	v60 =	vperm.xlane v52, v24;
	v62 =	vperm.xlane v52, v26  }
0x213: {  	v45 =	vld.idx.msk [tilespmem:v63+s19+$0x0], $0xffff;
	v63 =	vor.u32 $0x3B, v0;
	v38 =	vperm.xlane v52, v27;
	v2 =	vadd.f32 v8, v2  }
0x214: {  	v4 =	vadd.f32 v40, v4;
	v1 =	vadd.f32 v42, v1;
	v8 =	vmul.f32 v43, v55  }
0x215: {  	v56 =	vld.idx.msk [tilespmem:v39+s19+$0x0], $0xffff;
	v40 =	vor.u32 $0x3C, v0;
	v43 =	vor.u32 $0x3D, v0;
	v5 =	vmul.f32 v11, v44  }
0x216: {  	v42 =	vld.idx.msk [tilespmem:v61+s19+$0x0], $0xffff;
	v55 =	vor.u32 $0x40, v0;
	v6 =	vmul.f32 v41, v47;
	v41 =	vperm.xlane v52, v28  }
0x217: {  	v10 =	vld.idx.msk [tilespmem:v46+s19+$0x0], $0xffff;
	v44 =	vperm.xlane v52, v29;
	v46 =	vor.u32 $0x3E, v0;
	v47 =	vperm.xlane v52, v30  }
0x218: {  	v39 =	vld.idx.msk [tilespmem:v59+s19+$0x0], $0xffff;
	v12 =	vmul.f32 v53, v60;
	v4 =	vadd.f32 v8, v4;
	v53 =	vor.u32 $0x3F, v0  }
0x219: {  	v37 =	vld.idx.msk [tilespmem:v57+s19+$0x0], $0xffff;
	v57 =	vor.u32 $0x41, v0;
	v7 =	vmul.f32 v45, v58;
	v3 =	vadd.f32 v5, v3  }
0x21a: {  	v2 =	vadd.f32 v6, v2;
	v19 =	vld.idx.msk [tilespmem:v54+s19+$0x0], $0xffff;
	v25 =	vmul.f32 v56, v62;
	v54 =	vperm.xlane v52, v31  }
0x21b: {  	v45 =	vld.idx.msk [tilespmem:v63+s19+$0x0], $0xffff;
	v56 =	vperm.xlane v52, v32;
	v62 =	vperm.xlane v52, v33;
	v1 =	vadd.f32 v7, v1  }
0x21c: {  	v3 =	vadd.f32 v12, v3;
	v2 =	vadd.f32 v25, v2;
	v11 =	vld.idx.msk [tilespmem:v40+s19+$0x0], $0xffff;
	v58 =	vmul.f32 v42, v54  }
0x21d: {  	v59 =	vld.idx.msk [tilespmem:v43+s19+$0x0], $0xffff;
	v25 =	vor.u32 $0x42, v0;
	v40 =	vperm.xlane v52, v35;
	v43 =	vperm.xlane v52, v36  }
0x21e: {  	v42 =	vor.u32 $0x44, v0;
	v5 =	vmul.f32 v10, v38;
	v7 =	vmul.f32 v39, v47  }
0x21f: {  	v61 =	vld.idx.msk [tilespmem:v46+s19+$0x0], $0xffff;
	v39 =	vor.u32 $0x43, v0;
	v46 =	vor.u32 $0x46, v0;
	v47 =	vperm.xlane v49, v21  }
0x220: {  	v8 =	vmul.f32 v37, v44;
	v37 =	vperm.xlane v52, v34;
	v44 =	vor.u32 $0x45, v0  }
0x221: {  	v38 =	vld.idx.msk [tilespmem:v55+s19+$0x0], $0xffff;
	v52 =	vor.u32 $0x47, v0;
	v6 =	vmul.f32 v19, v41;
	v4 =	vadd.f32 v5, v4  }
0x222: {  	v63 =	vld.idx.msk [tilespmem:v53+s19+$0x0], $0xffff;
	v2 =	vadd.f32 v7, v2;
	v60 =	vmul.f32 v45, v56;
	v45 =	vperm.xlane v49, v20  }
0x223: {  	v41 =	vld.idx.msk [tilespmem:v57+s19+$0x0], $0xffff;
	v57 =	vperm.xlane v49, v22;
	v19 =	vor.u32 $0x52, v0;
	v3 =	vadd.f32 v8, v3  }
0x224: {  	v1 =	vadd.f32 v6, v1;
	v4 =	vadd.f32 v58, v4;
	v5 =	vmul.f32 v11, v62  }
0x225: {  	v6 =	vmul.f32 v59, v37;
	v10 =	vld.idx.msk [tilespmem:v25+s19+$0x0], $0xffff;
	v59 =	vor.u32 $0x48, v0;
	v62 =	vor.u32 $0x49, v0  }
0x226: {  	v56 =	vld.idx.msk [tilespmem:v42+s19+$0x0], $0xffff;
	v37 =	vor.u32 $0x4A, v0;
	v42 =	vperm.xlane v49, v28;
	v8 =	vmul.f32 v61, v40  }
0x227: {  	v53 =	vmul.f32 v38, v45;
	v54 =	vld.idx.msk [tilespmem:v39+s19+$0x0], $0xffff;
	v38 =	vperm.xlane v49, v26;
	v39 =	vor.u32 $0x4B, v0  }
0x228: {  	v40 =	vperm.xlane v49, v27;
	v1 =	vadd.f32 v60, v1;
	v7 =	vmul.f32 v63, v43  }
0x229: {  	v61 =	vld.idx.msk [tilespmem:v46+s19+$0x0], $0xffff;
	v3 =	vadd.f32 v5, v3;
	v2 =	vadd.f32 v6, v2;
	v60 =	vperm.xlane v49, v23  }
0x22a: {  	v63 =	vperm.xlane v49, v24;
	v25 =	vld.idx.msk [tilespmem:v52+s19+$0x0], $0xffff;
	v43 =	vor.u32 $0x4D, v0;
	v52 =	vperm.xlane v49, v29  }
0x22b: {  	v58 =	vld.idx.msk [tilespmem:v44+s19+$0x0], $0xffff;
	v4 =	vadd.f32 v8, v4;
	v55 =	vmul.f32 v41, v47;
	v41 =	vor.u32 $0x4C, v0  }
0x22c: {  	v1 =	vadd.f32 v7, v1;
	v3 =	vadd.f32 v53, v3;
	v5 =	vmul.f32 v10, v57  }
0x22d: {  	v2 =	vadd.f32 v55, v2;
	v8 =	vmul.f32 v56, v63;
	v55 =	vperm.xlane v49, v30  }
0x22e: {  	v45 =	vld.idx.msk [tilespmem:v62+s19+$0x0], $0xffff;
	v57 =	vor.u32 $0x4F, v0;
	v62 =	vor.u32 $0x51, v0;
	v6 =	vmul.f32 v54, v60  }
0x22f: {  	v11 =	vld.idx.msk [tilespmem:v59+s19+$0x0], $0xffff;
	v44 =	vmul.f32 v61, v40;
	v54 =	vor.u32 $0x4E, v0;
	v60 =	vor.u32 $0x50, v0  }
0x230: {  	v47 =	vld.idx.msk [tilespmem:v37+s19+$0x0], $0xffff;
	v61 =	vperm.xlane v49, v32;
	v7 =	vmul.f32 v58, v38;
	v4 =	vadd.f32 v5, v4  }
0x231: {  	v53 =	vld.idx.msk [tilespmem:v39+s19+$0x0], $0xffff;
	v3 =	vadd.f32 v8, v3;
	v46 =	vmul.f32 v25, v42;
	v58 =	vperm.xlane v49, v31  }
0x232: {  	v59 =	vld.idx.msk [tilespmem:v43+s19+$0x0], $0xffff;
	v38 =	vor.u32 $0x53, v0;
	v43 =	vor.u32 $0x54, v0;
	v1 =	vadd.f32 v6, v1  }
0x233: {  	v56 =	vld.idx.msk [tilespmem:v41+s19+$0x0], $0xffff;
	v41 =	vperm.xlane v49, v35;
	v4 =	vadd.f32 v44, v4;
	v44 =	vperm.xlane v49, v36  }
0x234: {  	v2 =	vadd.f32 v7, v2;
	v49 =	vperm.xlane v51, v21;
	v5 =	vmul.f32 v11, v52  }
0x235: {  	v1 =	vadd.f32 v46, v1;
	v6 =	vmul.f32 v45, v55;
	v63 =	vmul.f32 v47, v58;
	v37 =	vld.idx.msk [tilespmem:v57+s19+$0x0], $0xffff  }
0x236: {  	v42 =	vld.idx.msk [tilespmem:v62+s19+$0x0], $0xffff;
	v45 =	vor.u32 $0x55, v0;
	v46 =	vperm.xlane v51, v20;
	v47 =	vor.u32 $0x56, v0  }
0x237: {  	v11 =	vld.idx.msk [tilespmem:v19+s19+$0x0], $0xffff;
	v52 =	vor.u32 $0x57, v0;
	v58 =	vperm.xlane v51, v23;
	v19 =	vperm.xlane v50, v24  }
0x238: {  	v7 =	vmul.f32 v53, v61;
	v10 =	vld.idx.msk [tilespmem:v54+s19+$0x0], $0xffff;
	v54 =	vor.u32 $0x58, v0;
	v3 =	vadd.f32 v5, v3  }
0x239: {  	v40 =	vld.idx.msk [tilespmem:v60+s19+$0x0], $0xffff;
	v60 =	vor.u32 $0x59, v0;
	v2 =	vadd.f32 v6, v2;
	v4 =	vadd.f32 v63, v4  }
0x23a: {  	v39 =	vmul.f32 v59, v18;
	v57 =	vld.idx.msk [tilespmem:v43+s19+$0x0], $0xffff;
	v63 =	vor.u32 $0x5A, v0;
	v43 =	vperm.xlane v51, v28  }
0x23b: {  	v12 =	vld.idx.msk [tilespmem:v38+s19+$0x0], $0xffff;
	v38 =	vor.u32 $0x5B, v0;
	v25 =	vmul.f32 v56, v17;
	v56 =	vperm.xlane v51, v22  }
0x23c: {  	v2 =	vadd.f32 v39, v2;
	v39 =	vperm.xlane v51, v26;
	v5 =	vmul.f32 v37, v44  }
0x23d: {  	v1 =	vadd.f32 v7, v1;
	v55 =	vmul.f32 v42, v49;
	v59 =	vld.idx.msk [tilespmem:v45+s19+$0x0], $0xffff;
	v61 =	vmul.f32 v11, v56  }
0x23e: {  	v3 =	vadd.f32 v25, v3;
	v62 =	vld.idx.msk [tilespmem:v47+s19+$0x0], $0xffff;
	v25 =	vperm.xlane v51, v24;
	v42 =	vperm.xlane v51, v27  }
0x23f: {  	v37 =	vld.idx.msk [tilespmem:v52+s19+$0x0], $0xffff;
	v45 =	vor.u32 $0x5D, v0;
	v47 =	vperm.xlane v51, v29;
	v6 =	vmul.f32 v10, v41  }
0x240: {  	v53 =	vmul.f32 v40, v46;
	v7 =	vld.idx.msk [tilespmem:v54+s19+$0x0], $0xffff;
	v40 =	vor.u32 $0x5C, v0;
	v54 =	vor.u32 $0x5E, v0  }
0x241: {  	v44 =	vld.idx.msk [tilespmem:v60+s19+$0x0], $0xffff;
	v60 =	vperm.xlane v51, v31;
	v1 =	vadd.f32 v5, v1;
	v2 =	vadd.f32 v55, v2  }
0x242: {  	v41 =	vmul.f32 v57, v25;
	v57 =	vor.u32 $0x5F, v0;
	v4 =	vadd.f32 v6, v4  }
0x243: {  	v49 =	vld.idx.msk [tilespmem:v63+s19+$0x0], $0xffff;
	v63 =	vor.u32 $0x61, v0;
	v3 =	vadd.f32 v53, v3;
	v6 =	vmul.f32 v12, v58  }
0x244: {  	v53 =	vld.idx.msk [tilespmem:v38+s19+$0x0], $0xffff;
	v58 =	vperm.xlane v51, v30;
	v38 =	vor.u32 $0x62, v0;
	v4 =	vadd.f32 v61, v4  }
0x245: {  	v1 =	vadd.f32 v6, v1;
	v5 =	vmul.f32 v59, v39;
	v46 =	vmul.f32 v62, v42  }
0x246: {  	v3 =	vadd.f32 v41, v3;
	v52 =	vmul.f32 v37, v43;
	v61 =	vperm.xlane v51, v32  }
0x247: {  	v59 =	vor.u32 $0x60, v0;
	v13 =	vld.idx.msk [tilespmem:v45+s19+$0x0], $0xffff;
	v62 =	vperm.xlane v51, v33;
	v45 =	vperm.xlane v51, v35  }
0x248: {  	v42 =	vor.u32 $0x63, v0;
	v55 =	vmul.f32 v7, v47;
	v56 =	vld.idx.msk [tilespmem:v40+s19+$0x0], $0xffff;
	v40 =	vperm.xlane v51, v34  }
0x249: {  	v37 =	vld.idx.msk [tilespmem:v54+s19+$0x0], $0xffff;
	v54 =	vperm.xlane v50, v21;
	v2 =	vadd.f32 v5, v2;
	v4 =	vadd.f32 v46, v4  }
0x24a: {  	v1 =	vadd.f32 v52, v1;
	v5 =	vmul.f32 v44, v58;
	v6 =	vmul.f32 v49, v60  }
0x24b: {  	v44 =	vor.u32 $0x64, v0;
	v46 =	vperm.xlane v51, v36;
	v49 =	vor.u32 $0x65, v0  }
0x24c: {  	v8 =	vld.idx.msk [tilespmem:v57+s19+$0x0], $0xffff;
	v51 =	vperm.xlane v50, v20;
	v52 =	vor.u32 $0x66, v0;
	v57 =	vor.u32 $0x69, v0  }
0x24d: {  	v47 =	vld.idx.msk [tilespmem:v63+s19+$0x0], $0xffff;
	v63 =	vor.u32 $0x6A, v0;
	v3 =	vadd.f32 v55, v3;
	v25 =	vmul.f32 v53, v61  }
0x24e: {  	v11 =	vld.idx.msk [tilespmem:v38+s19+$0x0], $0xffff;
	v53 =	vor.u32 $0x67, v0;
	v55 =	vor.u32 $0x68, v0;
	v61 =	vperm.xlane v50, v23  }
0x24f: {  	v38 =	vperm.xlane v50, v26;
	v2 =	vadd.f32 v5, v2;
	v4 =	vadd.f32 v6, v4;
	v41 =	vld.idx.msk [tilespmem:v59+s19+$0x0], $0xffff  }
0x250: {  	v1 =	vadd.f32 v25, v1;
	v43 =	vmul.f32 v13, v40;
	v9 =	vld.idx.msk [tilespmem:v42+s19+$0x0], $0xffff;
	v40 =	vperm.xlane v50, v27  }
0x251: {  	v25 =	vor.u32 $0x6B, v0;
	v39 =	vmul.f32 v56, v62;
	v10 =	vmul.f32 v37, v45;
	v7 =	vld.idx.msk [tilespmem:v44+s19+$0x0], $0xffff  }
0x252: {  	v42 =	vor.u32 $0x6C, v0;
	v56 =	vperm.xlane v50, v22;
	v45 =	vperm.xlane v50, v28;
	v59 =	vld.idx.msk [tilespmem:v49+s19+$0x0], $0xffff  }
0x253: {  	v2 =	vadd.f32 v43, v2;
	v8 =	vmul.f32 v8, v46;
	v58 =	vmul.f32 v47, v54;
	v62 =	vld.idx.msk [tilespmem:v52+s19+$0x0], $0xffff  }
0x254: {  	v43 =	vor.u32 $0x6D, v0;
	v46 =	vld.idx.msk [tilespmem:v63+s19+$0x0], $0xffff;
	v47 =	vperm.xlane v50, v29;
	v49 =	vperm.xlane v50, v30  }
0x255: {  	v3 =	vadd.f32 v39, v3;
	v4 =	vadd.f32 v10, v4;
	v60 =	vmul.f32 v11, v56;
	v12 =	vld.idx.msk [tilespmem:v53+s19+$0x0], $0xffff  }
0x256: {  	v39 =	vld.idx.msk [tilespmem:v55+s19+$0x0], $0xffff;
	v53 =	vor.u32 $0x6F, v0;
	v1 =	vadd.f32 v8, v1;
	v2 =	vadd.f32 v58, v2  }
0x257: {  	v58 =	vperm.xlane v50, v32;
	v5 =	vmul.f32 v41, v51;
	v4 =	vadd.f32 v60, v4;
	v41 =	vld.idx.msk [tilespmem:v57+s19+$0x0], $0xffff  }
0x258: {  	v37 =	vmul.f32 v9, v61;
	v15 =	vld.idx.msk [tilespmem:v25+s19+$0x0], $0xffff;
	v51 =	vor.u32 $0x6E, v0;
	v57 =	vperm.xlane v50, v31  }
0x259: {  	v56 =	vld.idx.msk [tilespmem:v42+s19+$0x0], $0xffff;
	v60 =	vor.u32 $0x71, v0;
	v25 =	vperm.xlane v50, v34;
	v42 =	vperm.xlane v50, v35  }
0x25a: {  	v3 =	vadd.f32 v5, v3;
	v5 =	vmul.f32 v7, v19;
	v6 =	vmul.f32 v59, v38  }
0x25b: {  	v1 =	vadd.f32 v37, v1;
	v44 =	vmul.f32 v62, v40;
	v61 =	vmul.f32 v46, v57  }
0x25c: {  	v8 =	vld.idx.msk [tilespmem:v43+s19+$0x0], $0xffff;
	v59 =	vor.u32 $0x70, v0;
	v19 =	vperm.xlane v50, v33;
	v43 =	vperm.xlane v50, v36  }
0x25d: {  	v37 =	vor.u32 $0x72, v0;
	v50 =	vperm.xlane v48, v20;
	v57 =	vperm.xlane v48, v22  }
0x25e: {  	v38 =	vor.u32 $0x73, v0;
	v52 =	vmul.f32 v12, v45;
	v54 =	vmul.f32 v39, v47  }
0x25f: {  	v45 =	vor.u32 $0x76, v0;
	v3 =	vadd.f32 v5, v3;
	v2 =	vadd.f32 v6, v2  }
0x260: {  	v7 =	vld.idx.msk [tilespmem:v53+s19+$0x0], $0xffff;
	v4 =	vadd.f32 v44, v4;
	v44 =	vor.u32 $0x75, v0;
	v55 =	vmul.f32 v41, v49  }
0x261: {  	v1 =	vadd.f32 v52, v1;
	v62 =	vmul.f32 v15, v58;
	v63 =	vld.idx.msk [tilespmem:v51+s19+$0x0], $0xffff;
	v39 =	vmul.f32 v56, v19  }
0x262: {  	v41 =	vor.u32 $0x74, v0;
	v5 =	vld.idx.msk [tilespmem:v60+s19+$0x0], $0xffff;
	v49 =	vor.u32 $0x77, v0;
	v51 =	vperm.xlane v48, v21  }
0x263: {  	v52 =	vor.u32 $0x78, v0;
	v56 =	vor.u32 $0x7A, v0;
	v58 =	vperm.xlane v48, v23;
	v40 =	vld.idx.msk [tilespmem:v59+s19+$0x0], $0xffff  }
0x264: {  	v3 =	vadd.f32 v54, v3;
	v4 =	vadd.f32 v61, v4;
	v54 =	vor.u32 $0x79, v0;
	v47 =	vld.idx.msk [tilespmem:v37+s19+$0x0], $0xffff  }
0x265: {  	v61 =	vor.u32 $0x7C, v0;
	v2 =	vadd.f32 v55, v2;
	v8 =	vmul.f32 v8, v25;
	v6 =	vld.idx.msk [tilespmem:v38+s19+$0x0], $0xffff  }
0x266: {  	v1 =	vadd.f32 v62, v1;
	v59 =	vor.u32 $0x7B, v0;
	v25 =	vperm.xlane v48, v24;
	v55 =	vld.idx.msk [tilespmem:v44+s19+$0x0], $0xffff  }
0x267: {  	v37 =	vperm.xlane v48, v26;
	v7 =	vmul.f32 v7, v43;
	v2 =	vadd.f32 v8, v2;
	v8 =	vld.idx.msk [tilespmem:v45+s19+$0x0], $0xffff  }
0x268: {  	v3 =	vadd.f32 v39, v3;
	v39 =	vperm.xlane v48, v27;
	v46 =	vmul.f32 v63, v42;
	v53 =	vld.idx.msk [tilespmem:v41+s19+$0x0], $0xffff  }
0x269: {  	v38 =	vor.u32 $0x7E, v0;
	v5 =	vmul.f32 v5, v51;
	v60 =	vld.idx.msk [tilespmem:v49+s19+$0x0], $0xffff;
	v49 =	vperm.xlane v48, v31  }
0x26a: {  	v62 =	vld.idx.msk [tilespmem:v52+s19+$0x0], $0xffff;
	v63 =	vor.u32 $0x7D, v0;
	v11 =	vmul.f32 v40, v50;
	v10 =	vmul.f32 v47, v57  }
0x26b: {  	v14 =	vld.idx.msk [tilespmem:v56+s19+$0x0], $0xffff;
	v41 =	vor.u32 $0x7F, v0;
	v6 =	vmul.f32 v6, v58;
	v40 =	vperm.xlane v48, v28  }
0x26c: {  	v9 =	vld.idx.msk [tilespmem:v54+s19+$0x0], $0xffff;
	v4 =	vadd.f32 v46, v4;
	v46 =	vperm.xlane v48, v29;
	v47 =	vperm.xlane v48, v30  }
0x26d: {  	v1 =	vadd.f32 v7, v1;
	v45 =	vld.idx.msk [tilespmem:v61+s19+$0x0], $0xffff;
	v50 =	vperm.xlane v48, v32;
	v57 =	vperm.xlane v48, v33  }
0x26e: {  	v2 =	vadd.f32 v5, v2;
	v43 =	vld.idx.msk [tilespmem:v59+s19+$0x0], $0xffff;
	v58 =	vperm.xlane v48, v34;
	v59 =	vperm.xlane v48, v35  }
0x26f: {  	v51 =	vld.idx.msk [tilespmem:v38+s19+$0x0], $0xffff;
	v3 =	vadd.f32 v11, v3;
	v42 =	vmul.f32 v55, v37;
	v44 =	vmul.f32 v8, v39  }
0x270: {  	v4 =	vadd.f32 v10, v4;
	v7 =	vmul.f32 v53, v25;
	v5 =	vmul.f32 v60, v40;
	v15 =	vld.idx.msk [tilespmem:v63+s19+$0x0], $0xffff  }
0x271: {  	v1 =	vadd.f32 v6, v1;
	v52 =	vmul.f32 v62, v46;
	v54 =	vld.idx.msk [tilespmem:v41+s19+$0x0], $0xffff;
	v55 =	vmul.f32 v14, v49  }
0x272: {  	v60 =	vperm.xlane v48, v36;
	v2 =	vadd.f32 v42, v2;
	v53 =	vmul.f32 v9, v47  }
0x273: {  	v4 =	vadd.f32 v44, v4;
	v61 =	vmul.f32 v45, v57;
	v3 =	vadd.f32 v7, v3  }
0x274: {  	v1 =	vadd.f32 v5, v1;
	v56 =	vmul.f32 v43, v50;
	v2 =	vadd.f32 v53, v2  }
0x275: {  	v7 =	vmul.f32 v51, v59;
	v4 =	vadd.f32 v55, v4;
	v3 =	vadd.f32 v52, v3  }
0x276: {  	v1 =	vadd.f32 v56, v1;
	v62 =	vmul.f32 v15, v58;
	v63 =	vmul.f32 v54, v60  }
0x277: {  	v4 =	vadd.f32 v7, v4;
	v3 =	vadd.f32 v61, v3  }
0x278: {  	v2 =	vadd.f32 v62, v2;
	v1 =	vadd.f32 v63, v1;
	_ =	sdelay $0x1  }
0x279: {  	v2 =	vadd.f32 v2, v3;
	v1 =	vadd.f32 v1, v4;
	_ =	sdelay $0x1  }
0x27a: {  	v1 =	vadd.f32 v1, v2;
	_ =	sdelay $0x1  }
.Ltmp5:
0x27b: {  	[tilespmem:$0x11980] =	vst v1;
	(pc) =	sbr.rel .LBB2_6-.Ltmp5, $4  }
0x27c: {  	[hbm4b:s11+s4] =	stream.linear.scatter [tilespmem:s21], [sflag:$0x9], $0x10, $0x38;
	[tilespmem:$0x11A80] =	vst v63  }
0x27d: {  	_ =	swait.ge [sflag:s13], $0x10  }
0x27e: {  	[sflag:s13] =	ssyncset.done $0x0  }
0x27f: {  	[sflag:s13] =	ssyncadd.s32 $0xFFFFFFF0  }
.LBB2_7:
0x280: {  	_ =	sfence.sel $0x180000  }
0x281: {  	[bflag:$0x0] =	sbarrier.arrive $0xFFFF  }
0x282: {  	_ =	strace $0x90000047  }
0x283: {  	s0 =	stileid.u32;
	[bflag:$0x2] =	sbarrier.arrive $0xFFFF  }
0x284: {  	p0 =	sne.s32 s0, $0x0;
	s0 =	rddreg [dreg:$0x8]  }
0x285: {  	s0 =	sadd.s32 @!p0 $0x100000, s0  }
0x286: {  	[sflag:s0] =	ssyncadd.tile.s32 @!p0 $0x1;
	_ =	shalt  }
.Lfunc_end2:
_tile_overlayer_lowered:
.L_overlay_start_2:
0x287: {  	(tag) =	ssettag $0x2  }
0x288: {  	s0 =	rddreg [dreg:$0x0];
	s2 =	stileid.u32  }
0x289: {  	s1 =	rddreg [dreg:$0x1];
	p0 =	sne.s32 s2, $0x0  }
0x28a: {  	s3 =	rddreg [dreg:$0x2];
	[bflag:$0x3] =	sbarrier.arrive $0xFFFF;
	s2 =	simm.s32 @!p0 $0x1C09  }
0x28b: {  	[timem:s3], [sflag:s2] =	dma.local @!p0 [hbm:s0], s1  }
0x28c: {  	s0 =	simm.s32 @!p0 $0x9  }
0x28d: {  	_ =	swait.ge @!p0 [sflag:s0], s1  }
0x28e: {  	s1 =	ssub.s32 @!p0 $0x0, s1;
	[sflag:s0] =	ssyncset.done @!p0 $0x0  }
0x28f: {  	[sflag:s0] =	ssyncadd.s32 @!p0 s1  }
0x290: {  	[bflag:$0x3] =	sbarrier.arrive $0xFFFF  }
0x291: {  	_ =	shalt  }

</sc_bundles>
